<compile_context>
chip_gen: v7x
topology: tpu7x:2x2x1
jax: 0.10.2.dev20260603
libtpu: 0.0.44.dev20260713+nightly
codegen_flags: <defaults>
</compile_context>

<pallas_src>
import functools
import jax
import jax.numpy as jnp
from jax import lax
from jax.experimental import pallas as pl
from jax.experimental.pallas import tpu as pltpu
from jax.experimental.pallas import tpu_sc as plsc

_NC = 2
_NS = 16
_NW = _NC * _NS
_B = 16384
_TOT = 2 * _B
_PER_W = _TOT // _NW
_HALF_W = _PER_W // 2
_CHUNK = 64
_NCHUNK = _PER_W // _CHUNK
_NGRP = _CHUNK // 16
_D = 64
_PAIR = 2 * _D
_MARGIN = 4.0

_N = 1000000
_E = 8192
_LE = _E.bit_length() - 1
_TGRID = (_N + 4 * _E - 1) // (4 * _E)
_NBLK = (_N + _E - 1) // _E
_ROWS = _TGRID * _E


def _pack_table(table, normalize):

    def pack32(x):
        u = lax.bitcast_convert_type(x, jnp.uint32)
        rnd = jnp.uint32(0x7FFF) + (
            lax.shift_right_logical(u, jnp.uint32(16)) & jnp.uint32(1))
        u = u + rnd
        hi = u[:32, :] & jnp.uint32(0xFFFF0000)
        lo = lax.shift_right_logical(u[32:, :], jnp.uint32(16))
        return lax.bitcast_convert_type(hi | lo, jnp.int32)

    def body(x1_ref, x2_ref, x3_ref, x4_ref, o_ref):
        ws = []
        for ref in (x1_ref, x2_ref, x3_ref, x4_ref):
            x = ref[...]
            if normalize:
                x = x * lax.rsqrt(
                    jnp.sum(x * x, axis=0, keepdims=True))
            ws.append(pack32(x))
        xc = jnp.concatenate(ws, axis=0)
        o_ref[...] = jnp.swapaxes(xc, 0, 1)

    def imap(j):
        return lambda i: (0, jnp.minimum(4 * i + j, _NBLK - 1))

    fn = pl.pallas_call(
        body,
        grid=(_TGRID,),
        in_specs=[pl.BlockSpec((64, _E), imap(j)) for j in range(4)],
        out_specs=pl.BlockSpec((_E, _PAIR), lambda i: (i, 0)),
        out_shape=jax.ShapeDtypeStruct((_ROWS, _PAIR), jnp.int32),
    )
    tv = table.T
    return fn(tv, tv, tv, tv)


def _sc_call(ent2, rel2, idx_blocks):
    mesh = plsc.VectorSubcoreMesh(
        core_axis_name="c", subcore_axis_name="s",
        num_cores=_NC, num_subcores=_NS)

    @functools.partial(
        pl.kernel,
        out_type=(
            jax.ShapeDtypeStruct((_TOT,), jnp.float32),
            jax.ShapeDtypeStruct((_NW, 16), jnp.float32),
        ),
        mesh=mesh,
        compiler_params=pltpu.CompilerParams(
            needs_layout_passes=False, use_tc_tiling_on_sc=True),
        scratch_types=[
            [pltpu.VMEM((5, _CHUNK), jnp.int32) for _ in range(2)],
            [pltpu.VMEM((5, _CHUNK), jnp.int32) for _ in range(2)],
            [[pltpu.VMEM((_CHUNK, _PAIR), jnp.int32) for _ in range(5)]
             for _ in range(2)],
            pltpu.VMEM((_PER_W,), jnp.float32),
            pltpu.VMEM((16,), jnp.float32),
            [pltpu.SemaphoreType.DMA for _ in range(2)],
        ],
    )
    def trans_e(ent_hbm, rel_hbm, idx_hbm, scores_hbm, part_hbm,
                idx_v, hx_v, rows_v, sc_v, par_v, sems):
        w = lax.axis_index("s") * _NC + lax.axis_index("c")
        lane = jnp.arange(16, dtype=jnp.int32)
        zero = jnp.zeros((16,), jnp.float32)

        def issue(c, p):
            pltpu.sync_copy(idx_hbm.at[w, c], idx_v[p])
            for col in range(5):
                for seg in range(_CHUNK // 16):
                    v = idx_v[p][col, pl.ds(seg * 16, 16)]
                    row = lax.shift_left(
                        lax.shift_right_logical(v, _LE + 2), _LE) | (
                            v & (_E - 1))
                    hx_v[p][col, pl.ds(seg * 16, 16)] = row
            tabs = (ent_hbm, rel_hbm, ent_hbm, rel_hbm, ent_hbm)
            for col in range(5):
                pltpu.async_copy(tabs[col].at[hx_v[p].at[col]],
                                 rows_v[p][col], sems[p])

        def drain(p):
            for col in range(5):
                pltpu.make_async_copy(
                    (ent_hbm if col % 2 == 0 else rel_hbm).at[
                        hx_v[p].at[col]],
                    rows_v[p][col], sems[p]).wait()

        def compute(c, p):
            h_v, r_v, t_v, qr_v, qe_v = rows_v[p]

            def group_body(g, gcarry):
                rows = g * 16 + lane
                offs = []
                for col in range(5):
                    v = idx_v[p][col, pl.ds(g * 16, 16)]
                    offs.append(lax.shift_left(
                        lax.shift_right_logical(v, _LE) & 3, 5))
                off_h, off_r, off_t, off_qr, off_qe = offs

                mhi = jnp.full((16,), 0xFFFF0000, jnp.uint32)

                def unpk(w):
                    u = plsc.bitcast(w, jnp.uint32)
                    hi = plsc.bitcast(u & mhi, jnp.float32)
                    lo = plsc.bitcast(
                        lax.shift_left(u, jnp.uint32(16)), jnp.float32)
                    return hi, lo

                def comb_body(d, acc):
                    dv = (d + lane) & 31
                    h1, h2 = unpk(plsc.load_gather(h_v, [rows, off_h + dv]))
                    r1, r2 = unpk(plsc.load_gather(r_v, [rows, off_r + dv]))
                    t1, t2 = unpk(plsc.load_gather(t_v, [rows, off_t + dv]))
                    q1, q2 = unpk(plsc.load_gather(qr_v,
                                                   [rows, off_qr + dv]))
                    e1, e2 = unpk(plsc.load_gather(qe_v,
                                                   [rows, off_qe + dv]))
                    s1 = h1 + r1 - t1 + q1 - e1
                    s2 = h2 + r2 - t2 + q2 - e2
                    return acc + jnp.abs(s1) + jnp.abs(s2)

                dist = lax.fori_loop(0, _D // 2, comb_body, zero, unroll=8)
                sc_v[pl.ds(c * _CHUNK + g * 16, 16)] = dist
                return gcarry

            lax.fori_loop(0, _NGRP, group_body, 0)

        issue(0, 0)

        def pair_body(i, carry):
            c0 = 2 * i
            drain(0)
            issue(c0 + 1, 1)
            compute(c0, 0)
            drain(1)
            issue(lax.min(c0 + 2, _NCHUNK - 1), 0)
            compute(c0 + 1, 1)
            return carry

        lax.fori_loop(0, _NCHUNK // 2, pair_body, 0)
        drain(0)

        def loss_body(i, pacc):
            pv = sc_v[pl.ds(i * 16, 16)]
            nv = sc_v[pl.ds(_HALF_W + i * 16, 16)]
            return pacc + jnp.maximum(pv - nv + _MARGIN, 0.0)

        par_v[...] = lax.fori_loop(0, _HALF_W // 16, loss_body, zero,
                                   unroll=4)
        pltpu.sync_copy(sc_v.at[pl.ds(0, _HALF_W)],
                        scores_hbm.at[pl.ds(w * _HALF_W, _HALF_W)])
        pltpu.sync_copy(sc_v.at[pl.ds(_HALF_W, _HALF_W)],
                        scores_hbm.at[pl.ds(_B + w * _HALF_W, _HALF_W)])
        pltpu.sync_copy(par_v, part_hbm.at[w])

    return trans_e(ent2, rel2, idx_blocks)


def kernel(entity_emb, relation_emb, batch_positives, batch_negatives):
    ent2 = _pack_table(entity_emb, normalize=True)
    rel2 = _pack_table(relation_emb, normalize=False)
    pos = batch_positives.reshape(_NW, _NCHUNK // 2, _CHUNK, 5)
    neg = batch_negatives.reshape(_NW, _NCHUNK // 2, _CHUNK, 5)
    idx_blocks = jnp.concatenate(
        [pos.transpose(0, 1, 3, 2), neg.transpose(0, 1, 3, 2)], axis=1)
    scores, partials = _sc_call(ent2, rel2, idx_blocks)
    loss = jnp.sum(partials) / _B
    return scores[:_B], scores[_B:], loss

# --- scband reference (transcript-rebuilt; emitter-appended) ---
"""Pipeline reference for scband-trans-e-68358699483738 (READ-ONLY COPY).

The authoritative reference and input builder live on the scoring server;
editing this copy changes nothing except your own understanding.
"""

import jax, jax.numpy as jnp
import numpy as np

NUM_ENTITIES = 1000000
NUM_RELATIONS = 1000000
EMBEDDING_DIM = 64
BATCH = 16384
MARGIN = 4.0
L_P_NORM_ENTITIES = 2
NORM_RELATIONS = 2
SCORING_FCT_NORM = 1


def setup_inputs(seed: int = 0) -> dict:
    key = jax.random.key(seed)
    k1, k2, k3, k4 = jax.random.split(key, 4)
    bound = 6.0 / np.sqrt(EMBEDDING_DIM)
    entity_emb = jax.random.uniform(k1, (NUM_ENTITIES, EMBEDDING_DIM), dtype=jnp.float32, minval=-bound, maxval=bound)
    relation_emb = jax.random.uniform(k2, (NUM_RELATIONS, EMBEDDING_DIM), dtype=jnp.float32, minval=-bound, maxval=bound)
    # _initialize(): relation embeddings normalized by p=2 norm per row
    rel_norms = jnp.linalg.norm(relation_emb, ord=NORM_RELATIONS, axis=1, keepdims=True)
    relation_emb = relation_emb / rel_norms
    batch_positives = jax.random.randint(k3, (BATCH, 5), 0, NUM_ENTITIES, dtype=jnp.int64 if jax.config.jax_enable_x64 else jnp.int32).astype(jnp.int32)
    batch_negatives = jax.random.randint(k4, (BATCH, 5), 0, NUM_ENTITIES, dtype=jnp.int64 if jax.config.jax_enable_x64 else jnp.int32).astype(jnp.int32)
    return {
        'entity_emb': entity_emb,
        'relation_emb': relation_emb,
        'batch_positives': batch_positives,
        'batch_negatives': batch_negatives,
    }


def _score_triples(ent_table, rel_table, triples):
    heads = jnp.take(ent_table, triples[:, 0], axis=0)
    rels = jnp.take(rel_table, triples[:, 1], axis=0)
    tails = jnp.take(ent_table, triples[:, 2], axis=0)
    qual_rels = jnp.take(rel_table, triples[:, 3], axis=0)
    qual_ents = jnp.take(ent_table, triples[:, 4], axis=0)
    sum_res = heads + rels - tails + qual_rels - qual_ents
    # p=1 norm over embedding dim
    distances = jnp.sum(jnp.abs(sum_res), axis=1)
    return distances


def reference(entity_emb, relation_emb, batch_positives, batch_negatives):
    # forward(): in-place L2 normalization of entity embedding table (on .data)
    ent_norms = jnp.linalg.norm(entity_emb, ord=L_P_NORM_ENTITIES, axis=1, keepdims=True)
    ent_n = entity_emb / ent_norms
    positive_scores = _score_triples(ent_n, relation_emb, batch_positives)
    negative_scores = _score_triples(ent_n, relation_emb, batch_negatives)
    # MarginRankingLoss with y = -1, margin = 4, reduction='mean'
    per_elem = jnp.maximum(0.0, positive_scores - negative_scores + MARGIN)
    loss = jnp.mean(per_elem)
    return (positive_scores, negative_scores, loss)

if __name__ == "__main__":
    import jax
    _d = setup_inputs()
    print(jax.jit(kernel)(*tuple(_d.values())))

</pallas_src>

<mosaic_0001>
#map = affine_map<(d0, d1) -> (0, 0)>
#map1 = affine_map<(d0, d1) -> (0, 0, 0, 0)>
#map2 = affine_map<(d0, d1) -> (0)>
module attributes {stable_mosaic.version = 14 : i64} {
  func.func @trans_e(%arg0: i32, %arg1: i32, %arg2: memref<253952x128xi32, #tpu.memory_space<hbm>>, %arg3: memref<253952x128xi32, #tpu.memory_space<hbm>>, %arg4: memref<32x16x5x64xi32, #tpu.memory_space<hbm>>, %arg5: memref<32768xf32, #tpu.memory_space<hbm>>, %arg6: memref<32x16xf32, #tpu.memory_space<hbm>>, %arg7: memref<5x64xi32, #tpu.memory_space<vmem>>, %arg8: memref<5x64xi32, #tpu.memory_space<vmem>>, %arg9: memref<5x64xi32, #tpu.memory_space<vmem>>, %arg10: memref<5x64xi32, #tpu.memory_space<vmem>>, %arg11: memref<64x128xi32, #tpu.memory_space<vmem>>, %arg12: memref<64x128xi32, #tpu.memory_space<vmem>>, %arg13: memref<64x128xi32, #tpu.memory_space<vmem>>, %arg14: memref<64x128xi32, #tpu.memory_space<vmem>>, %arg15: memref<64x128xi32, #tpu.memory_space<vmem>>, %arg16: memref<64x128xi32, #tpu.memory_space<vmem>>, %arg17: memref<64x128xi32, #tpu.memory_space<vmem>>, %arg18: memref<64x128xi32, #tpu.memory_space<vmem>>, %arg19: memref<64x128xi32, #tpu.memory_space<vmem>>, %arg20: memref<64x128xi32, #tpu.memory_space<vmem>>, %arg21: memref<1024xf32, #tpu.memory_space<vmem>>, %arg22: memref<16xf32, #tpu.memory_space<vmem>>, %arg23: memref<!tpu.dma_semaphore, #tpu.memory_space<semaphore_mem>>, %arg24: memref<!tpu.dma_semaphore, #tpu.memory_space<semaphore_mem>>) attributes {dimension_semantics = [#tpu.dimension_semantics<core_parallel>, #tpu.dimension_semantics<subcore_parallel>], iteration_bounds = array<i64: 2, 16>, scalar_prefetch = 0 : i64, scratch_operands = 18 : i64, tpu.core_type = #tpu.core_type<sc_vector_subcore>, window_params = [{transform_indices = #map}, {transform_indices = #map}, {transform_indices = #map1}, {transform_indices = #map2}, {transform_indices = #map}]} {
    %mul3A = arith.constant 2 : i32
    %mul3A_0 = arith.muli %arg1, %mul3A : i32
    %add3A = arith.addi %mul3A_0, %arg0 : i32
    %iota3A = tpu.iota {dimensions = array<i32: 0>} : vector<16xi32>
    %broadcast_in_dim3A = arith.constant 0.000000e+00 : f32
    %broadcast_in_dim3A_1 = vector.broadcast %broadcast_in_dim3A : f32 to vector<16xf32>
    %run_scoped3A = arith.constant 0 : i32
    "tpu.region"() ({
      %run_scoped3A_443 = tpu.sem_alloc : memref<!tpu.dma_semaphore, #tpu.memory_space<semaphore_mem>>
      %dma_start3A_444 = arith.constant 0 : i32
      %dma_start3A_445 = arith.constant 0 : i32
      %dma_start3A_446 = tpu.memref_slice %arg4[%add3A, %run_scoped3A, %dma_start3A_444, %dma_start3A_445] : memref<32x16x5x64xi32, #tpu.memory_space<hbm>> -> memref<1x1x5x64xi32, #tpu.memory_space<hbm>>
      %dma_start3A_447 = tpu.memref_squeeze %dma_start3A_446 : memref<1x1x5x64xi32, #tpu.memory_space<hbm>> -> memref<5x64xi32, #tpu.memory_space<hbm>>
      %dma_start3A_448 = arith.constant 0 : i32
      %dma_start3A_449 = arith.constant 0 : i32
      %dma_start3A_450 = tpu.memref_slice %arg4[%add3A, %run_scoped3A, %dma_start3A_448, %dma_start3A_449] : memref<32x16x5x64xi32, #tpu.memory_space<hbm>> -> memref<1x1x5x64xi32, #tpu.memory_space<hbm>>
      %dma_start3A_451 = tpu.memref_squeeze %dma_start3A_450 : memref<1x1x5x64xi32, #tpu.memory_space<hbm>> -> memref<5x64xi32, #tpu.memory_space<hbm>>
      tpu.enqueue_dma source(%dma_start3A_451 : memref<5x64xi32, #tpu.memory_space<hbm>>) target(%arg7 : memref<5x64xi32, #tpu.memory_space<vmem>>) target_semaphore(%run_scoped3A_443 : memref<!tpu.dma_semaphore, #tpu.memory_space<semaphore_mem>>)
      %dma_wait3A_452 = arith.constant 0 : i32
      %dma_wait3A_453 = arith.constant 0 : i32
      %dma_wait3A_454 = tpu.memref_slice %arg4[%add3A, %run_scoped3A, %dma_wait3A_452, %dma_wait3A_453] : memref<32x16x5x64xi32, #tpu.memory_space<hbm>> -> memref<1x1x5x64xi32, #tpu.memory_space<hbm>>
      %dma_wait3A_455 = tpu.memref_squeeze %dma_wait3A_454 : memref<1x1x5x64xi32, #tpu.memory_space<hbm>> -> memref<5x64xi32, #tpu.memory_space<hbm>>
      %dma_wait3A_456 = arith.constant 0 : i32
      %dma_wait3A_457 = arith.constant 0 : i32
      %dma_wait3A_458 = tpu.memref_slice %arg4[%add3A, %run_scoped3A, %dma_wait3A_456, %dma_wait3A_457] : memref<32x16x5x64xi32, #tpu.memory_space<hbm>> -> memref<1x1x5x64xi32, #tpu.memory_space<hbm>>
      %dma_wait3A_459 = tpu.memref_squeeze %dma_wait3A_458 : memref<1x1x5x64xi32, #tpu.memory_space<hbm>> -> memref<5x64xi32, #tpu.memory_space<hbm>>
      tpu.wait_dma2 semaphore(%run_scoped3A_443 : memref<!tpu.dma_semaphore, #tpu.memory_space<semaphore_mem>>) src(%dma_wait3A_459 : memref<5x64xi32, #tpu.memory_space<hbm>>) dst(%arg7 : memref<5x64xi32, #tpu.memory_space<vmem>>)
      tpu.yield
    }) : () -> ()
    %get3A = arith.constant 0 : i32
    %get3A_2 = arith.index_cast %get3A : i32 to index
    %get3A_3 = arith.constant 0 : index
    %get3A_4 = tpu.vector_load %arg7[%get3A_2, %get3A_3] {strides = array<i32>} : memref<5x64xi32, #tpu.memory_space<vmem>>, vector<16xi32>,
    %shift_right_logical3A = arith.constant 15 : i32
    %shift_right_logical3A_5 = vector.broadcast %shift_right_logical3A : i32 to vector<16xi32>
    %shift_right_logical3A_6 = arith.shrui %get3A_4, %shift_right_logical3A_5 : vector<16xi32>
    %shift_left3A = arith.constant 13 : i32
    %shift_left3A_7 = vector.broadcast %shift_left3A : i32 to vector<16xi32>
    %shift_left3A_8 = arith.shli %shift_right_logical3A_6, %shift_left3A_7 : vector<16xi32>
    %and3A = arith.constant 8191 : i32
    %and3A_9 = vector.broadcast %and3A : i32 to vector<16xi32>
    %and3A_10 = arith.andi %get3A_4, %and3A_9 : vector<16xi32>
    %or3A = arith.ori %shift_left3A_8, %and3A_10 : vector<16xi32>
    %swap3A = arith.constant 0 : i32
    %swap3A_11 = arith.index_cast %swap3A : i32 to index
    %swap3A_12 = arith.constant 0 : index
    %swap3A_13 = tpu.vector_load %arg9[%swap3A_11, %swap3A_12] {strides = array<i32>} : memref<5x64xi32, #tpu.memory_space<vmem>>, vector<16xi32>,
    tpu.vector_store %arg9[%swap3A_11, %swap3A_12], %or3A {strides = array<i32>} : memref<5x64xi32, #tpu.memory_space<vmem>>, vector<16xi32>,
    %get3A_14 = arith.constant 0 : i32
    %get3A_15 = arith.index_cast %get3A_14 : i32 to index
    %get3A_16 = arith.constant 16 : index
    %get3A_17 = tpu.vector_load %arg7[%get3A_15, %get3A_16] {strides = array<i32>} : memref<5x64xi32, #tpu.memory_space<vmem>>, vector<16xi32>,
    %shift_right_logical3A_18 = arith.constant 15 : i32
    %shift_right_logical3A_19 = vector.broadcast %shift_right_logical3A_18 : i32 to vector<16xi32>
    %shift_right_logical3A_20 = arith.shrui %get3A_17, %shift_right_logical3A_19 : vector<16xi32>
    %shift_left3A_21 = arith.constant 13 : i32
    %shift_left3A_22 = vector.broadcast %shift_left3A_21 : i32 to vector<16xi32>
    %shift_left3A_23 = arith.shli %shift_right_logical3A_20, %shift_left3A_22 : vector<16xi32>
    %and3A_24 = arith.constant 8191 : i32
    %and3A_25 = vector.broadcast %and3A_24 : i32 to vector<16xi32>
    %and3A_26 = arith.andi %get3A_17, %and3A_25 : vector<16xi32>
    %or3A_27 = arith.ori %shift_left3A_23, %and3A_26 : vector<16xi32>
    %swap3A_28 = arith.constant 0 : i32
    %swap3A_29 = arith.index_cast %swap3A_28 : i32 to index
    %swap3A_30 = arith.constant 16 : index
    %swap3A_31 = tpu.vector_load %arg9[%swap3A_29, %swap3A_30] {strides = array<i32>} : memref<5x64xi32, #tpu.memory_space<vmem>>, vector<16xi32>,
    tpu.vector_store %arg9[%swap3A_29, %swap3A_30], %or3A_27 {strides = array<i32>} : memref<5x64xi32, #tpu.memory_space<vmem>>, vector<16xi32>,
    %get3A_32 = arith.constant 0 : i32
    %get3A_33 = arith.index_cast %get3A_32 : i32 to index
    %get3A_34 = arith.constant 32 : index
    %get3A_35 = tpu.vector_load %arg7[%get3A_33, %get3A_34] {strides = array<i32>} : memref<5x64xi32, #tpu.memory_space<vmem>>, vector<16xi32>,
    %shift_right_logical3A_36 = arith.constant 15 : i32
    %shift_right_logical3A_37 = vector.broadcast %shift_right_logical3A_36 : i32 to vector<16xi32>
    %shift_right_logical3A_38 = arith.shrui %get3A_35, %shift_right_logical3A_37 : vector<16xi32>
    %shift_left3A_39 = arith.constant 13 : i32
    %shift_left3A_40 = vector.broadcast %shift_left3A_39 : i32 to vector<16xi32>
    %shift_left3A_41 = arith.shli %shift_right_logical3A_38, %shift_left3A_40 : vector<16xi32>
    %and3A_42 = arith.constant 8191 : i32
    %and3A_43 = vector.broadcast %and3A_42 : i32 to vector<16xi32>
    %and3A_44 = arith.andi %get3A_35, %and3A_43 : vector<16xi32>
    %or3A_45 = arith.ori %shift_left3A_41, %and3A_44 : vector<16xi32>
    %swap3A_46 = arith.constant 0 : i32
    %swap3A_47 = arith.index_cast %swap3A_46 : i32 to index
    %swap3A_48 = arith.constant 32 : index
    %swap3A_49 = tpu.vector_load %arg9[%swap3A_47, %swap3A_48] {strides = array<i32>} : memref<5x64xi32, #tpu.memory_space<vmem>>, vector<16xi32>,
    tpu.vector_store %arg9[%swap3A_47, %swap3A_48], %or3A_45 {strides = array<i32>} : memref<5x64xi32, #tpu.memory_space<vmem>>, vector<16xi32>,
    %get3A_50 = arith.constant 0 : i32
    %get3A_51 = arith.index_cast %get3A_50 : i32 to index
    %get3A_52 = arith.constant 48 : index
    %get3A_53 = tpu.vector_load %arg7[%get3A_51, %get3A_52] {strides = array<i32>} : memref<5x64xi32, #tpu.memory_space<vmem>>, vector<16xi32>,
    %shift_right_logical3A_54 = arith.constant 15 : i32
    %shift_right_logical3A_55 = vector.broadcast %shift_right_logical3A_54 : i32 to vector<16xi32>
    %shift_right_logical3A_56 = arith.shrui %get3A_53, %shift_right_logical3A_55 : vector<16xi32>
    %shift_left3A_57 = arith.constant 13 : i32
    %shift_left3A_58 = vector.broadcast %shift_left3A_57 : i32 to vector<16xi32>
    %shift_left3A_59 = arith.shli %shift_right_logical3A_56, %shift_left3A_58 : vector<16xi32>
    %and3A_60 = arith.constant 8191 : i32
    %and3A_61 = vector.broadcast %and3A_60 : i32 to vector<16xi32>
    %and3A_62 = arith.andi %get3A_53, %and3A_61 : vector<16xi32>
    %or3A_63 = arith.ori %shift_left3A_59, %and3A_62 : vector<16xi32>
    %swap3A_64 = arith.constant 0 : i32
    %swap3A_65 = arith.index_cast %swap3A_64 : i32 to index
    %swap3A_66 = arith.constant 48 : index
    %swap3A_67 = tpu.vector_load %arg9[%swap3A_65, %swap3A_66] {strides = array<i32>} : memref<5x64xi32, #tpu.memory_space<vmem>>, vector<16xi32>,
    tpu.vector_store %arg9[%swap3A_65, %swap3A_66], %or3A_63 {strides = array<i32>} : memref<5x64xi32, #tpu.memory_space<vmem>>, vector<16xi32>,
    %get3A_68 = arith.constant 1 : i32
    %get3A_69 = arith.index_cast %get3A_68 : i32 to index
    %get3A_70 = arith.constant 0 : index
    %get3A_71 = tpu.vector_load %arg7[%get3A_69, %get3A_70] {strides = array<i32>} : memref<5x64xi32, #tpu.memory_space<vmem>>, vector<16xi32>,
    %shift_right_logical3A_72 = arith.constant 15 : i32
    %shift_right_logical3A_73 = vector.broadcast %shift_right_logical3A_72 : i32 to vector<16xi32>
    %shift_right_logical3A_74 = arith.shrui %get3A_71, %shift_right_logical3A_73 : vector<16xi32>
    %shift_left3A_75 = arith.constant 13 : i32
    %shift_left3A_76 = vector.broadcast %shift_left3A_75 : i32 to vector<16xi32>
    %shift_left3A_77 = arith.shli %shift_right_logical3A_74, %shift_left3A_76 : vector<16xi32>
    %and3A_78 = arith.constant 8191 : i32
    %and3A_79 = vector.broadcast %and3A_78 : i32 to vector<16xi32>
    %and3A_80 = arith.andi %get3A_71, %and3A_79 : vector<16xi32>
    %or3A_81 = arith.ori %shift_left3A_77, %and3A_80 : vector<16xi32>
    %swap3A_82 = arith.constant 1 : i32
    %swap3A_83 = arith.index_cast %swap3A_82 : i32 to index
    %swap3A_84 = arith.constant 0 : index
    %swap3A_85 = tpu.vector_load %arg9[%swap3A_83, %swap3A_84] {strides = array<i32>} : memref<5x64xi32, #tpu.memory_space<vmem>>, vector<16xi32>,
    tpu.vector_store %arg9[%swap3A_83, %swap3A_84], %or3A_81 {strides = array<i32>} : memref<5x64xi32, #tpu.memory_space<vmem>>, vector<16xi32>,
    %get3A_86 = arith.constant 1 : i32
    %get3A_87 = arith.index_cast %get3A_86 : i32 to index
    %get3A_88 = arith.constant 16 : index
    %get3A_89 = tpu.vector_load %arg7[%get3A_87, %get3A_88] {strides = array<i32>} : memref<5x64xi32, #tpu.memory_space<vmem>>, vector<16xi32>,
    %shift_right_logical3A_90 = arith.constant 15 : i32
    %shift_right_logical3A_91 = vector.broadcast %shift_right_logical3A_90 : i32 to vector<16xi32>
    %shift_right_logical3A_92 = arith.shrui %get3A_89, %shift_right_logical3A_91 : vector<16xi32>
    %shift_left3A_93 = arith.constant 13 : i32
    %shift_left3A_94 = vector.broadcast %shift_left3A_93 : i32 to vector<16xi32>
    %shift_left3A_95 = arith.shli %shift_right_logical3A_92, %shift_left3A_94 : vector<16xi32>
    %and3A_96 = arith.constant 8191 : i32
    %and3A_97 = vector.broadcast %and3A_96 : i32 to vector<16xi32>
    %and3A_98 = arith.andi %get3A_89, %and3A_97 : vector<16xi32>
    %or3A_99 = arith.ori %shift_left3A_95, %and3A_98 : vector<16xi32>
    %swap3A_100 = arith.constant 1 : i32
    %swap3A_101 = arith.index_cast %swap3A_100 : i32 to index
    %swap3A_102 = arith.constant 16 : index
    %swap3A_103 = tpu.vector_load %arg9[%swap3A_101, %swap3A_102] {strides = array<i32>} : memref<5x64xi32, #tpu.memory_space<vmem>>, vector<16xi32>,
    tpu.vector_store %arg9[%swap3A_101, %swap3A_102], %or3A_99 {strides = array<i32>} : memref<5x64xi32, #tpu.memory_space<vmem>>, vector<16xi32>,
    %get3A_104 = arith.constant 1 : i32
    %get3A_105 = arith.index_cast %get3A_104 : i32 to index
    %get3A_106 = arith.constant 32 : index
    %get3A_107 = tpu.vector_load %arg7[%get3A_105, %get3A_106] {strides = array<i32>} : memref<5x64xi32, #tpu.memory_space<vmem>>, vector<16xi32>,
    %shift_right_logical3A_108 = arith.constant 15 : i32
    %shift_right_logical3A_109 = vector.broadcast %shift_right_logical3A_108 : i32 to vector<16xi32>
    %shift_right_logical3A_110 = arith.shrui %get3A_107, %shift_right_logical3A_109 : vector<16xi32>
    %shift_left3A_111 = arith.constant 13 : i32
    %shift_left3A_112 = vector.broadcast %shift_left3A_111 : i32 to vector<16xi32>
    %shift_left3A_113 = arith.shli %shift_right_logical3A_110, %shift_left3A_112 : vector<16xi32>
    %and3A_114 = arith.constant 8191 : i32
    %and3A_115 = vector.broadcast %and3A_114 : i32 to vector<16xi32>
    %and3A_116 = arith.andi %get3A_107, %and3A_115 : vector<16xi32>
    %or3A_117 = arith.ori %shift_left3A_113, %and3A_116 : vector<16xi32>
    %swap3A_118 = arith.constant 1 : i32
    %swap3A_119 = arith.index_cast %swap3A_118 : i32 to index
    %swap3A_120 = arith.constant 32 : index
    %swap3A_121 = tpu.vector_load %arg9[%swap3A_119, %swap3A_120] {strides = array<i32>} : memref<5x64xi32, #tpu.memory_space<vmem>>, vector<16xi32>,
    tpu.vector_store %arg9[%swap3A_119, %swap3A_120], %or3A_117 {strides = array<i32>} : memref<5x64xi32, #tpu.memory_space<vmem>>, vector<16xi32>,
    %get3A_122 = arith.constant 1 : i32
    %get3A_123 = arith.index_cast %get3A_122 : i32 to index
    %get3A_124 = arith.constant 48 : index
    %get3A_125 = tpu.vector_load %arg7[%get3A_123, %get3A_124] {strides = array<i32>} : memref<5x64xi32, #tpu.memory_space<vmem>>, vector<16xi32>,
    %shift_right_logical3A_126 = arith.constant 15 : i32
    %shift_right_logical3A_127 = vector.broadcast %shift_right_logical3A_126 : i32 to vector<16xi32>
    %shift_right_logical3A_128 = arith.shrui %get3A_125, %shift_right_logical3A_127 : vector<16xi32>
    %shift_left3A_129 = arith.constant 13 : i32
    %shift_left3A_130 = vector.broadcast %shift_left3A_129 : i32 to vector<16xi32>
    %shift_left3A_131 = arith.shli %shift_right_logical3A_128, %shift_left3A_130 : vector<16xi32>
    %and3A_132 = arith.constant 8191 : i32
    %and3A_133 = vector.broadcast %and3A_132 : i32 to vector<16xi32>
    %and3A_134 = arith.andi %get3A_125, %and3A_133 : vector<16xi32>
    %or3A_135 = arith.ori %shift_left3A_131, %and3A_134 : vector<16xi32>
    %swap3A_136 = arith.constant 1 : i32
    %swap3A_137 = arith.index_cast %swap3A_136 : i32 to index
    %swap3A_138 = arith.constant 48 : index
    %swap3A_139 = tpu.vector_load %arg9[%swap3A_137, %swap3A_138] {strides = array<i32>} : memref<5x64xi32, #tpu.memory_space<vmem>>, vector<16xi32>,
    tpu.vector_store %arg9[%swap3A_137, %swap3A_138], %or3A_135 {strides = array<i32>} : memref<5x64xi32, #tpu.memory_space<vmem>>, vector<16xi32>,
    %get3A_140 = arith.constant 2 : i32
    %get3A_141 = arith.index_cast %get3A_140 : i32 to index
    %get3A_142 = arith.constant 0 : index
    %get3A_143 = tpu.vector_load %arg7[%get3A_141, %get3A_142] {strides = array<i32>} : memref<5x64xi32, #tpu.memory_space<vmem>>, vector<16xi32>,
    %shift_right_logical3A_144 = arith.constant 15 : i32
    %shift_right_logical3A_145 = vector.broadcast %shift_right_logical3A_144 : i32 to vector<16xi32>
    %shift_right_logical3A_146 = arith.shrui %get3A_143, %shift_right_logical3A_145 : vector<16xi32>
    %shift_left3A_147 = arith.constant 13 : i32
    %shift_left3A_148 = vector.broadcast %shift_left3A_147 : i32 to vector<16xi32>
    %shift_left3A_149 = arith.shli %shift_right_logical3A_146, %shift_left3A_148 : vector<16xi32>
    %and3A_150 = arith.constant 8191 : i32
    %and3A_151 = vector.broadcast %and3A_150 : i32 to vector<16xi32>
    %and3A_152 = arith.andi %get3A_143, %and3A_151 : vector<16xi32>
    %or3A_153 = arith.ori %shift_left3A_149, %and3A_152 : vector<16xi32>
    %swap3A_154 = arith.constant 2 : i32
    %swap3A_155 = arith.index_cast %swap3A_154 : i32 to index
    %swap3A_156 = arith.constant 0 : index
    %swap3A_157 = tpu.vector_load %arg9[%swap3A_155, %swap3A_156] {strides = array<i32>} : memref<5x64xi32, #tpu.memory_space<vmem>>, vector<16xi32>,
    tpu.vector_store %arg9[%swap3A_155, %swap3A_156], %or3A_153 {strides = array<i32>} : memref<5x64xi32, #tpu.memory_space<vmem>>, vector<16xi32>,
    %get3A_158 = arith.constant 2 : i32
    %get3A_159 = arith.index_cast %get3A_158 : i32 to index
    %get3A_160 = arith.constant 16 : index
    %get3A_161 = tpu.vector_load %arg7[%get3A_159, %get3A_160] {strides = array<i32>} : memref<5x64xi32, #tpu.memory_space<vmem>>, vector<16xi32>,
    %shift_right_logical3A_162 = arith.constant 15 : i32
    %shift_right_logical3A_163 = vector.broadcast %shift_right_logical3A_162 : i32 to vector<16xi32>
    %shift_right_logical3A_164 = arith.shrui %get3A_161, %shift_right_logical3A_163 : vector<16xi32>
    %shift_left3A_165 = arith.constant 13 : i32
    %shift_left3A_166 = vector.broadcast %shift_left3A_165 : i32 to vector<16xi32>
    %shift_left3A_167 = arith.shli %shift_right_logical3A_164, %shift_left3A_166 : vector<16xi32>
    %and3A_168 = arith.constant 8191 : i32
    %and3A_169 = vector.broadcast %and3A_168 : i32 to vector<16xi32>
    %and3A_170 = arith.andi %get3A_161, %and3A_169 : vector<16xi32>
    %or3A_171 = arith.ori %shift_left3A_167, %and3A_170 : vector<16xi32>
    %swap3A_172 = arith.constant 2 : i32
    %swap3A_173 = arith.index_cast %swap3A_172 : i32 to index
    %swap3A_174 = arith.constant 16 : index
    %swap3A_175 = tpu.vector_load %arg9[%swap3A_173, %swap3A_174] {strides = array<i32>} : memref<5x64xi32, #tpu.memory_space<vmem>>, vector<16xi32>,
    tpu.vector_store %arg9[%swap3A_173, %swap3A_174], %or3A_171 {strides = array<i32>} : memref<5x64xi32, #tpu.memory_space<vmem>>, vector<16xi32>,
    %get3A_176 = arith.constant 2 : i32
    %get3A_177 = arith.index_cast %get3A_176 : i32 to index
    %get3A_178 = arith.constant 32 : index
    %get3A_179 = tpu.vector_load %arg7[%get3A_177, %get3A_178] {strides = array<i32>} : memref<5x64xi32, #tpu.memory_space<vmem>>, vector<16xi32>,
    %shift_right_logical3A_180 = arith.constant 15 : i32
    %shift_right_logical3A_181 = vector.broadcast %shift_right_logical3A_180 : i32 to vector<16xi32>
    %shift_right_logical3A_182 = arith.shrui %get3A_179, %shift_right_logical3A_181 : vector<16xi32>
    %shift_left3A_183 = arith.constant 13 : i32
    %shift_left3A_184 = vector.broadcast %shift_left3A_183 : i32 to vector<16xi32>
    %shift_left3A_185 = arith.shli %shift_right_logical3A_182, %shift_left3A_184 : vector<16xi32>
    %and3A_186 = arith.constant 8191 : i32
    %and3A_187 = vector.broadcast %and3A_186 : i32 to vector<16xi32>
    %and3A_188 = arith.andi %get3A_179, %and3A_187 : vector<16xi32>
    %or3A_189 = arith.ori %shift_left3A_185, %and3A_188 : vector<16xi32>
    %swap3A_190 = arith.constant 2 : i32
    %swap3A_191 = arith.index_cast %swap3A_190 : i32 to index
    %swap3A_192 = arith.constant 32 : index
    %swap3A_193 = tpu.vector_load %arg9[%swap3A_191, %swap3A_192] {strides = array<i32>} : memref<5x64xi32, #tpu.memory_space<vmem>>, vector<16xi32>,
    tpu.vector_store %arg9[%swap3A_191, %swap3A_192], %or3A_189 {strides = array<i32>} : memref<5x64xi32, #tpu.memory_space<vmem>>, vector<16xi32>,
    %get3A_194 = arith.constant 2 : i32
    %get3A_195 = arith.index_cast %get3A_194 : i32 to index
    %get3A_196 = arith.constant 48 : index
    %get3A_197 = tpu.vector_load %arg7[%get3A_195, %get3A_196] {strides = array<i32>} : memref<5x64xi32, #tpu.memory_space<vmem>>, vector<16xi32>,
    %shift_right_logical3A_198 = arith.constant 15 : i32
    %shift_right_logical3A_199 = vector.broadcast %shift_right_logical3A_198 : i32 to vector<16xi32>
    %shift_right_logical3A_200 = arith.shrui %get3A_197, %shift_right_logical3A_199 : vector<16xi32>
    %shift_left3A_201 = arith.constant 13 : i32
    %shift_left3A_202 = vector.broadcast %shift_left3A_201 : i32 to vector<16xi32>
    %shift_left3A_203 = arith.shli %shift_right_logical3A_200, %shift_left3A_202 : vector<16xi32>
    %and3A_204 = arith.constant 8191 : i32
    %and3A_205 = vector.broadcast %and3A_204 : i32 to vector<16xi32>
    %and3A_206 = arith.andi %get3A_197, %and3A_205 : vector<16xi32>
    %or3A_207 = arith.ori %shift_left3A_203, %and3A_206 : vector<16xi32>
    %swap3A_208 = arith.constant 2 : i32
    %swap3A_209 = arith.index_cast %swap3A_208 : i32 to index
    %swap3A_210 = arith.constant 48 : index
    %swap3A_211 = tpu.vector_load %arg9[%swap3A_209, %swap3A_210] {strides = array<i32>} : memref<5x64xi32, #tpu.memory_space<vmem>>, vector<16xi32>,
    tpu.vector_store %arg9[%swap3A_209, %swap3A_210], %or3A_207 {strides = array<i32>} : memref<5x64xi32, #tpu.memory_space<vmem>>, vector<16xi32>,
    %get3A_212 = arith.constant 3 : i32
    %get3A_213 = arith.index_cast %get3A_212 : i32 to index
    %get3A_214 = arith.constant 0 : index
    %get3A_215 = tpu.vector_load %arg7[%get3A_213, %get3A_214] {strides = array<i32>} : memref<5x64xi32, #tpu.memory_space<vmem>>, vector<16xi32>,
    %shift_right_logical3A_216 = arith.constant 15 : i32
    %shift_right_logical3A_217 = vector.broadcast %shift_right_logical3A_216 : i32 to vector<16xi32>
    %shift_right_logical3A_218 = arith.shrui %get3A_215, %shift_right_logical3A_217 : vector<16xi32>
    %shift_left3A_219 = arith.constant 13 : i32
    %shift_left3A_220 = vector.broadcast %shift_left3A_219 : i32 to vector<16xi32>
    %shift_left3A_221 = arith.shli %shift_right_logical3A_218, %shift_left3A_220 : vector<16xi32>
    %and3A_222 = arith.constant 8191 : i32
    %and3A_223 = vector.broadcast %and3A_222 : i32 to vector<16xi32>
    %and3A_224 = arith.andi %get3A_215, %and3A_223 : vector<16xi32>
    %or3A_225 = arith.ori %shift_left3A_221, %and3A_224 : vector<16xi32>
    %swap3A_226 = arith.constant 3 : i32
    %swap3A_227 = arith.index_cast %swap3A_226 : i32 to index
    %swap3A_228 = arith.constant 0 : index
    %swap3A_229 = tpu.vector_load %arg9[%swap3A_227, %swap3A_228] {strides = array<i32>} : memref<5x64xi32, #tpu.memory_space<vmem>>, vector<16xi32>,
    tpu.vector_store %arg9[%swap3A_227, %swap3A_228], %or3A_225 {strides = array<i32>} : memref<5x64xi32, #tpu.memory_space<vmem>>, vector<16xi32>,
    %get3A_230 = arith.constant 3 : i32
    %get3A_231 = arith.index_cast %get3A_230 : i32 to index
    %get3A_232 = arith.constant 16 : index
    %get3A_233 = tpu.vector_load %arg7[%get3A_231, %get3A_232] {strides = array<i32>} : memref<5x64xi32, #tpu.memory_space<vmem>>, vector<16xi32>,
    %shift_right_logical3A_234 = arith.constant 15 : i32
    %shift_right_logical3A_235 = vector.broadcast %shift_right_logical3A_234 : i32 to vector<16xi32>
    %shift_right_logical3A_236 = arith.shrui %get3A_233, %shift_right_logical3A_235 : vector<16xi32>
    %shift_left3A_237 = arith.constant 13 : i32
    %shift_left3A_238 = vector.broadcast %shift_left3A_237 : i32 to vector<16xi32>
    %shift_left3A_239 = arith.shli %shift_right_logical3A_236, %shift_left3A_238 : vector<16xi32>
    %and3A_240 = arith.constant 8191 : i32
    %and3A_241 = vector.broadcast %and3A_240 : i32 to vector<16xi32>
    %and3A_242 = arith.andi %get3A_233, %and3A_241 : vector<16xi32>
    %or3A_243 = arith.ori %shift_left3A_239, %and3A_242 : vector<16xi32>
    %swap3A_244 = arith.constant 3 : i32
    %swap3A_245 = arith.index_cast %swap3A_244 : i32 to index
    %swap3A_246 = arith.constant 16 : index
    %swap3A_247 = tpu.vector_load %arg9[%swap3A_245, %swap3A_246] {strides = array<i32>} : memref<5x64xi32, #tpu.memory_space<vmem>>, vector<16xi32>,
    tpu.vector_store %arg9[%swap3A_245, %swap3A_246], %or3A_243 {strides = array<i32>} : memref<5x64xi32, #tpu.memory_space<vmem>>, vector<16xi32>,
    %get3A_248 = arith.constant 3 : i32
    %get3A_249 = arith.index_cast %get3A_248 : i32 to index
    %get3A_250 = arith.constant 32 : index
    %get3A_251 = tpu.vector_load %arg7[%get3A_249, %get3A_250] {strides = array<i32>} : memref<5x64xi32, #tpu.memory_space<vmem>>, vector<16xi32>,
    %shift_right_logical3A_252 = arith.constant 15 : i32
    %shift_right_logical3A_253 = vector.broadcast %shift_right_logical3A_252 : i32 to vector<16xi32>
    %shift_right_logical3A_254 = arith.shrui %get3A_251, %shift_right_logical3A_253 : vector<16xi32>
    %shift_left3A_255 = arith.constant 13 : i32
    %shift_left3A_256 = vector.broadcast %shift_left3A_255 : i32 to vector<16xi32>
    %shift_left3A_257 = arith.shli %shift_right_logical3A_254, %shift_left3A_256 : vector<16xi32>
    %and3A_258 = arith.constant 8191 : i32
    %and3A_259 = vector.broadcast %and3A_258 : i32 to vector<16xi32>
    %and3A_260 = arith.andi %get3A_251, %and3A_259 : vector<16xi32>
    %or3A_261 = arith.ori %shift_left3A_257, %and3A_260 : vector<16xi32>
    %swap3A_262 = arith.constant 3 : i32
    %swap3A_263 = arith.index_cast %swap3A_262 : i32 to index
    %swap3A_264 = arith.constant 32 : index
    %swap3A_265 = tpu.vector_load %arg9[%swap3A_263, %swap3A_264] {strides = array<i32>} : memref<5x64xi32, #tpu.memory_space<vmem>>, vector<16xi32>,
    tpu.vector_store %arg9[%swap3A_263, %swap3A_264], %or3A_261 {strides = array<i32>} : memref<5x64xi32, #tpu.memory_space<vmem>>, vector<16xi32>,
    %get3A_266 = arith.constant 3 : i32
    %get3A_267 = arith.index_cast %get3A_266 : i32 to index
    %get3A_268 = arith.constant 48 : index
    %get3A_269 = tpu.vector_load %arg7[%get3A_267, %get3A_268] {strides = array<i32>} : memref<5x64xi32, #tpu.memory_space<vmem>>, vector<16xi32>,
    %shift_right_logical3A_270 = arith.constant 15 : i32
    %shift_right_logical3A_271 = vector.broadcast %shift_right_logical3A_270 : i32 to vector<16xi32>
    %shift_right_logical3A_272 = arith.shrui %get3A_269, %shift_right_logical3A_271 : vector<16xi32>
    %shift_left3A_273 = arith.constant 13 : i32
    %shift_left3A_274 = vector.broadcast %shift_left3A_273 : i32 to vector<16xi32>
    %shift_left3A_275 = arith.shli %shift_right_logical3A_272, %shift_left3A_274 : vector<16xi32>
    %and3A_276 = arith.constant 8191 : i32
    %and3A_277 = vector.broadcast %and3A_276 : i32 to vector<16xi32>
    %and3A_278 = arith.andi %get3A_269, %and3A_277 : vector<16xi32>
    %or3A_279 = arith.ori %shift_left3A_275, %and3A_278 : vector<16xi32>
    %swap3A_280 = arith.constant 3 : i32
    %swap3A_281 = arith.index_cast %swap3A_280 : i32 to index
    %swap3A_282 = arith.constant 48 : index
    %swap3A_283 = tpu.vector_load %arg9[%swap3A_281, %swap3A_282] {strides = array<i32>} : memref<5x64xi32, #tpu.memory_space<vmem>>, vector<16xi32>,
    tpu.vector_store %arg9[%swap3A_281, %swap3A_282], %or3A_279 {strides = array<i32>} : memref<5x64xi32, #tpu.memory_space<vmem>>, vector<16xi32>,
    %get3A_284 = arith.constant 4 : i32
    %get3A_285 = arith.index_cast %get3A_284 : i32 to index
    %get3A_286 = arith.constant 0 : index
    %get3A_287 = tpu.vector_load %arg7[%get3A_285, %get3A_286] {strides = array<i32>} : memref<5x64xi32, #tpu.memory_space<vmem>>, vector<16xi32>,
    %shift_right_logical3A_288 = arith.constant 15 : i32
    %shift_right_logical3A_289 = vector.broadcast %shift_right_logical3A_288 : i32 to vector<16xi32>
    %shift_right_logical3A_290 = arith.shrui %get3A_287, %shift_right_logical3A_289 : vector<16xi32>
    %shift_left3A_291 = arith.constant 13 : i32
    %shift_left3A_292 = vector.broadcast %shift_left3A_291 : i32 to vector<16xi32>
    %shift_left3A_293 = arith.shli %shift_right_logical3A_290, %shift_left3A_292 : vector<16xi32>
    %and3A_294 = arith.constant 8191 : i32
    %and3A_295 = vector.broadcast %and3A_294 : i32 to vector<16xi32>
    %and3A_296 = arith.andi %get3A_287, %and3A_295 : vector<16xi32>
    %or3A_297 = arith.ori %shift_left3A_293, %and3A_296 : vector<16xi32>
    %swap3A_298 = arith.constant 4 : i32
    %swap3A_299 = arith.index_cast %swap3A_298 : i32 to index
    %swap3A_300 = arith.constant 0 : index
    %swap3A_301 = tpu.vector_load %arg9[%swap3A_299, %swap3A_300] {strides = array<i32>} : memref<5x64xi32, #tpu.memory_space<vmem>>, vector<16xi32>,
    tpu.vector_store %arg9[%swap3A_299, %swap3A_300], %or3A_297 {strides = array<i32>} : memref<5x64xi32, #tpu.memory_space<vmem>>, vector<16xi32>,
    %get3A_302 = arith.constant 4 : i32
    %get3A_303 = arith.index_cast %get3A_302 : i32 to index
    %get3A_304 = arith.constant 16 : index
    %get3A_305 = tpu.vector_load %arg7[%get3A_303, %get3A_304] {strides = array<i32>} : memref<5x64xi32, #tpu.memory_space<vmem>>, vector<16xi32>,
    %shift_right_logical3A_306 = arith.constant 15 : i32
    %shift_right_logical3A_307 = vector.broadcast %shift_right_logical3A_306 : i32 to vector<16xi32>
    %shift_right_logical3A_308 = arith.shrui %get3A_305, %shift_right_logical3A_307 : vector<16xi32>
    %shift_left3A_309 = arith.constant 13 : i32
    %shift_left3A_310 = vector.broadcast %shift_left3A_309 : i32 to vector<16xi32>
    %shift_left3A_311 = arith.shli %shift_right_logical3A_308, %shift_left3A_310 : vector<16xi32>
    %and3A_312 = arith.constant 8191 : i32
    %and3A_313 = vector.broadcast %and3A_312 : i32 to vector<16xi32>
    %and3A_314 = arith.andi %get3A_305, %and3A_313 : vector<16xi32>
    %or3A_315 = arith.ori %shift_left3A_311, %and3A_314 : vector<16xi32>
    %swap3A_316 = arith.constant 4 : i32
    %swap3A_317 = arith.index_cast %swap3A_316 : i32 to index
    %swap3A_318 = arith.constant 16 : index
    %swap3A_319 = tpu.vector_load %arg9[%swap3A_317, %swap3A_318] {strides = array<i32>} : memref<5x64xi32, #tpu.memory_space<vmem>>, vector<16xi32>,
    tpu.vector_store %arg9[%swap3A_317, %swap3A_318], %or3A_315 {strides = array<i32>} : memref<5x64xi32, #tpu.memory_space<vmem>>, vector<16xi32>,
    %get3A_320 = arith.constant 4 : i32
    %get3A_321 = arith.index_cast %get3A_320 : i32 to index
    %get3A_322 = arith.constant 32 : index
    %get3A_323 = tpu.vector_load %arg7[%get3A_321, %get3A_322] {strides = array<i32>} : memref<5x64xi32, #tpu.memory_space<vmem>>, vector<16xi32>,
    %shift_right_logical3A_324 = arith.constant 15 : i32
    %shift_right_logical3A_325 = vector.broadcast %shift_right_logical3A_324 : i32 to vector<16xi32>
    %shift_right_logical3A_326 = arith.shrui %get3A_323, %shift_right_logical3A_325 : vector<16xi32>
    %shift_left3A_327 = arith.constant 13 : i32
    %shift_left3A_328 = vector.broadcast %shift_left3A_327 : i32 to vector<16xi32>
    %shift_left3A_329 = arith.shli %shift_right_logical3A_326, %shift_left3A_328 : vector<16xi32>
    %and3A_330 = arith.constant 8191 : i32
    %and3A_331 = vector.broadcast %and3A_330 : i32 to vector<16xi32>
    %and3A_332 = arith.andi %get3A_323, %and3A_331 : vector<16xi32>
    %or3A_333 = arith.ori %shift_left3A_329, %and3A_332 : vector<16xi32>
    %swap3A_334 = arith.constant 4 : i32
    %swap3A_335 = arith.index_cast %swap3A_334 : i32 to index
    %swap3A_336 = arith.constant 32 : index
    %swap3A_337 = tpu.vector_load %arg9[%swap3A_335, %swap3A_336] {strides = array<i32>} : memref<5x64xi32, #tpu.memory_space<vmem>>, vector<16xi32>,
    tpu.vector_store %arg9[%swap3A_335, %swap3A_336], %or3A_333 {strides = array<i32>} : memref<5x64xi32, #tpu.memory_space<vmem>>, vector<16xi32>,
    %get3A_338 = arith.constant 4 : i32
    %get3A_339 = arith.index_cast %get3A_338 : i32 to index
    %get3A_340 = arith.constant 48 : index
    %get3A_341 = tpu.vector_load %arg7[%get3A_339, %get3A_340] {strides = array<i32>} : memref<5x64xi32, #tpu.memory_space<vmem>>, vector<16xi32>,
    %shift_right_logical3A_342 = arith.constant 15 : i32
    %shift_right_logical3A_343 = vector.broadcast %shift_right_logical3A_342 : i32 to vector<16xi32>
    %shift_right_logical3A_344 = arith.shrui %get3A_341, %shift_right_logical3A_343 : vector<16xi32>
    %shift_left3A_345 = arith.constant 13 : i32
    %shift_left3A_346 = vector.broadcast %shift_left3A_345 : i32 to vector<16xi32>
    %shift_left3A_347 = arith.shli %shift_right_logical3A_344, %shift_left3A_346 : vector<16xi32>
    %and3A_348 = arith.constant 8191 : i32
    %and3A_349 = vector.broadcast %and3A_348 : i32 to vector<16xi32>
    %and3A_350 = arith.andi %get3A_341, %and3A_349 : vector<16xi32>
    %or3A_351 = arith.ori %shift_left3A_347, %and3A_350 : vector<16xi32>
    %swap3A_352 = arith.constant 4 : i32
    %swap3A_353 = arith.index_cast %swap3A_352 : i32 to index
    %swap3A_354 = arith.constant 48 : index
    %swap3A_355 = tpu.vector_load %arg9[%swap3A_353, %swap3A_354] {strides = array<i32>} : memref<5x64xi32, #tpu.memory_space<vmem>>, vector<16xi32>,
    tpu.vector_store %arg9[%swap3A_353, %swap3A_354], %or3A_351 {strides = array<i32>} : memref<5x64xi32, #tpu.memory_space<vmem>>, vector<16xi32>,
    %dma_start3A = arith.constant 0 : i32
    %dma_start3A_356 = arith.constant 0 : i32
    %dma_start3A_357 = tpu.memref_slice %arg9[%dma_start3A, %dma_start3A_356] : memref<5x64xi32, #tpu.memory_space<vmem>> -> memref<1x64xi32, #tpu.memory_space<vmem>>
    %dma_start3A_358 = tpu.memref_squeeze %dma_start3A_357 : memref<1x64xi32, #tpu.memory_space<vmem>> -> memref<64xi32, #tpu.memory_space<vmem>>
    %dma_start3A_359 = arith.constant 0 : i32
    %dma_start3A_360 = arith.constant 0 : i32
    %dma_start3A_361 = tpu.memref_slice %arg2[%dma_start3A_359, %dma_start3A_360] : memref<253952x128xi32, #tpu.memory_space<hbm>> -> memref<253952x128xi32, #tpu.memory_space<hbm>>
    tpu.enqueue_indirect_dma source(%dma_start3A_361 : memref<253952x128xi32, #tpu.memory_space<hbm>>) target(%arg11 : memref<64x128xi32, #tpu.memory_space<vmem>>) offsets(%dma_start3A_358 : memref<64xi32, #tpu.memory_space<vmem>>) semaphore(%arg23 : memref<!tpu.dma_semaphore, #tpu.memory_space<semaphore_mem>>)
    %dma_start3A_362 = arith.constant 1 : i32
    %dma_start3A_363 = arith.constant 0 : i32
    %dma_start3A_364 = tpu.memref_slice %arg9[%dma_start3A_362, %dma_start3A_363] : memref<5x64xi32, #tpu.memory_space<vmem>> -> memref<1x64xi32, #tpu.memory_space<vmem>>
    %dma_start3A_365 = tpu.memref_squeeze %dma_start3A_364 : memref<1x64xi32, #tpu.memory_space<vmem>> -> memref<64xi32, #tpu.memory_space<vmem>>
    %dma_start3A_366 = arith.constant 0 : i32
    %dma_start3A_367 = arith.constant 0 : i32
    %dma_start3A_368 = tpu.memref_slice %arg3[%dma_start3A_366, %dma_start3A_367] : memref<253952x128xi32, #tpu.memory_space<hbm>> -> memref<253952x128xi32, #tpu.memory_space<hbm>>
    tpu.enqueue_indirect_dma source(%dma_start3A_368 : memref<253952x128xi32, #tpu.memory_space<hbm>>) target(%arg12 : memref<64x128xi32, #tpu.memory_space<vmem>>) offsets(%dma_start3A_365 : memref<64xi32, #tpu.memory_space<vmem>>) semaphore(%arg23 : memref<!tpu.dma_semaphore, #tpu.memory_space<semaphore_mem>>)
    %dma_start3A_369 = arith.constant 2 : i32
    %dma_start3A_370 = arith.constant 0 : i32
    %dma_start3A_371 = tpu.memref_slice %arg9[%dma_start3A_369, %dma_start3A_370] : memref<5x64xi32, #tpu.memory_space<vmem>> -> memref<1x64xi32, #tpu.memory_space<vmem>>
    %dma_start3A_372 = tpu.memref_squeeze %dma_start3A_371 : memref<1x64xi32, #tpu.memory_space<vmem>> -> memref<64xi32, #tpu.memory_space<vmem>>
    %dma_start3A_373 = arith.constant 0 : i32
    %dma_start3A_374 = arith.constant 0 : i32
    %dma_start3A_375 = tpu.memref_slice %arg2[%dma_start3A_373, %dma_start3A_374] : memref<253952x128xi32, #tpu.memory_space<hbm>> -> memref<253952x128xi32, #tpu.memory_space<hbm>>
    tpu.enqueue_indirect_dma source(%dma_start3A_375 : memref<253952x128xi32, #tpu.memory_space<hbm>>) target(%arg13 : memref<64x128xi32, #tpu.memory_space<vmem>>) offsets(%dma_start3A_372 : memref<64xi32, #tpu.memory_space<vmem>>) semaphore(%arg23 : memref<!tpu.dma_semaphore, #tpu.memory_space<semaphore_mem>>)
    %dma_start3A_376 = arith.constant 3 : i32
    %dma_start3A_377 = arith.constant 0 : i32
    %dma_start3A_378 = tpu.memref_slice %arg9[%dma_start3A_376, %dma_start3A_377] : memref<5x64xi32, #tpu.memory_space<vmem>> -> memref<1x64xi32, #tpu.memory_space<vmem>>
    %dma_start3A_379 = tpu.memref_squeeze %dma_start3A_378 : memref<1x64xi32, #tpu.memory_space<vmem>> -> memref<64xi32, #tpu.memory_space<vmem>>
    %dma_start3A_380 = arith.constant 0 : i32
    %dma_start3A_381 = arith.constant 0 : i32
    %dma_start3A_382 = tpu.memref_slice %arg3[%dma_start3A_380, %dma_start3A_381] : memref<253952x128xi32, #tpu.memory_space<hbm>> -> memref<253952x128xi32, #tpu.memory_space<hbm>>
    tpu.enqueue_indirect_dma source(%dma_start3A_382 : memref<253952x128xi32, #tpu.memory_space<hbm>>) target(%arg14 : memref<64x128xi32, #tpu.memory_space<vmem>>) offsets(%dma_start3A_379 : memref<64xi32, #tpu.memory_space<vmem>>) semaphore(%arg23 : memref<!tpu.dma_semaphore, #tpu.memory_space<semaphore_mem>>)
    %dma_start3A_383 = arith.constant 4 : i32
    %dma_start3A_384 = arith.constant 0 : i32
    %dma_start3A_385 = tpu.memref_slice %arg9[%dma_start3A_383, %dma_start3A_384] : memref<5x64xi32, #tpu.memory_space<vmem>> -> memref<1x64xi32, #tpu.memory_space<vmem>>
    %dma_start3A_386 = tpu.memref_squeeze %dma_start3A_385 : memref<1x64xi32, #tpu.memory_space<vmem>> -> memref<64xi32, #tpu.memory_space<vmem>>
    %dma_start3A_387 = arith.constant 0 : i32
    %dma_start3A_388 = arith.constant 0 : i32
    %dma_start3A_389 = tpu.memref_slice %arg2[%dma_start3A_387, %dma_start3A_388] : memref<253952x128xi32, #tpu.memory_space<hbm>> -> memref<253952x128xi32, #tpu.memory_space<hbm>>
    tpu.enqueue_indirect_dma source(%dma_start3A_389 : memref<253952x128xi32, #tpu.memory_space<hbm>>) target(%arg15 : memref<64x128xi32, #tpu.memory_space<vmem>>) offsets(%dma_start3A_386 : memref<64xi32, #tpu.memory_space<vmem>>) semaphore(%arg23 : memref<!tpu.dma_semaphore, #tpu.memory_space<semaphore_mem>>)
    %scan3A = arith.constant 0 : i32
    %scan3A_390 = arith.constant 0 : i32
    %scan3A_391 = arith.constant 8 : i32
    %scan3A_392 = arith.addi %scan3A_390, %scan3A_391 : i32
    %scan3A_393 = arith.constant 1 : i32
    scf.for %scan3A_443 = %scan3A_390 to %scan3A_392 step %scan3A_393  : i32 {
      %mul3A_444 = arith.constant 2 : i32
      %mul3A_445 = arith.muli %mul3A_444, %scan3A_443 : i32
      %dma_wait3A_446 = arith.constant 0 : i32
      %dma_wait3A_447 = arith.constant 0 : i32
      %dma_wait3A_448 = tpu.memref_slice %arg9[%dma_wait3A_446, %dma_wait3A_447] : memref<5x64xi32, #tpu.memory_space<vmem>> -> memref<1x64xi32, #tpu.memory_space<vmem>>
      %dma_wait3A_449 = tpu.memref_squeeze %dma_wait3A_448 : memref<1x64xi32, #tpu.memory_space<vmem>> -> memref<64xi32, #tpu.memory_space<vmem>>
      %dma_wait3A_450 = arith.constant 0 : i32
      %dma_wait3A_451 = arith.constant 0 : i32
      %dma_wait3A_452 = tpu.memref_slice %arg2[%dma_wait3A_450, %dma_wait3A_451] : memref<253952x128xi32, #tpu.memory_space<hbm>> -> memref<253952x128xi32, #tpu.memory_space<hbm>>
      tpu.wait_indirect_dma semaphore(%arg23 : memref<!tpu.dma_semaphore, #tpu.memory_space<semaphore_mem>>) src(%dma_wait3A_452 : memref<253952x128xi32, #tpu.memory_space<hbm>>) dst(%arg11 : memref<64x128xi32, #tpu.memory_space<vmem>>)
      %dma_wait3A_453 = arith.constant 1 : i32
      %dma_wait3A_454 = arith.constant 0 : i32
      %dma_wait3A_455 = tpu.memref_slice %arg9[%dma_wait3A_453, %dma_wait3A_454] : memref<5x64xi32, #tpu.memory_space<vmem>> -> memref<1x64xi32, #tpu.memory_space<vmem>>
      %dma_wait3A_456 = tpu.memref_squeeze %dma_wait3A_455 : memref<1x64xi32, #tpu.memory_space<vmem>> -> memref<64xi32, #tpu.memory_space<vmem>>
      %dma_wait3A_457 = arith.constant 0 : i32
      %dma_wait3A_458 = arith.constant 0 : i32
      %dma_wait3A_459 = tpu.memref_slice %arg3[%dma_wait3A_457, %dma_wait3A_458] : memref<253952x128xi32, #tpu.memory_space<hbm>> -> memref<253952x128xi32, #tpu.memory_space<hbm>>
      tpu.wait_indirect_dma semaphore(%arg23 : memref<!tpu.dma_semaphore, #tpu.memory_space<semaphore_mem>>) src(%dma_wait3A_459 : memref<253952x128xi32, #tpu.memory_space<hbm>>) dst(%arg12 : memref<64x128xi32, #tpu.memory_space<vmem>>)
      %dma_wait3A_460 = arith.constant 2 : i32
      %dma_wait3A_461 = arith.constant 0 : i32
      %dma_wait3A_462 = tpu.memref_slice %arg9[%dma_wait3A_460, %dma_wait3A_461] : memref<5x64xi32, #tpu.memory_space<vmem>> -> memref<1x64xi32, #tpu.memory_space<vmem>>
      %dma_wait3A_463 = tpu.memref_squeeze %dma_wait3A_462 : memref<1x64xi32, #tpu.memory_space<vmem>> -> memref<64xi32, #tpu.memory_space<vmem>>
      %dma_wait3A_464 = arith.constant 0 : i32
      %dma_wait3A_465 = arith.constant 0 : i32
      %dma_wait3A_466 = tpu.memref_slice %arg2[%dma_wait3A_464, %dma_wait3A_465] : memref<253952x128xi32, #tpu.memory_space<hbm>> -> memref<253952x128xi32, #tpu.memory_space<hbm>>
      tpu.wait_indirect_dma semaphore(%arg23 : memref<!tpu.dma_semaphore, #tpu.memory_space<semaphore_mem>>) src(%dma_wait3A_466 : memref<253952x128xi32, #tpu.memory_space<hbm>>) dst(%arg13 : memref<64x128xi32, #tpu.memory_space<vmem>>)
      %dma_wait3A_467 = arith.constant 3 : i32
      %dma_wait3A_468 = arith.constant 0 : i32
      %dma_wait3A_469 = tpu.memref_slice %arg9[%dma_wait3A_467, %dma_wait3A_468] : memref<5x64xi32, #tpu.memory_space<vmem>> -> memref<1x64xi32, #tpu.memory_space<vmem>>
      %dma_wait3A_470 = tpu.memref_squeeze %dma_wait3A_469 : memref<1x64xi32, #tpu.memory_space<vmem>> -> memref<64xi32, #tpu.memory_space<vmem>>
      %dma_wait3A_471 = arith.constant 0 : i32
      %dma_wait3A_472 = arith.constant 0 : i32
      %dma_wait3A_473 = tpu.memref_slice %arg3[%dma_wait3A_471, %dma_wait3A_472] : memref<253952x128xi32, #tpu.memory_space<hbm>> -> memref<253952x128xi32, #tpu.memory_space<hbm>>
      tpu.wait_indirect_dma semaphore(%arg23 : memref<!tpu.dma_semaphore, #tpu.memory_space<semaphore_mem>>) src(%dma_wait3A_473 : memref<253952x128xi32, #tpu.memory_space<hbm>>) dst(%arg14 : memref<64x128xi32, #tpu.memory_space<vmem>>)
      %dma_wait3A_474 = arith.constant 4 : i32
      %dma_wait3A_475 = arith.constant 0 : i32
      %dma_wait3A_476 = tpu.memref_slice %arg9[%dma_wait3A_474, %dma_wait3A_475] : memref<5x64xi32, #tpu.memory_space<vmem>> -> memref<1x64xi32, #tpu.memory_space<vmem>>
      %dma_wait3A_477 = tpu.memref_squeeze %dma_wait3A_476 : memref<1x64xi32, #tpu.memory_space<vmem>> -> memref<64xi32, #tpu.memory_space<vmem>>
      %dma_wait3A_478 = arith.constant 0 : i32
      %dma_wait3A_479 = arith.constant 0 : i32
      %dma_wait3A_480 = tpu.memref_slice %arg2[%dma_wait3A_478, %dma_wait3A_479] : memref<253952x128xi32, #tpu.memory_space<hbm>> -> memref<253952x128xi32, #tpu.memory_space<hbm>>
      tpu.wait_indirect_dma semaphore(%arg23 : memref<!tpu.dma_semaphore, #tpu.memory_space<semaphore_mem>>) src(%dma_wait3A_480 : memref<253952x128xi32, #tpu.memory_space<hbm>>) dst(%arg15 : memref<64x128xi32, #tpu.memory_space<vmem>>)
      %add3A_481 = arith.constant 1 : i32
      %add3A_482 = arith.addi %mul3A_445, %add3A_481 : i32
      "tpu.region"() ({
        %run_scoped3A_1325 = tpu.sem_alloc : memref<!tpu.dma_semaphore, #tpu.memory_space<semaphore_mem>>
        %dma_start3A_1326 = arith.constant 0 : i32
        %dma_start3A_1327 = arith.constant 0 : i32
        %dma_start3A_1328 = tpu.memref_slice %arg4[%add3A, %add3A_482, %dma_start3A_1326, %dma_start3A_1327] : memref<32x16x5x64xi32, #tpu.memory_space<hbm>> -> memref<1x1x5x64xi32, #tpu.memory_space<hbm>>
        %dma_start3A_1329 = tpu.memref_squeeze %dma_start3A_1328 : memref<1x1x5x64xi32, #tpu.memory_space<hbm>> -> memref<5x64xi32, #tpu.memory_space<hbm>>
        %dma_start3A_1330 = arith.constant 0 : i32
        %dma_start3A_1331 = arith.constant 0 : i32
        %dma_start3A_1332 = tpu.memref_slice %arg4[%add3A, %add3A_482, %dma_start3A_1330, %dma_start3A_1331] : memref<32x16x5x64xi32, #tpu.memory_space<hbm>> -> memref<1x1x5x64xi32, #tpu.memory_space<hbm>>
        %dma_start3A_1333 = tpu.memref_squeeze %dma_start3A_1332 : memref<1x1x5x64xi32, #tpu.memory_space<hbm>> -> memref<5x64xi32, #tpu.memory_space<hbm>>
        tpu.enqueue_dma source(%dma_start3A_1333 : memref<5x64xi32, #tpu.memory_space<hbm>>) target(%arg8 : memref<5x64xi32, #tpu.memory_space<vmem>>) target_semaphore(%run_scoped3A_1325 : memref<!tpu.dma_semaphore, #tpu.memory_space<semaphore_mem>>)
        %dma_wait3A_1334 = arith.constant 0 : i32
        %dma_wait3A_1335 = arith.constant 0 : i32
        %dma_wait3A_1336 = tpu.memref_slice %arg4[%add3A, %add3A_482, %dma_wait3A_1334, %dma_wait3A_1335] : memref<32x16x5x64xi32, #tpu.memory_space<hbm>> -> memref<1x1x5x64xi32, #tpu.memory_space<hbm>>
        %dma_wait3A_1337 = tpu.memref_squeeze %dma_wait3A_1336 : memref<1x1x5x64xi32, #tpu.memory_space<hbm>> -> memref<5x64xi32, #tpu.memory_space<hbm>>
        %dma_wait3A_1338 = arith.constant 0 : i32
        %dma_wait3A_1339 = arith.constant 0 : i32
        %dma_wait3A_1340 = tpu.memref_slice %arg4[%add3A, %add3A_482, %dma_wait3A_1338, %dma_wait3A_1339] : memref<32x16x5x64xi32, #tpu.memory_space<hbm>> -> memref<1x1x5x64xi32, #tpu.memory_space<hbm>>
        %dma_wait3A_1341 = tpu.memref_squeeze %dma_wait3A_1340 : memref<1x1x5x64xi32, #tpu.memory_space<hbm>> -> memref<5x64xi32, #tpu.memory_space<hbm>>
        tpu.wait_dma2 semaphore(%run_scoped3A_1325 : memref<!tpu.dma_semaphore, #tpu.memory_space<semaphore_mem>>) src(%dma_wait3A_1341 : memref<5x64xi32, #tpu.memory_space<hbm>>) dst(%arg8 : memref<5x64xi32, #tpu.memory_space<vmem>>)
        tpu.yield
      }) : () -> ()
      %get3A_483 = arith.constant 0 : i32
      %get3A_484 = arith.index_cast %get3A_483 : i32 to index
      %get3A_485 = arith.constant 0 : index
      %get3A_486 = tpu.vector_load %arg8[%get3A_484, %get3A_485] {strides = array<i32>} : memref<5x64xi32, #tpu.memory_space<vmem>>, vector<16xi32>,
      %shift_right_logical3A_487 = arith.constant 15 : i32
      %shift_right_logical3A_488 = vector.broadcast %shift_right_logical3A_487 : i32 to vector<16xi32>
      %shift_right_logical3A_489 = arith.shrui %get3A_486, %shift_right_logical3A_488 : vector<16xi32>
      %shift_left3A_490 = arith.constant 13 : i32
      %shift_left3A_491 = vector.broadcast %shift_left3A_490 : i32 to vector<16xi32>
      %shift_left3A_492 = arith.shli %shift_right_logical3A_489, %shift_left3A_491 : vector<16xi32>
      %and3A_493 = arith.constant 8191 : i32
      %and3A_494 = vector.broadcast %and3A_493 : i32 to vector<16xi32>
      %and3A_495 = arith.andi %get3A_486, %and3A_494 : vector<16xi32>
      %or3A_496 = arith.ori %shift_left3A_492, %and3A_495 : vector<16xi32>
      %swap3A_497 = arith.constant 0 : i32
      %swap3A_498 = arith.index_cast %swap3A_497 : i32 to index
      %swap3A_499 = arith.constant 0 : index
      %swap3A_500 = tpu.vector_load %arg10[%swap3A_498, %swap3A_499] {strides = array<i32>} : memref<5x64xi32, #tpu.memory_space<vmem>>, vector<16xi32>,
      tpu.vector_store %arg10[%swap3A_498, %swap3A_499], %or3A_496 {strides = array<i32>} : memref<5x64xi32, #tpu.memory_space<vmem>>, vector<16xi32>,
      %get3A_501 = arith.constant 0 : i32
      %get3A_502 = arith.index_cast %get3A_501 : i32 to index
      %get3A_503 = arith.constant 16 : index
      %get3A_504 = tpu.vector_load %arg8[%get3A_502, %get3A_503] {strides = array<i32>} : memref<5x64xi32, #tpu.memory_space<vmem>>, vector<16xi32>,
      %shift_right_logical3A_505 = arith.constant 15 : i32
      %shift_right_logical3A_506 = vector.broadcast %shift_right_logical3A_505 : i32 to vector<16xi32>
      %shift_right_logical3A_507 = arith.shrui %get3A_504, %shift_right_logical3A_506 : vector<16xi32>
      %shift_left3A_508 = arith.constant 13 : i32
      %shift_left3A_509 = vector.broadcast %shift_left3A_508 : i32 to vector<16xi32>
      %shift_left3A_510 = arith.shli %shift_right_logical3A_507, %shift_left3A_509 : vector<16xi32>
      %and3A_511 = arith.constant 8191 : i32
      %and3A_512 = vector.broadcast %and3A_511 : i32 to vector<16xi32>
      %and3A_513 = arith.andi %get3A_504, %and3A_512 : vector<16xi32>
      %or3A_514 = arith.ori %shift_left3A_510, %and3A_513 : vector<16xi32>
      %swap3A_515 = arith.constant 0 : i32
      %swap3A_516 = arith.index_cast %swap3A_515 : i32 to index
      %swap3A_517 = arith.constant 16 : index
      %swap3A_518 = tpu.vector_load %arg10[%swap3A_516, %swap3A_517] {strides = array<i32>} : memref<5x64xi32, #tpu.memory_space<vmem>>, vector<16xi32>,
      tpu.vector_store %arg10[%swap3A_516, %swap3A_517], %or3A_514 {strides = array<i32>} : memref<5x64xi32, #tpu.memory_space<vmem>>, vector<16xi32>,
      %get3A_519 = arith.constant 0 : i32
      %get3A_520 = arith.index_cast %get3A_519 : i32 to index
      %get3A_521 = arith.constant 32 : index
      %get3A_522 = tpu.vector_load %arg8[%get3A_520, %get3A_521] {strides = array<i32>} : memref<5x64xi32, #tpu.memory_space<vmem>>, vector<16xi32>,
      %shift_right_logical3A_523 = arith.constant 15 : i32
      %shift_right_logical3A_524 = vector.broadcast %shift_right_logical3A_523 : i32 to vector<16xi32>
      %shift_right_logical3A_525 = arith.shrui %get3A_522, %shift_right_logical3A_524 : vector<16xi32>
      %shift_left3A_526 = arith.constant 13 : i32
      %shift_left3A_527 = vector.broadcast %shift_left3A_526 : i32 to vector<16xi32>
      %shift_left3A_528 = arith.shli %shift_right_logical3A_525, %shift_left3A_527 : vector<16xi32>
      %and3A_529 = arith.constant 8191 : i32
      %and3A_530 = vector.broadcast %and3A_529 : i32 to vector<16xi32>
      %and3A_531 = arith.andi %get3A_522, %and3A_530 : vector<16xi32>
      %or3A_532 = arith.ori %shift_left3A_528, %and3A_531 : vector<16xi32>
      %swap3A_533 = arith.constant 0 : i32
      %swap3A_534 = arith.index_cast %swap3A_533 : i32 to index
      %swap3A_535 = arith.constant 32 : index
      %swap3A_536 = tpu.vector_load %arg10[%swap3A_534, %swap3A_535] {strides = array<i32>} : memref<5x64xi32, #tpu.memory_space<vmem>>, vector<16xi32>,
      tpu.vector_store %arg10[%swap3A_534, %swap3A_535], %or3A_532 {strides = array<i32>} : memref<5x64xi32, #tpu.memory_space<vmem>>, vector<16xi32>,
      %get3A_537 = arith.constant 0 : i32
      %get3A_538 = arith.index_cast %get3A_537 : i32 to index
      %get3A_539 = arith.constant 48 : index
      %get3A_540 = tpu.vector_load %arg8[%get3A_538, %get3A_539] {strides = array<i32>} : memref<5x64xi32, #tpu.memory_space<vmem>>, vector<16xi32>,
      %shift_right_logical3A_541 = arith.constant 15 : i32
      %shift_right_logical3A_542 = vector.broadcast %shift_right_logical3A_541 : i32 to vector<16xi32>
      %shift_right_logical3A_543 = arith.shrui %get3A_540, %shift_right_logical3A_542 : vector<16xi32>
      %shift_left3A_544 = arith.constant 13 : i32
      %shift_left3A_545 = vector.broadcast %shift_left3A_544 : i32 to vector<16xi32>
      %shift_left3A_546 = arith.shli %shift_right_logical3A_543, %shift_left3A_545 : vector<16xi32>
      %and3A_547 = arith.constant 8191 : i32
      %and3A_548 = vector.broadcast %and3A_547 : i32 to vector<16xi32>
      %and3A_549 = arith.andi %get3A_540, %and3A_548 : vector<16xi32>
      %or3A_550 = arith.ori %shift_left3A_546, %and3A_549 : vector<16xi32>
      %swap3A_551 = arith.constant 0 : i32
      %swap3A_552 = arith.index_cast %swap3A_551 : i32 to index
      %swap3A_553 = arith.constant 48 : index
      %swap3A_554 = tpu.vector_load %arg10[%swap3A_552, %swap3A_553] {strides = array<i32>} : memref<5x64xi32, #tpu.memory_space<vmem>>, vector<16xi32>,
      tpu.vector_store %arg10[%swap3A_552, %swap3A_553], %or3A_550 {strides = array<i32>} : memref<5x64xi32, #tpu.memory_space<vmem>>, vector<16xi32>,
      %get3A_555 = arith.constant 1 : i32
      %get3A_556 = arith.index_cast %get3A_555 : i32 to index
      %get3A_557 = arith.constant 0 : index
      %get3A_558 = tpu.vector_load %arg8[%get3A_556, %get3A_557] {strides = array<i32>} : memref<5x64xi32, #tpu.memory_space<vmem>>, vector<16xi32>,
      %shift_right_logical3A_559 = arith.constant 15 : i32
      %shift_right_logical3A_560 = vector.broadcast %shift_right_logical3A_559 : i32 to vector<16xi32>
      %shift_right_logical3A_561 = arith.shrui %get3A_558, %shift_right_logical3A_560 : vector<16xi32>
      %shift_left3A_562 = arith.constant 13 : i32
      %shift_left3A_563 = vector.broadcast %shift_left3A_562 : i32 to vector<16xi32>
      %shift_left3A_564 = arith.shli %shift_right_logical3A_561, %shift_left3A_563 : vector<16xi32>
      %and3A_565 = arith.constant 8191 : i32
      %and3A_566 = vector.broadcast %and3A_565 : i32 to vector<16xi32>
      %and3A_567 = arith.andi %get3A_558, %and3A_566 : vector<16xi32>
      %or3A_568 = arith.ori %shift_left3A_564, %and3A_567 : vector<16xi32>
      %swap3A_569 = arith.constant 1 : i32
      %swap3A_570 = arith.index_cast %swap3A_569 : i32 to index
      %swap3A_571 = arith.constant 0 : index
      %swap3A_572 = tpu.vector_load %arg10[%swap3A_570, %swap3A_571] {strides = array<i32>} : memref<5x64xi32, #tpu.memory_space<vmem>>, vector<16xi32>,
      tpu.vector_store %arg10[%swap3A_570, %swap3A_571], %or3A_568 {strides = array<i32>} : memref<5x64xi32, #tpu.memory_space<vmem>>, vector<16xi32>,
      %get3A_573 = arith.constant 1 : i32
      %get3A_574 = arith.index_cast %get3A_573 : i32 to index
      %get3A_575 = arith.constant 16 : index
      %get3A_576 = tpu.vector_load %arg8[%get3A_574, %get3A_575] {strides = array<i32>} : memref<5x64xi32, #tpu.memory_space<vmem>>, vector<16xi32>,
      %shift_right_logical3A_577 = arith.constant 15 : i32
      %shift_right_logical3A_578 = vector.broadcast %shift_right_logical3A_577 : i32 to vector<16xi32>
      %shift_right_logical3A_579 = arith.shrui %get3A_576, %shift_right_logical3A_578 : vector<16xi32>
      %shift_left3A_580 = arith.constant 13 : i32
      %shift_left3A_581 = vector.broadcast %shift_left3A_580 : i32 to vector<16xi32>
      %shift_left3A_582 = arith.shli %shift_right_logical3A_579, %shift_left3A_581 : vector<16xi32>
      %and3A_583 = arith.constant 8191 : i32
      %and3A_584 = vector.broadcast %and3A_583 : i32 to vector<16xi32>
      %and3A_585 = arith.andi %get3A_576, %and3A_584 : vector<16xi32>
      %or3A_586 = arith.ori %shift_left3A_582, %and3A_585 : vector<16xi32>
      %swap3A_587 = arith.constant 1 : i32
      %swap3A_588 = arith.index_cast %swap3A_587 : i32 to index
      %swap3A_589 = arith.constant 16 : index
      %swap3A_590 = tpu.vector_load %arg10[%swap3A_588, %swap3A_589] {strides = array<i32>} : memref<5x64xi32, #tpu.memory_space<vmem>>, vector<16xi32>,
      tpu.vector_store %arg10[%swap3A_588, %swap3A_589], %or3A_586 {strides = array<i32>} : memref<5x64xi32, #tpu.memory_space<vmem>>, vector<16xi32>,
      %get3A_591 = arith.constant 1 : i32
      %get3A_592 = arith.index_cast %get3A_591 : i32 to index
      %get3A_593 = arith.constant 32 : index
      %get3A_594 = tpu.vector_load %arg8[%get3A_592, %get3A_593] {strides = array<i32>} : memref<5x64xi32, #tpu.memory_space<vmem>>, vector<16xi32>,
      %shift_right_logical3A_595 = arith.constant 15 : i32
      %shift_right_logical3A_596 = vector.broadcast %shift_right_logical3A_595 : i32 to vector<16xi32>
      %shift_right_logical3A_597 = arith.shrui %get3A_594, %shift_right_logical3A_596 : vector<16xi32>
      %shift_left3A_598 = arith.constant 13 : i32
      %shift_left3A_599 = vector.broadcast %shift_left3A_598 : i32 to vector<16xi32>
      %shift_left3A_600 = arith.shli %shift_right_logical3A_597, %shift_left3A_599 : vector<16xi32>
      %and3A_601 = arith.constant 8191 : i32
      %and3A_602 = vector.broadcast %and3A_601 : i32 to vector<16xi32>
      %and3A_603 = arith.andi %get3A_594, %and3A_602 : vector<16xi32>
      %or3A_604 = arith.ori %shift_left3A_600, %and3A_603 : vector<16xi32>
      %swap3A_605 = arith.constant 1 : i32
      %swap3A_606 = arith.index_cast %swap3A_605 : i32 to index
      %swap3A_607 = arith.constant 32 : index
      %swap3A_608 = tpu.vector_load %arg10[%swap3A_606, %swap3A_607] {strides = array<i32>} : memref<5x64xi32, #tpu.memory_space<vmem>>, vector<16xi32>,
      tpu.vector_store %arg10[%swap3A_606, %swap3A_607], %or3A_604 {strides = array<i32>} : memref<5x64xi32, #tpu.memory_space<vmem>>, vector<16xi32>,
      %get3A_609 = arith.constant 1 : i32
      %get3A_610 = arith.index_cast %get3A_609 : i32 to index
      %get3A_611 = arith.constant 48 : index
      %get3A_612 = tpu.vector_load %arg8[%get3A_610, %get3A_611] {strides = array<i32>} : memref<5x64xi32, #tpu.memory_space<vmem>>, vector<16xi32>,
      %shift_right_logical3A_613 = arith.constant 15 : i32
      %shift_right_logical3A_614 = vector.broadcast %shift_right_logical3A_613 : i32 to vector<16xi32>
      %shift_right_logical3A_615 = arith.shrui %get3A_612, %shift_right_logical3A_614 : vector<16xi32>
      %shift_left3A_616 = arith.constant 13 : i32
      %shift_left3A_617 = vector.broadcast %shift_left3A_616 : i32 to vector<16xi32>
      %shift_left3A_618 = arith.shli %shift_right_logical3A_615, %shift_left3A_617 : vector<16xi32>
      %and3A_619 = arith.constant 8191 : i32
      %and3A_620 = vector.broadcast %and3A_619 : i32 to vector<16xi32>
      %and3A_621 = arith.andi %get3A_612, %and3A_620 : vector<16xi32>
      %or3A_622 = arith.ori %shift_left3A_618, %and3A_621 : vector<16xi32>
      %swap3A_623 = arith.constant 1 : i32
      %swap3A_624 = arith.index_cast %swap3A_623 : i32 to index
      %swap3A_625 = arith.constant 48 : index
      %swap3A_626 = tpu.vector_load %arg10[%swap3A_624, %swap3A_625] {strides = array<i32>} : memref<5x64xi32, #tpu.memory_space<vmem>>, vector<16xi32>,
      tpu.vector_store %arg10[%swap3A_624, %swap3A_625], %or3A_622 {strides = array<i32>} : memref<5x64xi32, #tpu.memory_space<vmem>>, vector<16xi32>,
      %get3A_627 = arith.constant 2 : i32
      %get3A_628 = arith.index_cast %get3A_627 : i32 to index
      %get3A_629 = arith.constant 0 : index
      %get3A_630 = tpu.vector_load %arg8[%get3A_628, %get3A_629] {strides = array<i32>} : memref<5x64xi32, #tpu.memory_space<vmem>>, vector<16xi32>,
      %shift_right_logical3A_631 = arith.constant 15 : i32
      %shift_right_logical3A_632 = vector.broadcast %shift_right_logical3A_631 : i32 to vector<16xi32>
      %shift_right_logical3A_633 = arith.shrui %get3A_630, %shift_right_logical3A_632 : vector<16xi32>
      %shift_left3A_634 = arith.constant 13 : i32
      %shift_left3A_635 = vector.broadcast %shift_left3A_634 : i32 to vector<16xi32>
      %shift_left3A_636 = arith.shli %shift_right_logical3A_633, %shift_left3A_635 : vector<16xi32>
      %and3A_637 = arith.constant 8191 : i32
      %and3A_638 = vector.broadcast %and3A_637 : i32 to vector<16xi32>
      %and3A_639 = arith.andi %get3A_630, %and3A_638 : vector<16xi32>
      %or3A_640 = arith.ori %shift_left3A_636, %and3A_639 : vector<16xi32>
      %swap3A_641 = arith.constant 2 : i32
      %swap3A_642 = arith.index_cast %swap3A_641 : i32 to index
      %swap3A_643 = arith.constant 0 : index
      %swap3A_644 = tpu.vector_load %arg10[%swap3A_642, %swap3A_643] {strides = array<i32>} : memref<5x64xi32, #tpu.memory_space<vmem>>, vector<16xi32>,
      tpu.vector_store %arg10[%swap3A_642, %swap3A_643], %or3A_640 {strides = array<i32>} : memref<5x64xi32, #tpu.memory_space<vmem>>, vector<16xi32>,
      %get3A_645 = arith.constant 2 : i32
      %get3A_646 = arith.index_cast %get3A_645 : i32 to index
      %get3A_647 = arith.constant 16 : index
      %get3A_648 = tpu.vector_load %arg8[%get3A_646, %get3A_647] {strides = array<i32>} : memref<5x64xi32, #tpu.memory_space<vmem>>, vector<16xi32>,
      %shift_right_logical3A_649 = arith.constant 15 : i32
      %shift_right_logical3A_650 = vector.broadcast %shift_right_logical3A_649 : i32 to vector<16xi32>
      %shift_right_logical3A_651 = arith.shrui %get3A_648, %shift_right_logical3A_650 : vector<16xi32>
      %shift_left3A_652 = arith.constant 13 : i32
      %shift_left3A_653 = vector.broadcast %shift_left3A_652 : i32 to vector<16xi32>
      %shift_left3A_654 = arith.shli %shift_right_logical3A_651, %shift_left3A_653 : vector<16xi32>
      %and3A_655 = arith.constant 8191 : i32
      %and3A_656 = vector.broadcast %and3A_655 : i32 to vector<16xi32>
      %and3A_657 = arith.andi %get3A_648, %and3A_656 : vector<16xi32>
      %or3A_658 = arith.ori %shift_left3A_654, %and3A_657 : vector<16xi32>
      %swap3A_659 = arith.constant 2 : i32
      %swap3A_660 = arith.index_cast %swap3A_659 : i32 to index
      %swap3A_661 = arith.constant 16 : index
      %swap3A_662 = tpu.vector_load %arg10[%swap3A_660, %swap3A_661] {strides = array<i32>} : memref<5x64xi32, #tpu.memory_space<vmem>>, vector<16xi32>,
      tpu.vector_store %arg10[%swap3A_660, %swap3A_661], %or3A_658 {strides = array<i32>} : memref<5x64xi32, #tpu.memory_space<vmem>>, vector<16xi32>,
      %get3A_663 = arith.constant 2 : i32
      %get3A_664 = arith.index_cast %get3A_663 : i32 to index
      %get3A_665 = arith.constant 32 : index
      %get3A_666 = tpu.vector_load %arg8[%get3A_664, %get3A_665] {strides = array<i32>} : memref<5x64xi32, #tpu.memory_space<vmem>>, vector<16xi32>,
      %shift_right_logical3A_667 = arith.constant 15 : i32
      %shift_right_logical3A_668 = vector.broadcast %shift_right_logical3A_667 : i32 to vector<16xi32>
      %shift_right_logical3A_669 = arith.shrui %get3A_666, %shift_right_logical3A_668 : vector<16xi32>
      %shift_left3A_670 = arith.constant 13 : i32
      %shift_left3A_671 = vector.broadcast %shift_left3A_670 : i32 to vector<16xi32>
      %shift_left3A_672 = arith.shli %shift_right_logical3A_669, %shift_left3A_671 : vector<16xi32>
      %and3A_673 = arith.constant 8191 : i32
      %and3A_674 = vector.broadcast %and3A_673 : i32 to vector<16xi32>
      %and3A_675 = arith.andi %get3A_666, %and3A_674 : vector<16xi32>
      %or3A_676 = arith.ori %shift_left3A_672, %and3A_675 : vector<16xi32>
      %swap3A_677 = arith.constant 2 : i32
      %swap3A_678 = arith.index_cast %swap3A_677 : i32 to index
      %swap3A_679 = arith.constant 32 : index
      %swap3A_680 = tpu.vector_load %arg10[%swap3A_678, %swap3A_679] {strides = array<i32>} : memref<5x64xi32, #tpu.memory_space<vmem>>, vector<16xi32>,
      tpu.vector_store %arg10[%swap3A_678, %swap3A_679], %or3A_676 {strides = array<i32>} : memref<5x64xi32, #tpu.memory_space<vmem>>, vector<16xi32>,
      %get3A_681 = arith.constant 2 : i32
      %get3A_682 = arith.index_cast %get3A_681 : i32 to index
      %get3A_683 = arith.constant 48 : index
      %get3A_684 = tpu.vector_load %arg8[%get3A_682, %get3A_683] {strides = array<i32>} : memref<5x64xi32, #tpu.memory_space<vmem>>, vector<16xi32>,
      %shift_right_logical3A_685 = arith.constant 15 : i32
      %shift_right_logical3A_686 = vector.broadcast %shift_right_logical3A_685 : i32 to vector<16xi32>
      %shift_right_logical3A_687 = arith.shrui %get3A_684, %shift_right_logical3A_686 : vector<16xi32>
      %shift_left3A_688 = arith.constant 13 : i32
      %shift_left3A_689 = vector.broadcast %shift_left3A_688 : i32 to vector<16xi32>
      %shift_left3A_690 = arith.shli %shift_right_logical3A_687, %shift_left3A_689 : vector<16xi32>
      %and3A_691 = arith.constant 8191 : i32
      %and3A_692 = vector.broadcast %and3A_691 : i32 to vector<16xi32>
      %and3A_693 = arith.andi %get3A_684, %and3A_692 : vector<16xi32>
      %or3A_694 = arith.ori %shift_left3A_690, %and3A_693 : vector<16xi32>
      %swap3A_695 = arith.constant 2 : i32
      %swap3A_696 = arith.index_cast %swap3A_695 : i32 to index
      %swap3A_697 = arith.constant 48 : index
      %swap3A_698 = tpu.vector_load %arg10[%swap3A_696, %swap3A_697] {strides = array<i32>} : memref<5x64xi32, #tpu.memory_space<vmem>>, vector<16xi32>,
      tpu.vector_store %arg10[%swap3A_696, %swap3A_697], %or3A_694 {strides = array<i32>} : memref<5x64xi32, #tpu.memory_space<vmem>>, vector<16xi32>,
      %get3A_699 = arith.constant 3 : i32
      %get3A_700 = arith.index_cast %get3A_699 : i32 to index
      %get3A_701 = arith.constant 0 : index
      %get3A_702 = tpu.vector_load %arg8[%get3A_700, %get3A_701] {strides = array<i32>} : memref<5x64xi32, #tpu.memory_space<vmem>>, vector<16xi32>,
      %shift_right_logical3A_703 = arith.constant 15 : i32
      %shift_right_logical3A_704 = vector.broadcast %shift_right_logical3A_703 : i32 to vector<16xi32>
      %shift_right_logical3A_705 = arith.shrui %get3A_702, %shift_right_logical3A_704 : vector<16xi32>
      %shift_left3A_706 = arith.constant 13 : i32
      %shift_left3A_707 = vector.broadcast %shift_left3A_706 : i32 to vector<16xi32>
      %shift_left3A_708 = arith.shli %shift_right_logical3A_705, %shift_left3A_707 : vector<16xi32>
      %and3A_709 = arith.constant 8191 : i32
      %and3A_710 = vector.broadcast %and3A_709 : i32 to vector<16xi32>
      %and3A_711 = arith.andi %get3A_702, %and3A_710 : vector<16xi32>
      %or3A_712 = arith.ori %shift_left3A_708, %and3A_711 : vector<16xi32>
      %swap3A_713 = arith.constant 3 : i32
      %swap3A_714 = arith.index_cast %swap3A_713 : i32 to index
      %swap3A_715 = arith.constant 0 : index
      %swap3A_716 = tpu.vector_load %arg10[%swap3A_714, %swap3A_715] {strides = array<i32>} : memref<5x64xi32, #tpu.memory_space<vmem>>, vector<16xi32>,
      tpu.vector_store %arg10[%swap3A_714, %swap3A_715], %or3A_712 {strides = array<i32>} : memref<5x64xi32, #tpu.memory_space<vmem>>, vector<16xi32>,
      %get3A_717 = arith.constant 3 : i32
      %get3A_718 = arith.index_cast %get3A_717 : i32 to index
      %get3A_719 = arith.constant 16 : index
      %get3A_720 = tpu.vector_load %arg8[%get3A_718, %get3A_719] {strides = array<i32>} : memref<5x64xi32, #tpu.memory_space<vmem>>, vector<16xi32>,
      %shift_right_logical3A_721 = arith.constant 15 : i32
      %shift_right_logical3A_722 = vector.broadcast %shift_right_logical3A_721 : i32 to vector<16xi32>
      %shift_right_logical3A_723 = arith.shrui %get3A_720, %shift_right_logical3A_722 : vector<16xi32>
      %shift_left3A_724 = arith.constant 13 : i32
      %shift_left3A_725 = vector.broadcast %shift_left3A_724 : i32 to vector<16xi32>
      %shift_left3A_726 = arith.shli %shift_right_logical3A_723, %shift_left3A_725 : vector<16xi32>
      %and3A_727 = arith.constant 8191 : i32
      %and3A_728 = vector.broadcast %and3A_727 : i32 to vector<16xi32>
      %and3A_729 = arith.andi %get3A_720, %and3A_728 : vector<16xi32>
      %or3A_730 = arith.ori %shift_left3A_726, %and3A_729 : vector<16xi32>
      %swap3A_731 = arith.constant 3 : i32
      %swap3A_732 = arith.index_cast %swap3A_731 : i32 to index
      %swap3A_733 = arith.constant 16 : index
      %swap3A_734 = tpu.vector_load %arg10[%swap3A_732, %swap3A_733] {strides = array<i32>} : memref<5x64xi32, #tpu.memory_space<vmem>>, vector<16xi32>,
      tpu.vector_store %arg10[%swap3A_732, %swap3A_733], %or3A_730 {strides = array<i32>} : memref<5x64xi32, #tpu.memory_space<vmem>>, vector<16xi32>,
      %get3A_735 = arith.constant 3 : i32
      %get3A_736 = arith.index_cast %get3A_735 : i32 to index
      %get3A_737 = arith.constant 32 : index
      %get3A_738 = tpu.vector_load %arg8[%get3A_736, %get3A_737] {strides = array<i32>} : memref<5x64xi32, #tpu.memory_space<vmem>>, vector<16xi32>,
      %shift_right_logical3A_739 = arith.constant 15 : i32
      %shift_right_logical3A_740 = vector.broadcast %shift_right_logical3A_739 : i32 to vector<16xi32>
      %shift_right_logical3A_741 = arith.shrui %get3A_738, %shift_right_logical3A_740 : vector<16xi32>
      %shift_left3A_742 = arith.constant 13 : i32
      %shift_left3A_743 = vector.broadcast %shift_left3A_742 : i32 to vector<16xi32>
      %shift_left3A_744 = arith.shli %shift_right_logical3A_741, %shift_left3A_743 : vector<16xi32>
      %and3A_745 = arith.constant 8191 : i32
      %and3A_746 = vector.broadcast %and3A_745 : i32 to vector<16xi32>
      %and3A_747 = arith.andi %get3A_738, %and3A_746 : vector<16xi32>
      %or3A_748 = arith.ori %shift_left3A_744, %and3A_747 : vector<16xi32>
      %swap3A_749 = arith.constant 3 : i32
      %swap3A_750 = arith.index_cast %swap3A_749 : i32 to index
      %swap3A_751 = arith.constant 32 : index
      %swap3A_752 = tpu.vector_load %arg10[%swap3A_750, %swap3A_751] {strides = array<i32>} : memref<5x64xi32, #tpu.memory_space<vmem>>, vector<16xi32>,
      tpu.vector_store %arg10[%swap3A_750, %swap3A_751], %or3A_748 {strides = array<i32>} : memref<5x64xi32, #tpu.memory_space<vmem>>, vector<16xi32>,
      %get3A_753 = arith.constant 3 : i32
      %get3A_754 = arith.index_cast %get3A_753 : i32 to index
      %get3A_755 = arith.constant 48 : index
      %get3A_756 = tpu.vector_load %arg8[%get3A_754, %get3A_755] {strides = array<i32>} : memref<5x64xi32, #tpu.memory_space<vmem>>, vector<16xi32>,
      %shift_right_logical3A_757 = arith.constant 15 : i32
      %shift_right_logical3A_758 = vector.broadcast %shift_right_logical3A_757 : i32 to vector<16xi32>
      %shift_right_logical3A_759 = arith.shrui %get3A_756, %shift_right_logical3A_758 : vector<16xi32>
      %shift_left3A_760 = arith.constant 13 : i32
      %shift_left3A_761 = vector.broadcast %shift_left3A_760 : i32 to vector<16xi32>
      %shift_left3A_762 = arith.shli %shift_right_logical3A_759, %shift_left3A_761 : vector<16xi32>
      %and3A_763 = arith.constant 8191 : i32
      %and3A_764 = vector.broadcast %and3A_763 : i32 to vector<16xi32>
      %and3A_765 = arith.andi %get3A_756, %and3A_764 : vector<16xi32>
      %or3A_766 = arith.ori %shift_left3A_762, %and3A_765 : vector<16xi32>
      %swap3A_767 = arith.constant 3 : i32
      %swap3A_768 = arith.index_cast %swap3A_767 : i32 to index
      %swap3A_769 = arith.constant 48 : index
      %swap3A_770 = tpu.vector_load %arg10[%swap3A_768, %swap3A_769] {strides = array<i32>} : memref<5x64xi32, #tpu.memory_space<vmem>>, vector<16xi32>,
      tpu.vector_store %arg10[%swap3A_768, %swap3A_769], %or3A_766 {strides = array<i32>} : memref<5x64xi32, #tpu.memory_space<vmem>>, vector<16xi32>,
      %get3A_771 = arith.constant 4 : i32
      %get3A_772 = arith.index_cast %get3A_771 : i32 to index
      %get3A_773 = arith.constant 0 : index
      %get3A_774 = tpu.vector_load %arg8[%get3A_772, %get3A_773] {strides = array<i32>} : memref<5x64xi32, #tpu.memory_space<vmem>>, vector<16xi32>,
      %shift_right_logical3A_775 = arith.constant 15 : i32
      %shift_right_logical3A_776 = vector.broadcast %shift_right_logical3A_775 : i32 to vector<16xi32>
      %shift_right_logical3A_777 = arith.shrui %get3A_774, %shift_right_logical3A_776 : vector<16xi32>
      %shift_left3A_778 = arith.constant 13 : i32
      %shift_left3A_779 = vector.broadcast %shift_left3A_778 : i32 to vector<16xi32>
      %shift_left3A_780 = arith.shli %shift_right_logical3A_777, %shift_left3A_779 : vector<16xi32>
      %and3A_781 = arith.constant 8191 : i32
      %and3A_782 = vector.broadcast %and3A_781 : i32 to vector<16xi32>
      %and3A_783 = arith.andi %get3A_774, %and3A_782 : vector<16xi32>
      %or3A_784 = arith.ori %shift_left3A_780, %and3A_783 : vector<16xi32>
      %swap3A_785 = arith.constant 4 : i32
      %swap3A_786 = arith.index_cast %swap3A_785 : i32 to index
      %swap3A_787 = arith.constant 0 : index
      %swap3A_788 = tpu.vector_load %arg10[%swap3A_786, %swap3A_787] {strides = array<i32>} : memref<5x64xi32, #tpu.memory_space<vmem>>, vector<16xi32>,
      tpu.vector_store %arg10[%swap3A_786, %swap3A_787], %or3A_784 {strides = array<i32>} : memref<5x64xi32, #tpu.memory_space<vmem>>, vector<16xi32>,
      %get3A_789 = arith.constant 4 : i32
      %get3A_790 = arith.index_cast %get3A_789 : i32 to index
      %get3A_791 = arith.constant 16 : index
      %get3A_792 = tpu.vector_load %arg8[%get3A_790, %get3A_791] {strides = array<i32>} : memref<5x64xi32, #tpu.memory_space<vmem>>, vector<16xi32>,
      %shift_right_logical3A_793 = arith.constant 15 : i32
      %shift_right_logical3A_794 = vector.broadcast %shift_right_logical3A_793 : i32 to vector<16xi32>
      %shift_right_logical3A_795 = arith.shrui %get3A_792, %shift_right_logical3A_794 : vector<16xi32>
      %shift_left3A_796 = arith.constant 13 : i32
      %shift_left3A_797 = vector.broadcast %shift_left3A_796 : i32 to vector<16xi32>
      %shift_left3A_798 = arith.shli %shift_right_logical3A_795, %shift_left3A_797 : vector<16xi32>
      %and3A_799 = arith.constant 8191 : i32
      %and3A_800 = vector.broadcast %and3A_799 : i32 to vector<16xi32>
      %and3A_801 = arith.andi %get3A_792, %and3A_800 : vector<16xi32>
      %or3A_802 = arith.ori %shift_left3A_798, %and3A_801 : vector<16xi32>
      %swap3A_803 = arith.constant 4 : i32
      %swap3A_804 = arith.index_cast %swap3A_803 : i32 to index
      %swap3A_805 = arith.constant 16 : index
      %swap3A_806 = tpu.vector_load %arg10[%swap3A_804, %swap3A_805] {strides = array<i32>} : memref<5x64xi32, #tpu.memory_space<vmem>>, vector<16xi32>,
      tpu.vector_store %arg10[%swap3A_804, %swap3A_805], %or3A_802 {strides = array<i32>} : memref<5x64xi32, #tpu.memory_space<vmem>>, vector<16xi32>,
      %get3A_807 = arith.constant 4 : i32
      %get3A_808 = arith.index_cast %get3A_807 : i32 to index
      %get3A_809 = arith.constant 32 : index
      %get3A_810 = tpu.vector_load %arg8[%get3A_808, %get3A_809] {strides = array<i32>} : memref<5x64xi32, #tpu.memory_space<vmem>>, vector<16xi32>,
      %shift_right_logical3A_811 = arith.constant 15 : i32
      %shift_right_logical3A_812 = vector.broadcast %shift_right_logical3A_811 : i32 to vector<16xi32>
      %shift_right_logical3A_813 = arith.shrui %get3A_810, %shift_right_logical3A_812 : vector<16xi32>
      %shift_left3A_814 = arith.constant 13 : i32
      %shift_left3A_815 = vector.broadcast %shift_left3A_814 : i32 to vector<16xi32>
      %shift_left3A_816 = arith.shli %shift_right_logical3A_813, %shift_left3A_815 : vector<16xi32>
      %and3A_817 = arith.constant 8191 : i32
      %and3A_818 = vector.broadcast %and3A_817 : i32 to vector<16xi32>
      %and3A_819 = arith.andi %get3A_810, %and3A_818 : vector<16xi32>
      %or3A_820 = arith.ori %shift_left3A_816, %and3A_819 : vector<16xi32>
      %swap3A_821 = arith.constant 4 : i32
      %swap3A_822 = arith.index_cast %swap3A_821 : i32 to index
      %swap3A_823 = arith.constant 32 : index
      %swap3A_824 = tpu.vector_load %arg10[%swap3A_822, %swap3A_823] {strides = array<i32>} : memref<5x64xi32, #tpu.memory_space<vmem>>, vector<16xi32>,
      tpu.vector_store %arg10[%swap3A_822, %swap3A_823], %or3A_820 {strides = array<i32>} : memref<5x64xi32, #tpu.memory_space<vmem>>, vector<16xi32>,
      %get3A_825 = arith.constant 4 : i32
      %get3A_826 = arith.index_cast %get3A_825 : i32 to index
      %get3A_827 = arith.constant 48 : index
      %get3A_828 = tpu.vector_load %arg8[%get3A_826, %get3A_827] {strides = array<i32>} : memref<5x64xi32, #tpu.memory_space<vmem>>, vector<16xi32>,
      %shift_right_logical3A_829 = arith.constant 15 : i32
      %shift_right_logical3A_830 = vector.broadcast %shift_right_logical3A_829 : i32 to vector<16xi32>
      %shift_right_logical3A_831 = arith.shrui %get3A_828, %shift_right_logical3A_830 : vector<16xi32>
      %shift_left3A_832 = arith.constant 13 : i32
      %shift_left3A_833 = vector.broadcast %shift_left3A_832 : i32 to vector<16xi32>
      %shift_left3A_834 = arith.shli %shift_right_logical3A_831, %shift_left3A_833 : vector<16xi32>
      %and3A_835 = arith.constant 8191 : i32
      %and3A_836 = vector.broadcast %and3A_835 : i32 to vector<16xi32>
      %and3A_837 = arith.andi %get3A_828, %and3A_836 : vector<16xi32>
      %or3A_838 = arith.ori %shift_left3A_834, %and3A_837 : vector<16xi32>
      %swap3A_839 = arith.constant 4 : i32
      %swap3A_840 = arith.index_cast %swap3A_839 : i32 to index
      %swap3A_841 = arith.constant 48 : index
      %swap3A_842 = tpu.vector_load %arg10[%swap3A_840, %swap3A_841] {strides = array<i32>} : memref<5x64xi32, #tpu.memory_space<vmem>>, vector<16xi32>,
      tpu.vector_store %arg10[%swap3A_840, %swap3A_841], %or3A_838 {strides = array<i32>} : memref<5x64xi32, #tpu.memory_space<vmem>>, vector<16xi32>,
      %dma_start3A_843 = arith.constant 0 : i32
      %dma_start3A_844 = arith.constant 0 : i32
      %dma_start3A_845 = tpu.memref_slice %arg10[%dma_start3A_843, %dma_start3A_844] : memref<5x64xi32, #tpu.memory_space<vmem>> -> memref<1x64xi32, #tpu.memory_space<vmem>>
      %dma_start3A_846 = tpu.memref_squeeze %dma_start3A_845 : memref<1x64xi32, #tpu.memory_space<vmem>> -> memref<64xi32, #tpu.memory_space<vmem>>
      %dma_start3A_847 = arith.constant 0 : i32
      %dma_start3A_848 = arith.constant 0 : i32
      %dma_start3A_849 = tpu.memref_slice %arg2[%dma_start3A_847, %dma_start3A_848] : memref<253952x128xi32, #tpu.memory_space<hbm>> -> memref<253952x128xi32, #tpu.memory_space<hbm>>
      tpu.enqueue_indirect_dma source(%dma_start3A_849 : memref<253952x128xi32, #tpu.memory_space<hbm>>) target(%arg16 : memref<64x128xi32, #tpu.memory_space<vmem>>) offsets(%dma_start3A_846 : memref<64xi32, #tpu.memory_space<vmem>>) semaphore(%arg24 : memref<!tpu.dma_semaphore, #tpu.memory_space<semaphore_mem>>)
      %dma_start3A_850 = arith.constant 1 : i32
      %dma_start3A_851 = arith.constant 0 : i32
      %dma_start3A_852 = tpu.memref_slice %arg10[%dma_start3A_850, %dma_start3A_851] : memref<5x64xi32, #tpu.memory_space<vmem>> -> memref<1x64xi32, #tpu.memory_space<vmem>>
      %dma_start3A_853 = tpu.memref_squeeze %dma_start3A_852 : memref<1x64xi32, #tpu.memory_space<vmem>> -> memref<64xi32, #tpu.memory_space<vmem>>
      %dma_start3A_854 = arith.constant 0 : i32
      %dma_start3A_855 = arith.constant 0 : i32
      %dma_start3A_856 = tpu.memref_slice %arg3[%dma_start3A_854, %dma_start3A_855] : memref<253952x128xi32, #tpu.memory_space<hbm>> -> memref<253952x128xi32, #tpu.memory_space<hbm>>
      tpu.enqueue_indirect_dma source(%dma_start3A_856 : memref<253952x128xi32, #tpu.memory_space<hbm>>) target(%arg17 : memref<64x128xi32, #tpu.memory_space<vmem>>) offsets(%dma_start3A_853 : memref<64xi32, #tpu.memory_space<vmem>>) semaphore(%arg24 : memref<!tpu.dma_semaphore, #tpu.memory_space<semaphore_mem>>)
      %dma_start3A_857 = arith.constant 2 : i32
      %dma_start3A_858 = arith.constant 0 : i32
      %dma_start3A_859 = tpu.memref_slice %arg10[%dma_start3A_857, %dma_start3A_858] : memref<5x64xi32, #tpu.memory_space<vmem>> -> memref<1x64xi32, #tpu.memory_space<vmem>>
      %dma_start3A_860 = tpu.memref_squeeze %dma_start3A_859 : memref<1x64xi32, #tpu.memory_space<vmem>> -> memref<64xi32, #tpu.memory_space<vmem>>
      %dma_start3A_861 = arith.constant 0 : i32
      %dma_start3A_862 = arith.constant 0 : i32
      %dma_start3A_863 = tpu.memref_slice %arg2[%dma_start3A_861, %dma_start3A_862] : memref<253952x128xi32, #tpu.memory_space<hbm>> -> memref<253952x128xi32, #tpu.memory_space<hbm>>
      tpu.enqueue_indirect_dma source(%dma_start3A_863 : memref<253952x128xi32, #tpu.memory_space<hbm>>) target(%arg18 : memref<64x128xi32, #tpu.memory_space<vmem>>) offsets(%dma_start3A_860 : memref<64xi32, #tpu.memory_space<vmem>>) semaphore(%arg24 : memref<!tpu.dma_semaphore, #tpu.memory_space<semaphore_mem>>)
      %dma_start3A_864 = arith.constant 3 : i32
      %dma_start3A_865 = arith.constant 0 : i32
      %dma_start3A_866 = tpu.memref_slice %arg10[%dma_start3A_864, %dma_start3A_865] : memref<5x64xi32, #tpu.memory_space<vmem>> -> memref<1x64xi32, #tpu.memory_space<vmem>>
      %dma_start3A_867 = tpu.memref_squeeze %dma_start3A_866 : memref<1x64xi32, #tpu.memory_space<vmem>> -> memref<64xi32, #tpu.memory_space<vmem>>
      %dma_start3A_868 = arith.constant 0 : i32
      %dma_start3A_869 = arith.constant 0 : i32
      %dma_start3A_870 = tpu.memref_slice %arg3[%dma_start3A_868, %dma_start3A_869] : memref<253952x128xi32, #tpu.memory_space<hbm>> -> memref<253952x128xi32, #tpu.memory_space<hbm>>
      tpu.enqueue_indirect_dma source(%dma_start3A_870 : memref<253952x128xi32, #tpu.memory_space<hbm>>) target(%arg19 : memref<64x128xi32, #tpu.memory_space<vmem>>) offsets(%dma_start3A_867 : memref<64xi32, #tpu.memory_space<vmem>>) semaphore(%arg24 : memref<!tpu.dma_semaphore, #tpu.memory_space<semaphore_mem>>)
      %dma_start3A_871 = arith.constant 4 : i32
      %dma_start3A_872 = arith.constant 0 : i32
      %dma_start3A_873 = tpu.memref_slice %arg10[%dma_start3A_871, %dma_start3A_872] : memref<5x64xi32, #tpu.memory_space<vmem>> -> memref<1x64xi32, #tpu.memory_space<vmem>>
      %dma_start3A_874 = tpu.memref_squeeze %dma_start3A_873 : memref<1x64xi32, #tpu.memory_space<vmem>> -> memref<64xi32, #tpu.memory_space<vmem>>
      %dma_start3A_875 = arith.constant 0 : i32
      %dma_start3A_876 = arith.constant 0 : i32
      %dma_start3A_877 = tpu.memref_slice %arg2[%dma_start3A_875, %dma_start3A_876] : memref<253952x128xi32, #tpu.memory_space<hbm>> -> memref<253952x128xi32, #tpu.memory_space<hbm>>
      tpu.enqueue_indirect_dma source(%dma_start3A_877 : memref<253952x128xi32, #tpu.memory_space<hbm>>) target(%arg20 : memref<64x128xi32, #tpu.memory_space<vmem>>) offsets(%dma_start3A_874 : memref<64xi32, #tpu.memory_space<vmem>>) semaphore(%arg24 : memref<!tpu.dma_semaphore, #tpu.memory_space<semaphore_mem>>)
      %scan3A_878 = arith.constant 0 : i32
      %scan3A_879 = arith.constant 0 : i32
      %scan3A_880 = arith.constant 4 : i32
      %scan3A_881 = arith.addi %scan3A_879, %scan3A_880 : i32
      %scan3A_882 = arith.constant 1 : i32
      scf.for %scan3A_1325 = %scan3A_879 to %scan3A_881 step %scan3A_882  : i32 {
        %mul3A_1326 = arith.constant 16 : i32
        %mul3A_1327 = arith.muli %scan3A_1325, %mul3A_1326 : i32
        %add3A_1328 = vector.broadcast %mul3A_1327 : i32 to vector<16xi32>
        %add3A_1329 = arith.addi %add3A_1328, %iota3A : vector<16xi32>
        %mul3A_1330 = arith.constant 16 : i32
        %mul3A_1331 = arith.muli %scan3A_1325, %mul3A_1330 : i32
        %get3A_1332 = arith.constant 0 : i32
        %get3A_1333 = arith.index_cast %get3A_1332 : i32 to index
        %get3A_1334 = arith.index_cast %mul3A_1331 : i32 to index
        %get3A_1335 = tpu.vector_load %arg7[%get3A_1333, %get3A_1334] {strides = array<i32>} : memref<5x64xi32, #tpu.memory_space<vmem>>, vector<16xi32>,
        %shift_right_logical3A_1336 = arith.constant 13 : i32
        %shift_right_logical3A_1337 = vector.broadcast %shift_right_logical3A_1336 : i32 to vector<16xi32>
        %shift_right_logical3A_1338 = arith.shrui %get3A_1335, %shift_right_logical3A_1337 : vector<16xi32>
        %and3A_1339 = arith.constant 3 : i32
        %and3A_1340 = vector.broadcast %and3A_1339 : i32 to vector<16xi32>
        %and3A_1341 = arith.andi %shift_right_logical3A_1338, %and3A_1340 : vector<16xi32>
        %shift_left3A_1342 = arith.constant 5 : i32
        %shift_left3A_1343 = vector.broadcast %shift_left3A_1342 : i32 to vector<16xi32>
        %shift_left3A_1344 = arith.shli %and3A_1341, %shift_left3A_1343 : vector<16xi32>
        %mul3A_1345 = arith.constant 16 : i32
        %mul3A_1346 = arith.muli %scan3A_1325, %mul3A_1345 : i32
        %get3A_1347 = arith.constant 1 : i32
        %get3A_1348 = arith.index_cast %get3A_1347 : i32 to index
        %get3A_1349 = arith.index_cast %mul3A_1346 : i32 to index
        %get3A_1350 = tpu.vector_load %arg7[%get3A_1348, %get3A_1349] {strides = array<i32>} : memref<5x64xi32, #tpu.memory_space<vmem>>, vector<16xi32>,
        %shift_right_logical3A_1351 = arith.constant 13 : i32
        %shift_right_logical3A_1352 = vector.broadcast %shift_right_logical3A_1351 : i32 to vector<16xi32>
        %shift_right_logical3A_1353 = arith.shrui %get3A_1350, %shift_right_logical3A_1352 : vector<16xi32>
        %and3A_1354 = arith.constant 3 : i32
        %and3A_1355 = vector.broadcast %and3A_1354 : i32 to vector<16xi32>
        %and3A_1356 = arith.andi %shift_right_logical3A_1353, %and3A_1355 : vector<16xi32>
        %shift_left3A_1357 = arith.constant 5 : i32
        %shift_left3A_1358 = vector.broadcast %shift_left3A_1357 : i32 to vector<16xi32>
        %shift_left3A_1359 = arith.shli %and3A_1356, %shift_left3A_1358 : vector<16xi32>
        %mul3A_1360 = arith.constant 16 : i32
        %mul3A_1361 = arith.muli %scan3A_1325, %mul3A_1360 : i32
        %get3A_1362 = arith.constant 2 : i32
        %get3A_1363 = arith.index_cast %get3A_1362 : i32 to index
        %get3A_1364 = arith.index_cast %mul3A_1361 : i32 to index
        %get3A_1365 = tpu.vector_load %arg7[%get3A_1363, %get3A_1364] {strides = array<i32>} : memref<5x64xi32, #tpu.memory_space<vmem>>, vector<16xi32>,
        %shift_right_logical3A_1366 = arith.constant 13 : i32
        %shift_right_logical3A_1367 = vector.broadcast %shift_right_logical3A_1366 : i32 to vector<16xi32>
        %shift_right_logical3A_1368 = arith.shrui %get3A_1365, %shift_right_logical3A_1367 : vector<16xi32>
        %and3A_1369 = arith.constant 3 : i32
        %and3A_1370 = vector.broadcast %and3A_1369 : i32 to vector<16xi32>
        %and3A_1371 = arith.andi %shift_right_logical3A_1368, %and3A_1370 : vector<16xi32>
        %shift_left3A_1372 = arith.constant 5 : i32
        %shift_left3A_1373 = vector.broadcast %shift_left3A_1372 : i32 to vector<16xi32>
        %shift_left3A_1374 = arith.shli %and3A_1371, %shift_left3A_1373 : vector<16xi32>
        %mul3A_1375 = arith.constant 16 : i32
        %mul3A_1376 = arith.muli %scan3A_1325, %mul3A_1375 : i32
        %get3A_1377 = arith.constant 3 : i32
        %get3A_1378 = arith.index_cast %get3A_1377 : i32 to index
        %get3A_1379 = arith.index_cast %mul3A_1376 : i32 to index
        %get3A_1380 = tpu.vector_load %arg7[%get3A_1378, %get3A_1379] {strides = array<i32>} : memref<5x64xi32, #tpu.memory_space<vmem>>, vector<16xi32>,
        %shift_right_logical3A_1381 = arith.constant 13 : i32
        %shift_right_logical3A_1382 = vector.broadcast %shift_right_logical3A_1381 : i32 to vector<16xi32>
        %shift_right_logical3A_1383 = arith.shrui %get3A_1380, %shift_right_logical3A_1382 : vector<16xi32>
        %and3A_1384 = arith.constant 3 : i32
        %and3A_1385 = vector.broadcast %and3A_1384 : i32 to vector<16xi32>
        %and3A_1386 = arith.andi %shift_right_logical3A_1383, %and3A_1385 : vector<16xi32>
        %shift_left3A_1387 = arith.constant 5 : i32
        %shift_left3A_1388 = vector.broadcast %shift_left3A_1387 : i32 to vector<16xi32>
        %shift_left3A_1389 = arith.shli %and3A_1386, %shift_left3A_1388 : vector<16xi32>
        %mul3A_1390 = arith.constant 16 : i32
        %mul3A_1391 = arith.muli %scan3A_1325, %mul3A_1390 : i32
        %get3A_1392 = arith.constant 4 : i32
        %get3A_1393 = arith.index_cast %get3A_1392 : i32 to index
        %get3A_1394 = arith.index_cast %mul3A_1391 : i32 to index
        %get3A_1395 = tpu.vector_load %arg7[%get3A_1393, %get3A_1394] {strides = array<i32>} : memref<5x64xi32, #tpu.memory_space<vmem>>, vector<16xi32>,
        %shift_right_logical3A_1396 = arith.constant 13 : i32
        %shift_right_logical3A_1397 = vector.broadcast %shift_right_logical3A_1396 : i32 to vector<16xi32>
        %shift_right_logical3A_1398 = arith.shrui %get3A_1395, %shift_right_logical3A_1397 : vector<16xi32>
        %and3A_1399 = arith.constant 3 : i32
        %and3A_1400 = vector.broadcast %and3A_1399 : i32 to vector<16xi32>
        %and3A_1401 = arith.andi %shift_right_logical3A_1398, %and3A_1400 : vector<16xi32>
        %shift_left3A_1402 = arith.constant 5 : i32
        %shift_left3A_1403 = vector.broadcast %shift_left3A_1402 : i32 to vector<16xi32>
        %shift_left3A_1404 = arith.shli %and3A_1401, %shift_left3A_1403 : vector<16xi32>
        %broadcast_in_dim3A_1405 = arith.constant -65536 : i32
        %broadcast_in_dim3A_1406 = vector.broadcast %broadcast_in_dim3A_1405 : i32 to vector<16xi32>
        %scan3A_1407 = arith.constant 0 : i32
        %scan3A_1408 = arith.constant 32 : i32
        %scan3A_1409 = arith.addi %scan3A_1407, %scan3A_1408 : i32
        %scan3A_1410 = arith.constant 8 : i32
        %scan3A_1411 = scf.for %scan3A_1420 = %scan3A_1407 to %scan3A_1409 step %scan3A_1410 iter_args(%scan3A_1421 = %broadcast_in_dim3A_1) -> (vector<16xf32>)  : i32 {
          %add3A_1422 = vector.broadcast %scan3A_1420 : i32 to vector<16xi32>
          %add3A_1423 = arith.addi %add3A_1422, %iota3A : vector<16xi32>
          %and3A_1424 = arith.constant 31 : i32
          %and3A_1425 = vector.broadcast %and3A_1424 : i32 to vector<16xi32>
          %and3A_1426 = arith.andi %add3A_1423, %and3A_1425 : vector<16xi32>
          %add3A_1427 = arith.addi %shift_left3A_1344, %and3A_1426 : vector<16xi32>
          %gather3A = tpu.vector_load_idx %arg11[%add3A_1329, %add3A_1427] : memref<64x128xi32, #tpu.memory_space<vmem>>[vector<16xi32>, vector<16xi32>], vector<16xi32>,
          %bitcast3A = vector.bitcast %gather3A : vector<16xi32> to vector<16xi32>
          %and3A_1428 = arith.andi %bitcast3A, %broadcast_in_dim3A_1406 : vector<16xi32>
          %bitcast3A_1429 = vector.bitcast %and3A_1428 : vector<16xi32> to vector<16xf32>
          %shift_left3A_1430 = arith.constant 16 : i32
          %shift_left3A_1431 = vector.broadcast %shift_left3A_1430 : i32 to vector<16xi32>
          %shift_left3A_1432 = arith.shli %bitcast3A, %shift_left3A_1431 : vector<16xi32>
          %bitcast3A_1433 = vector.bitcast %shift_left3A_1432 : vector<16xi32> to vector<16xf32>
          %add3A_1434 = arith.addi %shift_left3A_1359, %and3A_1426 : vector<16xi32>
          %gather3A_1435 = tpu.vector_load_idx %arg12[%add3A_1329, %add3A_1434] : memref<64x128xi32, #tpu.memory_space<vmem>>[vector<16xi32>, vector<16xi32>], vector<16xi32>,
          %bitcast3A_1436 = vector.bitcast %gather3A_1435 : vector<16xi32> to vector<16xi32>
          %and3A_1437 = arith.andi %bitcast3A_1436, %broadcast_in_dim3A_1406 : vector<16xi32>
          %bitcast3A_1438 = vector.bitcast %and3A_1437 : vector<16xi32> to vector<16xf32>
          %shift_left3A_1439 = arith.constant 16 : i32
          %shift_left3A_1440 = vector.broadcast %shift_left3A_1439 : i32 to vector<16xi32>
          %shift_left3A_1441 = arith.shli %bitcast3A_1436, %shift_left3A_1440 : vector<16xi32>
          %bitcast3A_1442 = vector.bitcast %shift_left3A_1441 : vector<16xi32> to vector<16xf32>
          %add3A_1443 = arith.addi %shift_left3A_1374, %and3A_1426 : vector<16xi32>
          %gather3A_1444 = tpu.vector_load_idx %arg13[%add3A_1329, %add3A_1443] : memref<64x128xi32, #tpu.memory_space<vmem>>[vector<16xi32>, vector<16xi32>], vector<16xi32>,
          %bitcast3A_1445 = vector.bitcast %gather3A_1444 : vector<16xi32> to vector<16xi32>
          %and3A_1446 = arith.andi %bitcast3A_1445, %broadcast_in_dim3A_1406 : vector<16xi32>
          %bitcast3A_1447 = vector.bitcast %and3A_1446 : vector<16xi32> to vector<16xf32>
          %shift_left3A_1448 = arith.constant 16 : i32
          %shift_left3A_1449 = vector.broadcast %shift_left3A_1448 : i32 to vector<16xi32>
          %shift_left3A_1450 = arith.shli %bitcast3A_1445, %shift_left3A_1449 : vector<16xi32>
          %bitcast3A_1451 = vector.bitcast %shift_left3A_1450 : vector<16xi32> to vector<16xf32>
          %add3A_1452 = arith.addi %shift_left3A_1389, %and3A_1426 : vector<16xi32>
          %gather3A_1453 = tpu.vector_load_idx %arg14[%add3A_1329, %add3A_1452] : memref<64x128xi32, #tpu.memory_space<vmem>>[vector<16xi32>, vector<16xi32>], vector<16xi32>,
          %bitcast3A_1454 = vector.bitcast %gather3A_1453 : vector<16xi32> to vector<16xi32>
          %and3A_1455 = arith.andi %bitcast3A_1454, %broadcast_in_dim3A_1406 : vector<16xi32>
          %bitcast3A_1456 = vector.bitcast %and3A_1455 : vector<16xi32> to vector<16xf32>
          %shift_left3A_1457 = arith.constant 16 : i32
          %shift_left3A_1458 = vector.broadcast %shift_left3A_1457 : i32 to vector<16xi32>
          %shift_left3A_1459 = arith.shli %bitcast3A_1454, %shift_left3A_1458 : vector<16xi32>
          %bitcast3A_1460 = vector.bitcast %shift_left3A_1459 : vector<16xi32> to vector<16xf32>
          %add3A_1461 = arith.addi %shift_left3A_1404, %and3A_1426 : vector<16xi32>
          %gather3A_1462 = tpu.vector_load_idx %arg15[%add3A_1329, %add3A_1461] : memref<64x128xi32, #tpu.memory_space<vmem>>[vector<16xi32>, vector<16xi32>], vector<16xi32>,
          %bitcast3A_1463 = vector.bitcast %gather3A_1462 : vector<16xi32> to vector<16xi32>
          %and3A_1464 = arith.andi %bitcast3A_1463, %broadcast_in_dim3A_1406 : vector<16xi32>
          %bitcast3A_1465 = vector.bitcast %and3A_1464 : vector<16xi32> to vector<16xf32>
          %shift_left3A_1466 = arith.constant 16 : i32
          %shift_left3A_1467 = vector.broadcast %shift_left3A_1466 : i32 to vector<16xi32>
          %shift_left3A_1468 = arith.shli %bitcast3A_1463, %shift_left3A_1467 : vector<16xi32>
          %bitcast3A_1469 = vector.bitcast %shift_left3A_1468 : vector<16xi32> to vector<16xf32>
          %add3A_1470 = arith.addf %bitcast3A_1429, %bitcast3A_1438 : vector<16xf32>
          %sub3A = arith.subf %add3A_1470, %bitcast3A_1447 : vector<16xf32>
          %add3A_1471 = arith.addf %sub3A, %bitcast3A_1456 : vector<16xf32>
          %sub3A_1472 = arith.subf %add3A_1471, %bitcast3A_1465 : vector<16xf32>
          %add3A_1473 = arith.addf %bitcast3A_1433, %bitcast3A_1442 : vector<16xf32>
          %sub3A_1474 = arith.subf %add3A_1473, %bitcast3A_1451 : vector<16xf32>
          %add3A_1475 = arith.addf %sub3A_1474, %bitcast3A_1460 : vector<16xf32>
          %sub3A_1476 = arith.subf %add3A_1475, %bitcast3A_1469 : vector<16xf32>
          %abs3A = math.absf %sub3A_1472 : vector<16xf32>
          %add3A_1477 = arith.addf %scan3A_1421, %abs3A : vector<16xf32>
          %abs3A_1478 = math.absf %sub3A_1476 : vector<16xf32>
          %add3A_1479 = arith.addf %add3A_1477, %abs3A_1478 : vector<16xf32>
          %scan3A_1480 = arith.constant 1 : i32
          %scan3A_1481 = arith.addi %scan3A_1420, %scan3A_1480 : i32
          %add3A_1482 = vector.broadcast %scan3A_1481 : i32 to vector<16xi32>
          %add3A_1483 = arith.addi %add3A_1482, %iota3A : vector<16xi32>
          %and3A_1484 = arith.constant 31 : i32
          %and3A_1485 = vector.broadcast %and3A_1484 : i32 to vector<16xi32>
          %and3A_1486 = arith.andi %add3A_1483, %and3A_1485 : vector<16xi32>
          %add3A_1487 = arith.addi %shift_left3A_1344, %and3A_1486 : vector<16xi32>
          %gather3A_1488 = tpu.vector_load_idx %arg11[%add3A_1329, %add3A_1487] : memref<64x128xi32, #tpu.memory_space<vmem>>[vector<16xi32>, vector<16xi32>], vector<16xi32>,
          %bitcast3A_1489 = vector.bitcast %gather3A_1488 : vector<16xi32> to vector<16xi32>
          %and3A_1490 = arith.andi %bitcast3A_1489, %broadcast_in_dim3A_1406 : vector<16xi32>
          %bitcast3A_1491 = vector.bitcast %and3A_1490 : vector<16xi32> to vector<16xf32>
          %shift_left3A_1492 = arith.constant 16 : i32
          %shift_left3A_1493 = vector.broadcast %shift_left3A_1492 : i32 to vector<16xi32>
          %shift_left3A_1494 = arith.shli %bitcast3A_1489, %shift_left3A_1493 : vector<16xi32>
          %bitcast3A_1495 = vector.bitcast %shift_left3A_1494 : vector<16xi32> to vector<16xf32>
          %add3A_1496 = arith.addi %shift_left3A_1359, %and3A_1486 : vector<16xi32>
          %gather3A_1497 = tpu.vector_load_idx %arg12[%add3A_1329, %add3A_1496] : memref<64x128xi32, #tpu.memory_space<vmem>>[vector<16xi32>, vector<16xi32>], vector<16xi32>,
          %bitcast3A_1498 = vector.bitcast %gather3A_1497 : vector<16xi32> to vector<16xi32>
          %and3A_1499 = arith.andi %bitcast3A_1498, %broadcast_in_dim3A_1406 : vector<16xi32>
          %bitcast3A_1500 = vector.bitcast %and3A_1499 : vector<16xi32> to vector<16xf32>
          %shift_left3A_1501 = arith.constant 16 : i32
          %shift_left3A_1502 = vector.broadcast %shift_left3A_1501 : i32 to vector<16xi32>
          %shift_left3A_1503 = arith.shli %bitcast3A_1498, %shift_left3A_1502 : vector<16xi32>
          %bitcast3A_1504 = vector.bitcast %shift_left3A_1503 : vector<16xi32> to vector<16xf32>
          %add3A_1505 = arith.addi %shift_left3A_1374, %and3A_1486 : vector<16xi32>
          %gather3A_1506 = tpu.vector_load_idx %arg13[%add3A_1329, %add3A_1505] : memref<64x128xi32, #tpu.memory_space<vmem>>[vector<16xi32>, vector<16xi32>], vector<16xi32>,
          %bitcast3A_1507 = vector.bitcast %gather3A_1506 : vector<16xi32> to vector<16xi32>
          %and3A_1508 = arith.andi %bitcast3A_1507, %broadcast_in_dim3A_1406 : vector<16xi32>
          %bitcast3A_1509 = vector.bitcast %and3A_1508 : vector<16xi32> to vector<16xf32>
          %shift_left3A_1510 = arith.constant 16 : i32
          %shift_left3A_1511 = vector.broadcast %shift_left3A_1510 : i32 to vector<16xi32>
          %shift_left3A_1512 = arith.shli %bitcast3A_1507, %shift_left3A_1511 : vector<16xi32>
          %bitcast3A_1513 = vector.bitcast %shift_left3A_1512 : vector<16xi32> to vector<16xf32>
          %add3A_1514 = arith.addi %shift_left3A_1389, %and3A_1486 : vector<16xi32>
          %gather3A_1515 = tpu.vector_load_idx %arg14[%add3A_1329, %add3A_1514] : memref<64x128xi32, #tpu.memory_space<vmem>>[vector<16xi32>, vector<16xi32>], vector<16xi32>,
          %bitcast3A_1516 = vector.bitcast %gather3A_1515 : vector<16xi32> to vector<16xi32>
          %and3A_1517 = arith.andi %bitcast3A_1516, %broadcast_in_dim3A_1406 : vector<16xi32>
          %bitcast3A_1518 = vector.bitcast %and3A_1517 : vector<16xi32> to vector<16xf32>
          %shift_left3A_1519 = arith.constant 16 : i32
          %shift_left3A_1520 = vector.broadcast %shift_left3A_1519 : i32 to vector<16xi32>
          %shift_left3A_1521 = arith.shli %bitcast3A_1516, %shift_left3A_1520 : vector<16xi32>
          %bitcast3A_1522 = vector.bitcast %shift_left3A_1521 : vector<16xi32> to vector<16xf32>
          %add3A_1523 = arith.addi %shift_left3A_1404, %and3A_1486 : vector<16xi32>
          %gather3A_1524 = tpu.vector_load_idx %arg15[%add3A_1329, %add3A_1523] : memref<64x128xi32, #tpu.memory_space<vmem>>[vector<16xi32>, vector<16xi32>], vector<16xi32>,
          %bitcast3A_1525 = vector.bitcast %gather3A_1524 : vector<16xi32> to vector<16xi32>
          %and3A_1526 = arith.andi %bitcast3A_1525, %broadcast_in_dim3A_1406 : vector<16xi32>
          %bitcast3A_1527 = vector.bitcast %and3A_1526 : vector<16xi32> to vector<16xf32>
          %shift_left3A_1528 = arith.constant 16 : i32
          %shift_left3A_1529 = vector.broadcast %shift_left3A_1528 : i32 to vector<16xi32>
          %shift_left3A_1530 = arith.shli %bitcast3A_1525, %shift_left3A_1529 : vector<16xi32>
          %bitcast3A_1531 = vector.bitcast %shift_left3A_1530 : vector<16xi32> to vector<16xf32>
          %add3A_1532 = arith.addf %bitcast3A_1491, %bitcast3A_1500 : vector<16xf32>
          %sub3A_1533 = arith.subf %add3A_1532, %bitcast3A_1509 : vector<16xf32>
          %add3A_1534 = arith.addf %sub3A_1533, %bitcast3A_1518 : vector<16xf32>
          %sub3A_1535 = arith.subf %add3A_1534, %bitcast3A_1527 : vector<16xf32>
          %add3A_1536 = arith.addf %bitcast3A_1495, %bitcast3A_1504 : vector<16xf32>
          %sub3A_1537 = arith.subf %add3A_1536, %bitcast3A_1513 : vector<16xf32>
          %add3A_1538 = arith.addf %sub3A_1537, %bitcast3A_1522 : vector<16xf32>
          %sub3A_1539 = arith.subf %add3A_1538, %bitcast3A_1531 : vector<16xf32>
          %abs3A_1540 = math.absf %sub3A_1535 : vector<16xf32>
          %add3A_1541 = arith.addf %add3A_1479, %abs3A_1540 : vector<16xf32>
          %abs3A_1542 = math.absf %sub3A_1539 : vector<16xf32>
          %add3A_1543 = arith.addf %add3A_1541, %abs3A_1542 : vector<16xf32>
          %scan3A_1544 = arith.constant 2 : i32
          %scan3A_1545 = arith.addi %scan3A_1420, %scan3A_1544 : i32
          %add3A_1546 = vector.broadcast %scan3A_1545 : i32 to vector<16xi32>
          %add3A_1547 = arith.addi %add3A_1546, %iota3A : vector<16xi32>
          %and3A_1548 = arith.constant 31 : i32
          %and3A_1549 = vector.broadcast %and3A_1548 : i32 to vector<16xi32>
          %and3A_1550 = arith.andi %add3A_1547, %and3A_1549 : vector<16xi32>
          %add3A_1551 = arith.addi %shift_left3A_1344, %and3A_1550 : vector<16xi32>
          %gather3A_1552 = tpu.vector_load_idx %arg11[%add3A_1329, %add3A_1551] : memref<64x128xi32, #tpu.memory_space<vmem>>[vector<16xi32>, vector<16xi32>], vector<16xi32>,
          %bitcast3A_1553 = vector.bitcast %gather3A_1552 : vector<16xi32> to vector<16xi32>
          %and3A_1554 = arith.andi %bitcast3A_1553, %broadcast_in_dim3A_1406 : vector<16xi32>
          %bitcast3A_1555 = vector.bitcast %and3A_1554 : vector<16xi32> to vector<16xf32>
          %shift_left3A_1556 = arith.constant 16 : i32
          %shift_left3A_1557 = vector.broadcast %shift_left3A_1556 : i32 to vector<16xi32>
          %shift_left3A_1558 = arith.shli %bitcast3A_1553, %shift_left3A_1557 : vector<16xi32>
          %bitcast3A_1559 = vector.bitcast %shift_left3A_1558 : vector<16xi32> to vector<16xf32>
          %add3A_1560 = arith.addi %shift_left3A_1359, %and3A_1550 : vector<16xi32>
          %gather3A_1561 = tpu.vector_load_idx %arg12[%add3A_1329, %add3A_1560] : memref<64x128xi32, #tpu.memory_space<vmem>>[vector<16xi32>, vector<16xi32>], vector<16xi32>,
          %bitcast3A_1562 = vector.bitcast %gather3A_1561 : vector<16xi32> to vector<16xi32>
          %and3A_1563 = arith.andi %bitcast3A_1562, %broadcast_in_dim3A_1406 : vector<16xi32>
          %bitcast3A_1564 = vector.bitcast %and3A_1563 : vector<16xi32> to vector<16xf32>
          %shift_left3A_1565 = arith.constant 16 : i32
          %shift_left3A_1566 = vector.broadcast %shift_left3A_1565 : i32 to vector<16xi32>
          %shift_left3A_1567 = arith.shli %bitcast3A_1562, %shift_left3A_1566 : vector<16xi32>
          %bitcast3A_1568 = vector.bitcast %shift_left3A_1567 : vector<16xi32> to vector<16xf32>
          %add3A_1569 = arith.addi %shift_left3A_1374, %and3A_1550 : vector<16xi32>
          %gather3A_1570 = tpu.vector_load_idx %arg13[%add3A_1329, %add3A_1569] : memref<64x128xi32, #tpu.memory_space<vmem>>[vector<16xi32>, vector<16xi32>], vector<16xi32>,
          %bitcast3A_1571 = vector.bitcast %gather3A_1570 : vector<16xi32> to vector<16xi32>
          %and3A_1572 = arith.andi %bitcast3A_1571, %broadcast_in_dim3A_1406 : vector<16xi32>
          %bitcast3A_1573 = vector.bitcast %and3A_1572 : vector<16xi32> to vector<16xf32>
          %shift_left3A_1574 = arith.constant 16 : i32
          %shift_left3A_1575 = vector.broadcast %shift_left3A_1574 : i32 to vector<16xi32>
          %shift_left3A_1576 = arith.shli %bitcast3A_1571, %shift_left3A_1575 : vector<16xi32>
          %bitcast3A_1577 = vector.bitcast %shift_left3A_1576 : vector<16xi32> to vector<16xf32>
          %add3A_1578 = arith.addi %shift_left3A_1389, %and3A_1550 : vector<16xi32>
          %gather3A_1579 = tpu.vector_load_idx %arg14[%add3A_1329, %add3A_1578] : memref<64x128xi32, #tpu.memory_space<vmem>>[vector<16xi32>, vector<16xi32>], vector<16xi32>,
          %bitcast3A_1580 = vector.bitcast %gather3A_1579 : vector<16xi32> to vector<16xi32>
          %and3A_1581 = arith.andi %bitcast3A_1580, %broadcast_in_dim3A_1406 : vector<16xi32>
          %bitcast3A_1582 = vector.bitcast %and3A_1581 : vector<16xi32> to vector<16xf32>
          %shift_left3A_1583 = arith.constant 16 : i32
          %shift_left3A_1584 = vector.broadcast %shift_left3A_1583 : i32 to vector<16xi32>
          %shift_left3A_1585 = arith.shli %bitcast3A_1580, %shift_left3A_1584 : vector<16xi32>
          %bitcast3A_1586 = vector.bitcast %shift_left3A_1585 : vector<16xi32> to vector<16xf32>
          %add3A_1587 = arith.addi %shift_left3A_1404, %and3A_1550 : vector<16xi32>
          %gather3A_1588 = tpu.vector_load_idx %arg15[%add3A_1329, %add3A_1587] : memref<64x128xi32, #tpu.memory_space<vmem>>[vector<16xi32>, vector<16xi32>], vector<16xi32>,
          %bitcast3A_1589 = vector.bitcast %gather3A_1588 : vector<16xi32> to vector<16xi32>
          %and3A_1590 = arith.andi %bitcast3A_1589, %broadcast_in_dim3A_1406 : vector<16xi32>
          %bitcast3A_1591 = vector.bitcast %and3A_1590 : vector<16xi32> to vector<16xf32>
          %shift_left3A_1592 = arith.constant 16 : i32
          %shift_left3A_1593 = vector.broadcast %shift_left3A_1592 : i32 to vector<16xi32>
          %shift_left3A_1594 = arith.shli %bitcast3A_1589, %shift_left3A_1593 : vector<16xi32>
          %bitcast3A_1595 = vector.bitcast %shift_left3A_1594 : vector<16xi32> to vector<16xf32>
          %add3A_1596 = arith.addf %bitcast3A_1555, %bitcast3A_1564 : vector<16xf32>
          %sub3A_1597 = arith.subf %add3A_1596, %bitcast3A_1573 : vector<16xf32>
          %add3A_1598 = arith.addf %sub3A_1597, %bitcast3A_1582 : vector<16xf32>
          %sub3A_1599 = arith.subf %add3A_1598, %bitcast3A_1591 : vector<16xf32>
          %add3A_1600 = arith.addf %bitcast3A_1559, %bitcast3A_1568 : vector<16xf32>
          %sub3A_1601 = arith.subf %add3A_1600, %bitcast3A_1577 : vector<16xf32>
          %add3A_1602 = arith.addf %sub3A_1601, %bitcast3A_1586 : vector<16xf32>
          %sub3A_1603 = arith.subf %add3A_1602, %bitcast3A_1595 : vector<16xf32>
          %abs3A_1604 = math.absf %sub3A_1599 : vector<16xf32>
          %add3A_1605 = arith.addf %add3A_1543, %abs3A_1604 : vector<16xf32>
          %abs3A_1606 = math.absf %sub3A_1603 : vector<16xf32>
          %add3A_1607 = arith.addf %add3A_1605, %abs3A_1606 : vector<16xf32>
          %scan3A_1608 = arith.constant 3 : i32
          %scan3A_1609 = arith.addi %scan3A_1420, %scan3A_1608 : i32
          %add3A_1610 = vector.broadcast %scan3A_1609 : i32 to vector<16xi32>
          %add3A_1611 = arith.addi %add3A_1610, %iota3A : vector<16xi32>
          %and3A_1612 = arith.constant 31 : i32
          %and3A_1613 = vector.broadcast %and3A_1612 : i32 to vector<16xi32>
          %and3A_1614 = arith.andi %add3A_1611, %and3A_1613 : vector<16xi32>
          %add3A_1615 = arith.addi %shift_left3A_1344, %and3A_1614 : vector<16xi32>
          %gather3A_1616 = tpu.vector_load_idx %arg11[%add3A_1329, %add3A_1615] : memref<64x128xi32, #tpu.memory_space<vmem>>[vector<16xi32>, vector<16xi32>], vector<16xi32>,
          %bitcast3A_1617 = vector.bitcast %gather3A_1616 : vector<16xi32> to vector<16xi32>
          %and3A_1618 = arith.andi %bitcast3A_1617, %broadcast_in_dim3A_1406 : vector<16xi32>
          %bitcast3A_1619 = vector.bitcast %and3A_1618 : vector<16xi32> to vector<16xf32>
          %shift_left3A_1620 = arith.constant 16 : i32
          %shift_left3A_1621 = vector.broadcast %shift_left3A_1620 : i32 to vector<16xi32>
          %shift_left3A_1622 = arith.shli %bitcast3A_1617, %shift_left3A_1621 : vector<16xi32>
          %bitcast3A_1623 = vector.bitcast %shift_left3A_1622 : vector<16xi32> to vector<16xf32>
          %add3A_1624 = arith.addi %shift_left3A_1359, %and3A_1614 : vector<16xi32>
          %gather3A_1625 = tpu.vector_load_idx %arg12[%add3A_1329, %add3A_1624] : memref<64x128xi32, #tpu.memory_space<vmem>>[vector<16xi32>, vector<16xi32>], vector<16xi32>,
          %bitcast3A_1626 = vector.bitcast %gather3A_1625 : vector<16xi32> to vector<16xi32>
          %and3A_1627 = arith.andi %bitcast3A_1626, %broadcast_in_dim3A_1406 : vector<16xi32>
          %bitcast3A_1628 = vector.bitcast %and3A_1627 : vector<16xi32> to vector<16xf32>
          %shift_left3A_1629 = arith.constant 16 : i32
          %shift_left3A_1630 = vector.broadcast %shift_left3A_1629 : i32 to vector<16xi32>
          %shift_left3A_1631 = arith.shli %bitcast3A_1626, %shift_left3A_1630 : vector<16xi32>
          %bitcast3A_1632 = vector.bitcast %shift_left3A_1631 : vector<16xi32> to vector<16xf32>
          %add3A_1633 = arith.addi %shift_left3A_1374, %and3A_1614 : vector<16xi32>
          %gather3A_1634 = tpu.vector_load_idx %arg13[%add3A_1329, %add3A_1633] : memref<64x128xi32, #tpu.memory_space<vmem>>[vector<16xi32>, vector<16xi32>], vector<16xi32>,
          %bitcast3A_1635 = vector.bitcast %gather3A_1634 : vector<16xi32> to vector<16xi32>
          %and3A_1636 = arith.andi %bitcast3A_1635, %broadcast_in_dim3A_1406 : vector<16xi32>
          %bitcast3A_1637 = vector.bitcast %and3A_1636 : vector<16xi32> to vector<16xf32>
          %shift_left3A_1638 = arith.constant 16 : i32
          %shift_left3A_1639 = vector.broadcast %shift_left3A_1638 : i32 to vector<16xi32>
          %shift_left3A_1640 = arith.shli %bitcast3A_1635, %shift_left3A_1639 : vector<16xi32>
          %bitcast3A_1641 = vector.bitcast %shift_left3A_1640 : vector<16xi32> to vector<16xf32>
          %add3A_1642 = arith.addi %shift_left3A_1389, %and3A_1614 : vector<16xi32>
          %gather3A_1643 = tpu.vector_load_idx %arg14[%add3A_1329, %add3A_1642] : memref<64x128xi32, #tpu.memory_space<vmem>>[vector<16xi32>, vector<16xi32>], vector<16xi32>,
          %bitcast3A_1644 = vector.bitcast %gather3A_1643 : vector<16xi32> to vector<16xi32>
          %and3A_1645 = arith.andi %bitcast3A_1644, %broadcast_in_dim3A_1406 : vector<16xi32>
          %bitcast3A_1646 = vector.bitcast %and3A_1645 : vector<16xi32> to vector<16xf32>
          %shift_left3A_1647 = arith.constant 16 : i32
          %shift_left3A_1648 = vector.broadcast %shift_left3A_1647 : i32 to vector<16xi32>
          %shift_left3A_1649 = arith.shli %bitcast3A_1644, %shift_left3A_1648 : vector<16xi32>
          %bitcast3A_1650 = vector.bitcast %shift_left3A_1649 : vector<16xi32> to vector<16xf32>
          %add3A_1651 = arith.addi %shift_left3A_1404, %and3A_1614 : vector<16xi32>
          %gather3A_1652 = tpu.vector_load_idx %arg15[%add3A_1329, %add3A_1651] : memref<64x128xi32, #tpu.memory_space<vmem>>[vector<16xi32>, vector<16xi32>], vector<16xi32>,
          %bitcast3A_1653 = vector.bitcast %gather3A_1652 : vector<16xi32> to vector<16xi32>
          %and3A_1654 = arith.andi %bitcast3A_1653, %broadcast_in_dim3A_1406 : vector<16xi32>
          %bitcast3A_1655 = vector.bitcast %and3A_1654 : vector<16xi32> to vector<16xf32>
          %shift_left3A_1656 = arith.constant 16 : i32
          %shift_left3A_1657 = vector.broadcast %shift_left3A_1656 : i32 to vector<16xi32>
          %shift_left3A_1658 = arith.shli %bitcast3A_1653, %shift_left3A_1657 : vector<16xi32>
          %bitcast3A_1659 = vector.bitcast %shift_left3A_1658 : vector<16xi32> to vector<16xf32>
          %add3A_1660 = arith.addf %bitcast3A_1619, %bitcast3A_1628 : vector<16xf32>
          %sub3A_1661 = arith.subf %add3A_1660, %bitcast3A_1637 : vector<16xf32>
          %add3A_1662 = arith.addf %sub3A_1661, %bitcast3A_1646 : vector<16xf32>
          %sub3A_1663 = arith.subf %add3A_1662, %bitcast3A_1655 : vector<16xf32>
          %add3A_1664 = arith.addf %bitcast3A_1623, %bitcast3A_1632 : vector<16xf32>
          %sub3A_1665 = arith.subf %add3A_1664, %bitcast3A_1641 : vector<16xf32>
          %add3A_1666 = arith.addf %sub3A_1665, %bitcast3A_1650 : vector<16xf32>
          %sub3A_1667 = arith.subf %add3A_1666, %bitcast3A_1659 : vector<16xf32>
          %abs3A_1668 = math.absf %sub3A_1663 : vector<16xf32>
          %add3A_1669 = arith.addf %add3A_1607, %abs3A_1668 : vector<16xf32>
          %abs3A_1670 = math.absf %sub3A_1667 : vector<16xf32>
          %add3A_1671 = arith.addf %add3A_1669, %abs3A_1670 : vector<16xf32>
          %scan3A_1672 = arith.constant 4 : i32
          %scan3A_1673 = arith.addi %scan3A_1420, %scan3A_1672 : i32
          %add3A_1674 = vector.broadcast %scan3A_1673 : i32 to vector<16xi32>
          %add3A_1675 = arith.addi %add3A_1674, %iota3A : vector<16xi32>
          %and3A_1676 = arith.constant 31 : i32
          %and3A_1677 = vector.broadcast %and3A_1676 : i32 to vector<16xi32>
          %and3A_1678 = arith.andi %add3A_1675, %and3A_1677 : vector<16xi32>
          %add3A_1679 = arith.addi %shift_left3A_1344, %and3A_1678 : vector<16xi32>
          %gather3A_1680 = tpu.vector_load_idx %arg11[%add3A_1329, %add3A_1679] : memref<64x128xi32, #tpu.memory_space<vmem>>[vector<16xi32>, vector<16xi32>], vector<16xi32>,
          %bitcast3A_1681 = vector.bitcast %gather3A_1680 : vector<16xi32> to vector<16xi32>
          %and3A_1682 = arith.andi %bitcast3A_1681, %broadcast_in_dim3A_1406 : vector<16xi32>
          %bitcast3A_1683 = vector.bitcast %and3A_1682 : vector<16xi32> to vector<16xf32>
          %shift_left3A_1684 = arith.constant 16 : i32
          %shift_left3A_1685 = vector.broadcast %shift_left3A_1684 : i32 to vector<16xi32>
          %shift_left3A_1686 = arith.shli %bitcast3A_1681, %shift_left3A_1685 : vector<16xi32>
          %bitcast3A_1687 = vector.bitcast %shift_left3A_1686 : vector<16xi32> to vector<16xf32>
          %add3A_1688 = arith.addi %shift_left3A_1359, %and3A_1678 : vector<16xi32>
          %gather3A_1689 = tpu.vector_load_idx %arg12[%add3A_1329, %add3A_1688] : memref<64x128xi32, #tpu.memory_space<vmem>>[vector<16xi32>, vector<16xi32>], vector<16xi32>,
          %bitcast3A_1690 = vector.bitcast %gather3A_1689 : vector<16xi32> to vector<16xi32>
          %and3A_1691 = arith.andi %bitcast3A_1690, %broadcast_in_dim3A_1406 : vector<16xi32>
          %bitcast3A_1692 = vector.bitcast %and3A_1691 : vector<16xi32> to vector<16xf32>
          %shift_left3A_1693 = arith.constant 16 : i32
          %shift_left3A_1694 = vector.broadcast %shift_left3A_1693 : i32 to vector<16xi32>
          %shift_left3A_1695 = arith.shli %bitcast3A_1690, %shift_left3A_1694 : vector<16xi32>
          %bitcast3A_1696 = vector.bitcast %shift_left3A_1695 : vector<16xi32> to vector<16xf32>
          %add3A_1697 = arith.addi %shift_left3A_1374, %and3A_1678 : vector<16xi32>
          %gather3A_1698 = tpu.vector_load_idx %arg13[%add3A_1329, %add3A_1697] : memref<64x128xi32, #tpu.memory_space<vmem>>[vector<16xi32>, vector<16xi32>], vector<16xi32>,
          %bitcast3A_1699 = vector.bitcast %gather3A_1698 : vector<16xi32> to vector<16xi32>
          %and3A_1700 = arith.andi %bitcast3A_1699, %broadcast_in_dim3A_1406 : vector<16xi32>
          %bitcast3A_1701 = vector.bitcast %and3A_1700 : vector<16xi32> to vector<16xf32>
          %shift_left3A_1702 = arith.constant 16 : i32
          %shift_left3A_1703 = vector.broadcast %shift_left3A_1702 : i32 to vector<16xi32>
          %shift_left3A_1704 = arith.shli %bitcast3A_1699, %shift_left3A_1703 : vector<16xi32>
          %bitcast3A_1705 = vector.bitcast %shift_left3A_1704 : vector<16xi32> to vector<16xf32>
          %add3A_1706 = arith.addi %shift_left3A_1389, %and3A_1678 : vector<16xi32>
          %gather3A_1707 = tpu.vector_load_idx %arg14[%add3A_1329, %add3A_1706] : memref<64x128xi32, #tpu.memory_space<vmem>>[vector<16xi32>, vector<16xi32>], vector<16xi32>,
          %bitcast3A_1708 = vector.bitcast %gather3A_1707 : vector<16xi32> to vector<16xi32>
          %and3A_1709 = arith.andi %bitcast3A_1708, %broadcast_in_dim3A_1406 : vector<16xi32>
          %bitcast3A_1710 = vector.bitcast %and3A_1709 : vector<16xi32> to vector<16xf32>
          %shift_left3A_1711 = arith.constant 16 : i32
          %shift_left3A_1712 = vector.broadcast %shift_left3A_1711 : i32 to vector<16xi32>
          %shift_left3A_1713 = arith.shli %bitcast3A_1708, %shift_left3A_1712 : vector<16xi32>
          %bitcast3A_1714 = vector.bitcast %shift_left3A_1713 : vector<16xi32> to vector<16xf32>
          %add3A_1715 = arith.addi %shift_left3A_1404, %and3A_1678 : vector<16xi32>
          %gather3A_1716 = tpu.vector_load_idx %arg15[%add3A_1329, %add3A_1715] : memref<64x128xi32, #tpu.memory_space<vmem>>[vector<16xi32>, vector<16xi32>], vector<16xi32>,
          %bitcast3A_1717 = vector.bitcast %gather3A_1716 : vector<16xi32> to vector<16xi32>
          %and3A_1718 = arith.andi %bitcast3A_1717, %broadcast_in_dim3A_1406 : vector<16xi32>
          %bitcast3A_1719 = vector.bitcast %and3A_1718 : vector<16xi32> to vector<16xf32>
          %shift_left3A_1720 = arith.constant 16 : i32
          %shift_left3A_1721 = vector.broadcast %shift_left3A_1720 : i32 to vector<16xi32>
          %shift_left3A_1722 = arith.shli %bitcast3A_1717, %shift_left3A_1721 : vector<16xi32>
          %bitcast3A_1723 = vector.bitcast %shift_left3A_1722 : vector<16xi32> to vector<16xf32>
          %add3A_1724 = arith.addf %bitcast3A_1683, %bitcast3A_1692 : vector<16xf32>
          %sub3A_1725 = arith.subf %add3A_1724, %bitcast3A_1701 : vector<16xf32>
          %add3A_1726 = arith.addf %sub3A_1725, %bitcast3A_1710 : vector<16xf32>
          %sub3A_1727 = arith.subf %add3A_1726, %bitcast3A_1719 : vector<16xf32>
          %add3A_1728 = arith.addf %bitcast3A_1687, %bitcast3A_1696 : vector<16xf32>
          %sub3A_1729 = arith.subf %add3A_1728, %bitcast3A_1705 : vector<16xf32>
          %add3A_1730 = arith.addf %sub3A_1729, %bitcast3A_1714 : vector<16xf32>
          %sub3A_1731 = arith.subf %add3A_1730, %bitcast3A_1723 : vector<16xf32>
          %abs3A_1732 = math.absf %sub3A_1727 : vector<16xf32>
          %add3A_1733 = arith.addf %add3A_1671, %abs3A_1732 : vector<16xf32>
          %abs3A_1734 = math.absf %sub3A_1731 : vector<16xf32>
          %add3A_1735 = arith.addf %add3A_1733, %abs3A_1734 : vector<16xf32>
          %scan3A_1736 = arith.constant 5 : i32
          %scan3A_1737 = arith.addi %scan3A_1420, %scan3A_1736 : i32
          %add3A_1738 = vector.broadcast %scan3A_1737 : i32 to vector<16xi32>
          %add3A_1739 = arith.addi %add3A_1738, %iota3A : vector<16xi32>
          %and3A_1740 = arith.constant 31 : i32
          %and3A_1741 = vector.broadcast %and3A_1740 : i32 to vector<16xi32>
          %and3A_1742 = arith.andi %add3A_1739, %and3A_1741 : vector<16xi32>
          %add3A_1743 = arith.addi %shift_left3A_1344, %and3A_1742 : vector<16xi32>
          %gather3A_1744 = tpu.vector_load_idx %arg11[%add3A_1329, %add3A_1743] : memref<64x128xi32, #tpu.memory_space<vmem>>[vector<16xi32>, vector<16xi32>], vector<16xi32>,
          %bitcast3A_1745 = vector.bitcast %gather3A_1744 : vector<16xi32> to vector<16xi32>
          %and3A_1746 = arith.andi %bitcast3A_1745, %broadcast_in_dim3A_1406 : vector<16xi32>
          %bitcast3A_1747 = vector.bitcast %and3A_1746 : vector<16xi32> to vector<16xf32>
          %shift_left3A_1748 = arith.constant 16 : i32
          %shift_left3A_1749 = vector.broadcast %shift_left3A_1748 : i32 to vector<16xi32>
          %shift_left3A_1750 = arith.shli %bitcast3A_1745, %shift_left3A_1749 : vector<16xi32>
          %bitcast3A_1751 = vector.bitcast %shift_left3A_1750 : vector<16xi32> to vector<16xf32>
          %add3A_1752 = arith.addi %shift_left3A_1359, %and3A_1742 : vector<16xi32>
          %gather3A_1753 = tpu.vector_load_idx %arg12[%add3A_1329, %add3A_1752] : memref<64x128xi32, #tpu.memory_space<vmem>>[vector<16xi32>, vector<16xi32>], vector<16xi32>,
          %bitcast3A_1754 = vector.bitcast %gather3A_1753 : vector<16xi32> to vector<16xi32>
          %and3A_1755 = arith.andi %bitcast3A_1754, %broadcast_in_dim3A_1406 : vector<16xi32>
          %bitcast3A_1756 = vector.bitcast %and3A_1755 : vector<16xi32> to vector<16xf32>
          %shift_left3A_1757 = arith.constant 16 : i32
          %shift_left3A_1758 = vector.broadcast %shift_left3A_1757 : i32 to vector<16xi32>
          %shift_left3A_1759 = arith.shli %bitcast3A_1754, %shift_left3A_1758 : vector<16xi32>
          %bitcast3A_1760 = vector.bitcast %shift_left3A_1759 : vector<16xi32> to vector<16xf32>
          %add3A_1761 = arith.addi %shift_left3A_1374, %and3A_1742 : vector<16xi32>
          %gather3A_1762 = tpu.vector_load_idx %arg13[%add3A_1329, %add3A_1761] : memref<64x128xi32, #tpu.memory_space<vmem>>[vector<16xi32>, vector<16xi32>], vector<16xi32>,
          %bitcast3A_1763 = vector.bitcast %gather3A_1762 : vector<16xi32> to vector<16xi32>
          %and3A_1764 = arith.andi %bitcast3A_1763, %broadcast_in_dim3A_1406 : vector<16xi32>
          %bitcast3A_1765 = vector.bitcast %and3A_1764 : vector<16xi32> to vector<16xf32>
          %shift_left3A_1766 = arith.constant 16 : i32
          %shift_left3A_1767 = vector.broadcast %shift_left3A_1766 : i32 to vector<16xi32>
          %shift_left3A_1768 = arith.shli %bitcast3A_1763, %shift_left3A_1767 : vector<16xi32>
          %bitcast3A_1769 = vector.bitcast %shift_left3A_1768 : vector<16xi32> to vector<16xf32>
          %add3A_1770 = arith.addi %shift_left3A_1389, %and3A_1742 : vector<16xi32>
          %gather3A_1771 = tpu.vector_load_idx %arg14[%add3A_1329, %add3A_1770] : memref<64x128xi32, #tpu.memory_space<vmem>>[vector<16xi32>, vector<16xi32>], vector<16xi32>,
          %bitcast3A_1772 = vector.bitcast %gather3A_1771 : vector<16xi32> to vector<16xi32>
          %and3A_1773 = arith.andi %bitcast3A_1772, %broadcast_in_dim3A_1406 : vector<16xi32>
          %bitcast3A_1774 = vector.bitcast %and3A_1773 : vector<16xi32> to vector<16xf32>
          %shift_left3A_1775 = arith.constant 16 : i32
          %shift_left3A_1776 = vector.broadcast %shift_left3A_1775 : i32 to vector<16xi32>
          %shift_left3A_1777 = arith.shli %bitcast3A_1772, %shift_left3A_1776 : vector<16xi32>
          %bitcast3A_1778 = vector.bitcast %shift_left3A_1777 : vector<16xi32> to vector<16xf32>
          %add3A_1779 = arith.addi %shift_left3A_1404, %and3A_1742 : vector<16xi32>
          %gather3A_1780 = tpu.vector_load_idx %arg15[%add3A_1329, %add3A_1779] : memref<64x128xi32, #tpu.memory_space<vmem>>[vector<16xi32>, vector<16xi32>], vector<16xi32>,
          %bitcast3A_1781 = vector.bitcast %gather3A_1780 : vector<16xi32> to vector<16xi32>
          %and3A_1782 = arith.andi %bitcast3A_1781, %broadcast_in_dim3A_1406 : vector<16xi32>
          %bitcast3A_1783 = vector.bitcast %and3A_1782 : vector<16xi32> to vector<16xf32>
          %shift_left3A_1784 = arith.constant 16 : i32
          %shift_left3A_1785 = vector.broadcast %shift_left3A_1784 : i32 to vector<16xi32>
          %shift_left3A_1786 = arith.shli %bitcast3A_1781, %shift_left3A_1785 : vector<16xi32>
          %bitcast3A_1787 = vector.bitcast %shift_left3A_1786 : vector<16xi32> to vector<16xf32>
          %add3A_1788 = arith.addf %bitcast3A_1747, %bitcast3A_1756 : vector<16xf32>
          %sub3A_1789 = arith.subf %add3A_1788, %bitcast3A_1765 : vector<16xf32>
          %add3A_1790 = arith.addf %sub3A_1789, %bitcast3A_1774 : vector<16xf32>
          %sub3A_1791 = arith.subf %add3A_1790, %bitcast3A_1783 : vector<16xf32>
          %add3A_1792 = arith.addf %bitcast3A_1751, %bitcast3A_1760 : vector<16xf32>
          %sub3A_1793 = arith.subf %add3A_1792, %bitcast3A_1769 : vector<16xf32>
          %add3A_1794 = arith.addf %sub3A_1793, %bitcast3A_1778 : vector<16xf32>
          %sub3A_1795 = arith.subf %add3A_1794, %bitcast3A_1787 : vector<16xf32>
          %abs3A_1796 = math.absf %sub3A_1791 : vector<16xf32>
          %add3A_1797 = arith.addf %add3A_1735, %abs3A_1796 : vector<16xf32>
          %abs3A_1798 = math.absf %sub3A_1795 : vector<16xf32>
          %add3A_1799 = arith.addf %add3A_1797, %abs3A_1798 : vector<16xf32>
          %scan3A_1800 = arith.constant 6 : i32
          %scan3A_1801 = arith.addi %scan3A_1420, %scan3A_1800 : i32
          %add3A_1802 = vector.broadcast %scan3A_1801 : i32 to vector<16xi32>
          %add3A_1803 = arith.addi %add3A_1802, %iota3A : vector<16xi32>
          %and3A_1804 = arith.constant 31 : i32
          %and3A_1805 = vector.broadcast %and3A_1804 : i32 to vector<16xi32>
          %and3A_1806 = arith.andi %add3A_1803, %and3A_1805 : vector<16xi32>
          %add3A_1807 = arith.addi %shift_left3A_1344, %and3A_1806 : vector<16xi32>
          %gather3A_1808 = tpu.vector_load_idx %arg11[%add3A_1329, %add3A_1807] : memref<64x128xi32, #tpu.memory_space<vmem>>[vector<16xi32>, vector<16xi32>], vector<16xi32>,
          %bitcast3A_1809 = vector.bitcast %gather3A_1808 : vector<16xi32> to vector<16xi32>
          %and3A_1810 = arith.andi %bitcast3A_1809, %broadcast_in_dim3A_1406 : vector<16xi32>
          %bitcast3A_1811 = vector.bitcast %and3A_1810 : vector<16xi32> to vector<16xf32>
          %shift_left3A_1812 = arith.constant 16 : i32
          %shift_left3A_1813 = vector.broadcast %shift_left3A_1812 : i32 to vector<16xi32>
          %shift_left3A_1814 = arith.shli %bitcast3A_1809, %shift_left3A_1813 : vector<16xi32>
          %bitcast3A_1815 = vector.bitcast %shift_left3A_1814 : vector<16xi32> to vector<16xf32>
          %add3A_1816 = arith.addi %shift_left3A_1359, %and3A_1806 : vector<16xi32>
          %gather3A_1817 = tpu.vector_load_idx %arg12[%add3A_1329, %add3A_1816] : memref<64x128xi32, #tpu.memory_space<vmem>>[vector<16xi32>, vector<16xi32>], vector<16xi32>,
          %bitcast3A_1818 = vector.bitcast %gather3A_1817 : vector<16xi32> to vector<16xi32>
          %and3A_1819 = arith.andi %bitcast3A_1818, %broadcast_in_dim3A_1406 : vector<16xi32>
          %bitcast3A_1820 = vector.bitcast %and3A_1819 : vector<16xi32> to vector<16xf32>
          %shift_left3A_1821 = arith.constant 16 : i32
          %shift_left3A_1822 = vector.broadcast %shift_left3A_1821 : i32 to vector<16xi32>
          %shift_left3A_1823 = arith.shli %bitcast3A_1818, %shift_left3A_1822 : vector<16xi32>
          %bitcast3A_1824 = vector.bitcast %shift_left3A_1823 : vector<16xi32> to vector<16xf32>
          %add3A_1825 = arith.addi %shift_left3A_1374, %and3A_1806 : vector<16xi32>
          %gather3A_1826 = tpu.vector_load_idx %arg13[%add3A_1329, %add3A_1825] : memref<64x128xi32, #tpu.memory_space<vmem>>[vector<16xi32>, vector<16xi32>], vector<16xi32>,
          %bitcast3A_1827 = vector.bitcast %gather3A_1826 : vector<16xi32> to vector<16xi32>
          %and3A_1828 = arith.andi %bitcast3A_1827, %broadcast_in_dim3A_1406 : vector<16xi32>
          %bitcast3A_1829 = vector.bitcast %and3A_1828 : vector<16xi32> to vector<16xf32>
          %shift_left3A_1830 = arith.constant 16 : i32
          %shift_left3A_1831 = vector.broadcast %shift_left3A_1830 : i32 to vector<16xi32>
          %shift_left3A_1832 = arith.shli %bitcast3A_1827, %shift_left3A_1831 : vector<16xi32>
          %bitcast3A_1833 = vector.bitcast %shift_left3A_1832 : vector<16xi32> to vector<16xf32>
          %add3A_1834 = arith.addi %shift_left3A_1389, %and3A_1806 : vector<16xi32>
          %gather3A_1835 = tpu.vector_load_idx %arg14[%add3A_1329, %add3A_1834] : memref<64x128xi32, #tpu.memory_space<vmem>>[vector<16xi32>, vector<16xi32>], vector<16xi32>,
          %bitcast3A_1836 = vector.bitcast %gather3A_1835 : vector<16xi32> to vector<16xi32>
          %and3A_1837 = arith.andi %bitcast3A_1836, %broadcast_in_dim3A_1406 : vector<16xi32>
          %bitcast3A_1838 = vector.bitcast %and3A_1837 : vector<16xi32> to vector<16xf32>
          %shift_left3A_1839 = arith.constant 16 : i32
          %shift_left3A_1840 = vector.broadcast %shift_left3A_1839 : i32 to vector<16xi32>
          %shift_left3A_1841 = arith.shli %bitcast3A_1836, %shift_left3A_1840 : vector<16xi32>
          %bitcast3A_1842 = vector.bitcast %shift_left3A_1841 : vector<16xi32> to vector<16xf32>
          %add3A_1843 = arith.addi %shift_left3A_1404, %and3A_1806 : vector<16xi32>
          %gather3A_1844 = tpu.vector_load_idx %arg15[%add3A_1329, %add3A_1843] : memref<64x128xi32, #tpu.memory_space<vmem>>[vector<16xi32>, vector<16xi32>], vector<16xi32>,
          %bitcast3A_1845 = vector.bitcast %gather3A_1844 : vector<16xi32> to vector<16xi32>
          %and3A_1846 = arith.andi %bitcast3A_1845, %broadcast_in_dim3A_1406 : vector<16xi32>
          %bitcast3A_1847 = vector.bitcast %and3A_1846 : vector<16xi32> to vector<16xf32>
          %shift_left3A_1848 = arith.constant 16 : i32
          %shift_left3A_1849 = vector.broadcast %shift_left3A_1848 : i32 to vector<16xi32>
          %shift_left3A_1850 = arith.shli %bitcast3A_1845, %shift_left3A_1849 : vector<16xi32>
          %bitcast3A_1851 = vector.bitcast %shift_left3A_1850 : vector<16xi32> to vector<16xf32>
          %add3A_1852 = arith.addf %bitcast3A_1811, %bitcast3A_1820 : vector<16xf32>
          %sub3A_1853 = arith.subf %add3A_1852, %bitcast3A_1829 : vector<16xf32>
          %add3A_1854 = arith.addf %sub3A_1853, %bitcast3A_1838 : vector<16xf32>
          %sub3A_1855 = arith.subf %add3A_1854, %bitcast3A_1847 : vector<16xf32>
          %add3A_1856 = arith.addf %bitcast3A_1815, %bitcast3A_1824 : vector<16xf32>
          %sub3A_1857 = arith.subf %add3A_1856, %bitcast3A_1833 : vector<16xf32>
          %add3A_1858 = arith.addf %sub3A_1857, %bitcast3A_1842 : vector<16xf32>
          %sub3A_1859 = arith.subf %add3A_1858, %bitcast3A_1851 : vector<16xf32>
          %abs3A_1860 = math.absf %sub3A_1855 : vector<16xf32>
          %add3A_1861 = arith.addf %add3A_1799, %abs3A_1860 : vector<16xf32>
          %abs3A_1862 = math.absf %sub3A_1859 : vector<16xf32>
          %add3A_1863 = arith.addf %add3A_1861, %abs3A_1862 : vector<16xf32>
          %scan3A_1864 = arith.constant 7 : i32
          %scan3A_1865 = arith.addi %scan3A_1420, %scan3A_1864 : i32
          %add3A_1866 = vector.broadcast %scan3A_1865 : i32 to vector<16xi32>
          %add3A_1867 = arith.addi %add3A_1866, %iota3A : vector<16xi32>
          %and3A_1868 = arith.constant 31 : i32
          %and3A_1869 = vector.broadcast %and3A_1868 : i32 to vector<16xi32>
          %and3A_1870 = arith.andi %add3A_1867, %and3A_1869 : vector<16xi32>
          %add3A_1871 = arith.addi %shift_left3A_1344, %and3A_1870 : vector<16xi32>
          %gather3A_1872 = tpu.vector_load_idx %arg11[%add3A_1329, %add3A_1871] : memref<64x128xi32, #tpu.memory_space<vmem>>[vector<16xi32>, vector<16xi32>], vector<16xi32>,
          %bitcast3A_1873 = vector.bitcast %gather3A_1872 : vector<16xi32> to vector<16xi32>
          %and3A_1874 = arith.andi %bitcast3A_1873, %broadcast_in_dim3A_1406 : vector<16xi32>
          %bitcast3A_1875 = vector.bitcast %and3A_1874 : vector<16xi32> to vector<16xf32>
          %shift_left3A_1876 = arith.constant 16 : i32
          %shift_left3A_1877 = vector.broadcast %shift_left3A_1876 : i32 to vector<16xi32>
          %shift_left3A_1878 = arith.shli %bitcast3A_1873, %shift_left3A_1877 : vector<16xi32>
          %bitcast3A_1879 = vector.bitcast %shift_left3A_1878 : vector<16xi32> to vector<16xf32>
          %add3A_1880 = arith.addi %shift_left3A_1359, %and3A_1870 : vector<16xi32>
          %gather3A_1881 = tpu.vector_load_idx %arg12[%add3A_1329, %add3A_1880] : memref<64x128xi32, #tpu.memory_space<vmem>>[vector<16xi32>, vector<16xi32>], vector<16xi32>,
          %bitcast3A_1882 = vector.bitcast %gather3A_1881 : vector<16xi32> to vector<16xi32>
          %and3A_1883 = arith.andi %bitcast3A_1882, %broadcast_in_dim3A_1406 : vector<16xi32>
          %bitcast3A_1884 = vector.bitcast %and3A_1883 : vector<16xi32> to vector<16xf32>
          %shift_left3A_1885 = arith.constant 16 : i32
          %shift_left3A_1886 = vector.broadcast %shift_left3A_1885 : i32 to vector<16xi32>
          %shift_left3A_1887 = arith.shli %bitcast3A_1882, %shift_left3A_1886 : vector<16xi32>
          %bitcast3A_1888 = vector.bitcast %shift_left3A_1887 : vector<16xi32> to vector<16xf32>
          %add3A_1889 = arith.addi %shift_left3A_1374, %and3A_1870 : vector<16xi32>
          %gather3A_1890 = tpu.vector_load_idx %arg13[%add3A_1329, %add3A_1889] : memref<64x128xi32, #tpu.memory_space<vmem>>[vector<16xi32>, vector<16xi32>], vector<16xi32>,
          %bitcast3A_1891 = vector.bitcast %gather3A_1890 : vector<16xi32> to vector<16xi32>
          %and3A_1892 = arith.andi %bitcast3A_1891, %broadcast_in_dim3A_1406 : vector<16xi32>
          %bitcast3A_1893 = vector.bitcast %and3A_1892 : vector<16xi32> to vector<16xf32>
          %shift_left3A_1894 = arith.constant 16 : i32
          %shift_left3A_1895 = vector.broadcast %shift_left3A_1894 : i32 to vector<16xi32>
          %shift_left3A_1896 = arith.shli %bitcast3A_1891, %shift_left3A_1895 : vector<16xi32>
          %bitcast3A_1897 = vector.bitcast %shift_left3A_1896 : vector<16xi32> to vector<16xf32>
          %add3A_1898 = arith.addi %shift_left3A_1389, %and3A_1870 : vector<16xi32>
          %gather3A_1899 = tpu.vector_load_idx %arg14[%add3A_1329, %add3A_1898] : memref<64x128xi32, #tpu.memory_space<vmem>>[vector<16xi32>, vector<16xi32>], vector<16xi32>,
          %bitcast3A_1900 = vector.bitcast %gather3A_1899 : vector<16xi32> to vector<16xi32>
          %and3A_1901 = arith.andi %bitcast3A_1900, %broadcast_in_dim3A_1406 : vector<16xi32>
          %bitcast3A_1902 = vector.bitcast %and3A_1901 : vector<16xi32> to vector<16xf32>
          %shift_left3A_1903 = arith.constant 16 : i32
          %shift_left3A_1904 = vector.broadcast %shift_left3A_1903 : i32 to vector<16xi32>
          %shift_left3A_1905 = arith.shli %bitcast3A_1900, %shift_left3A_1904 : vector<16xi32>
          %bitcast3A_1906 = vector.bitcast %shift_left3A_1905 : vector<16xi32> to vector<16xf32>
          %add3A_1907 = arith.addi %shift_left3A_1404, %and3A_1870 : vector<16xi32>
          %gather3A_1908 = tpu.vector_load_idx %arg15[%add3A_1329, %add3A_1907] : memref<64x128xi32, #tpu.memory_space<vmem>>[vector<16xi32>, vector<16xi32>], vector<16xi32>,
          %bitcast3A_1909 = vector.bitcast %gather3A_1908 : vector<16xi32> to vector<16xi32>
          %and3A_1910 = arith.andi %bitcast3A_1909, %broadcast_in_dim3A_1406 : vector<16xi32>
          %bitcast3A_1911 = vector.bitcast %and3A_1910 : vector<16xi32> to vector<16xf32>
          %shift_left3A_1912 = arith.constant 16 : i32
          %shift_left3A_1913 = vector.broadcast %shift_left3A_1912 : i32 to vector<16xi32>
          %shift_left3A_1914 = arith.shli %bitcast3A_1909, %shift_left3A_1913 : vector<16xi32>
          %bitcast3A_1915 = vector.bitcast %shift_left3A_1914 : vector<16xi32> to vector<16xf32>
          %add3A_1916 = arith.addf %bitcast3A_1875, %bitcast3A_1884 : vector<16xf32>
          %sub3A_1917 = arith.subf %add3A_1916, %bitcast3A_1893 : vector<16xf32>
          %add3A_1918 = arith.addf %sub3A_1917, %bitcast3A_1902 : vector<16xf32>
          %sub3A_1919 = arith.subf %add3A_1918, %bitcast3A_1911 : vector<16xf32>
          %add3A_1920 = arith.addf %bitcast3A_1879, %bitcast3A_1888 : vector<16xf32>
          %sub3A_1921 = arith.subf %add3A_1920, %bitcast3A_1897 : vector<16xf32>
          %add3A_1922 = arith.addf %sub3A_1921, %bitcast3A_1906 : vector<16xf32>
          %sub3A_1923 = arith.subf %add3A_1922, %bitcast3A_1915 : vector<16xf32>
          %abs3A_1924 = math.absf %sub3A_1919 : vector<16xf32>
          %add3A_1925 = arith.addf %add3A_1863, %abs3A_1924 : vector<16xf32>
          %abs3A_1926 = math.absf %sub3A_1923 : vector<16xf32>
          %add3A_1927 = arith.addf %add3A_1925, %abs3A_1926 : vector<16xf32>
          scf.yield %add3A_1927 : vector<16xf32>
        }
        %scan3A_1412 = arith.constant 32 : i32
        %mul3A_1413 = arith.constant 64 : i32
        %mul3A_1414 = arith.muli %mul3A_445, %mul3A_1413 : i32
        %mul3A_1415 = arith.constant 16 : i32
        %mul3A_1416 = arith.muli %scan3A_1325, %mul3A_1415 : i32
        %add3A_1417 = arith.addi %mul3A_1414, %mul3A_1416 : i32
        %swap3A_1418 = arith.index_cast %add3A_1417 : i32 to index
        %swap3A_1419 = tpu.vector_load %arg21[%swap3A_1418] {strides = array<i32>} : memref<1024xf32, #tpu.memory_space<vmem>>, vector<16xf32>,
        tpu.vector_store %arg21[%swap3A_1418], %scan3A_1411 {strides = array<i32>} : memref<1024xf32, #tpu.memory_space<vmem>>, vector<16xf32>,
      }
      %scan3A_883 = arith.constant 4 : i32
      %dma_wait3A_884 = arith.constant 0 : i32
      %dma_wait3A_885 = arith.constant 0 : i32
      %dma_wait3A_886 = tpu.memref_slice %arg10[%dma_wait3A_884, %dma_wait3A_885] : memref<5x64xi32, #tpu.memory_space<vmem>> -> memref<1x64xi32, #tpu.memory_space<vmem>>
      %dma_wait3A_887 = tpu.memref_squeeze %dma_wait3A_886 : memref<1x64xi32, #tpu.memory_space<vmem>> -> memref<64xi32, #tpu.memory_space<vmem>>
      %dma_wait3A_888 = arith.constant 0 : i32
      %dma_wait3A_889 = arith.constant 0 : i32
      %dma_wait3A_890 = tpu.memref_slice %arg2[%dma_wait3A_888, %dma_wait3A_889] : memref<253952x128xi32, #tpu.memory_space<hbm>> -> memref<253952x128xi32, #tpu.memory_space<hbm>>
      tpu.wait_indirect_dma semaphore(%arg24 : memref<!tpu.dma_semaphore, #tpu.memory_space<semaphore_mem>>) src(%dma_wait3A_890 : memref<253952x128xi32, #tpu.memory_space<hbm>>) dst(%arg16 : memref<64x128xi32, #tpu.memory_space<vmem>>)
      %dma_wait3A_891 = arith.constant 1 : i32
      %dma_wait3A_892 = arith.constant 0 : i32
      %dma_wait3A_893 = tpu.memref_slice %arg10[%dma_wait3A_891, %dma_wait3A_892] : memref<5x64xi32, #tpu.memory_space<vmem>> -> memref<1x64xi32, #tpu.memory_space<vmem>>
      %dma_wait3A_894 = tpu.memref_squeeze %dma_wait3A_893 : memref<1x64xi32, #tpu.memory_space<vmem>> -> memref<64xi32, #tpu.memory_space<vmem>>
      %dma_wait3A_895 = arith.constant 0 : i32
      %dma_wait3A_896 = arith.constant 0 : i32
      %dma_wait3A_897 = tpu.memref_slice %arg3[%dma_wait3A_895, %dma_wait3A_896] : memref<253952x128xi32, #tpu.memory_space<hbm>> -> memref<253952x128xi32, #tpu.memory_space<hbm>>
      tpu.wait_indirect_dma semaphore(%arg24 : memref<!tpu.dma_semaphore, #tpu.memory_space<semaphore_mem>>) src(%dma_wait3A_897 : memref<253952x128xi32, #tpu.memory_space<hbm>>) dst(%arg17 : memref<64x128xi32, #tpu.memory_space<vmem>>)
      %dma_wait3A_898 = arith.constant 2 : i32
      %dma_wait3A_899 = arith.constant 0 : i32
      %dma_wait3A_900 = tpu.memref_slice %arg10[%dma_wait3A_898, %dma_wait3A_899] : memref<5x64xi32, #tpu.memory_space<vmem>> -> memref<1x64xi32, #tpu.memory_space<vmem>>
      %dma_wait3A_901 = tpu.memref_squeeze %dma_wait3A_900 : memref<1x64xi32, #tpu.memory_space<vmem>> -> memref<64xi32, #tpu.memory_space<vmem>>
      %dma_wait3A_902 = arith.constant 0 : i32
      %dma_wait3A_903 = arith.constant 0 : i32
      %dma_wait3A_904 = tpu.memref_slice %arg2[%dma_wait3A_902, %dma_wait3A_903] : memref<253952x128xi32, #tpu.memory_space<hbm>> -> memref<253952x128xi32, #tpu.memory_space<hbm>>
      tpu.wait_indirect_dma semaphore(%arg24 : memref<!tpu.dma_semaphore, #tpu.memory_space<semaphore_mem>>) src(%dma_wait3A_904 : memref<253952x128xi32, #tpu.memory_space<hbm>>) dst(%arg18 : memref<64x128xi32, #tpu.memory_space<vmem>>)
      %dma_wait3A_905 = arith.constant 3 : i32
      %dma_wait3A_906 = arith.constant 0 : i32
      %dma_wait3A_907 = tpu.memref_slice %arg10[%dma_wait3A_905, %dma_wait3A_906] : memref<5x64xi32, #tpu.memory_space<vmem>> -> memref<1x64xi32, #tpu.memory_space<vmem>>
      %dma_wait3A_908 = tpu.memref_squeeze %dma_wait3A_907 : memref<1x64xi32, #tpu.memory_space<vmem>> -> memref<64xi32, #tpu.memory_space<vmem>>
      %dma_wait3A_909 = arith.constant 0 : i32
      %dma_wait3A_910 = arith.constant 0 : i32
      %dma_wait3A_911 = tpu.memref_slice %arg3[%dma_wait3A_909, %dma_wait3A_910] : memref<253952x128xi32, #tpu.memory_space<hbm>> -> memref<253952x128xi32, #tpu.memory_space<hbm>>
      tpu.wait_indirect_dma semaphore(%arg24 : memref<!tpu.dma_semaphore, #tpu.memory_space<semaphore_mem>>) src(%dma_wait3A_911 : memref<253952x128xi32, #tpu.memory_space<hbm>>) dst(%arg19 : memref<64x128xi32, #tpu.memory_space<vmem>>)
      %dma_wait3A_912 = arith.constant 4 : i32
      %dma_wait3A_913 = arith.constant 0 : i32
      %dma_wait3A_914 = tpu.memref_slice %arg10[%dma_wait3A_912, %dma_wait3A_913] : memref<5x64xi32, #tpu.memory_space<vmem>> -> memref<1x64xi32, #tpu.memory_space<vmem>>
      %dma_wait3A_915 = tpu.memref_squeeze %dma_wait3A_914 : memref<1x64xi32, #tpu.memory_space<vmem>> -> memref<64xi32, #tpu.memory_space<vmem>>
      %dma_wait3A_916 = arith.constant 0 : i32
      %dma_wait3A_917 = arith.constant 0 : i32
      %dma_wait3A_918 = tpu.memref_slice %arg2[%dma_wait3A_916, %dma_wait3A_917] : memref<253952x128xi32, #tpu.memory_space<hbm>> -> memref<253952x128xi32, #tpu.memory_space<hbm>>
      tpu.wait_indirect_dma semaphore(%arg24 : memref<!tpu.dma_semaphore, #tpu.memory_space<semaphore_mem>>) src(%dma_wait3A_918 : memref<253952x128xi32, #tpu.memory_space<hbm>>) dst(%arg20 : memref<64x128xi32, #tpu.memory_space<vmem>>)
      %add3A_919 = arith.constant 2 : i32
      %add3A_920 = arith.addi %mul3A_445, %add3A_919 : i32
      %min3A = arith.constant 15 : i32
      %min3A_921 = arith.minsi %add3A_920, %min3A : i32
      "tpu.region"() ({
        %run_scoped3A_1325 = tpu.sem_alloc : memref<!tpu.dma_semaphore, #tpu.memory_space<semaphore_mem>>
        %dma_start3A_1326 = arith.constant 0 : i32
        %dma_start3A_1327 = arith.constant 0 : i32
        %dma_start3A_1328 = tpu.memref_slice %arg4[%add3A, %min3A_921, %dma_start3A_1326, %dma_start3A_1327] : memref<32x16x5x64xi32, #tpu.memory_space<hbm>> -> memref<1x1x5x64xi32, #tpu.memory_space<hbm>>
        %dma_start3A_1329 = tpu.memref_squeeze %dma_start3A_1328 : memref<1x1x5x64xi32, #tpu.memory_space<hbm>> -> memref<5x64xi32, #tpu.memory_space<hbm>>
        %dma_start3A_1330 = arith.constant 0 : i32
        %dma_start3A_1331 = arith.constant 0 : i32
        %dma_start3A_1332 = tpu.memref_slice %arg4[%add3A, %min3A_921, %dma_start3A_1330, %dma_start3A_1331] : memref<32x16x5x64xi32, #tpu.memory_space<hbm>> -> memref<1x1x5x64xi32, #tpu.memory_space<hbm>>
        %dma_start3A_1333 = tpu.memref_squeeze %dma_start3A_1332 : memref<1x1x5x64xi32, #tpu.memory_space<hbm>> -> memref<5x64xi32, #tpu.memory_space<hbm>>
        tpu.enqueue_dma source(%dma_start3A_1333 : memref<5x64xi32, #tpu.memory_space<hbm>>) target(%arg7 : memref<5x64xi32, #tpu.memory_space<vmem>>) target_semaphore(%run_scoped3A_1325 : memref<!tpu.dma_semaphore, #tpu.memory_space<semaphore_mem>>)
        %dma_wait3A_1334 = arith.constant 0 : i32
        %dma_wait3A_1335 = arith.constant 0 : i32
        %dma_wait3A_1336 = tpu.memref_slice %arg4[%add3A, %min3A_921, %dma_wait3A_1334, %dma_wait3A_1335] : memref<32x16x5x64xi32, #tpu.memory_space<hbm>> -> memref<1x1x5x64xi32, #tpu.memory_space<hbm>>
        %dma_wait3A_1337 = tpu.memref_squeeze %dma_wait3A_1336 : memref<1x1x5x64xi32, #tpu.memory_space<hbm>> -> memref<5x64xi32, #tpu.memory_space<hbm>>
        %dma_wait3A_1338 = arith.constant 0 : i32
        %dma_wait3A_1339 = arith.constant 0 : i32
        %dma_wait3A_1340 = tpu.memref_slice %arg4[%add3A, %min3A_921, %dma_wait3A_1338, %dma_wait3A_1339] : memref<32x16x5x64xi32, #tpu.memory_space<hbm>> -> memref<1x1x5x64xi32, #tpu.memory_space<hbm>>
        %dma_wait3A_1341 = tpu.memref_squeeze %dma_wait3A_1340 : memref<1x1x5x64xi32, #tpu.memory_space<hbm>> -> memref<5x64xi32, #tpu.memory_space<hbm>>
        tpu.wait_dma2 semaphore(%run_scoped3A_1325 : memref<!tpu.dma_semaphore, #tpu.memory_space<semaphore_mem>>) src(%dma_wait3A_1341 : memref<5x64xi32, #tpu.memory_space<hbm>>) dst(%arg7 : memref<5x64xi32, #tpu.memory_space<vmem>>)
        tpu.yield
      }) : () -> ()
      %get3A_922 = arith.constant 0 : i32
      %get3A_923 = arith.index_cast %get3A_922 : i32 to index
      %get3A_924 = arith.constant 0 : index
      %get3A_925 = tpu.vector_load %arg7[%get3A_923, %get3A_924] {strides = array<i32>} : memref<5x64xi32, #tpu.memory_space<vmem>>, vector<16xi32>,
      %shift_right_logical3A_926 = arith.constant 15 : i32
      %shift_right_logical3A_927 = vector.broadcast %shift_right_logical3A_926 : i32 to vector<16xi32>
      %shift_right_logical3A_928 = arith.shrui %get3A_925, %shift_right_logical3A_927 : vector<16xi32>
      %shift_left3A_929 = arith.constant 13 : i32
      %shift_left3A_930 = vector.broadcast %shift_left3A_929 : i32 to vector<16xi32>
      %shift_left3A_931 = arith.shli %shift_right_logical3A_928, %shift_left3A_930 : vector<16xi32>
      %and3A_932 = arith.constant 8191 : i32
      %and3A_933 = vector.broadcast %and3A_932 : i32 to vector<16xi32>
      %and3A_934 = arith.andi %get3A_925, %and3A_933 : vector<16xi32>
      %or3A_935 = arith.ori %shift_left3A_931, %and3A_934 : vector<16xi32>
      %swap3A_936 = arith.constant 0 : i32
      %swap3A_937 = arith.index_cast %swap3A_936 : i32 to index
      %swap3A_938 = arith.constant 0 : index
      %swap3A_939 = tpu.vector_load %arg9[%swap3A_937, %swap3A_938] {strides = array<i32>} : memref<5x64xi32, #tpu.memory_space<vmem>>, vector<16xi32>,
      tpu.vector_store %arg9[%swap3A_937, %swap3A_938], %or3A_935 {strides = array<i32>} : memref<5x64xi32, #tpu.memory_space<vmem>>, vector<16xi32>,
      %get3A_940 = arith.constant 0 : i32
      %get3A_941 = arith.index_cast %get3A_940 : i32 to index
      %get3A_942 = arith.constant 16 : index
      %get3A_943 = tpu.vector_load %arg7[%get3A_941, %get3A_942] {strides = array<i32>} : memref<5x64xi32, #tpu.memory_space<vmem>>, vector<16xi32>,
      %shift_right_logical3A_944 = arith.constant 15 : i32
      %shift_right_logical3A_945 = vector.broadcast %shift_right_logical3A_944 : i32 to vector<16xi32>
      %shift_right_logical3A_946 = arith.shrui %get3A_943, %shift_right_logical3A_945 : vector<16xi32>
      %shift_left3A_947 = arith.constant 13 : i32
      %shift_left3A_948 = vector.broadcast %shift_left3A_947 : i32 to vector<16xi32>
      %shift_left3A_949 = arith.shli %shift_right_logical3A_946, %shift_left3A_948 : vector<16xi32>
      %and3A_950 = arith.constant 8191 : i32
      %and3A_951 = vector.broadcast %and3A_950 : i32 to vector<16xi32>
      %and3A_952 = arith.andi %get3A_943, %and3A_951 : vector<16xi32>
      %or3A_953 = arith.ori %shift_left3A_949, %and3A_952 : vector<16xi32>
      %swap3A_954 = arith.constant 0 : i32
      %swap3A_955 = arith.index_cast %swap3A_954 : i32 to index
      %swap3A_956 = arith.constant 16 : index
      %swap3A_957 = tpu.vector_load %arg9[%swap3A_955, %swap3A_956] {strides = array<i32>} : memref<5x64xi32, #tpu.memory_space<vmem>>, vector<16xi32>,
      tpu.vector_store %arg9[%swap3A_955, %swap3A_956], %or3A_953 {strides = array<i32>} : memref<5x64xi32, #tpu.memory_space<vmem>>, vector<16xi32>,
      %get3A_958 = arith.constant 0 : i32
      %get3A_959 = arith.index_cast %get3A_958 : i32 to index
      %get3A_960 = arith.constant 32 : index
      %get3A_961 = tpu.vector_load %arg7[%get3A_959, %get3A_960] {strides = array<i32>} : memref<5x64xi32, #tpu.memory_space<vmem>>, vector<16xi32>,
      %shift_right_logical3A_962 = arith.constant 15 : i32
      %shift_right_logical3A_963 = vector.broadcast %shift_right_logical3A_962 : i32 to vector<16xi32>
      %shift_right_logical3A_964 = arith.shrui %get3A_961, %shift_right_logical3A_963 : vector<16xi32>
      %shift_left3A_965 = arith.constant 13 : i32
      %shift_left3A_966 = vector.broadcast %shift_left3A_965 : i32 to vector<16xi32>
      %shift_left3A_967 = arith.shli %shift_right_logical3A_964, %shift_left3A_966 : vector<16xi32>
      %and3A_968 = arith.constant 8191 : i32
      %and3A_969 = vector.broadcast %and3A_968 : i32 to vector<16xi32>
      %and3A_970 = arith.andi %get3A_961, %and3A_969 : vector<16xi32>
      %or3A_971 = arith.ori %shift_left3A_967, %and3A_970 : vector<16xi32>
      %swap3A_972 = arith.constant 0 : i32
      %swap3A_973 = arith.index_cast %swap3A_972 : i32 to index
      %swap3A_974 = arith.constant 32 : index
      %swap3A_975 = tpu.vector_load %arg9[%swap3A_973, %swap3A_974] {strides = array<i32>} : memref<5x64xi32, #tpu.memory_space<vmem>>, vector<16xi32>,
      tpu.vector_store %arg9[%swap3A_973, %swap3A_974], %or3A_971 {strides = array<i32>} : memref<5x64xi32, #tpu.memory_space<vmem>>, vector<16xi32>,
      %get3A_976 = arith.constant 0 : i32
      %get3A_977 = arith.index_cast %get3A_976 : i32 to index
      %get3A_978 = arith.constant 48 : index
      %get3A_979 = tpu.vector_load %arg7[%get3A_977, %get3A_978] {strides = array<i32>} : memref<5x64xi32, #tpu.memory_space<vmem>>, vector<16xi32>,
      %shift_right_logical3A_980 = arith.constant 15 : i32
      %shift_right_logical3A_981 = vector.broadcast %shift_right_logical3A_980 : i32 to vector<16xi32>
      %shift_right_logical3A_982 = arith.shrui %get3A_979, %shift_right_logical3A_981 : vector<16xi32>
      %shift_left3A_983 = arith.constant 13 : i32
      %shift_left3A_984 = vector.broadcast %shift_left3A_983 : i32 to vector<16xi32>
      %shift_left3A_985 = arith.shli %shift_right_logical3A_982, %shift_left3A_984 : vector<16xi32>
      %and3A_986 = arith.constant 8191 : i32
      %and3A_987 = vector.broadcast %and3A_986 : i32 to vector<16xi32>
      %and3A_988 = arith.andi %get3A_979, %and3A_987 : vector<16xi32>
      %or3A_989 = arith.ori %shift_left3A_985, %and3A_988 : vector<16xi32>
      %swap3A_990 = arith.constant 0 : i32
      %swap3A_991 = arith.index_cast %swap3A_990 : i32 to index
      %swap3A_992 = arith.constant 48 : index
      %swap3A_993 = tpu.vector_load %arg9[%swap3A_991, %swap3A_992] {strides = array<i32>} : memref<5x64xi32, #tpu.memory_space<vmem>>, vector<16xi32>,
      tpu.vector_store %arg9[%swap3A_991, %swap3A_992], %or3A_989 {strides = array<i32>} : memref<5x64xi32, #tpu.memory_space<vmem>>, vector<16xi32>,
      %get3A_994 = arith.constant 1 : i32
      %get3A_995 = arith.index_cast %get3A_994 : i32 to index
      %get3A_996 = arith.constant 0 : index
      %get3A_997 = tpu.vector_load %arg7[%get3A_995, %get3A_996] {strides = array<i32>} : memref<5x64xi32, #tpu.memory_space<vmem>>, vector<16xi32>,
      %shift_right_logical3A_998 = arith.constant 15 : i32
      %shift_right_logical3A_999 = vector.broadcast %shift_right_logical3A_998 : i32 to vector<16xi32>
      %shift_right_logical3A_1000 = arith.shrui %get3A_997, %shift_right_logical3A_999 : vector<16xi32>
      %shift_left3A_1001 = arith.constant 13 : i32
      %shift_left3A_1002 = vector.broadcast %shift_left3A_1001 : i32 to vector<16xi32>
      %shift_left3A_1003 = arith.shli %shift_right_logical3A_1000, %shift_left3A_1002 : vector<16xi32>
      %and3A_1004 = arith.constant 8191 : i32
      %and3A_1005 = vector.broadcast %and3A_1004 : i32 to vector<16xi32>
      %and3A_1006 = arith.andi %get3A_997, %and3A_1005 : vector<16xi32>
      %or3A_1007 = arith.ori %shift_left3A_1003, %and3A_1006 : vector<16xi32>
      %swap3A_1008 = arith.constant 1 : i32
      %swap3A_1009 = arith.index_cast %swap3A_1008 : i32 to index
      %swap3A_1010 = arith.constant 0 : index
      %swap3A_1011 = tpu.vector_load %arg9[%swap3A_1009, %swap3A_1010] {strides = array<i32>} : memref<5x64xi32, #tpu.memory_space<vmem>>, vector<16xi32>,
      tpu.vector_store %arg9[%swap3A_1009, %swap3A_1010], %or3A_1007 {strides = array<i32>} : memref<5x64xi32, #tpu.memory_space<vmem>>, vector<16xi32>,
      %get3A_1012 = arith.constant 1 : i32
      %get3A_1013 = arith.index_cast %get3A_1012 : i32 to index
      %get3A_1014 = arith.constant 16 : index
      %get3A_1015 = tpu.vector_load %arg7[%get3A_1013, %get3A_1014] {strides = array<i32>} : memref<5x64xi32, #tpu.memory_space<vmem>>, vector<16xi32>,
      %shift_right_logical3A_1016 = arith.constant 15 : i32
      %shift_right_logical3A_1017 = vector.broadcast %shift_right_logical3A_1016 : i32 to vector<16xi32>
      %shift_right_logical3A_1018 = arith.shrui %get3A_1015, %shift_right_logical3A_1017 : vector<16xi32>
      %shift_left3A_1019 = arith.constant 13 : i32
      %shift_left3A_1020 = vector.broadcast %shift_left3A_1019 : i32 to vector<16xi32>
      %shift_left3A_1021 = arith.shli %shift_right_logical3A_1018, %shift_left3A_1020 : vector<16xi32>
      %and3A_1022 = arith.constant 8191 : i32
      %and3A_1023 = vector.broadcast %and3A_1022 : i32 to vector<16xi32>
      %and3A_1024 = arith.andi %get3A_1015, %and3A_1023 : vector<16xi32>
      %or3A_1025 = arith.ori %shift_left3A_1021, %and3A_1024 : vector<16xi32>
      %swap3A_1026 = arith.constant 1 : i32
      %swap3A_1027 = arith.index_cast %swap3A_1026 : i32 to index
      %swap3A_1028 = arith.constant 16 : index
      %swap3A_1029 = tpu.vector_load %arg9[%swap3A_1027, %swap3A_1028] {strides = array<i32>} : memref<5x64xi32, #tpu.memory_space<vmem>>, vector<16xi32>,
      tpu.vector_store %arg9[%swap3A_1027, %swap3A_1028], %or3A_1025 {strides = array<i32>} : memref<5x64xi32, #tpu.memory_space<vmem>>, vector<16xi32>,
      %get3A_1030 = arith.constant 1 : i32
      %get3A_1031 = arith.index_cast %get3A_1030 : i32 to index
      %get3A_1032 = arith.constant 32 : index
      %get3A_1033 = tpu.vector_load %arg7[%get3A_1031, %get3A_1032] {strides = array<i32>} : memref<5x64xi32, #tpu.memory_space<vmem>>, vector<16xi32>,
      %shift_right_logical3A_1034 = arith.constant 15 : i32
      %shift_right_logical3A_1035 = vector.broadcast %shift_right_logical3A_1034 : i32 to vector<16xi32>
      %shift_right_logical3A_1036 = arith.shrui %get3A_1033, %shift_right_logical3A_1035 : vector<16xi32>
      %shift_left3A_1037 = arith.constant 13 : i32
      %shift_left3A_1038 = vector.broadcast %shift_left3A_1037 : i32 to vector<16xi32>
      %shift_left3A_1039 = arith.shli %shift_right_logical3A_1036, %shift_left3A_1038 : vector<16xi32>
      %and3A_1040 = arith.constant 8191 : i32
      %and3A_1041 = vector.broadcast %and3A_1040 : i32 to vector<16xi32>
      %and3A_1042 = arith.andi %get3A_1033, %and3A_1041 : vector<16xi32>
      %or3A_1043 = arith.ori %shift_left3A_1039, %and3A_1042 : vector<16xi32>
      %swap3A_1044 = arith.constant 1 : i32
      %swap3A_1045 = arith.index_cast %swap3A_1044 : i32 to index
      %swap3A_1046 = arith.constant 32 : index
      %swap3A_1047 = tpu.vector_load %arg9[%swap3A_1045, %swap3A_1046] {strides = array<i32>} : memref<5x64xi32, #tpu.memory_space<vmem>>, vector<16xi32>,
      tpu.vector_store %arg9[%swap3A_1045, %swap3A_1046], %or3A_1043 {strides = array<i32>} : memref<5x64xi32, #tpu.memory_space<vmem>>, vector<16xi32>,
      %get3A_1048 = arith.constant 1 : i32
      %get3A_1049 = arith.index_cast %get3A_1048 : i32 to index
      %get3A_1050 = arith.constant 48 : index
      %get3A_1051 = tpu.vector_load %arg7[%get3A_1049, %get3A_1050] {strides = array<i32>} : memref<5x64xi32, #tpu.memory_space<vmem>>, vector<16xi32>,
      %shift_right_logical3A_1052 = arith.constant 15 : i32
      %shift_right_logical3A_1053 = vector.broadcast %shift_right_logical3A_1052 : i32 to vector<16xi32>
      %shift_right_logical3A_1054 = arith.shrui %get3A_1051, %shift_right_logical3A_1053 : vector<16xi32>
      %shift_left3A_1055 = arith.constant 13 : i32
      %shift_left3A_1056 = vector.broadcast %shift_left3A_1055 : i32 to vector<16xi32>
      %shift_left3A_1057 = arith.shli %shift_right_logical3A_1054, %shift_left3A_1056 : vector<16xi32>
      %and3A_1058 = arith.constant 8191 : i32
      %and3A_1059 = vector.broadcast %and3A_1058 : i32 to vector<16xi32>
      %and3A_1060 = arith.andi %get3A_1051, %and3A_1059 : vector<16xi32>
      %or3A_1061 = arith.ori %shift_left3A_1057, %and3A_1060 : vector<16xi32>
      %swap3A_1062 = arith.constant 1 : i32
      %swap3A_1063 = arith.index_cast %swap3A_1062 : i32 to index
      %swap3A_1064 = arith.constant 48 : index
      %swap3A_1065 = tpu.vector_load %arg9[%swap3A_1063, %swap3A_1064] {strides = array<i32>} : memref<5x64xi32, #tpu.memory_space<vmem>>, vector<16xi32>,
      tpu.vector_store %arg9[%swap3A_1063, %swap3A_1064], %or3A_1061 {strides = array<i32>} : memref<5x64xi32, #tpu.memory_space<vmem>>, vector<16xi32>,
      %get3A_1066 = arith.constant 2 : i32
      %get3A_1067 = arith.index_cast %get3A_1066 : i32 to index
      %get3A_1068 = arith.constant 0 : index
      %get3A_1069 = tpu.vector_load %arg7[%get3A_1067, %get3A_1068] {strides = array<i32>} : memref<5x64xi32, #tpu.memory_space<vmem>>, vector<16xi32>,
      %shift_right_logical3A_1070 = arith.constant 15 : i32
      %shift_right_logical3A_1071 = vector.broadcast %shift_right_logical3A_1070 : i32 to vector<16xi32>
      %shift_right_logical3A_1072 = arith.shrui %get3A_1069, %shift_right_logical3A_1071 : vector<16xi32>
      %shift_left3A_1073 = arith.constant 13 : i32
      %shift_left3A_1074 = vector.broadcast %shift_left3A_1073 : i32 to vector<16xi32>
      %shift_left3A_1075 = arith.shli %shift_right_logical3A_1072, %shift_left3A_1074 : vector<16xi32>
      %and3A_1076 = arith.constant 8191 : i32
      %and3A_1077 = vector.broadcast %and3A_1076 : i32 to vector<16xi32>
      %and3A_1078 = arith.andi %get3A_1069, %and3A_1077 : vector<16xi32>
      %or3A_1079 = arith.ori %shift_left3A_1075, %and3A_1078 : vector<16xi32>
      %swap3A_1080 = arith.constant 2 : i32
      %swap3A_1081 = arith.index_cast %swap3A_1080 : i32 to index
      %swap3A_1082 = arith.constant 0 : index
      %swap3A_1083 = tpu.vector_load %arg9[%swap3A_1081, %swap3A_1082] {strides = array<i32>} : memref<5x64xi32, #tpu.memory_space<vmem>>, vector<16xi32>,
      tpu.vector_store %arg9[%swap3A_1081, %swap3A_1082], %or3A_1079 {strides = array<i32>} : memref<5x64xi32, #tpu.memory_space<vmem>>, vector<16xi32>,
      %get3A_1084 = arith.constant 2 : i32
      %get3A_1085 = arith.index_cast %get3A_1084 : i32 to index
      %get3A_1086 = arith.constant 16 : index
      %get3A_1087 = tpu.vector_load %arg7[%get3A_1085, %get3A_1086] {strides = array<i32>} : memref<5x64xi32, #tpu.memory_space<vmem>>, vector<16xi32>,
      %shift_right_logical3A_1088 = arith.constant 15 : i32
      %shift_right_logical3A_1089 = vector.broadcast %shift_right_logical3A_1088 : i32 to vector<16xi32>
      %shift_right_logical3A_1090 = arith.shrui %get3A_1087, %shift_right_logical3A_1089 : vector<16xi32>
      %shift_left3A_1091 = arith.constant 13 : i32
      %shift_left3A_1092 = vector.broadcast %shift_left3A_1091 : i32 to vector<16xi32>
      %shift_left3A_1093 = arith.shli %shift_right_logical3A_1090, %shift_left3A_1092 : vector<16xi32>
      %and3A_1094 = arith.constant 8191 : i32
      %and3A_1095 = vector.broadcast %and3A_1094 : i32 to vector<16xi32>
      %and3A_1096 = arith.andi %get3A_1087, %and3A_1095 : vector<16xi32>
      %or3A_1097 = arith.ori %shift_left3A_1093, %and3A_1096 : vector<16xi32>
      %swap3A_1098 = arith.constant 2 : i32
      %swap3A_1099 = arith.index_cast %swap3A_1098 : i32 to index
      %swap3A_1100 = arith.constant 16 : index
      %swap3A_1101 = tpu.vector_load %arg9[%swap3A_1099, %swap3A_1100] {strides = array<i32>} : memref<5x64xi32, #tpu.memory_space<vmem>>, vector<16xi32>,
      tpu.vector_store %arg9[%swap3A_1099, %swap3A_1100], %or3A_1097 {strides = array<i32>} : memref<5x64xi32, #tpu.memory_space<vmem>>, vector<16xi32>,
      %get3A_1102 = arith.constant 2 : i32
      %get3A_1103 = arith.index_cast %get3A_1102 : i32 to index
      %get3A_1104 = arith.constant 32 : index
      %get3A_1105 = tpu.vector_load %arg7[%get3A_1103, %get3A_1104] {strides = array<i32>} : memref<5x64xi32, #tpu.memory_space<vmem>>, vector<16xi32>,
      %shift_right_logical3A_1106 = arith.constant 15 : i32
      %shift_right_logical3A_1107 = vector.broadcast %shift_right_logical3A_1106 : i32 to vector<16xi32>
      %shift_right_logical3A_1108 = arith.shrui %get3A_1105, %shift_right_logical3A_1107 : vector<16xi32>
      %shift_left3A_1109 = arith.constant 13 : i32
      %shift_left3A_1110 = vector.broadcast %shift_left3A_1109 : i32 to vector<16xi32>
      %shift_left3A_1111 = arith.shli %shift_right_logical3A_1108, %shift_left3A_1110 : vector<16xi32>
      %and3A_1112 = arith.constant 8191 : i32
      %and3A_1113 = vector.broadcast %and3A_1112 : i32 to vector<16xi32>
      %and3A_1114 = arith.andi %get3A_1105, %and3A_1113 : vector<16xi32>
      %or3A_1115 = arith.ori %shift_left3A_1111, %and3A_1114 : vector<16xi32>
      %swap3A_1116 = arith.constant 2 : i32
      %swap3A_1117 = arith.index_cast %swap3A_1116 : i32 to index
      %swap3A_1118 = arith.constant 32 : index
      %swap3A_1119 = tpu.vector_load %arg9[%swap3A_1117, %swap3A_1118] {strides = array<i32>} : memref<5x64xi32, #tpu.memory_space<vmem>>, vector<16xi32>,
      tpu.vector_store %arg9[%swap3A_1117, %swap3A_1118], %or3A_1115 {strides = array<i32>} : memref<5x64xi32, #tpu.memory_space<vmem>>, vector<16xi32>,
      %get3A_1120 = arith.constant 2 : i32
      %get3A_1121 = arith.index_cast %get3A_1120 : i32 to index
      %get3A_1122 = arith.constant 48 : index
      %get3A_1123 = tpu.vector_load %arg7[%get3A_1121, %get3A_1122] {strides = array<i32>} : memref<5x64xi32, #tpu.memory_space<vmem>>, vector<16xi32>,
      %shift_right_logical3A_1124 = arith.constant 15 : i32
      %shift_right_logical3A_1125 = vector.broadcast %shift_right_logical3A_1124 : i32 to vector<16xi32>
      %shift_right_logical3A_1126 = arith.shrui %get3A_1123, %shift_right_logical3A_1125 : vector<16xi32>
      %shift_left3A_1127 = arith.constant 13 : i32
      %shift_left3A_1128 = vector.broadcast %shift_left3A_1127 : i32 to vector<16xi32>
      %shift_left3A_1129 = arith.shli %shift_right_logical3A_1126, %shift_left3A_1128 : vector<16xi32>
      %and3A_1130 = arith.constant 8191 : i32
      %and3A_1131 = vector.broadcast %and3A_1130 : i32 to vector<16xi32>
      %and3A_1132 = arith.andi %get3A_1123, %and3A_1131 : vector<16xi32>
      %or3A_1133 = arith.ori %shift_left3A_1129, %and3A_1132 : vector<16xi32>
      %swap3A_1134 = arith.constant 2 : i32
      %swap3A_1135 = arith.index_cast %swap3A_1134 : i32 to index
      %swap3A_1136 = arith.constant 48 : index
      %swap3A_1137 = tpu.vector_load %arg9[%swap3A_1135, %swap3A_1136] {strides = array<i32>} : memref<5x64xi32, #tpu.memory_space<vmem>>, vector<16xi32>,
      tpu.vector_store %arg9[%swap3A_1135, %swap3A_1136], %or3A_1133 {strides = array<i32>} : memref<5x64xi32, #tpu.memory_space<vmem>>, vector<16xi32>,
      %get3A_1138 = arith.constant 3 : i32
      %get3A_1139 = arith.index_cast %get3A_1138 : i32 to index
      %get3A_1140 = arith.constant 0 : index
      %get3A_1141 = tpu.vector_load %arg7[%get3A_1139, %get3A_1140] {strides = array<i32>} : memref<5x64xi32, #tpu.memory_space<vmem>>, vector<16xi32>,
      %shift_right_logical3A_1142 = arith.constant 15 : i32
      %shift_right_logical3A_1143 = vector.broadcast %shift_right_logical3A_1142 : i32 to vector<16xi32>
      %shift_right_logical3A_1144 = arith.shrui %get3A_1141, %shift_right_logical3A_1143 : vector<16xi32>
      %shift_left3A_1145 = arith.constant 13 : i32
      %shift_left3A_1146 = vector.broadcast %shift_left3A_1145 : i32 to vector<16xi32>
      %shift_left3A_1147 = arith.shli %shift_right_logical3A_1144, %shift_left3A_1146 : vector<16xi32>
      %and3A_1148 = arith.constant 8191 : i32
      %and3A_1149 = vector.broadcast %and3A_1148 : i32 to vector<16xi32>
      %and3A_1150 = arith.andi %get3A_1141, %and3A_1149 : vector<16xi32>
      %or3A_1151 = arith.ori %shift_left3A_1147, %and3A_1150 : vector<16xi32>
      %swap3A_1152 = arith.constant 3 : i32
      %swap3A_1153 = arith.index_cast %swap3A_1152 : i32 to index
      %swap3A_1154 = arith.constant 0 : index
      %swap3A_1155 = tpu.vector_load %arg9[%swap3A_1153, %swap3A_1154] {strides = array<i32>} : memref<5x64xi32, #tpu.memory_space<vmem>>, vector<16xi32>,
      tpu.vector_store %arg9[%swap3A_1153, %swap3A_1154], %or3A_1151 {strides = array<i32>} : memref<5x64xi32, #tpu.memory_space<vmem>>, vector<16xi32>,
      %get3A_1156 = arith.constant 3 : i32
      %get3A_1157 = arith.index_cast %get3A_1156 : i32 to index
      %get3A_1158 = arith.constant 16 : index
      %get3A_1159 = tpu.vector_load %arg7[%get3A_1157, %get3A_1158] {strides = array<i32>} : memref<5x64xi32, #tpu.memory_space<vmem>>, vector<16xi32>,
      %shift_right_logical3A_1160 = arith.constant 15 : i32
      %shift_right_logical3A_1161 = vector.broadcast %shift_right_logical3A_1160 : i32 to vector<16xi32>
      %shift_right_logical3A_1162 = arith.shrui %get3A_1159, %shift_right_logical3A_1161 : vector<16xi32>
      %shift_left3A_1163 = arith.constant 13 : i32
      %shift_left3A_1164 = vector.broadcast %shift_left3A_1163 : i32 to vector<16xi32>
      %shift_left3A_1165 = arith.shli %shift_right_logical3A_1162, %shift_left3A_1164 : vector<16xi32>
      %and3A_1166 = arith.constant 8191 : i32
      %and3A_1167 = vector.broadcast %and3A_1166 : i32 to vector<16xi32>
      %and3A_1168 = arith.andi %get3A_1159, %and3A_1167 : vector<16xi32>
      %or3A_1169 = arith.ori %shift_left3A_1165, %and3A_1168 : vector<16xi32>
      %swap3A_1170 = arith.constant 3 : i32
      %swap3A_1171 = arith.index_cast %swap3A_1170 : i32 to index
      %swap3A_1172 = arith.constant 16 : index
      %swap3A_1173 = tpu.vector_load %arg9[%swap3A_1171, %swap3A_1172] {strides = array<i32>} : memref<5x64xi32, #tpu.memory_space<vmem>>, vector<16xi32>,
      tpu.vector_store %arg9[%swap3A_1171, %swap3A_1172], %or3A_1169 {strides = array<i32>} : memref<5x64xi32, #tpu.memory_space<vmem>>, vector<16xi32>,
      %get3A_1174 = arith.constant 3 : i32
      %get3A_1175 = arith.index_cast %get3A_1174 : i32 to index
      %get3A_1176 = arith.constant 32 : index
      %get3A_1177 = tpu.vector_load %arg7[%get3A_1175, %get3A_1176] {strides = array<i32>} : memref<5x64xi32, #tpu.memory_space<vmem>>, vector<16xi32>,
      %shift_right_logical3A_1178 = arith.constant 15 : i32
      %shift_right_logical3A_1179 = vector.broadcast %shift_right_logical3A_1178 : i32 to vector<16xi32>
      %shift_right_logical3A_1180 = arith.shrui %get3A_1177, %shift_right_logical3A_1179 : vector<16xi32>
      %shift_left3A_1181 = arith.constant 13 : i32
      %shift_left3A_1182 = vector.broadcast %shift_left3A_1181 : i32 to vector<16xi32>
      %shift_left3A_1183 = arith.shli %shift_right_logical3A_1180, %shift_left3A_1182 : vector<16xi32>
      %and3A_1184 = arith.constant 8191 : i32
      %and3A_1185 = vector.broadcast %and3A_1184 : i32 to vector<16xi32>
      %and3A_1186 = arith.andi %get3A_1177, %and3A_1185 : vector<16xi32>
      %or3A_1187 = arith.ori %shift_left3A_1183, %and3A_1186 : vector<16xi32>
      %swap3A_1188 = arith.constant 3 : i32
      %swap3A_1189 = arith.index_cast %swap3A_1188 : i32 to index
      %swap3A_1190 = arith.constant 32 : index
      %swap3A_1191 = tpu.vector_load %arg9[%swap3A_1189, %swap3A_1190] {strides = array<i32>} : memref<5x64xi32, #tpu.memory_space<vmem>>, vector<16xi32>,
      tpu.vector_store %arg9[%swap3A_1189, %swap3A_1190], %or3A_1187 {strides = array<i32>} : memref<5x64xi32, #tpu.memory_space<vmem>>, vector<16xi32>,
      %get3A_1192 = arith.constant 3 : i32
      %get3A_1193 = arith.index_cast %get3A_1192 : i32 to index
      %get3A_1194 = arith.constant 48 : index
      %get3A_1195 = tpu.vector_load %arg7[%get3A_1193, %get3A_1194] {strides = array<i32>} : memref<5x64xi32, #tpu.memory_space<vmem>>, vector<16xi32>,
      %shift_right_logical3A_1196 = arith.constant 15 : i32
      %shift_right_logical3A_1197 = vector.broadcast %shift_right_logical3A_1196 : i32 to vector<16xi32>
      %shift_right_logical3A_1198 = arith.shrui %get3A_1195, %shift_right_logical3A_1197 : vector<16xi32>
      %shift_left3A_1199 = arith.constant 13 : i32
      %shift_left3A_1200 = vector.broadcast %shift_left3A_1199 : i32 to vector<16xi32>
      %shift_left3A_1201 = arith.shli %shift_right_logical3A_1198, %shift_left3A_1200 : vector<16xi32>
      %and3A_1202 = arith.constant 8191 : i32
      %and3A_1203 = vector.broadcast %and3A_1202 : i32 to vector<16xi32>
      %and3A_1204 = arith.andi %get3A_1195, %and3A_1203 : vector<16xi32>
      %or3A_1205 = arith.ori %shift_left3A_1201, %and3A_1204 : vector<16xi32>
      %swap3A_1206 = arith.constant 3 : i32
      %swap3A_1207 = arith.index_cast %swap3A_1206 : i32 to index
      %swap3A_1208 = arith.constant 48 : index
      %swap3A_1209 = tpu.vector_load %arg9[%swap3A_1207, %swap3A_1208] {strides = array<i32>} : memref<5x64xi32, #tpu.memory_space<vmem>>, vector<16xi32>,
      tpu.vector_store %arg9[%swap3A_1207, %swap3A_1208], %or3A_1205 {strides = array<i32>} : memref<5x64xi32, #tpu.memory_space<vmem>>, vector<16xi32>,
      %get3A_1210 = arith.constant 4 : i32
      %get3A_1211 = arith.index_cast %get3A_1210 : i32 to index
      %get3A_1212 = arith.constant 0 : index
      %get3A_1213 = tpu.vector_load %arg7[%get3A_1211, %get3A_1212] {strides = array<i32>} : memref<5x64xi32, #tpu.memory_space<vmem>>, vector<16xi32>,
      %shift_right_logical3A_1214 = arith.constant 15 : i32
      %shift_right_logical3A_1215 = vector.broadcast %shift_right_logical3A_1214 : i32 to vector<16xi32>
      %shift_right_logical3A_1216 = arith.shrui %get3A_1213, %shift_right_logical3A_1215 : vector<16xi32>
      %shift_left3A_1217 = arith.constant 13 : i32
      %shift_left3A_1218 = vector.broadcast %shift_left3A_1217 : i32 to vector<16xi32>
      %shift_left3A_1219 = arith.shli %shift_right_logical3A_1216, %shift_left3A_1218 : vector<16xi32>
      %and3A_1220 = arith.constant 8191 : i32
      %and3A_1221 = vector.broadcast %and3A_1220 : i32 to vector<16xi32>
      %and3A_1222 = arith.andi %get3A_1213, %and3A_1221 : vector<16xi32>
      %or3A_1223 = arith.ori %shift_left3A_1219, %and3A_1222 : vector<16xi32>
      %swap3A_1224 = arith.constant 4 : i32
      %swap3A_1225 = arith.index_cast %swap3A_1224 : i32 to index
      %swap3A_1226 = arith.constant 0 : index
      %swap3A_1227 = tpu.vector_load %arg9[%swap3A_1225, %swap3A_1226] {strides = array<i32>} : memref<5x64xi32, #tpu.memory_space<vmem>>, vector<16xi32>,
      tpu.vector_store %arg9[%swap3A_1225, %swap3A_1226], %or3A_1223 {strides = array<i32>} : memref<5x64xi32, #tpu.memory_space<vmem>>, vector<16xi32>,
      %get3A_1228 = arith.constant 4 : i32
      %get3A_1229 = arith.index_cast %get3A_1228 : i32 to index
      %get3A_1230 = arith.constant 16 : index
      %get3A_1231 = tpu.vector_load %arg7[%get3A_1229, %get3A_1230] {strides = array<i32>} : memref<5x64xi32, #tpu.memory_space<vmem>>, vector<16xi32>,
      %shift_right_logical3A_1232 = arith.constant 15 : i32
      %shift_right_logical3A_1233 = vector.broadcast %shift_right_logical3A_1232 : i32 to vector<16xi32>
      %shift_right_logical3A_1234 = arith.shrui %get3A_1231, %shift_right_logical3A_1233 : vector<16xi32>
      %shift_left3A_1235 = arith.constant 13 : i32
      %shift_left3A_1236 = vector.broadcast %shift_left3A_1235 : i32 to vector<16xi32>
      %shift_left3A_1237 = arith.shli %shift_right_logical3A_1234, %shift_left3A_1236 : vector<16xi32>
      %and3A_1238 = arith.constant 8191 : i32
      %and3A_1239 = vector.broadcast %and3A_1238 : i32 to vector<16xi32>
      %and3A_1240 = arith.andi %get3A_1231, %and3A_1239 : vector<16xi32>
      %or3A_1241 = arith.ori %shift_left3A_1237, %and3A_1240 : vector<16xi32>
      %swap3A_1242 = arith.constant 4 : i32
      %swap3A_1243 = arith.index_cast %swap3A_1242 : i32 to index
      %swap3A_1244 = arith.constant 16 : index
      %swap3A_1245 = tpu.vector_load %arg9[%swap3A_1243, %swap3A_1244] {strides = array<i32>} : memref<5x64xi32, #tpu.memory_space<vmem>>, vector<16xi32>,
      tpu.vector_store %arg9[%swap3A_1243, %swap3A_1244], %or3A_1241 {strides = array<i32>} : memref<5x64xi32, #tpu.memory_space<vmem>>, vector<16xi32>,
      %get3A_1246 = arith.constant 4 : i32
      %get3A_1247 = arith.index_cast %get3A_1246 : i32 to index
      %get3A_1248 = arith.constant 32 : index
      %get3A_1249 = tpu.vector_load %arg7[%get3A_1247, %get3A_1248] {strides = array<i32>} : memref<5x64xi32, #tpu.memory_space<vmem>>, vector<16xi32>,
      %shift_right_logical3A_1250 = arith.constant 15 : i32
      %shift_right_logical3A_1251 = vector.broadcast %shift_right_logical3A_1250 : i32 to vector<16xi32>
      %shift_right_logical3A_1252 = arith.shrui %get3A_1249, %shift_right_logical3A_1251 : vector<16xi32>
      %shift_left3A_1253 = arith.constant 13 : i32
      %shift_left3A_1254 = vector.broadcast %shift_left3A_1253 : i32 to vector<16xi32>
      %shift_left3A_1255 = arith.shli %shift_right_logical3A_1252, %shift_left3A_1254 : vector<16xi32>
      %and3A_1256 = arith.constant 8191 : i32
      %and3A_1257 = vector.broadcast %and3A_1256 : i32 to vector<16xi32>
      %and3A_1258 = arith.andi %get3A_1249, %and3A_1257 : vector<16xi32>
      %or3A_1259 = arith.ori %shift_left3A_1255, %and3A_1258 : vector<16xi32>
      %swap3A_1260 = arith.constant 4 : i32
      %swap3A_1261 = arith.index_cast %swap3A_1260 : i32 to index
      %swap3A_1262 = arith.constant 32 : index
      %swap3A_1263 = tpu.vector_load %arg9[%swap3A_1261, %swap3A_1262] {strides = array<i32>} : memref<5x64xi32, #tpu.memory_space<vmem>>, vector<16xi32>,
      tpu.vector_store %arg9[%swap3A_1261, %swap3A_1262], %or3A_1259 {strides = array<i32>} : memref<5x64xi32, #tpu.memory_space<vmem>>, vector<16xi32>,
      %get3A_1264 = arith.constant 4 : i32
      %get3A_1265 = arith.index_cast %get3A_1264 : i32 to index
      %get3A_1266 = arith.constant 48 : index
      %get3A_1267 = tpu.vector_load %arg7[%get3A_1265, %get3A_1266] {strides = array<i32>} : memref<5x64xi32, #tpu.memory_space<vmem>>, vector<16xi32>,
      %shift_right_logical3A_1268 = arith.constant 15 : i32
      %shift_right_logical3A_1269 = vector.broadcast %shift_right_logical3A_1268 : i32 to vector<16xi32>
      %shift_right_logical3A_1270 = arith.shrui %get3A_1267, %shift_right_logical3A_1269 : vector<16xi32>
      %shift_left3A_1271 = arith.constant 13 : i32
      %shift_left3A_1272 = vector.broadcast %shift_left3A_1271 : i32 to vector<16xi32>
      %shift_left3A_1273 = arith.shli %shift_right_logical3A_1270, %shift_left3A_1272 : vector<16xi32>
      %and3A_1274 = arith.constant 8191 : i32
      %and3A_1275 = vector.broadcast %and3A_1274 : i32 to vector<16xi32>
      %and3A_1276 = arith.andi %get3A_1267, %and3A_1275 : vector<16xi32>
      %or3A_1277 = arith.ori %shift_left3A_1273, %and3A_1276 : vector<16xi32>
      %swap3A_1278 = arith.constant 4 : i32
      %swap3A_1279 = arith.index_cast %swap3A_1278 : i32 to index
      %swap3A_1280 = arith.constant 48 : index
      %swap3A_1281 = tpu.vector_load %arg9[%swap3A_1279, %swap3A_1280] {strides = array<i32>} : memref<5x64xi32, #tpu.memory_space<vmem>>, vector<16xi32>,
      tpu.vector_store %arg9[%swap3A_1279, %swap3A_1280], %or3A_1277 {strides = array<i32>} : memref<5x64xi32, #tpu.memory_space<vmem>>, vector<16xi32>,
      %dma_start3A_1282 = arith.constant 0 : i32
      %dma_start3A_1283 = arith.constant 0 : i32
      %dma_start3A_1284 = tpu.memref_slice %arg9[%dma_start3A_1282, %dma_start3A_1283] : memref<5x64xi32, #tpu.memory_space<vmem>> -> memref<1x64xi32, #tpu.memory_space<vmem>>
      %dma_start3A_1285 = tpu.memref_squeeze %dma_start3A_1284 : memref<1x64xi32, #tpu.memory_space<vmem>> -> memref<64xi32, #tpu.memory_space<vmem>>
      %dma_start3A_1286 = arith.constant 0 : i32
      %dma_start3A_1287 = arith.constant 0 : i32
      %dma_start3A_1288 = tpu.memref_slice %arg2[%dma_start3A_1286, %dma_start3A_1287] : memref<253952x128xi32, #tpu.memory_space<hbm>> -> memref<253952x128xi32, #tpu.memory_space<hbm>>
      tpu.enqueue_indirect_dma source(%dma_start3A_1288 : memref<253952x128xi32, #tpu.memory_space<hbm>>) target(%arg11 : memref<64x128xi32, #tpu.memory_space<vmem>>) offsets(%dma_start3A_1285 : memref<64xi32, #tpu.memory_space<vmem>>) semaphore(%arg23 : memref<!tpu.dma_semaphore, #tpu.memory_space<semaphore_mem>>)
      %dma_start3A_1289 = arith.constant 1 : i32
      %dma_start3A_1290 = arith.constant 0 : i32
      %dma_start3A_1291 = tpu.memref_slice %arg9[%dma_start3A_1289, %dma_start3A_1290] : memref<5x64xi32, #tpu.memory_space<vmem>> -> memref<1x64xi32, #tpu.memory_space<vmem>>
      %dma_start3A_1292 = tpu.memref_squeeze %dma_start3A_1291 : memref<1x64xi32, #tpu.memory_space<vmem>> -> memref<64xi32, #tpu.memory_space<vmem>>
      %dma_start3A_1293 = arith.constant 0 : i32
      %dma_start3A_1294 = arith.constant 0 : i32
      %dma_start3A_1295 = tpu.memref_slice %arg3[%dma_start3A_1293, %dma_start3A_1294] : memref<253952x128xi32, #tpu.memory_space<hbm>> -> memref<253952x128xi32, #tpu.memory_space<hbm>>
      tpu.enqueue_indirect_dma source(%dma_start3A_1295 : memref<253952x128xi32, #tpu.memory_space<hbm>>) target(%arg12 : memref<64x128xi32, #tpu.memory_space<vmem>>) offsets(%dma_start3A_1292 : memref<64xi32, #tpu.memory_space<vmem>>) semaphore(%arg23 : memref<!tpu.dma_semaphore, #tpu.memory_space<semaphore_mem>>)
      %dma_start3A_1296 = arith.constant 2 : i32
      %dma_start3A_1297 = arith.constant 0 : i32
      %dma_start3A_1298 = tpu.memref_slice %arg9[%dma_start3A_1296, %dma_start3A_1297] : memref<5x64xi32, #tpu.memory_space<vmem>> -> memref<1x64xi32, #tpu.memory_space<vmem>>
      %dma_start3A_1299 = tpu.memref_squeeze %dma_start3A_1298 : memref<1x64xi32, #tpu.memory_space<vmem>> -> memref<64xi32, #tpu.memory_space<vmem>>
      %dma_start3A_1300 = arith.constant 0 : i32
      %dma_start3A_1301 = arith.constant 0 : i32
      %dma_start3A_1302 = tpu.memref_slice %arg2[%dma_start3A_1300, %dma_start3A_1301] : memref<253952x128xi32, #tpu.memory_space<hbm>> -> memref<253952x128xi32, #tpu.memory_space<hbm>>
      tpu.enqueue_indirect_dma source(%dma_start3A_1302 : memref<253952x128xi32, #tpu.memory_space<hbm>>) target(%arg13 : memref<64x128xi32, #tpu.memory_space<vmem>>) offsets(%dma_start3A_1299 : memref<64xi32, #tpu.memory_space<vmem>>) semaphore(%arg23 : memref<!tpu.dma_semaphore, #tpu.memory_space<semaphore_mem>>)
      %dma_start3A_1303 = arith.constant 3 : i32
      %dma_start3A_1304 = arith.constant 0 : i32
      %dma_start3A_1305 = tpu.memref_slice %arg9[%dma_start3A_1303, %dma_start3A_1304] : memref<5x64xi32, #tpu.memory_space<vmem>> -> memref<1x64xi32, #tpu.memory_space<vmem>>
      %dma_start3A_1306 = tpu.memref_squeeze %dma_start3A_1305 : memref<1x64xi32, #tpu.memory_space<vmem>> -> memref<64xi32, #tpu.memory_space<vmem>>
      %dma_start3A_1307 = arith.constant 0 : i32
      %dma_start3A_1308 = arith.constant 0 : i32
      %dma_start3A_1309 = tpu.memref_slice %arg3[%dma_start3A_1307, %dma_start3A_1308] : memref<253952x128xi32, #tpu.memory_space<hbm>> -> memref<253952x128xi32, #tpu.memory_space<hbm>>
      tpu.enqueue_indirect_dma source(%dma_start3A_1309 : memref<253952x128xi32, #tpu.memory_space<hbm>>) target(%arg14 : memref<64x128xi32, #tpu.memory_space<vmem>>) offsets(%dma_start3A_1306 : memref<64xi32, #tpu.memory_space<vmem>>) semaphore(%arg23 : memref<!tpu.dma_semaphore, #tpu.memory_space<semaphore_mem>>)
      %dma_start3A_1310 = arith.constant 4 : i32
      %dma_start3A_1311 = arith.constant 0 : i32
      %dma_start3A_1312 = tpu.memref_slice %arg9[%dma_start3A_1310, %dma_start3A_1311] : memref<5x64xi32, #tpu.memory_space<vmem>> -> memref<1x64xi32, #tpu.memory_space<vmem>>
      %dma_start3A_1313 = tpu.memref_squeeze %dma_start3A_1312 : memref<1x64xi32, #tpu.memory_space<vmem>> -> memref<64xi32, #tpu.memory_space<vmem>>
      %dma_start3A_1314 = arith.constant 0 : i32
      %dma_start3A_1315 = arith.constant 0 : i32
      %dma_start3A_1316 = tpu.memref_slice %arg2[%dma_start3A_1314, %dma_start3A_1315] : memref<253952x128xi32, #tpu.memory_space<hbm>> -> memref<253952x128xi32, #tpu.memory_space<hbm>>
      tpu.enqueue_indirect_dma source(%dma_start3A_1316 : memref<253952x128xi32, #tpu.memory_space<hbm>>) target(%arg15 : memref<64x128xi32, #tpu.memory_space<vmem>>) offsets(%dma_start3A_1313 : memref<64xi32, #tpu.memory_space<vmem>>) semaphore(%arg23 : memref<!tpu.dma_semaphore, #tpu.memory_space<semaphore_mem>>)
      %add3A_1317 = arith.constant 1 : i32
      %add3A_1318 = arith.addi %mul3A_445, %add3A_1317 : i32
      %scan3A_1319 = arith.constant 0 : i32
      %scan3A_1320 = arith.constant 0 : i32
      %scan3A_1321 = arith.constant 4 : i32
      %scan3A_1322 = arith.addi %scan3A_1320, %scan3A_1321 : i32
      %scan3A_1323 = arith.constant 1 : i32
      scf.for %scan3A_1325 = %scan3A_1320 to %scan3A_1322 step %scan3A_1323  : i32 {
        %mul3A_1326 = arith.constant 16 : i32
        %mul3A_1327 = arith.muli %scan3A_1325, %mul3A_1326 : i32
        %add3A_1328 = vector.broadcast %mul3A_1327 : i32 to vector<16xi32>
        %add3A_1329 = arith.addi %add3A_1328, %iota3A : vector<16xi32>
        %mul3A_1330 = arith.constant 16 : i32
        %mul3A_1331 = arith.muli %scan3A_1325, %mul3A_1330 : i32
        %get3A_1332 = arith.constant 0 : i32
        %get3A_1333 = arith.index_cast %get3A_1332 : i32 to index
        %get3A_1334 = arith.index_cast %mul3A_1331 : i32 to index
        %get3A_1335 = tpu.vector_load %arg8[%get3A_1333, %get3A_1334] {strides = array<i32>} : memref<5x64xi32, #tpu.memory_space<vmem>>, vector<16xi32>,
        %shift_right_logical3A_1336 = arith.constant 13 : i32
        %shift_right_logical3A_1337 = vector.broadcast %shift_right_logical3A_1336 : i32 to vector<16xi32>
        %shift_right_logical3A_1338 = arith.shrui %get3A_1335, %shift_right_logical3A_1337 : vector<16xi32>
        %and3A_1339 = arith.constant 3 : i32
        %and3A_1340 = vector.broadcast %and3A_1339 : i32 to vector<16xi32>
        %and3A_1341 = arith.andi %shift_right_logical3A_1338, %and3A_1340 : vector<16xi32>
        %shift_left3A_1342 = arith.constant 5 : i32
        %shift_left3A_1343 = vector.broadcast %shift_left3A_1342 : i32 to vector<16xi32>
        %shift_left3A_1344 = arith.shli %and3A_1341, %shift_left3A_1343 : vector<16xi32>
        %mul3A_1345 = arith.constant 16 : i32
        %mul3A_1346 = arith.muli %scan3A_1325, %mul3A_1345 : i32
        %get3A_1347 = arith.constant 1 : i32
        %get3A_1348 = arith.index_cast %get3A_1347 : i32 to index
        %get3A_1349 = arith.index_cast %mul3A_1346 : i32 to index
        %get3A_1350 = tpu.vector_load %arg8[%get3A_1348, %get3A_1349] {strides = array<i32>} : memref<5x64xi32, #tpu.memory_space<vmem>>, vector<16xi32>,
        %shift_right_logical3A_1351 = arith.constant 13 : i32
        %shift_right_logical3A_1352 = vector.broadcast %shift_right_logical3A_1351 : i32 to vector<16xi32>
        %shift_right_logical3A_1353 = arith.shrui %get3A_1350, %shift_right_logical3A_1352 : vector<16xi32>
        %and3A_1354 = arith.constant 3 : i32
        %and3A_1355 = vector.broadcast %and3A_1354 : i32 to vector<16xi32>
        %and3A_1356 = arith.andi %shift_right_logical3A_1353, %and3A_1355 : vector<16xi32>
        %shift_left3A_1357 = arith.constant 5 : i32
        %shift_left3A_1358 = vector.broadcast %shift_left3A_1357 : i32 to vector<16xi32>
        %shift_left3A_1359 = arith.shli %and3A_1356, %shift_left3A_1358 : vector<16xi32>
        %mul3A_1360 = arith.constant 16 : i32
        %mul3A_1361 = arith.muli %scan3A_1325, %mul3A_1360 : i32
        %get3A_1362 = arith.constant 2 : i32
        %get3A_1363 = arith.index_cast %get3A_1362 : i32 to index
        %get3A_1364 = arith.index_cast %mul3A_1361 : i32 to index
        %get3A_1365 = tpu.vector_load %arg8[%get3A_1363, %get3A_1364] {strides = array<i32>} : memref<5x64xi32, #tpu.memory_space<vmem>>, vector<16xi32>,
        %shift_right_logical3A_1366 = arith.constant 13 : i32
        %shift_right_logical3A_1367 = vector.broadcast %shift_right_logical3A_1366 : i32 to vector<16xi32>
        %shift_right_logical3A_1368 = arith.shrui %get3A_1365, %shift_right_logical3A_1367 : vector<16xi32>
        %and3A_1369 = arith.constant 3 : i32
        %and3A_1370 = vector.broadcast %and3A_1369 : i32 to vector<16xi32>
        %and3A_1371 = arith.andi %shift_right_logical3A_1368, %and3A_1370 : vector<16xi32>
        %shift_left3A_1372 = arith.constant 5 : i32
        %shift_left3A_1373 = vector.broadcast %shift_left3A_1372 : i32 to vector<16xi32>
        %shift_left3A_1374 = arith.shli %and3A_1371, %shift_left3A_1373 : vector<16xi32>
        %mul3A_1375 = arith.constant 16 : i32
        %mul3A_1376 = arith.muli %scan3A_1325, %mul3A_1375 : i32
        %get3A_1377 = arith.constant 3 : i32
        %get3A_1378 = arith.index_cast %get3A_1377 : i32 to index
        %get3A_1379 = arith.index_cast %mul3A_1376 : i32 to index
        %get3A_1380 = tpu.vector_load %arg8[%get3A_1378, %get3A_1379] {strides = array<i32>} : memref<5x64xi32, #tpu.memory_space<vmem>>, vector<16xi32>,
        %shift_right_logical3A_1381 = arith.constant 13 : i32
        %shift_right_logical3A_1382 = vector.broadcast %shift_right_logical3A_1381 : i32 to vector<16xi32>
        %shift_right_logical3A_1383 = arith.shrui %get3A_1380, %shift_right_logical3A_1382 : vector<16xi32>
        %and3A_1384 = arith.constant 3 : i32
        %and3A_1385 = vector.broadcast %and3A_1384 : i32 to vector<16xi32>
        %and3A_1386 = arith.andi %shift_right_logical3A_1383, %and3A_1385 : vector<16xi32>
        %shift_left3A_1387 = arith.constant 5 : i32
        %shift_left3A_1388 = vector.broadcast %shift_left3A_1387 : i32 to vector<16xi32>
        %shift_left3A_1389 = arith.shli %and3A_1386, %shift_left3A_1388 : vector<16xi32>
        %mul3A_1390 = arith.constant 16 : i32
        %mul3A_1391 = arith.muli %scan3A_1325, %mul3A_1390 : i32
        %get3A_1392 = arith.constant 4 : i32
        %get3A_1393 = arith.index_cast %get3A_1392 : i32 to index
        %get3A_1394 = arith.index_cast %mul3A_1391 : i32 to index
        %get3A_1395 = tpu.vector_load %arg8[%get3A_1393, %get3A_1394] {strides = array<i32>} : memref<5x64xi32, #tpu.memory_space<vmem>>, vector<16xi32>,
        %shift_right_logical3A_1396 = arith.constant 13 : i32
        %shift_right_logical3A_1397 = vector.broadcast %shift_right_logical3A_1396 : i32 to vector<16xi32>
        %shift_right_logical3A_1398 = arith.shrui %get3A_1395, %shift_right_logical3A_1397 : vector<16xi32>
        %and3A_1399 = arith.constant 3 : i32
        %and3A_1400 = vector.broadcast %and3A_1399 : i32 to vector<16xi32>
        %and3A_1401 = arith.andi %shift_right_logical3A_1398, %and3A_1400 : vector<16xi32>
        %shift_left3A_1402 = arith.constant 5 : i32
        %shift_left3A_1403 = vector.broadcast %shift_left3A_1402 : i32 to vector<16xi32>
        %shift_left3A_1404 = arith.shli %and3A_1401, %shift_left3A_1403 : vector<16xi32>
        %broadcast_in_dim3A_1405 = arith.constant -65536 : i32
        %broadcast_in_dim3A_1406 = vector.broadcast %broadcast_in_dim3A_1405 : i32 to vector<16xi32>
        %scan3A_1407 = arith.constant 0 : i32
        %scan3A_1408 = arith.constant 32 : i32
        %scan3A_1409 = arith.addi %scan3A_1407, %scan3A_1408 : i32
        %scan3A_1410 = arith.constant 8 : i32
        %scan3A_1411 = scf.for %scan3A_1420 = %scan3A_1407 to %scan3A_1409 step %scan3A_1410 iter_args(%scan3A_1421 = %broadcast_in_dim3A_1) -> (vector<16xf32>)  : i32 {
          %add3A_1422 = vector.broadcast %scan3A_1420 : i32 to vector<16xi32>
          %add3A_1423 = arith.addi %add3A_1422, %iota3A : vector<16xi32>
          %and3A_1424 = arith.constant 31 : i32
          %and3A_1425 = vector.broadcast %and3A_1424 : i32 to vector<16xi32>
          %and3A_1426 = arith.andi %add3A_1423, %and3A_1425 : vector<16xi32>
          %add3A_1427 = arith.addi %shift_left3A_1344, %and3A_1426 : vector<16xi32>
          %gather3A = tpu.vector_load_idx %arg16[%add3A_1329, %add3A_1427] : memref<64x128xi32, #tpu.memory_space<vmem>>[vector<16xi32>, vector<16xi32>], vector<16xi32>,
          %bitcast3A = vector.bitcast %gather3A : vector<16xi32> to vector<16xi32>
          %and3A_1428 = arith.andi %bitcast3A, %broadcast_in_dim3A_1406 : vector<16xi32>
          %bitcast3A_1429 = vector.bitcast %and3A_1428 : vector<16xi32> to vector<16xf32>
          %shift_left3A_1430 = arith.constant 16 : i32
          %shift_left3A_1431 = vector.broadcast %shift_left3A_1430 : i32 to vector<16xi32>
          %shift_left3A_1432 = arith.shli %bitcast3A, %shift_left3A_1431 : vector<16xi32>
          %bitcast3A_1433 = vector.bitcast %shift_left3A_1432 : vector<16xi32> to vector<16xf32>
          %add3A_1434 = arith.addi %shift_left3A_1359, %and3A_1426 : vector<16xi32>
          %gather3A_1435 = tpu.vector_load_idx %arg17[%add3A_1329, %add3A_1434] : memref<64x128xi32, #tpu.memory_space<vmem>>[vector<16xi32>, vector<16xi32>], vector<16xi32>,
          %bitcast3A_1436 = vector.bitcast %gather3A_1435 : vector<16xi32> to vector<16xi32>
          %and3A_1437 = arith.andi %bitcast3A_1436, %broadcast_in_dim3A_1406 : vector<16xi32>
          %bitcast3A_1438 = vector.bitcast %and3A_1437 : vector<16xi32> to vector<16xf32>
          %shift_left3A_1439 = arith.constant 16 : i32
          %shift_left3A_1440 = vector.broadcast %shift_left3A_1439 : i32 to vector<16xi32>
          %shift_left3A_1441 = arith.shli %bitcast3A_1436, %shift_left3A_1440 : vector<16xi32>
          %bitcast3A_1442 = vector.bitcast %shift_left3A_1441 : vector<16xi32> to vector<16xf32>
          %add3A_1443 = arith.addi %shift_left3A_1374, %and3A_1426 : vector<16xi32>
          %gather3A_1444 = tpu.vector_load_idx %arg18[%add3A_1329, %add3A_1443] : memref<64x128xi32, #tpu.memory_space<vmem>>[vector<16xi32>, vector<16xi32>], vector<16xi32>,
          %bitcast3A_1445 = vector.bitcast %gather3A_1444 : vector<16xi32> to vector<16xi32>
          %and3A_1446 = arith.andi %bitcast3A_1445, %broadcast_in_dim3A_1406 : vector<16xi32>
          %bitcast3A_1447 = vector.bitcast %and3A_1446 : vector<16xi32> to vector<16xf32>
          %shift_left3A_1448 = arith.constant 16 : i32
          %shift_left3A_1449 = vector.broadcast %shift_left3A_1448 : i32 to vector<16xi32>
          %shift_left3A_1450 = arith.shli %bitcast3A_1445, %shift_left3A_1449 : vector<16xi32>
          %bitcast3A_1451 = vector.bitcast %shift_left3A_1450 : vector<16xi32> to vector<16xf32>
          %add3A_1452 = arith.addi %shift_left3A_1389, %and3A_1426 : vector<16xi32>
          %gather3A_1453 = tpu.vector_load_idx %arg19[%add3A_1329, %add3A_1452] : memref<64x128xi32, #tpu.memory_space<vmem>>[vector<16xi32>, vector<16xi32>], vector<16xi32>,
          %bitcast3A_1454 = vector.bitcast %gather3A_1453 : vector<16xi32> to vector<16xi32>
          %and3A_1455 = arith.andi %bitcast3A_1454, %broadcast_in_dim3A_1406 : vector<16xi32>
          %bitcast3A_1456 = vector.bitcast %and3A_1455 : vector<16xi32> to vector<16xf32>
          %shift_left3A_1457 = arith.constant 16 : i32
          %shift_left3A_1458 = vector.broadcast %shift_left3A_1457 : i32 to vector<16xi32>
          %shift_left3A_1459 = arith.shli %bitcast3A_1454, %shift_left3A_1458 : vector<16xi32>
          %bitcast3A_1460 = vector.bitcast %shift_left3A_1459 : vector<16xi32> to vector<16xf32>
          %add3A_1461 = arith.addi %shift_left3A_1404, %and3A_1426 : vector<16xi32>
          %gather3A_1462 = tpu.vector_load_idx %arg20[%add3A_1329, %add3A_1461] : memref<64x128xi32, #tpu.memory_space<vmem>>[vector<16xi32>, vector<16xi32>], vector<16xi32>,
          %bitcast3A_1463 = vector.bitcast %gather3A_1462 : vector<16xi32> to vector<16xi32>
          %and3A_1464 = arith.andi %bitcast3A_1463, %broadcast_in_dim3A_1406 : vector<16xi32>
          %bitcast3A_1465 = vector.bitcast %and3A_1464 : vector<16xi32> to vector<16xf32>
          %shift_left3A_1466 = arith.constant 16 : i32
          %shift_left3A_1467 = vector.broadcast %shift_left3A_1466 : i32 to vector<16xi32>
          %shift_left3A_1468 = arith.shli %bitcast3A_1463, %shift_left3A_1467 : vector<16xi32>
          %bitcast3A_1469 = vector.bitcast %shift_left3A_1468 : vector<16xi32> to vector<16xf32>
          %add3A_1470 = arith.addf %bitcast3A_1429, %bitcast3A_1438 : vector<16xf32>
          %sub3A = arith.subf %add3A_1470, %bitcast3A_1447 : vector<16xf32>
          %add3A_1471 = arith.addf %sub3A, %bitcast3A_1456 : vector<16xf32>
          %sub3A_1472 = arith.subf %add3A_1471, %bitcast3A_1465 : vector<16xf32>
          %add3A_1473 = arith.addf %bitcast3A_1433, %bitcast3A_1442 : vector<16xf32>
          %sub3A_1474 = arith.subf %add3A_1473, %bitcast3A_1451 : vector<16xf32>
          %add3A_1475 = arith.addf %sub3A_1474, %bitcast3A_1460 : vector<16xf32>
          %sub3A_1476 = arith.subf %add3A_1475, %bitcast3A_1469 : vector<16xf32>
          %abs3A = math.absf %sub3A_1472 : vector<16xf32>
          %add3A_1477 = arith.addf %scan3A_1421, %abs3A : vector<16xf32>
          %abs3A_1478 = math.absf %sub3A_1476 : vector<16xf32>
          %add3A_1479 = arith.addf %add3A_1477, %abs3A_1478 : vector<16xf32>
          %scan3A_1480 = arith.constant 1 : i32
          %scan3A_1481 = arith.addi %scan3A_1420, %scan3A_1480 : i32
          %add3A_1482 = vector.broadcast %scan3A_1481 : i32 to vector<16xi32>
          %add3A_1483 = arith.addi %add3A_1482, %iota3A : vector<16xi32>
          %and3A_1484 = arith.constant 31 : i32
          %and3A_1485 = vector.broadcast %and3A_1484 : i32 to vector<16xi32>
          %and3A_1486 = arith.andi %add3A_1483, %and3A_1485 : vector<16xi32>
          %add3A_1487 = arith.addi %shift_left3A_1344, %and3A_1486 : vector<16xi32>
          %gather3A_1488 = tpu.vector_load_idx %arg16[%add3A_1329, %add3A_1487] : memref<64x128xi32, #tpu.memory_space<vmem>>[vector<16xi32>, vector<16xi32>], vector<16xi32>,
          %bitcast3A_1489 = vector.bitcast %gather3A_1488 : vector<16xi32> to vector<16xi32>
          %and3A_1490 = arith.andi %bitcast3A_1489, %broadcast_in_dim3A_1406 : vector<16xi32>
          %bitcast3A_1491 = vector.bitcast %and3A_1490 : vector<16xi32> to vector<16xf32>
          %shift_left3A_1492 = arith.constant 16 : i32
          %shift_left3A_1493 = vector.broadcast %shift_left3A_1492 : i32 to vector<16xi32>
          %shift_left3A_1494 = arith.shli %bitcast3A_1489, %shift_left3A_1493 : vector<16xi32>
          %bitcast3A_1495 = vector.bitcast %shift_left3A_1494 : vector<16xi32> to vector<16xf32>
          %add3A_1496 = arith.addi %shift_left3A_1359, %and3A_1486 : vector<16xi32>
          %gather3A_1497 = tpu.vector_load_idx %arg17[%add3A_1329, %add3A_1496] : memref<64x128xi32, #tpu.memory_space<vmem>>[vector<16xi32>, vector<16xi32>], vector<16xi32>,
          %bitcast3A_1498 = vector.bitcast %gather3A_1497 : vector<16xi32> to vector<16xi32>
          %and3A_1499 = arith.andi %bitcast3A_1498, %broadcast_in_dim3A_1406 : vector<16xi32>
          %bitcast3A_1500 = vector.bitcast %and3A_1499 : vector<16xi32> to vector<16xf32>
          %shift_left3A_1501 = arith.constant 16 : i32
          %shift_left3A_1502 = vector.broadcast %shift_left3A_1501 : i32 to vector<16xi32>
          %shift_left3A_1503 = arith.shli %bitcast3A_1498, %shift_left3A_1502 : vector<16xi32>
          %bitcast3A_1504 = vector.bitcast %shift_left3A_1503 : vector<16xi32> to vector<16xf32>
          %add3A_1505 = arith.addi %shift_left3A_1374, %and3A_1486 : vector<16xi32>
          %gather3A_1506 = tpu.vector_load_idx %arg18[%add3A_1329, %add3A_1505] : memref<64x128xi32, #tpu.memory_space<vmem>>[vector<16xi32>, vector<16xi32>], vector<16xi32>,
          %bitcast3A_1507 = vector.bitcast %gather3A_1506 : vector<16xi32> to vector<16xi32>
          %and3A_1508 = arith.andi %bitcast3A_1507, %broadcast_in_dim3A_1406 : vector<16xi32>
          %bitcast3A_1509 = vector.bitcast %and3A_1508 : vector<16xi32> to vector<16xf32>
          %shift_left3A_1510 = arith.constant 16 : i32
          %shift_left3A_1511 = vector.broadcast %shift_left3A_1510 : i32 to vector<16xi32>
          %shift_left3A_1512 = arith.shli %bitcast3A_1507, %shift_left3A_1511 : vector<16xi32>
          %bitcast3A_1513 = vector.bitcast %shift_left3A_1512 : vector<16xi32> to vector<16xf32>
          %add3A_1514 = arith.addi %shift_left3A_1389, %and3A_1486 : vector<16xi32>
          %gather3A_1515 = tpu.vector_load_idx %arg19[%add3A_1329, %add3A_1514] : memref<64x128xi32, #tpu.memory_space<vmem>>[vector<16xi32>, vector<16xi32>], vector<16xi32>,
          %bitcast3A_1516 = vector.bitcast %gather3A_1515 : vector<16xi32> to vector<16xi32>
          %and3A_1517 = arith.andi %bitcast3A_1516, %broadcast_in_dim3A_1406 : vector<16xi32>
          %bitcast3A_1518 = vector.bitcast %and3A_1517 : vector<16xi32> to vector<16xf32>
          %shift_left3A_1519 = arith.constant 16 : i32
          %shift_left3A_1520 = vector.broadcast %shift_left3A_1519 : i32 to vector<16xi32>
          %shift_left3A_1521 = arith.shli %bitcast3A_1516, %shift_left3A_1520 : vector<16xi32>
          %bitcast3A_1522 = vector.bitcast %shift_left3A_1521 : vector<16xi32> to vector<16xf32>
          %add3A_1523 = arith.addi %shift_left3A_1404, %and3A_1486 : vector<16xi32>
          %gather3A_1524 = tpu.vector_load_idx %arg20[%add3A_1329, %add3A_1523] : memref<64x128xi32, #tpu.memory_space<vmem>>[vector<16xi32>, vector<16xi32>], vector<16xi32>,
          %bitcast3A_1525 = vector.bitcast %gather3A_1524 : vector<16xi32> to vector<16xi32>
          %and3A_1526 = arith.andi %bitcast3A_1525, %broadcast_in_dim3A_1406 : vector<16xi32>
          %bitcast3A_1527 = vector.bitcast %and3A_1526 : vector<16xi32> to vector<16xf32>
          %shift_left3A_1528 = arith.constant 16 : i32
          %shift_left3A_1529 = vector.broadcast %shift_left3A_1528 : i32 to vector<16xi32>
          %shift_left3A_1530 = arith.shli %bitcast3A_1525, %shift_left3A_1529 : vector<16xi32>
          %bitcast3A_1531 = vector.bitcast %shift_left3A_1530 : vector<16xi32> to vector<16xf32>
          %add3A_1532 = arith.addf %bitcast3A_1491, %bitcast3A_1500 : vector<16xf32>
          %sub3A_1533 = arith.subf %add3A_1532, %bitcast3A_1509 : vector<16xf32>
          %add3A_1534 = arith.addf %sub3A_1533, %bitcast3A_1518 : vector<16xf32>
          %sub3A_1535 = arith.subf %add3A_1534, %bitcast3A_1527 : vector<16xf32>
          %add3A_1536 = arith.addf %bitcast3A_1495, %bitcast3A_1504 : vector<16xf32>
          %sub3A_1537 = arith.subf %add3A_1536, %bitcast3A_1513 : vector<16xf32>
          %add3A_1538 = arith.addf %sub3A_1537, %bitcast3A_1522 : vector<16xf32>
          %sub3A_1539 = arith.subf %add3A_1538, %bitcast3A_1531 : vector<16xf32>
          %abs3A_1540 = math.absf %sub3A_1535 : vector<16xf32>
          %add3A_1541 = arith.addf %add3A_1479, %abs3A_1540 : vector<16xf32>
          %abs3A_1542 = math.absf %sub3A_1539 : vector<16xf32>
          %add3A_1543 = arith.addf %add3A_1541, %abs3A_1542 : vector<16xf32>
          %scan3A_1544 = arith.constant 2 : i32
          %scan3A_1545 = arith.addi %scan3A_1420, %scan3A_1544 : i32
          %add3A_1546 = vector.broadcast %scan3A_1545 : i32 to vector<16xi32>
          %add3A_1547 = arith.addi %add3A_1546, %iota3A : vector<16xi32>
          %and3A_1548 = arith.constant 31 : i32
          %and3A_1549 = vector.broadcast %and3A_1548 : i32 to vector<16xi32>
          %and3A_1550 = arith.andi %add3A_1547, %and3A_1549 : vector<16xi32>
          %add3A_1551 = arith.addi %shift_left3A_1344, %and3A_1550 : vector<16xi32>
          %gather3A_1552 = tpu.vector_load_idx %arg16[%add3A_1329, %add3A_1551] : memref<64x128xi32, #tpu.memory_space<vmem>>[vector<16xi32>, vector<16xi32>], vector<16xi32>,
          %bitcast3A_1553 = vector.bitcast %gather3A_1552 : vector<16xi32> to vector<16xi32>
          %and3A_1554 = arith.andi %bitcast3A_1553, %broadcast_in_dim3A_1406 : vector<16xi32>
          %bitcast3A_1555 = vector.bitcast %and3A_1554 : vector<16xi32> to vector<16xf32>
          %shift_left3A_1556 = arith.constant 16 : i32
          %shift_left3A_1557 = vector.broadcast %shift_left3A_1556 : i32 to vector<16xi32>
          %shift_left3A_1558 = arith.shli %bitcast3A_1553, %shift_left3A_1557 : vector<16xi32>
          %bitcast3A_1559 = vector.bitcast %shift_left3A_1558 : vector<16xi32> to vector<16xf32>
          %add3A_1560 = arith.addi %shift_left3A_1359, %and3A_1550 : vector<16xi32>
          %gather3A_1561 = tpu.vector_load_idx %arg17[%add3A_1329, %add3A_1560] : memref<64x128xi32, #tpu.memory_space<vmem>>[vector<16xi32>, vector<16xi32>], vector<16xi32>,
          %bitcast3A_1562 = vector.bitcast %gather3A_1561 : vector<16xi32> to vector<16xi32>
          %and3A_1563 = arith.andi %bitcast3A_1562, %broadcast_in_dim3A_1406 : vector<16xi32>
          %bitcast3A_1564 = vector.bitcast %and3A_1563 : vector<16xi32> to vector<16xf32>
          %shift_left3A_1565 = arith.constant 16 : i32
          %shift_left3A_1566 = vector.broadcast %shift_left3A_1565 : i32 to vector<16xi32>
          %shift_left3A_1567 = arith.shli %bitcast3A_1562, %shift_left3A_1566 : vector<16xi32>
          %bitcast3A_1568 = vector.bitcast %shift_left3A_1567 : vector<16xi32> to vector<16xf32>
          %add3A_1569 = arith.addi %shift_left3A_1374, %and3A_1550 : vector<16xi32>
          %gather3A_1570 = tpu.vector_load_idx %arg18[%add3A_1329, %add3A_1569] : memref<64x128xi32, #tpu.memory_space<vmem>>[vector<16xi32>, vector<16xi32>], vector<16xi32>,
          %bitcast3A_1571 = vector.bitcast %gather3A_1570 : vector<16xi32> to vector<16xi32>
          %and3A_1572 = arith.andi %bitcast3A_1571, %broadcast_in_dim3A_1406 : vector<16xi32>
          %bitcast3A_1573 = vector.bitcast %and3A_1572 : vector<16xi32> to vector<16xf32>
          %shift_left3A_1574 = arith.constant 16 : i32
          %shift_left3A_1575 = vector.broadcast %shift_left3A_1574 : i32 to vector<16xi32>
          %shift_left3A_1576 = arith.shli %bitcast3A_1571, %shift_left3A_1575 : vector<16xi32>
          %bitcast3A_1577 = vector.bitcast %shift_left3A_1576 : vector<16xi32> to vector<16xf32>
          %add3A_1578 = arith.addi %shift_left3A_1389, %and3A_1550 : vector<16xi32>
          %gather3A_1579 = tpu.vector_load_idx %arg19[%add3A_1329, %add3A_1578] : memref<64x128xi32, #tpu.memory_space<vmem>>[vector<16xi32>, vector<16xi32>], vector<16xi32>,
          %bitcast3A_1580 = vector.bitcast %gather3A_1579 : vector<16xi32> to vector<16xi32>
          %and3A_1581 = arith.andi %bitcast3A_1580, %broadcast_in_dim3A_1406 : vector<16xi32>
          %bitcast3A_1582 = vector.bitcast %and3A_1581 : vector<16xi32> to vector<16xf32>
          %shift_left3A_1583 = arith.constant 16 : i32
          %shift_left3A_1584 = vector.broadcast %shift_left3A_1583 : i32 to vector<16xi32>
          %shift_left3A_1585 = arith.shli %bitcast3A_1580, %shift_left3A_1584 : vector<16xi32>
          %bitcast3A_1586 = vector.bitcast %shift_left3A_1585 : vector<16xi32> to vector<16xf32>
          %add3A_1587 = arith.addi %shift_left3A_1404, %and3A_1550 : vector<16xi32>
          %gather3A_1588 = tpu.vector_load_idx %arg20[%add3A_1329, %add3A_1587] : memref<64x128xi32, #tpu.memory_space<vmem>>[vector<16xi32>, vector<16xi32>], vector<16xi32>,
          %bitcast3A_1589 = vector.bitcast %gather3A_1588 : vector<16xi32> to vector<16xi32>
          %and3A_1590 = arith.andi %bitcast3A_1589, %broadcast_in_dim3A_1406 : vector<16xi32>
          %bitcast3A_1591 = vector.bitcast %and3A_1590 : vector<16xi32> to vector<16xf32>
          %shift_left3A_1592 = arith.constant 16 : i32
          %shift_left3A_1593 = vector.broadcast %shift_left3A_1592 : i32 to vector<16xi32>
          %shift_left3A_1594 = arith.shli %bitcast3A_1589, %shift_left3A_1593 : vector<16xi32>
          %bitcast3A_1595 = vector.bitcast %shift_left3A_1594 : vector<16xi32> to vector<16xf32>
          %add3A_1596 = arith.addf %bitcast3A_1555, %bitcast3A_1564 : vector<16xf32>
          %sub3A_1597 = arith.subf %add3A_1596, %bitcast3A_1573 : vector<16xf32>
          %add3A_1598 = arith.addf %sub3A_1597, %bitcast3A_1582 : vector<16xf32>
          %sub3A_1599 = arith.subf %add3A_1598, %bitcast3A_1591 : vector<16xf32>
          %add3A_1600 = arith.addf %bitcast3A_1559, %bitcast3A_1568 : vector<16xf32>
          %sub3A_1601 = arith.subf %add3A_1600, %bitcast3A_1577 : vector<16xf32>
          %add3A_1602 = arith.addf %sub3A_1601, %bitcast3A_1586 : vector<16xf32>
          %sub3A_1603 = arith.subf %add3A_1602, %bitcast3A_1595 : vector<16xf32>
          %abs3A_1604 = math.absf %sub3A_1599 : vector<16xf32>
          %add3A_1605 = arith.addf %add3A_1543, %abs3A_1604 : vector<16xf32>
          %abs3A_1606 = math.absf %sub3A_1603 : vector<16xf32>
          %add3A_1607 = arith.addf %add3A_1605, %abs3A_1606 : vector<16xf32>
          %scan3A_1608 = arith.constant 3 : i32
          %scan3A_1609 = arith.addi %scan3A_1420, %scan3A_1608 : i32
          %add3A_1610 = vector.broadcast %scan3A_1609 : i32 to vector<16xi32>
          %add3A_1611 = arith.addi %add3A_1610, %iota3A : vector<16xi32>
          %and3A_1612 = arith.constant 31 : i32
          %and3A_1613 = vector.broadcast %and3A_1612 : i32 to vector<16xi32>
          %and3A_1614 = arith.andi %add3A_1611, %and3A_1613 : vector<16xi32>
          %add3A_1615 = arith.addi %shift_left3A_1344, %and3A_1614 : vector<16xi32>
          %gather3A_1616 = tpu.vector_load_idx %arg16[%add3A_1329, %add3A_1615] : memref<64x128xi32, #tpu.memory_space<vmem>>[vector<16xi32>, vector<16xi32>], vector<16xi32>,
          %bitcast3A_1617 = vector.bitcast %gather3A_1616 : vector<16xi32> to vector<16xi32>
          %and3A_1618 = arith.andi %bitcast3A_1617, %broadcast_in_dim3A_1406 : vector<16xi32>
          %bitcast3A_1619 = vector.bitcast %and3A_1618 : vector<16xi32> to vector<16xf32>
          %shift_left3A_1620 = arith.constant 16 : i32
          %shift_left3A_1621 = vector.broadcast %shift_left3A_1620 : i32 to vector<16xi32>
          %shift_left3A_1622 = arith.shli %bitcast3A_1617, %shift_left3A_1621 : vector<16xi32>
          %bitcast3A_1623 = vector.bitcast %shift_left3A_1622 : vector<16xi32> to vector<16xf32>
          %add3A_1624 = arith.addi %shift_left3A_1359, %and3A_1614 : vector<16xi32>
          %gather3A_1625 = tpu.vector_load_idx %arg17[%add3A_1329, %add3A_1624] : memref<64x128xi32, #tpu.memory_space<vmem>>[vector<16xi32>, vector<16xi32>], vector<16xi32>,
          %bitcast3A_1626 = vector.bitcast %gather3A_1625 : vector<16xi32> to vector<16xi32>
          %and3A_1627 = arith.andi %bitcast3A_1626, %broadcast_in_dim3A_1406 : vector<16xi32>
          %bitcast3A_1628 = vector.bitcast %and3A_1627 : vector<16xi32> to vector<16xf32>
          %shift_left3A_1629 = arith.constant 16 : i32
          %shift_left3A_1630 = vector.broadcast %shift_left3A_1629 : i32 to vector<16xi32>
          %shift_left3A_1631 = arith.shli %bitcast3A_1626, %shift_left3A_1630 : vector<16xi32>
          %bitcast3A_1632 = vector.bitcast %shift_left3A_1631 : vector<16xi32> to vector<16xf32>
          %add3A_1633 = arith.addi %shift_left3A_1374, %and3A_1614 : vector<16xi32>
          %gather3A_1634 = tpu.vector_load_idx %arg18[%add3A_1329, %add3A_1633] : memref<64x128xi32, #tpu.memory_space<vmem>>[vector<16xi32>, vector<16xi32>], vector<16xi32>,
          %bitcast3A_1635 = vector.bitcast %gather3A_1634 : vector<16xi32> to vector<16xi32>
          %and3A_1636 = arith.andi %bitcast3A_1635, %broadcast_in_dim3A_1406 : vector<16xi32>
          %bitcast3A_1637 = vector.bitcast %and3A_1636 : vector<16xi32> to vector<16xf32>
          %shift_left3A_1638 = arith.constant 16 : i32
          %shift_left3A_1639 = vector.broadcast %shift_left3A_1638 : i32 to vector<16xi32>
          %shift_left3A_1640 = arith.shli %bitcast3A_1635, %shift_left3A_1639 : vector<16xi32>
          %bitcast3A_1641 = vector.bitcast %shift_left3A_1640 : vector<16xi32> to vector<16xf32>
          %add3A_1642 = arith.addi %shift_left3A_1389, %and3A_1614 : vector<16xi32>
          %gather3A_1643 = tpu.vector_load_idx %arg19[%add3A_1329, %add3A_1642] : memref<64x128xi32, #tpu.memory_space<vmem>>[vector<16xi32>, vector<16xi32>], vector<16xi32>,
          %bitcast3A_1644 = vector.bitcast %gather3A_1643 : vector<16xi32> to vector<16xi32>
          %and3A_1645 = arith.andi %bitcast3A_1644, %broadcast_in_dim3A_1406 : vector<16xi32>
          %bitcast3A_1646 = vector.bitcast %and3A_1645 : vector<16xi32> to vector<16xf32>
          %shift_left3A_1647 = arith.constant 16 : i32
          %shift_left3A_1648 = vector.broadcast %shift_left3A_1647 : i32 to vector<16xi32>
          %shift_left3A_1649 = arith.shli %bitcast3A_1644, %shift_left3A_1648 : vector<16xi32>
          %bitcast3A_1650 = vector.bitcast %shift_left3A_1649 : vector<16xi32> to vector<16xf32>
          %add3A_1651 = arith.addi %shift_left3A_1404, %and3A_1614 : vector<16xi32>
          %gather3A_1652 = tpu.vector_load_idx %arg20[%add3A_1329, %add3A_1651] : memref<64x128xi32, #tpu.memory_space<vmem>>[vector<16xi32>, vector<16xi32>], vector<16xi32>,
          %bitcast3A_1653 = vector.bitcast %gather3A_1652 : vector<16xi32> to vector<16xi32>
          %and3A_1654 = arith.andi %bitcast3A_1653, %broadcast_in_dim3A_1406 : vector<16xi32>
          %bitcast3A_1655 = vector.bitcast %and3A_1654 : vector<16xi32> to vector<16xf32>
          %shift_left3A_1656 = arith.constant 16 : i32
          %shift_left3A_1657 = vector.broadcast %shift_left3A_1656 : i32 to vector<16xi32>
          %shift_left3A_1658 = arith.shli %bitcast3A_1653, %shift_left3A_1657 : vector<16xi32>
          %bitcast3A_1659 = vector.bitcast %shift_left3A_1658 : vector<16xi32> to vector<16xf32>
          %add3A_1660 = arith.addf %bitcast3A_1619, %bitcast3A_1628 : vector<16xf32>
          %sub3A_1661 = arith.subf %add3A_1660, %bitcast3A_1637 : vector<16xf32>
          %add3A_1662 = arith.addf %sub3A_1661, %bitcast3A_1646 : vector<16xf32>
          %sub3A_1663 = arith.subf %add3A_1662, %bitcast3A_1655 : vector<16xf32>
          %add3A_1664 = arith.addf %bitcast3A_1623, %bitcast3A_1632 : vector<16xf32>
          %sub3A_1665 = arith.subf %add3A_1664, %bitcast3A_1641 : vector<16xf32>
          %add3A_1666 = arith.addf %sub3A_1665, %bitcast3A_1650 : vector<16xf32>
          %sub3A_1667 = arith.subf %add3A_1666, %bitcast3A_1659 : vector<16xf32>
          %abs3A_1668 = math.absf %sub3A_1663 : vector<16xf32>
          %add3A_1669 = arith.addf %add3A_1607, %abs3A_1668 : vector<16xf32>
          %abs3A_1670 = math.absf %sub3A_1667 : vector<16xf32>
          %add3A_1671 = arith.addf %add3A_1669, %abs3A_1670 : vector<16xf32>
          %scan3A_1672 = arith.constant 4 : i32
          %scan3A_1673 = arith.addi %scan3A_1420, %scan3A_1672 : i32
          %add3A_1674 = vector.broadcast %scan3A_1673 : i32 to vector<16xi32>
          %add3A_1675 = arith.addi %add3A_1674, %iota3A : vector<16xi32>
          %and3A_1676 = arith.constant 31 : i32
          %and3A_1677 = vector.broadcast %and3A_1676 : i32 to vector<16xi32>
          %and3A_1678 = arith.andi %add3A_1675, %and3A_1677 : vector<16xi32>
          %add3A_1679 = arith.addi %shift_left3A_1344, %and3A_1678 : vector<16xi32>
          %gather3A_1680 = tpu.vector_load_idx %arg16[%add3A_1329, %add3A_1679] : memref<64x128xi32, #tpu.memory_space<vmem>>[vector<16xi32>, vector<16xi32>], vector<16xi32>,
          %bitcast3A_1681 = vector.bitcast %gather3A_1680 : vector<16xi32> to vector<16xi32>
          %and3A_1682 = arith.andi %bitcast3A_1681, %broadcast_in_dim3A_1406 : vector<16xi32>
          %bitcast3A_1683 = vector.bitcast %and3A_1682 : vector<16xi32> to vector<16xf32>
          %shift_left3A_1684 = arith.constant 16 : i32
          %shift_left3A_1685 = vector.broadcast %shift_left3A_1684 : i32 to vector<16xi32>
          %shift_left3A_1686 = arith.shli %bitcast3A_1681, %shift_left3A_1685 : vector<16xi32>
          %bitcast3A_1687 = vector.bitcast %shift_left3A_1686 : vector<16xi32> to vector<16xf32>
          %add3A_1688 = arith.addi %shift_left3A_1359, %and3A_1678 : vector<16xi32>
          %gather3A_1689 = tpu.vector_load_idx %arg17[%add3A_1329, %add3A_1688] : memref<64x128xi32, #tpu.memory_space<vmem>>[vector<16xi32>, vector<16xi32>], vector<16xi32>,
          %bitcast3A_1690 = vector.bitcast %gather3A_1689 : vector<16xi32> to vector<16xi32>
          %and3A_1691 = arith.andi %bitcast3A_1690, %broadcast_in_dim3A_1406 : vector<16xi32>
          %bitcast3A_1692 = vector.bitcast %and3A_1691 : vector<16xi32> to vector<16xf32>
          %shift_left3A_1693 = arith.constant 16 : i32
          %shift_left3A_1694 = vector.broadcast %shift_left3A_1693 : i32 to vector<16xi32>
          %shift_left3A_1695 = arith.shli %bitcast3A_1690, %shift_left3A_1694 : vector<16xi32>
          %bitcast3A_1696 = vector.bitcast %shift_left3A_1695 : vector<16xi32> to vector<16xf32>
          %add3A_1697 = arith.addi %shift_left3A_1374, %and3A_1678 : vector<16xi32>
          %gather3A_1698 = tpu.vector_load_idx %arg18[%add3A_1329, %add3A_1697] : memref<64x128xi32, #tpu.memory_space<vmem>>[vector<16xi32>, vector<16xi32>], vector<16xi32>,
          %bitcast3A_1699 = vector.bitcast %gather3A_1698 : vector<16xi32> to vector<16xi32>
          %and3A_1700 = arith.andi %bitcast3A_1699, %broadcast_in_dim3A_1406 : vector<16xi32>
          %bitcast3A_1701 = vector.bitcast %and3A_1700 : vector<16xi32> to vector<16xf32>
          %shift_left3A_1702 = arith.constant 16 : i32
          %shift_left3A_1703 = vector.broadcast %shift_left3A_1702 : i32 to vector<16xi32>
          %shift_left3A_1704 = arith.shli %bitcast3A_1699, %shift_left3A_1703 : vector<16xi32>
          %bitcast3A_1705 = vector.bitcast %shift_left3A_1704 : vector<16xi32> to vector<16xf32>
          %add3A_1706 = arith.addi %shift_left3A_1389, %and3A_1678 : vector<16xi32>
          %gather3A_1707 = tpu.vector_load_idx %arg19[%add3A_1329, %add3A_1706] : memref<64x128xi32, #tpu.memory_space<vmem>>[vector<16xi32>, vector<16xi32>], vector<16xi32>,
          %bitcast3A_1708 = vector.bitcast %gather3A_1707 : vector<16xi32> to vector<16xi32>
          %and3A_1709 = arith.andi %bitcast3A_1708, %broadcast_in_dim3A_1406 : vector<16xi32>
          %bitcast3A_1710 = vector.bitcast %and3A_1709 : vector<16xi32> to vector<16xf32>
          %shift_left3A_1711 = arith.constant 16 : i32
          %shift_left3A_1712 = vector.broadcast %shift_left3A_1711 : i32 to vector<16xi32>
          %shift_left3A_1713 = arith.shli %bitcast3A_1708, %shift_left3A_1712 : vector<16xi32>
          %bitcast3A_1714 = vector.bitcast %shift_left3A_1713 : vector<16xi32> to vector<16xf32>
          %add3A_1715 = arith.addi %shift_left3A_1404, %and3A_1678 : vector<16xi32>
          %gather3A_1716 = tpu.vector_load_idx %arg20[%add3A_1329, %add3A_1715] : memref<64x128xi32, #tpu.memory_space<vmem>>[vector<16xi32>, vector<16xi32>], vector<16xi32>,
          %bitcast3A_1717 = vector.bitcast %gather3A_1716 : vector<16xi32> to vector<16xi32>
          %and3A_1718 = arith.andi %bitcast3A_1717, %broadcast_in_dim3A_1406 : vector<16xi32>
          %bitcast3A_1719 = vector.bitcast %and3A_1718 : vector<16xi32> to vector<16xf32>
          %shift_left3A_1720 = arith.constant 16 : i32
          %shift_left3A_1721 = vector.broadcast %shift_left3A_1720 : i32 to vector<16xi32>
          %shift_left3A_1722 = arith.shli %bitcast3A_1717, %shift_left3A_1721 : vector<16xi32>
          %bitcast3A_1723 = vector.bitcast %shift_left3A_1722 : vector<16xi32> to vector<16xf32>
          %add3A_1724 = arith.addf %bitcast3A_1683, %bitcast3A_1692 : vector<16xf32>
          %sub3A_1725 = arith.subf %add3A_1724, %bitcast3A_1701 : vector<16xf32>
          %add3A_1726 = arith.addf %sub3A_1725, %bitcast3A_1710 : vector<16xf32>
          %sub3A_1727 = arith.subf %add3A_1726, %bitcast3A_1719 : vector<16xf32>
          %add3A_1728 = arith.addf %bitcast3A_1687, %bitcast3A_1696 : vector<16xf32>
          %sub3A_1729 = arith.subf %add3A_1728, %bitcast3A_1705 : vector<16xf32>
          %add3A_1730 = arith.addf %sub3A_1729, %bitcast3A_1714 : vector<16xf32>
          %sub3A_1731 = arith.subf %add3A_1730, %bitcast3A_1723 : vector<16xf32>
          %abs3A_1732 = math.absf %sub3A_1727 : vector<16xf32>
          %add3A_1733 = arith.addf %add3A_1671, %abs3A_1732 : vector<16xf32>
          %abs3A_1734 = math.absf %sub3A_1731 : vector<16xf32>
          %add3A_1735 = arith.addf %add3A_1733, %abs3A_1734 : vector<16xf32>
          %scan3A_1736 = arith.constant 5 : i32
          %scan3A_1737 = arith.addi %scan3A_1420, %scan3A_1736 : i32
          %add3A_1738 = vector.broadcast %scan3A_1737 : i32 to vector<16xi32>
          %add3A_1739 = arith.addi %add3A_1738, %iota3A : vector<16xi32>
          %and3A_1740 = arith.constant 31 : i32
          %and3A_1741 = vector.broadcast %and3A_1740 : i32 to vector<16xi32>
          %and3A_1742 = arith.andi %add3A_1739, %and3A_1741 : vector<16xi32>
          %add3A_1743 = arith.addi %shift_left3A_1344, %and3A_1742 : vector<16xi32>
          %gather3A_1744 = tpu.vector_load_idx %arg16[%add3A_1329, %add3A_1743] : memref<64x128xi32, #tpu.memory_space<vmem>>[vector<16xi32>, vector<16xi32>], vector<16xi32>,
          %bitcast3A_1745 = vector.bitcast %gather3A_1744 : vector<16xi32> to vector<16xi32>
          %and3A_1746 = arith.andi %bitcast3A_1745, %broadcast_in_dim3A_1406 : vector<16xi32>
          %bitcast3A_1747 = vector.bitcast %and3A_1746 : vector<16xi32> to vector<16xf32>
          %shift_left3A_1748 = arith.constant 16 : i32
          %shift_left3A_1749 = vector.broadcast %shift_left3A_1748 : i32 to vector<16xi32>
          %shift_left3A_1750 = arith.shli %bitcast3A_1745, %shift_left3A_1749 : vector<16xi32>
          %bitcast3A_1751 = vector.bitcast %shift_left3A_1750 : vector<16xi32> to vector<16xf32>
          %add3A_1752 = arith.addi %shift_left3A_1359, %and3A_1742 : vector<16xi32>
          %gather3A_1753 = tpu.vector_load_idx %arg17[%add3A_1329, %add3A_1752] : memref<64x128xi32, #tpu.memory_space<vmem>>[vector<16xi32>, vector<16xi32>], vector<16xi32>,
          %bitcast3A_1754 = vector.bitcast %gather3A_1753 : vector<16xi32> to vector<16xi32>
          %and3A_1755 = arith.andi %bitcast3A_1754, %broadcast_in_dim3A_1406 : vector<16xi32>
          %bitcast3A_1756 = vector.bitcast %and3A_1755 : vector<16xi32> to vector<16xf32>
          %shift_left3A_1757 = arith.constant 16 : i32
          %shift_left3A_1758 = vector.broadcast %shift_left3A_1757 : i32 to vector<16xi32>
          %shift_left3A_1759 = arith.shli %bitcast3A_1754, %shift_left3A_1758 : vector<16xi32>
          %bitcast3A_1760 = vector.bitcast %shift_left3A_1759 : vector<16xi32> to vector<16xf32>
          %add3A_1761 = arith.addi %shift_left3A_1374, %and3A_1742 : vector<16xi32>
          %gather3A_1762 = tpu.vector_load_idx %arg18[%add3A_1329, %add3A_1761] : memref<64x128xi32, #tpu.memory_space<vmem>>[vector<16xi32>, vector<16xi32>], vector<16xi32>,
          %bitcast3A_1763 = vector.bitcast %gather3A_1762 : vector<16xi32> to vector<16xi32>
          %and3A_1764 = arith.andi %bitcast3A_1763, %broadcast_in_dim3A_1406 : vector<16xi32>
          %bitcast3A_1765 = vector.bitcast %and3A_1764 : vector<16xi32> to vector<16xf32>
          %shift_left3A_1766 = arith.constant 16 : i32
          %shift_left3A_1767 = vector.broadcast %shift_left3A_1766 : i32 to vector<16xi32>
          %shift_left3A_1768 = arith.shli %bitcast3A_1763, %shift_left3A_1767 : vector<16xi32>
          %bitcast3A_1769 = vector.bitcast %shift_left3A_1768 : vector<16xi32> to vector<16xf32>
          %add3A_1770 = arith.addi %shift_left3A_1389, %and3A_1742 : vector<16xi32>
          %gather3A_1771 = tpu.vector_load_idx %arg19[%add3A_1329, %add3A_1770] : memref<64x128xi32, #tpu.memory_space<vmem>>[vector<16xi32>, vector<16xi32>], vector<16xi32>,
          %bitcast3A_1772 = vector.bitcast %gather3A_1771 : vector<16xi32> to vector<16xi32>
          %and3A_1773 = arith.andi %bitcast3A_1772, %broadcast_in_dim3A_1406 : vector<16xi32>
          %bitcast3A_1774 = vector.bitcast %and3A_1773 : vector<16xi32> to vector<16xf32>
          %shift_left3A_1775 = arith.constant 16 : i32
          %shift_left3A_1776 = vector.broadcast %shift_left3A_1775 : i32 to vector<16xi32>
          %shift_left3A_1777 = arith.shli %bitcast3A_1772, %shift_left3A_1776 : vector<16xi32>
          %bitcast3A_1778 = vector.bitcast %shift_left3A_1777 : vector<16xi32> to vector<16xf32>
          %add3A_1779 = arith.addi %shift_left3A_1404, %and3A_1742 : vector<16xi32>
          %gather3A_1780 = tpu.vector_load_idx %arg20[%add3A_1329, %add3A_1779] : memref<64x128xi32, #tpu.memory_space<vmem>>[vector<16xi32>, vector<16xi32>], vector<16xi32>,
          %bitcast3A_1781 = vector.bitcast %gather3A_1780 : vector<16xi32> to vector<16xi32>
          %and3A_1782 = arith.andi %bitcast3A_1781, %broadcast_in_dim3A_1406 : vector<16xi32>
          %bitcast3A_1783 = vector.bitcast %and3A_1782 : vector<16xi32> to vector<16xf32>
          %shift_left3A_1784 = arith.constant 16 : i32
          %shift_left3A_1785 = vector.broadcast %shift_left3A_1784 : i32 to vector<16xi32>
          %shift_left3A_1786 = arith.shli %bitcast3A_1781, %shift_left3A_1785 : vector<16xi32>
          %bitcast3A_1787 = vector.bitcast %shift_left3A_1786 : vector<16xi32> to vector<16xf32>
          %add3A_1788 = arith.addf %bitcast3A_1747, %bitcast3A_1756 : vector<16xf32>
          %sub3A_1789 = arith.subf %add3A_1788, %bitcast3A_1765 : vector<16xf32>
          %add3A_1790 = arith.addf %sub3A_1789, %bitcast3A_1774 : vector<16xf32>
          %sub3A_1791 = arith.subf %add3A_1790, %bitcast3A_1783 : vector<16xf32>
          %add3A_1792 = arith.addf %bitcast3A_1751, %bitcast3A_1760 : vector<16xf32>
          %sub3A_1793 = arith.subf %add3A_1792, %bitcast3A_1769 : vector<16xf32>
          %add3A_1794 = arith.addf %sub3A_1793, %bitcast3A_1778 : vector<16xf32>
          %sub3A_1795 = arith.subf %add3A_1794, %bitcast3A_1787 : vector<16xf32>
          %abs3A_1796 = math.absf %sub3A_1791 : vector<16xf32>
          %add3A_1797 = arith.addf %add3A_1735, %abs3A_1796 : vector<16xf32>
          %abs3A_1798 = math.absf %sub3A_1795 : vector<16xf32>
          %add3A_1799 = arith.addf %add3A_1797, %abs3A_1798 : vector<16xf32>
          %scan3A_1800 = arith.constant 6 : i32
          %scan3A_1801 = arith.addi %scan3A_1420, %scan3A_1800 : i32
          %add3A_1802 = vector.broadcast %scan3A_1801 : i32 to vector<16xi32>
          %add3A_1803 = arith.addi %add3A_1802, %iota3A : vector<16xi32>
          %and3A_1804 = arith.constant 31 : i32
          %and3A_1805 = vector.broadcast %and3A_1804 : i32 to vector<16xi32>
          %and3A_1806 = arith.andi %add3A_1803, %and3A_1805 : vector<16xi32>
          %add3A_1807 = arith.addi %shift_left3A_1344, %and3A_1806 : vector<16xi32>
          %gather3A_1808 = tpu.vector_load_idx %arg16[%add3A_1329, %add3A_1807] : memref<64x128xi32, #tpu.memory_space<vmem>>[vector<16xi32>, vector<16xi32>], vector<16xi32>,
          %bitcast3A_1809 = vector.bitcast %gather3A_1808 : vector<16xi32> to vector<16xi32>
          %and3A_1810 = arith.andi %bitcast3A_1809, %broadcast_in_dim3A_1406 : vector<16xi32>
          %bitcast3A_1811 = vector.bitcast %and3A_1810 : vector<16xi32> to vector<16xf32>
          %shift_left3A_1812 = arith.constant 16 : i32
          %shift_left3A_1813 = vector.broadcast %shift_left3A_1812 : i32 to vector<16xi32>
          %shift_left3A_1814 = arith.shli %bitcast3A_1809, %shift_left3A_1813 : vector<16xi32>
          %bitcast3A_1815 = vector.bitcast %shift_left3A_1814 : vector<16xi32> to vector<16xf32>
          %add3A_1816 = arith.addi %shift_left3A_1359, %and3A_1806 : vector<16xi32>
          %gather3A_1817 = tpu.vector_load_idx %arg17[%add3A_1329, %add3A_1816] : memref<64x128xi32, #tpu.memory_space<vmem>>[vector<16xi32>, vector<16xi32>], vector<16xi32>,
          %bitcast3A_1818 = vector.bitcast %gather3A_1817 : vector<16xi32> to vector<16xi32>
          %and3A_1819 = arith.andi %bitcast3A_1818, %broadcast_in_dim3A_1406 : vector<16xi32>
          %bitcast3A_1820 = vector.bitcast %and3A_1819 : vector<16xi32> to vector<16xf32>
          %shift_left3A_1821 = arith.constant 16 : i32
          %shift_left3A_1822 = vector.broadcast %shift_left3A_1821 : i32 to vector<16xi32>
          %shift_left3A_1823 = arith.shli %bitcast3A_1818, %shift_left3A_1822 : vector<16xi32>
          %bitcast3A_1824 = vector.bitcast %shift_left3A_1823 : vector<16xi32> to vector<16xf32>
          %add3A_1825 = arith.addi %shift_left3A_1374, %and3A_1806 : vector<16xi32>
          %gather3A_1826 = tpu.vector_load_idx %arg18[%add3A_1329, %add3A_1825] : memref<64x128xi32, #tpu.memory_space<vmem>>[vector<16xi32>, vector<16xi32>], vector<16xi32>,
          %bitcast3A_1827 = vector.bitcast %gather3A_1826 : vector<16xi32> to vector<16xi32>
          %and3A_1828 = arith.andi %bitcast3A_1827, %broadcast_in_dim3A_1406 : vector<16xi32>
          %bitcast3A_1829 = vector.bitcast %and3A_1828 : vector<16xi32> to vector<16xf32>
          %shift_left3A_1830 = arith.constant 16 : i32
          %shift_left3A_1831 = vector.broadcast %shift_left3A_1830 : i32 to vector<16xi32>
          %shift_left3A_1832 = arith.shli %bitcast3A_1827, %shift_left3A_1831 : vector<16xi32>
          %bitcast3A_1833 = vector.bitcast %shift_left3A_1832 : vector<16xi32> to vector<16xf32>
          %add3A_1834 = arith.addi %shift_left3A_1389, %and3A_1806 : vector<16xi32>
          %gather3A_1835 = tpu.vector_load_idx %arg19[%add3A_1329, %add3A_1834] : memref<64x128xi32, #tpu.memory_space<vmem>>[vector<16xi32>, vector<16xi32>], vector<16xi32>,
          %bitcast3A_1836 = vector.bitcast %gather3A_1835 : vector<16xi32> to vector<16xi32>
          %and3A_1837 = arith.andi %bitcast3A_1836, %broadcast_in_dim3A_1406 : vector<16xi32>
          %bitcast3A_1838 = vector.bitcast %and3A_1837 : vector<16xi32> to vector<16xf32>
          %shift_left3A_1839 = arith.constant 16 : i32
          %shift_left3A_1840 = vector.broadcast %shift_left3A_1839 : i32 to vector<16xi32>
          %shift_left3A_1841 = arith.shli %bitcast3A_1836, %shift_left3A_1840 : vector<16xi32>
          %bitcast3A_1842 = vector.bitcast %shift_left3A_1841 : vector<16xi32> to vector<16xf32>
          %add3A_1843 = arith.addi %shift_left3A_1404, %and3A_1806 : vector<16xi32>
          %gather3A_1844 = tpu.vector_load_idx %arg20[%add3A_1329, %add3A_1843] : memref<64x128xi32, #tpu.memory_space<vmem>>[vector<16xi32>, vector<16xi32>], vector<16xi32>,
          %bitcast3A_1845 = vector.bitcast %gather3A_1844 : vector<16xi32> to vector<16xi32>
          %and3A_1846 = arith.andi %bitcast3A_1845, %broadcast_in_dim3A_1406 : vector<16xi32>
          %bitcast3A_1847 = vector.bitcast %and3A_1846 : vector<16xi32> to vector<16xf32>
          %shift_left3A_1848 = arith.constant 16 : i32
          %shift_left3A_1849 = vector.broadcast %shift_left3A_1848 : i32 to vector<16xi32>
          %shift_left3A_1850 = arith.shli %bitcast3A_1845, %shift_left3A_1849 : vector<16xi32>
          %bitcast3A_1851 = vector.bitcast %shift_left3A_1850 : vector<16xi32> to vector<16xf32>
          %add3A_1852 = arith.addf %bitcast3A_1811, %bitcast3A_1820 : vector<16xf32>
          %sub3A_1853 = arith.subf %add3A_1852, %bitcast3A_1829 : vector<16xf32>
          %add3A_1854 = arith.addf %sub3A_1853, %bitcast3A_1838 : vector<16xf32>
          %sub3A_1855 = arith.subf %add3A_1854, %bitcast3A_1847 : vector<16xf32>
          %add3A_1856 = arith.addf %bitcast3A_1815, %bitcast3A_1824 : vector<16xf32>
          %sub3A_1857 = arith.subf %add3A_1856, %bitcast3A_1833 : vector<16xf32>
          %add3A_1858 = arith.addf %sub3A_1857, %bitcast3A_1842 : vector<16xf32>
          %sub3A_1859 = arith.subf %add3A_1858, %bitcast3A_1851 : vector<16xf32>
          %abs3A_1860 = math.absf %sub3A_1855 : vector<16xf32>
          %add3A_1861 = arith.addf %add3A_1799, %abs3A_1860 : vector<16xf32>
          %abs3A_1862 = math.absf %sub3A_1859 : vector<16xf32>
          %add3A_1863 = arith.addf %add3A_1861, %abs3A_1862 : vector<16xf32>
          %scan3A_1864 = arith.constant 7 : i32
          %scan3A_1865 = arith.addi %scan3A_1420, %scan3A_1864 : i32
          %add3A_1866 = vector.broadcast %scan3A_1865 : i32 to vector<16xi32>
          %add3A_1867 = arith.addi %add3A_1866, %iota3A : vector<16xi32>
          %and3A_1868 = arith.constant 31 : i32
          %and3A_1869 = vector.broadcast %and3A_1868 : i32 to vector<16xi32>
          %and3A_1870 = arith.andi %add3A_1867, %and3A_1869 : vector<16xi32>
          %add3A_1871 = arith.addi %shift_left3A_1344, %and3A_1870 : vector<16xi32>
          %gather3A_1872 = tpu.vector_load_idx %arg16[%add3A_1329, %add3A_1871] : memref<64x128xi32, #tpu.memory_space<vmem>>[vector<16xi32>, vector<16xi32>], vector<16xi32>,
          %bitcast3A_1873 = vector.bitcast %gather3A_1872 : vector<16xi32> to vector<16xi32>
          %and3A_1874 = arith.andi %bitcast3A_1873, %broadcast_in_dim3A_1406 : vector<16xi32>
          %bitcast3A_1875 = vector.bitcast %and3A_1874 : vector<16xi32> to vector<16xf32>
          %shift_left3A_1876 = arith.constant 16 : i32
          %shift_left3A_1877 = vector.broadcast %shift_left3A_1876 : i32 to vector<16xi32>
          %shift_left3A_1878 = arith.shli %bitcast3A_1873, %shift_left3A_1877 : vector<16xi32>
          %bitcast3A_1879 = vector.bitcast %shift_left3A_1878 : vector<16xi32> to vector<16xf32>
          %add3A_1880 = arith.addi %shift_left3A_1359, %and3A_1870 : vector<16xi32>
          %gather3A_1881 = tpu.vector_load_idx %arg17[%add3A_1329, %add3A_1880] : memref<64x128xi32, #tpu.memory_space<vmem>>[vector<16xi32>, vector<16xi32>], vector<16xi32>,
          %bitcast3A_1882 = vector.bitcast %gather3A_1881 : vector<16xi32> to vector<16xi32>
          %and3A_1883 = arith.andi %bitcast3A_1882, %broadcast_in_dim3A_1406 : vector<16xi32>
          %bitcast3A_1884 = vector.bitcast %and3A_1883 : vector<16xi32> to vector<16xf32>
          %shift_left3A_1885 = arith.constant 16 : i32
          %shift_left3A_1886 = vector.broadcast %shift_left3A_1885 : i32 to vector<16xi32>
          %shift_left3A_1887 = arith.shli %bitcast3A_1882, %shift_left3A_1886 : vector<16xi32>
          %bitcast3A_1888 = vector.bitcast %shift_left3A_1887 : vector<16xi32> to vector<16xf32>
          %add3A_1889 = arith.addi %shift_left3A_1374, %and3A_1870 : vector<16xi32>
          %gather3A_1890 = tpu.vector_load_idx %arg18[%add3A_1329, %add3A_1889] : memref<64x128xi32, #tpu.memory_space<vmem>>[vector<16xi32>, vector<16xi32>], vector<16xi32>,
          %bitcast3A_1891 = vector.bitcast %gather3A_1890 : vector<16xi32> to vector<16xi32>
          %and3A_1892 = arith.andi %bitcast3A_1891, %broadcast_in_dim3A_1406 : vector<16xi32>
          %bitcast3A_1893 = vector.bitcast %and3A_1892 : vector<16xi32> to vector<16xf32>
          %shift_left3A_1894 = arith.constant 16 : i32
          %shift_left3A_1895 = vector.broadcast %shift_left3A_1894 : i32 to vector<16xi32>
          %shift_left3A_1896 = arith.shli %bitcast3A_1891, %shift_left3A_1895 : vector<16xi32>
          %bitcast3A_1897 = vector.bitcast %shift_left3A_1896 : vector<16xi32> to vector<16xf32>
          %add3A_1898 = arith.addi %shift_left3A_1389, %and3A_1870 : vector<16xi32>
          %gather3A_1899 = tpu.vector_load_idx %arg19[%add3A_1329, %add3A_1898] : memref<64x128xi32, #tpu.memory_space<vmem>>[vector<16xi32>, vector<16xi32>], vector<16xi32>,
          %bitcast3A_1900 = vector.bitcast %gather3A_1899 : vector<16xi32> to vector<16xi32>
          %and3A_1901 = arith.andi %bitcast3A_1900, %broadcast_in_dim3A_1406 : vector<16xi32>
          %bitcast3A_1902 = vector.bitcast %and3A_1901 : vector<16xi32> to vector<16xf32>
          %shift_left3A_1903 = arith.constant 16 : i32
          %shift_left3A_1904 = vector.broadcast %shift_left3A_1903 : i32 to vector<16xi32>
          %shift_left3A_1905 = arith.shli %bitcast3A_1900, %shift_left3A_1904 : vector<16xi32>
          %bitcast3A_1906 = vector.bitcast %shift_left3A_1905 : vector<16xi32> to vector<16xf32>
          %add3A_1907 = arith.addi %shift_left3A_1404, %and3A_1870 : vector<16xi32>
          %gather3A_1908 = tpu.vector_load_idx %arg20[%add3A_1329, %add3A_1907] : memref<64x128xi32, #tpu.memory_space<vmem>>[vector<16xi32>, vector<16xi32>], vector<16xi32>,
          %bitcast3A_1909 = vector.bitcast %gather3A_1908 : vector<16xi32> to vector<16xi32>
          %and3A_1910 = arith.andi %bitcast3A_1909, %broadcast_in_dim3A_1406 : vector<16xi32>
          %bitcast3A_1911 = vector.bitcast %and3A_1910 : vector<16xi32> to vector<16xf32>
          %shift_left3A_1912 = arith.constant 16 : i32
          %shift_left3A_1913 = vector.broadcast %shift_left3A_1912 : i32 to vector<16xi32>
          %shift_left3A_1914 = arith.shli %bitcast3A_1909, %shift_left3A_1913 : vector<16xi32>
          %bitcast3A_1915 = vector.bitcast %shift_left3A_1914 : vector<16xi32> to vector<16xf32>
          %add3A_1916 = arith.addf %bitcast3A_1875, %bitcast3A_1884 : vector<16xf32>
          %sub3A_1917 = arith.subf %add3A_1916, %bitcast3A_1893 : vector<16xf32>
          %add3A_1918 = arith.addf %sub3A_1917, %bitcast3A_1902 : vector<16xf32>
          %sub3A_1919 = arith.subf %add3A_1918, %bitcast3A_1911 : vector<16xf32>
          %add3A_1920 = arith.addf %bitcast3A_1879, %bitcast3A_1888 : vector<16xf32>
          %sub3A_1921 = arith.subf %add3A_1920, %bitcast3A_1897 : vector<16xf32>
          %add3A_1922 = arith.addf %sub3A_1921, %bitcast3A_1906 : vector<16xf32>
          %sub3A_1923 = arith.subf %add3A_1922, %bitcast3A_1915 : vector<16xf32>
          %abs3A_1924 = math.absf %sub3A_1919 : vector<16xf32>
          %add3A_1925 = arith.addf %add3A_1863, %abs3A_1924 : vector<16xf32>
          %abs3A_1926 = math.absf %sub3A_1923 : vector<16xf32>
          %add3A_1927 = arith.addf %add3A_1925, %abs3A_1926 : vector<16xf32>
          scf.yield %add3A_1927 : vector<16xf32>
        }
        %scan3A_1412 = arith.constant 32 : i32
        %mul3A_1413 = arith.constant 64 : i32
        %mul3A_1414 = arith.muli %add3A_1318, %mul3A_1413 : i32
        %mul3A_1415 = arith.constant 16 : i32
        %mul3A_1416 = arith.muli %scan3A_1325, %mul3A_1415 : i32
        %add3A_1417 = arith.addi %mul3A_1414, %mul3A_1416 : i32
        %swap3A_1418 = arith.index_cast %add3A_1417 : i32 to index
        %swap3A_1419 = tpu.vector_load %arg21[%swap3A_1418] {strides = array<i32>} : memref<1024xf32, #tpu.memory_space<vmem>>, vector<16xf32>,
        tpu.vector_store %arg21[%swap3A_1418], %scan3A_1411 {strides = array<i32>} : memref<1024xf32, #tpu.memory_space<vmem>>, vector<16xf32>,
      }
      %scan3A_1324 = arith.constant 4 : i32
    }
    %scan3A_394 = arith.constant 8 : i32
    %dma_wait3A = arith.constant 0 : i32
    %dma_wait3A_395 = arith.constant 0 : i32
    %dma_wait3A_396 = tpu.memref_slice %arg9[%dma_wait3A, %dma_wait3A_395] : memref<5x64xi32, #tpu.memory_space<vmem>> -> memref<1x64xi32, #tpu.memory_space<vmem>>
    %dma_wait3A_397 = tpu.memref_squeeze %dma_wait3A_396 : memref<1x64xi32, #tpu.memory_space<vmem>> -> memref<64xi32, #tpu.memory_space<vmem>>
    %dma_wait3A_398 = arith.constant 0 : i32
    %dma_wait3A_399 = arith.constant 0 : i32
    %dma_wait3A_400 = tpu.memref_slice %arg2[%dma_wait3A_398, %dma_wait3A_399] : memref<253952x128xi32, #tpu.memory_space<hbm>> -> memref<253952x128xi32, #tpu.memory_space<hbm>>
    tpu.wait_indirect_dma semaphore(%arg23 : memref<!tpu.dma_semaphore, #tpu.memory_space<semaphore_mem>>) src(%dma_wait3A_400 : memref<253952x128xi32, #tpu.memory_space<hbm>>) dst(%arg11 : memref<64x128xi32, #tpu.memory_space<vmem>>)
    %dma_wait3A_401 = arith.constant 1 : i32
    %dma_wait3A_402 = arith.constant 0 : i32
    %dma_wait3A_403 = tpu.memref_slice %arg9[%dma_wait3A_401, %dma_wait3A_402] : memref<5x64xi32, #tpu.memory_space<vmem>> -> memref<1x64xi32, #tpu.memory_space<vmem>>
    %dma_wait3A_404 = tpu.memref_squeeze %dma_wait3A_403 : memref<1x64xi32, #tpu.memory_space<vmem>> -> memref<64xi32, #tpu.memory_space<vmem>>
    %dma_wait3A_405 = arith.constant 0 : i32
    %dma_wait3A_406 = arith.constant 0 : i32
    %dma_wait3A_407 = tpu.memref_slice %arg3[%dma_wait3A_405, %dma_wait3A_406] : memref<253952x128xi32, #tpu.memory_space<hbm>> -> memref<253952x128xi32, #tpu.memory_space<hbm>>
    tpu.wait_indirect_dma semaphore(%arg23 : memref<!tpu.dma_semaphore, #tpu.memory_space<semaphore_mem>>) src(%dma_wait3A_407 : memref<253952x128xi32, #tpu.memory_space<hbm>>) dst(%arg12 : memref<64x128xi32, #tpu.memory_space<vmem>>)
    %dma_wait3A_408 = arith.constant 2 : i32
    %dma_wait3A_409 = arith.constant 0 : i32
    %dma_wait3A_410 = tpu.memref_slice %arg9[%dma_wait3A_408, %dma_wait3A_409] : memref<5x64xi32, #tpu.memory_space<vmem>> -> memref<1x64xi32, #tpu.memory_space<vmem>>
    %dma_wait3A_411 = tpu.memref_squeeze %dma_wait3A_410 : memref<1x64xi32, #tpu.memory_space<vmem>> -> memref<64xi32, #tpu.memory_space<vmem>>
    %dma_wait3A_412 = arith.constant 0 : i32
    %dma_wait3A_413 = arith.constant 0 : i32
    %dma_wait3A_414 = tpu.memref_slice %arg2[%dma_wait3A_412, %dma_wait3A_413] : memref<253952x128xi32, #tpu.memory_space<hbm>> -> memref<253952x128xi32, #tpu.memory_space<hbm>>
    tpu.wait_indirect_dma semaphore(%arg23 : memref<!tpu.dma_semaphore, #tpu.memory_space<semaphore_mem>>) src(%dma_wait3A_414 : memref<253952x128xi32, #tpu.memory_space<hbm>>) dst(%arg13 : memref<64x128xi32, #tpu.memory_space<vmem>>)
    %dma_wait3A_415 = arith.constant 3 : i32
    %dma_wait3A_416 = arith.constant 0 : i32
    %dma_wait3A_417 = tpu.memref_slice %arg9[%dma_wait3A_415, %dma_wait3A_416] : memref<5x64xi32, #tpu.memory_space<vmem>> -> memref<1x64xi32, #tpu.memory_space<vmem>>
    %dma_wait3A_418 = tpu.memref_squeeze %dma_wait3A_417 : memref<1x64xi32, #tpu.memory_space<vmem>> -> memref<64xi32, #tpu.memory_space<vmem>>
    %dma_wait3A_419 = arith.constant 0 : i32
    %dma_wait3A_420 = arith.constant 0 : i32
    %dma_wait3A_421 = tpu.memref_slice %arg3[%dma_wait3A_419, %dma_wait3A_420] : memref<253952x128xi32, #tpu.memory_space<hbm>> -> memref<253952x128xi32, #tpu.memory_space<hbm>>
    tpu.wait_indirect_dma semaphore(%arg23 : memref<!tpu.dma_semaphore, #tpu.memory_space<semaphore_mem>>) src(%dma_wait3A_421 : memref<253952x128xi32, #tpu.memory_space<hbm>>) dst(%arg14 : memref<64x128xi32, #tpu.memory_space<vmem>>)
    %dma_wait3A_422 = arith.constant 4 : i32
    %dma_wait3A_423 = arith.constant 0 : i32
    %dma_wait3A_424 = tpu.memref_slice %arg9[%dma_wait3A_422, %dma_wait3A_423] : memref<5x64xi32, #tpu.memory_space<vmem>> -> memref<1x64xi32, #tpu.memory_space<vmem>>
    %dma_wait3A_425 = tpu.memref_squeeze %dma_wait3A_424 : memref<1x64xi32, #tpu.memory_space<vmem>> -> memref<64xi32, #tpu.memory_space<vmem>>
    %dma_wait3A_426 = arith.constant 0 : i32
    %dma_wait3A_427 = arith.constant 0 : i32
    %dma_wait3A_428 = tpu.memref_slice %arg2[%dma_wait3A_426, %dma_wait3A_427] : memref<253952x128xi32, #tpu.memory_space<hbm>> -> memref<253952x128xi32, #tpu.memory_space<hbm>>
    tpu.wait_indirect_dma semaphore(%arg23 : memref<!tpu.dma_semaphore, #tpu.memory_space<semaphore_mem>>) src(%dma_wait3A_428 : memref<253952x128xi32, #tpu.memory_space<hbm>>) dst(%arg15 : memref<64x128xi32, #tpu.memory_space<vmem>>)
    %scan3A_429 = arith.constant 0 : i32
    %scan3A_430 = arith.constant 32 : i32
    %scan3A_431 = arith.addi %scan3A_429, %scan3A_430 : i32
    %scan3A_432 = arith.constant 4 : i32
    %scan3A_433 = scf.for %scan3A_443 = %scan3A_429 to %scan3A_431 step %scan3A_432 iter_args(%scan3A_444 = %broadcast_in_dim3A_1) -> (vector<16xf32>)  : i32 {
      %mul3A_445 = arith.constant 16 : i32
      %mul3A_446 = arith.muli %scan3A_443, %mul3A_445 : i32
      %get3A_447 = arith.index_cast %mul3A_446 : i32 to index
      %get3A_448 = tpu.vector_load %arg21[%get3A_447] {strides = array<i32>} : memref<1024xf32, #tpu.memory_space<vmem>>, vector<16xf32>,
      %mul3A_449 = arith.constant 16 : i32
      %mul3A_450 = arith.muli %scan3A_443, %mul3A_449 : i32
      %add3A_451 = arith.constant 512 : i32
      %add3A_452 = arith.addi %add3A_451, %mul3A_450 : i32
      %get3A_453 = arith.index_cast %add3A_452 : i32 to index
      %get3A_454 = tpu.vector_load %arg21[%get3A_453] {strides = array<i32>} : memref<1024xf32, #tpu.memory_space<vmem>>, vector<16xf32>,
      %sub3A = arith.subf %get3A_448, %get3A_454 : vector<16xf32>
      %add3A_455 = arith.constant 4.000000e+00 : f32
      %add3A_456 = vector.broadcast %add3A_455 : f32 to vector<16xf32>
      %add3A_457 = arith.addf %sub3A, %add3A_456 : vector<16xf32>
      %max3A = arith.constant 0.000000e+00 : f32
      %max3A_458 = vector.broadcast %max3A : f32 to vector<16xf32>
      %max3A_459 = arith.maximumf %add3A_457, %max3A_458 : vector<16xf32>
      %add3A_460 = arith.addf %scan3A_444, %max3A_459 : vector<16xf32>
      %scan3A_461 = arith.constant 1 : i32
      %scan3A_462 = arith.addi %scan3A_443, %scan3A_461 : i32
      %mul3A_463 = arith.constant 16 : i32
      %mul3A_464 = arith.muli %scan3A_462, %mul3A_463 : i32
      %get3A_465 = arith.index_cast %mul3A_464 : i32 to index
      %get3A_466 = tpu.vector_load %arg21[%get3A_465] {strides = array<i32>} : memref<1024xf32, #tpu.memory_space<vmem>>, vector<16xf32>,
      %mul3A_467 = arith.constant 16 : i32
      %mul3A_468 = arith.muli %scan3A_462, %mul3A_467 : i32
      %add3A_469 = arith.constant 512 : i32
      %add3A_470 = arith.addi %add3A_469, %mul3A_468 : i32
      %get3A_471 = arith.index_cast %add3A_470 : i32 to index
      %get3A_472 = tpu.vector_load %arg21[%get3A_471] {strides = array<i32>} : memref<1024xf32, #tpu.memory_space<vmem>>, vector<16xf32>,
      %sub3A_473 = arith.subf %get3A_466, %get3A_472 : vector<16xf32>
      %add3A_474 = arith.constant 4.000000e+00 : f32
      %add3A_475 = vector.broadcast %add3A_474 : f32 to vector<16xf32>
      %add3A_476 = arith.addf %sub3A_473, %add3A_475 : vector<16xf32>
      %max3A_477 = arith.constant 0.000000e+00 : f32
      %max3A_478 = vector.broadcast %max3A_477 : f32 to vector<16xf32>
      %max3A_479 = arith.maximumf %add3A_476, %max3A_478 : vector<16xf32>
      %add3A_480 = arith.addf %add3A_460, %max3A_479 : vector<16xf32>
      %scan3A_481 = arith.constant 2 : i32
      %scan3A_482 = arith.addi %scan3A_443, %scan3A_481 : i32
      %mul3A_483 = arith.constant 16 : i32
      %mul3A_484 = arith.muli %scan3A_482, %mul3A_483 : i32
      %get3A_485 = arith.index_cast %mul3A_484 : i32 to index
      %get3A_486 = tpu.vector_load %arg21[%get3A_485] {strides = array<i32>} : memref<1024xf32, #tpu.memory_space<vmem>>, vector<16xf32>,
      %mul3A_487 = arith.constant 16 : i32
      %mul3A_488 = arith.muli %scan3A_482, %mul3A_487 : i32
      %add3A_489 = arith.constant 512 : i32
      %add3A_490 = arith.addi %add3A_489, %mul3A_488 : i32
      %get3A_491 = arith.index_cast %add3A_490 : i32 to index
      %get3A_492 = tpu.vector_load %arg21[%get3A_491] {strides = array<i32>} : memref<1024xf32, #tpu.memory_space<vmem>>, vector<16xf32>,
      %sub3A_493 = arith.subf %get3A_486, %get3A_492 : vector<16xf32>
      %add3A_494 = arith.constant 4.000000e+00 : f32
      %add3A_495 = vector.broadcast %add3A_494 : f32 to vector<16xf32>
      %add3A_496 = arith.addf %sub3A_493, %add3A_495 : vector<16xf32>
      %max3A_497 = arith.constant 0.000000e+00 : f32
      %max3A_498 = vector.broadcast %max3A_497 : f32 to vector<16xf32>
      %max3A_499 = arith.maximumf %add3A_496, %max3A_498 : vector<16xf32>
      %add3A_500 = arith.addf %add3A_480, %max3A_499 : vector<16xf32>
      %scan3A_501 = arith.constant 3 : i32
      %scan3A_502 = arith.addi %scan3A_443, %scan3A_501 : i32
      %mul3A_503 = arith.constant 16 : i32
      %mul3A_504 = arith.muli %scan3A_502, %mul3A_503 : i32
      %get3A_505 = arith.index_cast %mul3A_504 : i32 to index
      %get3A_506 = tpu.vector_load %arg21[%get3A_505] {strides = array<i32>} : memref<1024xf32, #tpu.memory_space<vmem>>, vector<16xf32>,
      %mul3A_507 = arith.constant 16 : i32
      %mul3A_508 = arith.muli %scan3A_502, %mul3A_507 : i32
      %add3A_509 = arith.constant 512 : i32
      %add3A_510 = arith.addi %add3A_509, %mul3A_508 : i32
      %get3A_511 = arith.index_cast %add3A_510 : i32 to index
      %get3A_512 = tpu.vector_load %arg21[%get3A_511] {strides = array<i32>} : memref<1024xf32, #tpu.memory_space<vmem>>, vector<16xf32>,
      %sub3A_513 = arith.subf %get3A_506, %get3A_512 : vector<16xf32>
      %add3A_514 = arith.constant 4.000000e+00 : f32
      %add3A_515 = vector.broadcast %add3A_514 : f32 to vector<16xf32>
      %add3A_516 = arith.addf %sub3A_513, %add3A_515 : vector<16xf32>
      %max3A_517 = arith.constant 0.000000e+00 : f32
      %max3A_518 = vector.broadcast %max3A_517 : f32 to vector<16xf32>
      %max3A_519 = arith.maximumf %add3A_516, %max3A_518 : vector<16xf32>
      %add3A_520 = arith.addf %add3A_500, %max3A_519 : vector<16xf32>
      scf.yield %add3A_520 : vector<16xf32>
    }
    %scan3A_434 = arith.constant 32 : i32
    %swap3A_435 = arith.constant 0 : index
    %swap3A_436 = tpu.vector_load %arg22[%swap3A_435] {strides = array<i32>} : memref<16xf32, #tpu.memory_space<vmem>>, vector<16xf32>,
    tpu.vector_store %arg22[%swap3A_435], %scan3A_433 {strides = array<i32>} : memref<16xf32, #tpu.memory_space<vmem>>, vector<16xf32>,
    %mul3A_437 = arith.constant 512 : i32
    %mul3A_438 = arith.muli %add3A, %mul3A_437 : i32
    "tpu.region"() ({
      %run_scoped3A_443 = tpu.sem_alloc : memref<!tpu.dma_semaphore, #tpu.memory_space<semaphore_mem>>
      %dma_start3A_444 = arith.constant 0 : i32
      %dma_start3A_445 = tpu.memref_slice %arg21[%dma_start3A_444] : memref<1024xf32, #tpu.memory_space<vmem>> -> memref<512xf32, #tpu.memory_space<vmem>>
      %dma_start3A_446 = tpu.memref_slice %arg5[%mul3A_438] : memref<32768xf32, #tpu.memory_space<hbm>> -> memref<512xf32, #tpu.memory_space<hbm>>
      %dma_start3A_447 = tpu.memref_slice %arg5[%mul3A_438] : memref<32768xf32, #tpu.memory_space<hbm>> -> memref<512xf32, #tpu.memory_space<hbm>>
      %dma_start3A_448 = arith.constant 0 : i32
      %dma_start3A_449 = tpu.memref_slice %arg21[%dma_start3A_448] : memref<1024xf32, #tpu.memory_space<vmem>> -> memref<512xf32, #tpu.memory_space<vmem>>
      tpu.enqueue_dma source(%dma_start3A_449 : memref<512xf32, #tpu.memory_space<vmem>>) target(%dma_start3A_447 : memref<512xf32, #tpu.memory_space<hbm>>) target_semaphore(%run_scoped3A_443 : memref<!tpu.dma_semaphore, #tpu.memory_space<semaphore_mem>>)
      %dma_wait3A_450 = arith.constant 0 : i32
      %dma_wait3A_451 = tpu.memref_slice %arg21[%dma_wait3A_450] : memref<1024xf32, #tpu.memory_space<vmem>> -> memref<512xf32, #tpu.memory_space<vmem>>
      %dma_wait3A_452 = tpu.memref_slice %arg5[%mul3A_438] : memref<32768xf32, #tpu.memory_space<hbm>> -> memref<512xf32, #tpu.memory_space<hbm>>
      %dma_wait3A_453 = tpu.memref_slice %arg5[%mul3A_438] : memref<32768xf32, #tpu.memory_space<hbm>> -> memref<512xf32, #tpu.memory_space<hbm>>
      %dma_wait3A_454 = arith.constant 0 : i32
      %dma_wait3A_455 = tpu.memref_slice %arg21[%dma_wait3A_454] : memref<1024xf32, #tpu.memory_space<vmem>> -> memref<512xf32, #tpu.memory_space<vmem>>
      tpu.wait_dma2 semaphore(%run_scoped3A_443 : memref<!tpu.dma_semaphore, #tpu.memory_space<semaphore_mem>>) src(%dma_wait3A_455 : memref<512xf32, #tpu.memory_space<vmem>>) dst(%dma_wait3A_453 : memref<512xf32, #tpu.memory_space<hbm>>)
      tpu.yield
    }) : () -> ()
    %mul3A_439 = arith.constant 512 : i32
    %mul3A_440 = arith.muli %add3A, %mul3A_439 : i32
    %add3A_441 = arith.constant 16384 : i32
    %add3A_442 = arith.addi %add3A_441, %mul3A_440 : i32
    "tpu.region"() ({
      %run_scoped3A_443 = tpu.sem_alloc : memref<!tpu.dma_semaphore, #tpu.memory_space<semaphore_mem>>
      %dma_start3A_444 = arith.constant 512 : i32
      %dma_start3A_445 = tpu.memref_slice %arg21[%dma_start3A_444] : memref<1024xf32, #tpu.memory_space<vmem>> -> memref<512xf32, #tpu.memory_space<vmem>>
      %dma_start3A_446 = tpu.memref_slice %arg5[%add3A_442] : memref<32768xf32, #tpu.memory_space<hbm>> -> memref<512xf32, #tpu.memory_space<hbm>>
      %dma_start3A_447 = tpu.memref_slice %arg5[%add3A_442] : memref<32768xf32, #tpu.memory_space<hbm>> -> memref<512xf32, #tpu.memory_space<hbm>>
      %dma_start3A_448 = arith.constant 512 : i32
      %dma_start3A_449 = tpu.memref_slice %arg21[%dma_start3A_448] : memref<1024xf32, #tpu.memory_space<vmem>> -> memref<512xf32, #tpu.memory_space<vmem>>
      tpu.enqueue_dma source(%dma_start3A_449 : memref<512xf32, #tpu.memory_space<vmem>>) target(%dma_start3A_447 : memref<512xf32, #tpu.memory_space<hbm>>) target_semaphore(%run_scoped3A_443 : memref<!tpu.dma_semaphore, #tpu.memory_space<semaphore_mem>>)
      %dma_wait3A_450 = arith.constant 512 : i32
      %dma_wait3A_451 = tpu.memref_slice %arg21[%dma_wait3A_450] : memref<1024xf32, #tpu.memory_space<vmem>> -> memref<512xf32, #tpu.memory_space<vmem>>
      %dma_wait3A_452 = tpu.memref_slice %arg5[%add3A_442] : memref<32768xf32, #tpu.memory_space<hbm>> -> memref<512xf32, #tpu.memory_space<hbm>>
      %dma_wait3A_453 = tpu.memref_slice %arg5[%add3A_442] : memref<32768xf32, #tpu.memory_space<hbm>> -> memref<512xf32, #tpu.memory_space<hbm>>
      %dma_wait3A_454 = arith.constant 512 : i32
      %dma_wait3A_455 = tpu.memref_slice %arg21[%dma_wait3A_454] : memref<1024xf32, #tpu.memory_space<vmem>> -> memref<512xf32, #tpu.memory_space<vmem>>
      tpu.wait_dma2 semaphore(%run_scoped3A_443 : memref<!tpu.dma_semaphore, #tpu.memory_space<semaphore_mem>>) src(%dma_wait3A_455 : memref<512xf32, #tpu.memory_space<vmem>>) dst(%dma_wait3A_453 : memref<512xf32, #tpu.memory_space<hbm>>)
      tpu.yield
    }) : () -> ()
    "tpu.region"() ({
      %run_scoped3A_443 = tpu.sem_alloc : memref<!tpu.dma_semaphore, #tpu.memory_space<semaphore_mem>>
      %dma_start3A_444 = arith.constant 0 : i32
      %dma_start3A_445 = tpu.memref_slice %arg6[%add3A, %dma_start3A_444] : memref<32x16xf32, #tpu.memory_space<hbm>> -> memref<1x16xf32, #tpu.memory_space<hbm>>
      %dma_start3A_446 = tpu.memref_squeeze %dma_start3A_445 : memref<1x16xf32, #tpu.memory_space<hbm>> -> memref<16xf32, #tpu.memory_space<hbm>>
      %dma_start3A_447 = arith.constant 0 : i32
      %dma_start3A_448 = tpu.memref_slice %arg6[%add3A, %dma_start3A_447] : memref<32x16xf32, #tpu.memory_space<hbm>> -> memref<1x16xf32, #tpu.memory_space<hbm>>
      %dma_start3A_449 = tpu.memref_squeeze %dma_start3A_448 : memref<1x16xf32, #tpu.memory_space<hbm>> -> memref<16xf32, #tpu.memory_space<hbm>>
      tpu.enqueue_dma source(%arg22 : memref<16xf32, #tpu.memory_space<vmem>>) target(%dma_start3A_449 : memref<16xf32, #tpu.memory_space<hbm>>) target_semaphore(%run_scoped3A_443 : memref<!tpu.dma_semaphore, #tpu.memory_space<semaphore_mem>>)
      %dma_wait3A_450 = arith.constant 0 : i32
      %dma_wait3A_451 = tpu.memref_slice %arg6[%add3A, %dma_wait3A_450] : memref<32x16xf32, #tpu.memory_space<hbm>> -> memref<1x16xf32, #tpu.memory_space<hbm>>
      %dma_wait3A_452 = tpu.memref_squeeze %dma_wait3A_451 : memref<1x16xf32, #tpu.memory_space<hbm>> -> memref<16xf32, #tpu.memory_space<hbm>>
      %dma_wait3A_453 = arith.constant 0 : i32
      %dma_wait3A_454 = tpu.memref_slice %arg6[%add3A, %dma_wait3A_453] : memref<32x16xf32, #tpu.memory_space<hbm>> -> memref<1x16xf32, #tpu.memory_space<hbm>>
      %dma_wait3A_455 = tpu.memref_squeeze %dma_wait3A_454 : memref<1x16xf32, #tpu.memory_space<hbm>> -> memref<16xf32, #tpu.memory_space<hbm>>
      tpu.wait_dma2 semaphore(%run_scoped3A_443 : memref<!tpu.dma_semaphore, #tpu.memory_space<semaphore_mem>>) src(%arg22 : memref<16xf32, #tpu.memory_space<vmem>>) dst(%dma_wait3A_455 : memref<16xf32, #tpu.memory_space<hbm>>)
      tpu.yield
    }) : () -> ()
    return
  }
}

module attributes {stable_mosaic.version = 14 : i64} {
  func.func @body(%arg0: i32, %arg1: memref<64x8192xf32, #tpu.memory_space<vmem>>, %arg2: memref<64x8192xf32, #tpu.memory_space<vmem>>, %arg3: memref<64x8192xf32, #tpu.memory_space<vmem>>, %arg4: memref<64x8192xf32, #tpu.memory_space<vmem>>, %arg5: memref<8192x128xi32, #tpu.memory_space<vmem>>) attributes {dimension_semantics = [#tpu.dimension_semantics<arbitrary>], iteration_bounds = array<i64: 31>, scalar_prefetch = 0 : i64, scratch_operands = 0 : i64, tpu.core_type = #tpu.core_type<tc>, window_params = [{transform_indices = @transform_0, window_bounds = array<i64: 64, 8192>}, {transform_indices = @transform_1, window_bounds = array<i64: 64, 8192>}, {transform_indices = @transform_2, window_bounds = array<i64: 64, 8192>}, {transform_indices = @transform_3, window_bounds = array<i64: 64, 8192>}, {transform_indices = @transform_4, window_bounds = array<i64: 8192, 128>}]} {
    %get3A = arith.constant 0 : index
    %get3A_0 = arith.constant 0 : index
    %get3A_1 = vector.load %arg1[%get3A, %get3A_0] : memref<64x8192xf32, #tpu.memory_space<vmem>>, vector<64x8192xf32>
    %mul3A = arith.mulf %get3A_1, %get3A_1 : vector<64x8192xf32>
    %reduce_sum3A = arith.constant dense<0.000000e+00> : vector<8192xf32>
    %reduce_sum3A_2 = vector.multi_reduction <add>, %mul3A, %reduce_sum3A [0] : vector<64x8192xf32> to vector<8192xf32>
    %broadcast_in_dim3A = vector.shape_cast %reduce_sum3A_2 : vector<8192xf32> to vector<1x8192xf32>
    %rsqrt3A = math.rsqrt %broadcast_in_dim3A : vector<1x8192xf32>
    %mul3A_3 = vector.broadcast %rsqrt3A : vector<1x8192xf32> to vector<64x8192xf32>
    %mul3A_4 = arith.mulf %get3A_1, %mul3A_3 : vector<64x8192xf32>
    %bitcast_convert_type3A = tpu.bitcast %mul3A_4 : vector<64x8192xf32> -> vector<64x8192xi32>
    %shift_right_logical3A = arith.constant 16 : i32
    %shift_right_logical3A_5 = vector.broadcast %shift_right_logical3A : i32 to vector<64x8192xi32>
    %shift_right_logical3A_6 = arith.shrui %bitcast_convert_type3A, %shift_right_logical3A_5 : vector<64x8192xi32>
    %and3A = arith.constant 1 : i32
    %and3A_7 = vector.broadcast %and3A : i32 to vector<64x8192xi32>
    %and3A_8 = arith.andi %shift_right_logical3A_6, %and3A_7 : vector<64x8192xi32>
    %add3A = arith.constant 32767 : i32
    %add3A_9 = vector.broadcast %add3A : i32 to vector<64x8192xi32>
    %add3A_10 = arith.addi %add3A_9, %and3A_8 : vector<64x8192xi32>
    %add3A_11 = arith.addi %bitcast_convert_type3A, %add3A_10 : vector<64x8192xi32>
    %slice3A = vector.extract_strided_slice %add3A_11 {offsets = [0, 0], sizes = [32, 8192], strides = [1, 1]} : vector<64x8192xi32> to vector<32x8192xi32>
    %and3A_12 = arith.constant -65536 : i32
    %and3A_13 = vector.broadcast %and3A_12 : i32 to vector<32x8192xi32>
    %and3A_14 = arith.andi %slice3A, %and3A_13 : vector<32x8192xi32>
    %slice3A_15 = vector.extract_strided_slice %add3A_11 {offsets = [32, 0], sizes = [32, 8192], strides = [1, 1]} : vector<64x8192xi32> to vector<32x8192xi32>
    %shift_right_logical3A_16 = arith.constant 16 : i32
    %shift_right_logical3A_17 = vector.broadcast %shift_right_logical3A_16 : i32 to vector<32x8192xi32>
    %shift_right_logical3A_18 = arith.shrui %slice3A_15, %shift_right_logical3A_17 : vector<32x8192xi32>
    %or3A = arith.ori %and3A_14, %shift_right_logical3A_18 : vector<32x8192xi32>
    %bitcast_convert_type3A_19 = tpu.bitcast %or3A : vector<32x8192xi32> -> vector<32x8192xi32>
    %get3A_20 = arith.constant 0 : index
    %get3A_21 = arith.constant 0 : index
    %get3A_22 = vector.load %arg2[%get3A_20, %get3A_21] : memref<64x8192xf32, #tpu.memory_space<vmem>>, vector<64x8192xf32>
    %mul3A_23 = arith.mulf %get3A_22, %get3A_22 : vector<64x8192xf32>
    %reduce_sum3A_24 = arith.constant dense<0.000000e+00> : vector<8192xf32>
    %reduce_sum3A_25 = vector.multi_reduction <add>, %mul3A_23, %reduce_sum3A_24 [0] : vector<64x8192xf32> to vector<8192xf32>
    %broadcast_in_dim3A_26 = vector.shape_cast %reduce_sum3A_25 : vector<8192xf32> to vector<1x8192xf32>
    %rsqrt3A_27 = math.rsqrt %broadcast_in_dim3A_26 : vector<1x8192xf32>
    %mul3A_28 = vector.broadcast %rsqrt3A_27 : vector<1x8192xf32> to vector<64x8192xf32>
    %mul3A_29 = arith.mulf %get3A_22, %mul3A_28 : vector<64x8192xf32>
    %bitcast_convert_type3A_30 = tpu.bitcast %mul3A_29 : vector<64x8192xf32> -> vector<64x8192xi32>
    %shift_right_logical3A_31 = arith.constant 16 : i32
    %shift_right_logical3A_32 = vector.broadcast %shift_right_logical3A_31 : i32 to vector<64x8192xi32>
    %shift_right_logical3A_33 = arith.shrui %bitcast_convert_type3A_30, %shift_right_logical3A_32 : vector<64x8192xi32>
    %and3A_34 = arith.constant 1 : i32
    %and3A_35 = vector.broadcast %and3A_34 : i32 to vector<64x8192xi32>
    %and3A_36 = arith.andi %shift_right_logical3A_33, %and3A_35 : vector<64x8192xi32>
    %add3A_37 = arith.constant 32767 : i32
    %add3A_38 = vector.broadcast %add3A_37 : i32 to vector<64x8192xi32>
    %add3A_39 = arith.addi %add3A_38, %and3A_36 : vector<64x8192xi32>
    %add3A_40 = arith.addi %bitcast_convert_type3A_30, %add3A_39 : vector<64x8192xi32>
    %slice3A_41 = vector.extract_strided_slice %add3A_40 {offsets = [0, 0], sizes = [32, 8192], strides = [1, 1]} : vector<64x8192xi32> to vector<32x8192xi32>
    %and3A_42 = arith.constant -65536 : i32
    %and3A_43 = vector.broadcast %and3A_42 : i32 to vector<32x8192xi32>
    %and3A_44 = arith.andi %slice3A_41, %and3A_43 : vector<32x8192xi32>
    %slice3A_45 = vector.extract_strided_slice %add3A_40 {offsets = [32, 0], sizes = [32, 8192], strides = [1, 1]} : vector<64x8192xi32> to vector<32x8192xi32>
    %shift_right_logical3A_46 = arith.constant 16 : i32
    %shift_right_logical3A_47 = vector.broadcast %shift_right_logical3A_46 : i32 to vector<32x8192xi32>
    %shift_right_logical3A_48 = arith.shrui %slice3A_45, %shift_right_logical3A_47 : vector<32x8192xi32>
    %or3A_49 = arith.ori %and3A_44, %shift_right_logical3A_48 : vector<32x8192xi32>
    %bitcast_convert_type3A_50 = tpu.bitcast %or3A_49 : vector<32x8192xi32> -> vector<32x8192xi32>
    %get3A_51 = arith.constant 0 : index
    %get3A_52 = arith.constant 0 : index
    %get3A_53 = vector.load %arg3[%get3A_51, %get3A_52] : memref<64x8192xf32, #tpu.memory_space<vmem>>, vector<64x8192xf32>
    %mul3A_54 = arith.mulf %get3A_53, %get3A_53 : vector<64x8192xf32>
    %reduce_sum3A_55 = arith.constant dense<0.000000e+00> : vector<8192xf32>
    %reduce_sum3A_56 = vector.multi_reduction <add>, %mul3A_54, %reduce_sum3A_55 [0] : vector<64x8192xf32> to vector<8192xf32>
    %broadcast_in_dim3A_57 = vector.shape_cast %reduce_sum3A_56 : vector<8192xf32> to vector<1x8192xf32>
    %rsqrt3A_58 = math.rsqrt %broadcast_in_dim3A_57 : vector<1x8192xf32>
    %mul3A_59 = vector.broadcast %rsqrt3A_58 : vector<1x8192xf32> to vector<64x8192xf32>
    %mul3A_60 = arith.mulf %get3A_53, %mul3A_59 : vector<64x8192xf32>
    %bitcast_convert_type3A_61 = tpu.bitcast %mul3A_60 : vector<64x8192xf32> -> vector<64x8192xi32>
    %shift_right_logical3A_62 = arith.constant 16 : i32
    %shift_right_logical3A_63 = vector.broadcast %shift_right_logical3A_62 : i32 to vector<64x8192xi32>
    %shift_right_logical3A_64 = arith.shrui %bitcast_convert_type3A_61, %shift_right_logical3A_63 : vector<64x8192xi32>
    %and3A_65 = arith.constant 1 : i32
    %and3A_66 = vector.broadcast %and3A_65 : i32 to vector<64x8192xi32>
    %and3A_67 = arith.andi %shift_right_logical3A_64, %and3A_66 : vector<64x8192xi32>
    %add3A_68 = arith.constant 32767 : i32
    %add3A_69 = vector.broadcast %add3A_68 : i32 to vector<64x8192xi32>
    %add3A_70 = arith.addi %add3A_69, %and3A_67 : vector<64x8192xi32>
    %add3A_71 = arith.addi %bitcast_convert_type3A_61, %add3A_70 : vector<64x8192xi32>
    %slice3A_72 = vector.extract_strided_slice %add3A_71 {offsets = [0, 0], sizes = [32, 8192], strides = [1, 1]} : vector<64x8192xi32> to vector<32x8192xi32>
    %and3A_73 = arith.constant -65536 : i32
    %and3A_74 = vector.broadcast %and3A_73 : i32 to vector<32x8192xi32>
    %and3A_75 = arith.andi %slice3A_72, %and3A_74 : vector<32x8192xi32>
    %slice3A_76 = vector.extract_strided_slice %add3A_71 {offsets = [32, 0], sizes = [32, 8192], strides = [1, 1]} : vector<64x8192xi32> to vector<32x8192xi32>
    %shift_right_logical3A_77 = arith.constant 16 : i32
    %shift_right_logical3A_78 = vector.broadcast %shift_right_logical3A_77 : i32 to vector<32x8192xi32>
    %shift_right_logical3A_79 = arith.shrui %slice3A_76, %shift_right_logical3A_78 : vector<32x8192xi32>
    %or3A_80 = arith.ori %and3A_75, %shift_right_logical3A_79 : vector<32x8192xi32>
    %bitcast_convert_type3A_81 = tpu.bitcast %or3A_80 : vector<32x8192xi32> -> vector<32x8192xi32>
    %get3A_82 = arith.constant 0 : index
    %get3A_83 = arith.constant 0 : index
    %get3A_84 = vector.load %arg4[%get3A_82, %get3A_83] : memref<64x8192xf32, #tpu.memory_space<vmem>>, vector<64x8192xf32>
    %mul3A_85 = arith.mulf %get3A_84, %get3A_84 : vector<64x8192xf32>
    %reduce_sum3A_86 = arith.constant dense<0.000000e+00> : vector<8192xf32>
    %reduce_sum3A_87 = vector.multi_reduction <add>, %mul3A_85, %reduce_sum3A_86 [0] : vector<64x8192xf32> to vector<8192xf32>
    %broadcast_in_dim3A_88 = vector.shape_cast %reduce_sum3A_87 : vector<8192xf32> to vector<1x8192xf32>
    %rsqrt3A_89 = math.rsqrt %broadcast_in_dim3A_88 : vector<1x8192xf32>
    %mul3A_90 = vector.broadcast %rsqrt3A_89 : vector<1x8192xf32> to vector<64x8192xf32>
    %mul3A_91 = arith.mulf %get3A_84, %mul3A_90 : vector<64x8192xf32>
    %bitcast_convert_type3A_92 = tpu.bitcast %mul3A_91 : vector<64x8192xf32> -> vector<64x8192xi32>
    %shift_right_logical3A_93 = arith.constant 16 : i32
    %shift_right_logical3A_94 = vector.broadcast %shift_right_logical3A_93 : i32 to vector<64x8192xi32>
    %shift_right_logical3A_95 = arith.shrui %bitcast_convert_type3A_92, %shift_right_logical3A_94 : vector<64x8192xi32>
    %and3A_96 = arith.constant 1 : i32
    %and3A_97 = vector.broadcast %and3A_96 : i32 to vector<64x8192xi32>
    %and3A_98 = arith.andi %shift_right_logical3A_95, %and3A_97 : vector<64x8192xi32>
    %add3A_99 = arith.constant 32767 : i32
    %add3A_100 = vector.broadcast %add3A_99 : i32 to vector<64x8192xi32>
    %add3A_101 = arith.addi %add3A_100, %and3A_98 : vector<64x8192xi32>
    %add3A_102 = arith.addi %bitcast_convert_type3A_92, %add3A_101 : vector<64x8192xi32>
    %slice3A_103 = vector.extract_strided_slice %add3A_102 {offsets = [0, 0], sizes = [32, 8192], strides = [1, 1]} : vector<64x8192xi32> to vector<32x8192xi32>
    %and3A_104 = arith.constant -65536 : i32
    %and3A_105 = vector.broadcast %and3A_104 : i32 to vector<32x8192xi32>
    %and3A_106 = arith.andi %slice3A_103, %and3A_105 : vector<32x8192xi32>
    %slice3A_107 = vector.extract_strided_slice %add3A_102 {offsets = [32, 0], sizes = [32, 8192], strides = [1, 1]} : vector<64x8192xi32> to vector<32x8192xi32>
    %shift_right_logical3A_108 = arith.constant 16 : i32
    %shift_right_logical3A_109 = vector.broadcast %shift_right_logical3A_108 : i32 to vector<32x8192xi32>
    %shift_right_logical3A_110 = arith.shrui %slice3A_107, %shift_right_logical3A_109 : vector<32x8192xi32>
    %or3A_111 = arith.ori %and3A_106, %shift_right_logical3A_110 : vector<32x8192xi32>
    %bitcast_convert_type3A_112 = tpu.bitcast %or3A_111 : vector<32x8192xi32> -> vector<32x8192xi32>
    %concatenate3A = tpu.concatenate %bitcast_convert_type3A_19, %bitcast_convert_type3A_50, %bitcast_convert_type3A_81, %bitcast_convert_type3A_112 in 0 : vector<32x8192xi32>, vector<32x8192xi32>, vector<32x8192xi32>, vector<32x8192xi32> -> vector<128x8192xi32>
    %transpose3A = tpu.transpose %concatenate3A, [1, 0] : vector<128x8192xi32> -> vector<8192x128xi32>
    %swap3A = arith.constant 0 : index
    %swap3A_113 = arith.constant 0 : index
    %swap3A_114 = vector.load %arg5[%swap3A, %swap3A_113] : memref<8192x128xi32, #tpu.memory_space<vmem>>, vector<8192x128xi32>
    tpu.vector_store %arg5[%swap3A, %swap3A_113], %transpose3A {strides = array<i32>} : memref<8192x128xi32, #tpu.memory_space<vmem>>, vector<8192x128xi32>,
    return
  }
  func.func @transform_0(%arg0: i32) -> (i32, i32) {
    %mul3A = arith.constant 4 : i32
    %mul3A_0 = arith.muli %mul3A, %arg0 : i32
    %add3A = arith.constant 0 : i32
    %add3A_1 = arith.addi %mul3A_0, %add3A : i32
    %min3A = arith.constant 122 : i32
    %min3A_2 = arith.minsi %add3A_1, %min3A : i32
    %c0_i32 = arith.constant 0 : i32
    %c0_i32_3 = arith.constant 0 : i32
    return %c0_i32, %min3A_2 : i32, i32
  }
  func.func @transform_1(%arg0: i32) -> (i32, i32) {
    %mul3A = arith.constant 4 : i32
    %mul3A_0 = arith.muli %mul3A, %arg0 : i32
    %add3A = arith.constant 1 : i32
    %add3A_1 = arith.addi %mul3A_0, %add3A : i32
    %min3A = arith.constant 122 : i32
    %min3A_2 = arith.minsi %add3A_1, %min3A : i32
    %c0_i32 = arith.constant 0 : i32
    %c0_i32_3 = arith.constant 0 : i32
    return %c0_i32, %min3A_2 : i32, i32
  }
  func.func @transform_2(%arg0: i32) -> (i32, i32) {
    %mul3A = arith.constant 4 : i32
    %mul3A_0 = arith.muli %mul3A, %arg0 : i32
    %add3A = arith.constant 2 : i32
    %add3A_1 = arith.addi %mul3A_0, %add3A : i32
    %min3A = arith.constant 122 : i32
    %min3A_2 = arith.minsi %add3A_1, %min3A : i32
    %c0_i32 = arith.constant 0 : i32
    %c0_i32_3 = arith.constant 0 : i32
    return %c0_i32, %min3A_2 : i32, i32
  }
  func.func @transform_3(%arg0: i32) -> (i32, i32) {
    %mul3A = arith.constant 4 : i32
    %mul3A_0 = arith.muli %mul3A, %arg0 : i32
    %add3A = arith.constant 3 : i32
    %add3A_1 = arith.addi %mul3A_0, %add3A : i32
    %min3A = arith.constant 122 : i32
    %min3A_2 = arith.minsi %add3A_1, %min3A : i32
    %c0_i32 = arith.constant 0 : i32
    %c0_i32_3 = arith.constant 0 : i32
    return %c0_i32, %min3A_2 : i32, i32
  }
  func.func @transform_4(%arg0: i32) -> (i32, i32) {
    %c0_i32 = arith.constant 0 : i32
    %c0_i32_0 = arith.constant 0 : i32
    return %arg0, %c0_i32 : i32, i32
  }
}

module attributes {stable_mosaic.version = 14 : i64} {
  func.func @body(%arg0: i32, %arg1: memref<64x8192xf32, #tpu.memory_space<vmem>>, %arg2: memref<64x8192xf32, #tpu.memory_space<vmem>>, %arg3: memref<64x8192xf32, #tpu.memory_space<vmem>>, %arg4: memref<64x8192xf32, #tpu.memory_space<vmem>>, %arg5: memref<8192x128xi32, #tpu.memory_space<vmem>>) attributes {dimension_semantics = [#tpu.dimension_semantics<arbitrary>], iteration_bounds = array<i64: 31>, scalar_prefetch = 0 : i64, scratch_operands = 0 : i64, tpu.core_type = #tpu.core_type<tc>, window_params = [{transform_indices = @transform_0, window_bounds = array<i64: 64, 8192>}, {transform_indices = @transform_1, window_bounds = array<i64: 64, 8192>}, {transform_indices = @transform_2, window_bounds = array<i64: 64, 8192>}, {transform_indices = @transform_3, window_bounds = array<i64: 64, 8192>}, {transform_indices = @transform_4, window_bounds = array<i64: 8192, 128>}]} {
    %get3A = arith.constant 0 : index
    %get3A_0 = arith.constant 0 : index
    %get3A_1 = vector.load %arg1[%get3A, %get3A_0] : memref<64x8192xf32, #tpu.memory_space<vmem>>, vector<64x8192xf32>
    %bitcast_convert_type3A = tpu.bitcast %get3A_1 : vector<64x8192xf32> -> vector<64x8192xi32>
    %shift_right_logical3A = arith.constant 16 : i32
    %shift_right_logical3A_2 = vector.broadcast %shift_right_logical3A : i32 to vector<64x8192xi32>
    %shift_right_logical3A_3 = arith.shrui %bitcast_convert_type3A, %shift_right_logical3A_2 : vector<64x8192xi32>
    %and3A = arith.constant 1 : i32
    %and3A_4 = vector.broadcast %and3A : i32 to vector<64x8192xi32>
    %and3A_5 = arith.andi %shift_right_logical3A_3, %and3A_4 : vector<64x8192xi32>
    %add3A = arith.constant 32767 : i32
    %add3A_6 = vector.broadcast %add3A : i32 to vector<64x8192xi32>
    %add3A_7 = arith.addi %add3A_6, %and3A_5 : vector<64x8192xi32>
    %add3A_8 = arith.addi %bitcast_convert_type3A, %add3A_7 : vector<64x8192xi32>
    %slice3A = vector.extract_strided_slice %add3A_8 {offsets = [0, 0], sizes = [32, 8192], strides = [1, 1]} : vector<64x8192xi32> to vector<32x8192xi32>
    %and3A_9 = arith.constant -65536 : i32
    %and3A_10 = vector.broadcast %and3A_9 : i32 to vector<32x8192xi32>
    %and3A_11 = arith.andi %slice3A, %and3A_10 : vector<32x8192xi32>
    %slice3A_12 = vector.extract_strided_slice %add3A_8 {offsets = [32, 0], sizes = [32, 8192], strides = [1, 1]} : vector<64x8192xi32> to vector<32x8192xi32>
    %shift_right_logical3A_13 = arith.constant 16 : i32
    %shift_right_logical3A_14 = vector.broadcast %shift_right_logical3A_13 : i32 to vector<32x8192xi32>
    %shift_right_logical3A_15 = arith.shrui %slice3A_12, %shift_right_logical3A_14 : vector<32x8192xi32>
    %or3A = arith.ori %and3A_11, %shift_right_logical3A_15 : vector<32x8192xi32>
    %bitcast_convert_type3A_16 = tpu.bitcast %or3A : vector<32x8192xi32> -> vector<32x8192xi32>
    %get3A_17 = arith.constant 0 : index
    %get3A_18 = arith.constant 0 : index
    %get3A_19 = vector.load %arg2[%get3A_17, %get3A_18] : memref<64x8192xf32, #tpu.memory_space<vmem>>, vector<64x8192xf32>
    %bitcast_convert_type3A_20 = tpu.bitcast %get3A_19 : vector<64x8192xf32> -> vector<64x8192xi32>
    %shift_right_logical3A_21 = arith.constant 16 : i32
    %shift_right_logical3A_22 = vector.broadcast %shift_right_logical3A_21 : i32 to vector<64x8192xi32>
    %shift_right_logical3A_23 = arith.shrui %bitcast_convert_type3A_20, %shift_right_logical3A_22 : vector<64x8192xi32>
    %and3A_24 = arith.constant 1 : i32
    %and3A_25 = vector.broadcast %and3A_24 : i32 to vector<64x8192xi32>
    %and3A_26 = arith.andi %shift_right_logical3A_23, %and3A_25 : vector<64x8192xi32>
    %add3A_27 = arith.constant 32767 : i32
    %add3A_28 = vector.broadcast %add3A_27 : i32 to vector<64x8192xi32>
    %add3A_29 = arith.addi %add3A_28, %and3A_26 : vector<64x8192xi32>
    %add3A_30 = arith.addi %bitcast_convert_type3A_20, %add3A_29 : vector<64x8192xi32>
    %slice3A_31 = vector.extract_strided_slice %add3A_30 {offsets = [0, 0], sizes = [32, 8192], strides = [1, 1]} : vector<64x8192xi32> to vector<32x8192xi32>
    %and3A_32 = arith.constant -65536 : i32
    %and3A_33 = vector.broadcast %and3A_32 : i32 to vector<32x8192xi32>
    %and3A_34 = arith.andi %slice3A_31, %and3A_33 : vector<32x8192xi32>
    %slice3A_35 = vector.extract_strided_slice %add3A_30 {offsets = [32, 0], sizes = [32, 8192], strides = [1, 1]} : vector<64x8192xi32> to vector<32x8192xi32>
    %shift_right_logical3A_36 = arith.constant 16 : i32
    %shift_right_logical3A_37 = vector.broadcast %shift_right_logical3A_36 : i32 to vector<32x8192xi32>
    %shift_right_logical3A_38 = arith.shrui %slice3A_35, %shift_right_logical3A_37 : vector<32x8192xi32>
    %or3A_39 = arith.ori %and3A_34, %shift_right_logical3A_38 : vector<32x8192xi32>
    %bitcast_convert_type3A_40 = tpu.bitcast %or3A_39 : vector<32x8192xi32> -> vector<32x8192xi32>
    %get3A_41 = arith.constant 0 : index
    %get3A_42 = arith.constant 0 : index
    %get3A_43 = vector.load %arg3[%get3A_41, %get3A_42] : memref<64x8192xf32, #tpu.memory_space<vmem>>, vector<64x8192xf32>
    %bitcast_convert_type3A_44 = tpu.bitcast %get3A_43 : vector<64x8192xf32> -> vector<64x8192xi32>
    %shift_right_logical3A_45 = arith.constant 16 : i32
    %shift_right_logical3A_46 = vector.broadcast %shift_right_logical3A_45 : i32 to vector<64x8192xi32>
    %shift_right_logical3A_47 = arith.shrui %bitcast_convert_type3A_44, %shift_right_logical3A_46 : vector<64x8192xi32>
    %and3A_48 = arith.constant 1 : i32
    %and3A_49 = vector.broadcast %and3A_48 : i32 to vector<64x8192xi32>
    %and3A_50 = arith.andi %shift_right_logical3A_47, %and3A_49 : vector<64x8192xi32>
    %add3A_51 = arith.constant 32767 : i32
    %add3A_52 = vector.broadcast %add3A_51 : i32 to vector<64x8192xi32>
    %add3A_53 = arith.addi %add3A_52, %and3A_50 : vector<64x8192xi32>
    %add3A_54 = arith.addi %bitcast_convert_type3A_44, %add3A_53 : vector<64x8192xi32>
    %slice3A_55 = vector.extract_strided_slice %add3A_54 {offsets = [0, 0], sizes = [32, 8192], strides = [1, 1]} : vector<64x8192xi32> to vector<32x8192xi32>
    %and3A_56 = arith.constant -65536 : i32
    %and3A_57 = vector.broadcast %and3A_56 : i32 to vector<32x8192xi32>
    %and3A_58 = arith.andi %slice3A_55, %and3A_57 : vector<32x8192xi32>
    %slice3A_59 = vector.extract_strided_slice %add3A_54 {offsets = [32, 0], sizes = [32, 8192], strides = [1, 1]} : vector<64x8192xi32> to vector<32x8192xi32>
    %shift_right_logical3A_60 = arith.constant 16 : i32
    %shift_right_logical3A_61 = vector.broadcast %shift_right_logical3A_60 : i32 to vector<32x8192xi32>
    %shift_right_logical3A_62 = arith.shrui %slice3A_59, %shift_right_logical3A_61 : vector<32x8192xi32>
    %or3A_63 = arith.ori %and3A_58, %shift_right_logical3A_62 : vector<32x8192xi32>
    %bitcast_convert_type3A_64 = tpu.bitcast %or3A_63 : vector<32x8192xi32> -> vector<32x8192xi32>
    %get3A_65 = arith.constant 0 : index
    %get3A_66 = arith.constant 0 : index
    %get3A_67 = vector.load %arg4[%get3A_65, %get3A_66] : memref<64x8192xf32, #tpu.memory_space<vmem>>, vector<64x8192xf32>
    %bitcast_convert_type3A_68 = tpu.bitcast %get3A_67 : vector<64x8192xf32> -> vector<64x8192xi32>
    %shift_right_logical3A_69 = arith.constant 16 : i32
    %shift_right_logical3A_70 = vector.broadcast %shift_right_logical3A_69 : i32 to vector<64x8192xi32>
    %shift_right_logical3A_71 = arith.shrui %bitcast_convert_type3A_68, %shift_right_logical3A_70 : vector<64x8192xi32>
    %and3A_72 = arith.constant 1 : i32
    %and3A_73 = vector.broadcast %and3A_72 : i32 to vector<64x8192xi32>
    %and3A_74 = arith.andi %shift_right_logical3A_71, %and3A_73 : vector<64x8192xi32>
    %add3A_75 = arith.constant 32767 : i32
    %add3A_76 = vector.broadcast %add3A_75 : i32 to vector<64x8192xi32>
    %add3A_77 = arith.addi %add3A_76, %and3A_74 : vector<64x8192xi32>
    %add3A_78 = arith.addi %bitcast_convert_type3A_68, %add3A_77 : vector<64x8192xi32>
    %slice3A_79 = vector.extract_strided_slice %add3A_78 {offsets = [0, 0], sizes = [32, 8192], strides = [1, 1]} : vector<64x8192xi32> to vector<32x8192xi32>
    %and3A_80 = arith.constant -65536 : i32
    %and3A_81 = vector.broadcast %and3A_80 : i32 to vector<32x8192xi32>
    %and3A_82 = arith.andi %slice3A_79, %and3A_81 : vector<32x8192xi32>
    %slice3A_83 = vector.extract_strided_slice %add3A_78 {offsets = [32, 0], sizes = [32, 8192], strides = [1, 1]} : vector<64x8192xi32> to vector<32x8192xi32>
    %shift_right_logical3A_84 = arith.constant 16 : i32
    %shift_right_logical3A_85 = vector.broadcast %shift_right_logical3A_84 : i32 to vector<32x8192xi32>
    %shift_right_logical3A_86 = arith.shrui %slice3A_83, %shift_right_logical3A_85 : vector<32x8192xi32>
    %or3A_87 = arith.ori %and3A_82, %shift_right_logical3A_86 : vector<32x8192xi32>
    %bitcast_convert_type3A_88 = tpu.bitcast %or3A_87 : vector<32x8192xi32> -> vector<32x8192xi32>
    %concatenate3A = tpu.concatenate %bitcast_convert_type3A_16, %bitcast_convert_type3A_40, %bitcast_convert_type3A_64, %bitcast_convert_type3A_88 in 0 : vector<32x8192xi32>, vector<32x8192xi32>, vector<32x8192xi32>, vector<32x8192xi32> -> vector<128x8192xi32>
    %transpose3A = tpu.transpose %concatenate3A, [1, 0] : vector<128x8192xi32> -> vector<8192x128xi32>
    %swap3A = arith.constant 0 : index
    %swap3A_89 = arith.constant 0 : index
    %swap3A_90 = vector.load %arg5[%swap3A, %swap3A_89] : memref<8192x128xi32, #tpu.memory_space<vmem>>, vector<8192x128xi32>
    tpu.vector_store %arg5[%swap3A, %swap3A_89], %transpose3A {strides = array<i32>} : memref<8192x128xi32, #tpu.memory_space<vmem>>, vector<8192x128xi32>,
    return
  }
  func.func @transform_0(%arg0: i32) -> (i32, i32) {
    %mul3A = arith.constant 4 : i32
    %mul3A_0 = arith.muli %mul3A, %arg0 : i32
    %add3A = arith.constant 0 : i32
    %add3A_1 = arith.addi %mul3A_0, %add3A : i32
    %min3A = arith.constant 122 : i32
    %min3A_2 = arith.minsi %add3A_1, %min3A : i32
    %c0_i32 = arith.constant 0 : i32
    %c0_i32_3 = arith.constant 0 : i32
    return %c0_i32, %min3A_2 : i32, i32
  }
  func.func @transform_1(%arg0: i32) -> (i32, i32) {
    %mul3A = arith.constant 4 : i32
    %mul3A_0 = arith.muli %mul3A, %arg0 : i32
    %add3A = arith.constant 1 : i32
    %add3A_1 = arith.addi %mul3A_0, %add3A : i32
    %min3A = arith.constant 122 : i32
    %min3A_2 = arith.minsi %add3A_1, %min3A : i32
    %c0_i32 = arith.constant 0 : i32
    %c0_i32_3 = arith.constant 0 : i32
    return %c0_i32, %min3A_2 : i32, i32
  }
  func.func @transform_2(%arg0: i32) -> (i32, i32) {
    %mul3A = arith.constant 4 : i32
    %mul3A_0 = arith.muli %mul3A, %arg0 : i32
    %add3A = arith.constant 2 : i32
    %add3A_1 = arith.addi %mul3A_0, %add3A : i32
    %min3A = arith.constant 122 : i32
    %min3A_2 = arith.minsi %add3A_1, %min3A : i32
    %c0_i32 = arith.constant 0 : i32
    %c0_i32_3 = arith.constant 0 : i32
    return %c0_i32, %min3A_2 : i32, i32
  }
  func.func @transform_3(%arg0: i32) -> (i32, i32) {
    %mul3A = arith.constant 4 : i32
    %mul3A_0 = arith.muli %mul3A, %arg0 : i32
    %add3A = arith.constant 3 : i32
    %add3A_1 = arith.addi %mul3A_0, %add3A : i32
    %min3A = arith.constant 122 : i32
    %min3A_2 = arith.minsi %add3A_1, %min3A : i32
    %c0_i32 = arith.constant 0 : i32
    %c0_i32_3 = arith.constant 0 : i32
    return %c0_i32, %min3A_2 : i32, i32
  }
  func.func @transform_4(%arg0: i32) -> (i32, i32) {
    %c0_i32 = arith.constant 0 : i32
    %c0_i32_0 = arith.constant 0 : i32
    return %arg0, %c0_i32 : i32, i32
  }
}

</mosaic_0001>

<sc_bundles>
// kernel: kernel.5.cloned.1.call-start
scs
__scs_entry_jumppad:
0x0: {  	(pc) =	sbr.rel $0x88, $3  }
0x1: {  	(tag) =	ssettag $0x0;
	lr =	simm.s32 $0x1  }
0x2: {  	[smem:$0x3F9D] =	sst lr;
	_ =	strace $0xD0000000  }
0x3: {  	_ = 	snop  }
0x4: {  	_ = 	snop  }
0x5: {  	_ = 	snop  }
0x6: {  	_ = 	snop  }
0x7: {  	_ = 	snop  }
__scs_overlays_trampoline_lowered:
0x8: {  	[smem:$0x3FAC] =	sst s0  }
0x9: {  	[smem:$0x3FAD] =	sst s1  }
0xa: {  	[smem:$0x3FAE] =	sst s2  }
0xb: {  	[smem:$0x3FAF] =	sst s3  }
0xc: {  	[smem:$0x3FB0] =	sst s4  }
0xd: {  	[smem:$0x3FB1] =	sst s5  }
0xe: {  	[smem:$0x3FB2] =	sst s6  }
0xf: {  	[smem:$0x3FB3] =	sst s7  }
0x10: {  	[smem:$0x3FB4] =	sst s8  }
0x11: {  	[smem:$0x3FB5] =	sst s9;
	s0 =	simm.s32 @!p0 $0x0  }
0x12: {  	s1 =	sld [smem:$0x3F9B];
	s0 =	simm.s32 @p0 $0x1  }
0x13: {  	[smem:$0x3FB6] =	sst s0;
	s0 =	simm.s32 @!p1 $0x0  }
0x14: {  	s2 =	sld [smem:$0x3F9A];
	s0 =	simm.s32 @p1 $0x1  }
0x15: {  	[smem:$0x3FB7] =	sst s0;
	s0 =	simm.s32 @!p2 $0x0  }
0x16: {  	s3 =	sld [smem:$0x3FDB];
	s0 =	simm.s32 @p2 $0x1  }
0x17: {  	s4 =	simm.s32 $0x1BF5;
	[smem:$0x3FB9] =	sst s0  }
0x18: {  	s0 =	sld [smem:$0x3F9C];
	_ =	swait.ge [sflag:s4], $0x0  }
0x19: {  	s7 =	sld [smem:$0x3F9D]  }
0x1a: {  	s8 =	sadd.s32 $0xFFFFE003, lr  }
0x1b: {  	s9 =	sadd.s32 $0xFFFFFEF7, lr;
	s5 =	simm.s32 $0xFFFFFFFF;
	p2 =	slt.u32 s8, $0xFFFFF086  }
0x1c: {  	p1 =	slt.u32 s9, $0xF7A;
	s5 =	simm.s32 @!p2 $0x0  }
0x1d: {  	s5 =	simm.s32 @p1 $0x1;
	p0 =	seq.s32 s7, s2  }
0x1e: {  	s7 =	smul.u32 @!p0 $0xF7A, s2;
	p2 =	seq.s32 @!p0 s5, $0x0  }
0x1f: {  	s9 =	smul.u32 $0xF7A, s1;
	s8 =	simm.s32 @!p0 $0x1BF5;
	p2 =	por !p2, p0  }
0x20: {  	[sflag:s8] =	ssyncset.s32 @!p0 $0xFFFFF086;
	s6 =	sadd.s32 @!p0 s3, s7;
	s7 =	simm.s32 @!p0 $0x108  }
0x21: {  	s3 =	sadd.s32 s3, s9;
	s6 =	sadd.s32 @!p0 $0x88, s6;
	s7 =	simm.s32 @p2 $0x1082  }
0x22: {  	[simem:s7], [sflag:s8] =	dma.local @!p0 [hbm:s6], $0xF7A  }
0x23: {  	s9 =	sor.u32 $0xD0000000, s2;
	s6 =	simm.s32 $0x108;
	_ =	swait.ge @!p0 [sflag:s8], $0x0  }
0x24: {  	s3 =	sadd.s32 $0x88, s3;
	s6 =	simm.s32 @!p1 $0x1082;
	[sflag:s4] =	ssyncset.s32 $0xFFFFF086  }
0x25: {  	[simem:s6], [sflag:s4] =	dma.local [hbm:s3], $0xF7A  }
0x26: {  	[smem:$0x3F9D] =	sst s1;
	(tag) =	ssettag s2;
	_ =	strace s9  }
0x27: {  	s1 =	sld [smem:$0x3FAD]  }
0x28: {  	s2 =	sld [smem:$0x3FAE]  }
0x29: {  	s4 =	sld [smem:$0x3FB0]  }
0x2a: {  	p0 =	seq.s32 s5, $0x0;
	s5 =	sld [smem:$0x3FB1]  }
0x2b: {  	s6 =	sld [smem:$0x3FB2]  }
0x2c: {  	s7 =	sld [smem:$0x3FB3]  }
0x2d: {  	s3 =	simm.s32 $0x108;
	s8 =	sld [smem:$0x3FB4]  }
0x2e: {  	s3 =	simm.s32 @!p0 $0x1082;
	s9 =	sld [smem:$0x3FB5]  }
0x2f: {  	lr =	sadd.s32 s0, s3;
	s0 =	sld [smem:$0x3FAC]  }
0x30: {  	s3 =	sld [smem:$0x3FAF]  }
0x31: {  	[smem:$0x3FB8] =	sst s10  }
0x32: {  	s10 =	sld [smem:$0x3FB6];
	_ =	sdelay $0x3  }
0x33: {  	p0 =	seq.s32 s10, $0x1;
	s10 =	sld [smem:$0x3FB8];
	_ =	sdelay $0x3  }
0x34: {  	[smem:$0x3FB8] =	sst s10  }
0x35: {  	s10 =	sld [smem:$0x3FB7];
	_ =	sdelay $0x3  }
0x36: {  	p1 =	seq.s32 s10, $0x1;
	s10 =	sld [smem:$0x3FB8];
	_ =	sdelay $0x3  }
0x37: {  	[smem:$0x3FB8] =	sst s10  }
0x38: {  	s10 =	sld [smem:$0x3FB9]  }
0x39: {  	_ = 	snop;
	(pc) =	sbr.ind lr, $3  }
0x3a: {  	_ = 	snop  }
0x3b: {  	_ = 	snop  }
0x3c: {  	p2 =	seq.s32 s10, $0x1;
	s10 =	sld [smem:$0x3FB8]  }
0x3d: {  	_ =	shalt  }
0x3e: {  	_ =	shalt  }
0x3f: {  	_ =	shalt  }
0x40: {  	_ =	shalt  }
0x41: {  	_ =	shalt  }
0x42: {  	_ =	shalt  }
0x43: {  	_ =	shalt  }
0x44: {  	_ =	shalt  }
0x45: {  	_ =	shalt  }
0x46: {  	_ =	shalt  }
0x47: {  	_ =	shalt  }
0x48: {  	_ =	shalt  }
0x49: {  	_ =	shalt  }
0x4a: {  	_ =	shalt  }
0x4b: {  	_ =	shalt  }
0x4c: {  	_ =	shalt  }
0x4d: {  	_ =	shalt  }
0x4e: {  	_ =	shalt  }
0x4f: {  	_ =	shalt  }
0x50: {  	_ =	shalt  }
0x51: {  	_ =	shalt  }
0x52: {  	_ =	shalt  }
0x53: {  	_ =	shalt  }
0x54: {  	_ =	shalt  }
0x55: {  	_ =	shalt  }
0x56: {  	_ =	shalt  }
0x57: {  	_ =	shalt  }
0x58: {  	_ =	shalt  }
0x59: {  	_ =	shalt  }
0x5a: {  	_ =	shalt  }
0x5b: {  	_ =	shalt  }
0x5c: {  	_ =	shalt  }
0x5d: {  	_ =	shalt  }
0x5e: {  	_ =	shalt  }
0x5f: {  	_ =	shalt  }
0x60: {  	_ =	shalt  }
0x61: {  	_ =	shalt  }
0x62: {  	_ =	shalt  }
0x63: {  	_ =	shalt  }
0x64: {  	_ =	shalt  }
0x65: {  	_ =	shalt  }
0x66: {  	_ =	shalt  }
0x67: {  	_ =	shalt  }
0x68: {  	_ =	shalt  }
0x69: {  	_ =	shalt  }
0x6a: {  	_ =	shalt  }
0x6b: {  	_ =	shalt  }
0x6c: {  	_ =	shalt  }
0x6d: {  	_ =	shalt  }
0x6e: {  	_ =	shalt  }
0x6f: {  	_ =	shalt  }
0x70: {  	_ =	shalt  }
0x71: {  	_ =	shalt  }
0x72: {  	_ =	shalt  }
0x73: {  	_ =	shalt  }
0x74: {  	_ =	shalt  }
0x75: {  	_ =	shalt  }
0x76: {  	_ =	shalt  }
0x77: {  	_ =	shalt  }
0x78: {  	_ =	shalt  }
0x79: {  	_ =	shalt  }
0x7a: {  	_ =	shalt  }
0x7b: {  	_ =	shalt  }
0x7c: {  	_ =	shalt  }
0x7d: {  	_ =	shalt  }
0x7e: {  	_ =	shalt  }
0x7f: {  	_ =	shalt  }
0x80: {  	_ =	shalt  }
0x81: {  	_ =	shalt  }
0x82: {  	_ =	shalt  }
0x83: {  	_ =	shalt  }
0x84: {  	_ =	shalt  }
0x85: {  	_ =	shalt  }
0x86: {  	_ =	shalt  }
0x87: {  	_ =	shalt  }
.Lfunc_end0:
.L_simem_size_0:
called_computation_lowered:
.L_overlay_start_0:
0x88: {  	s2 =	sld [smem:$0x3FD9]  }
0x89: {  	s3 =	sld [smem:$0x3FFE];
	_ =	sdelay $0x1  }
0x8a: {  	s1 =	srdreg.scid  }
0x8b: {  	s0 =	sand.u32 $0x1, s1  }
0x8c: {  	s16 =	sshll.u32 s0, $0xA;
	s2 =	sadd.s32 s3, s2  }
0x8d: {  	s2 =	sadd.s32 s2, s16  }
0x8e: {  	[smem:$0x3FC4] =	sst s2  }
0x8f: {  	_ = 	snop  }
0x90: {  	(tm) =	ssettm $0x1  }
0x91: {  	s17 =	sld [smem:$0x3FFB];
	_ =	sdelay $0x3  }
0x92: {  	_ =	strace s17  }
0x93: {  	s2 =	sld [smem:$0x3FFC];
	_ =	sdelay $0x3  }
0x94: {  	_ =	strace s2  }
0x95: {  	s2 =	sld [smem:$0x3FFD];
	_ =	sdelay $0x3  }
0x96: {  	_ =	strace s2  }
0x97: {  	_ =	strace $0x8FFFFFFF  }
0x98: {  	s18 =	sld [smem:$0x3FDB];
	_ =	sdelay $0x1  }
0x99: {  	s19 =	simm.s32 $_scs_section_size  }
0x9a: {  	s4 =	simm.s32 $_size__tile_overlayer_lowered;
	s5 =	simm.s32 $_tile_overlayer_lowered  }
0x9b: {  	s22 =	simm.s32 $0x1BFF;
	s21 =	sshll.u32 s5, $0x1;
	s2 =	sadd.s32 s19, s18  }
0x9c: {  	s6 =	simm.s32 $0x0;
	s20 =	sshll.u32 s4, $0x1;
	s4 =	sadd.s32 s21, s2  }
0x9d: {  	[timem:s6], [sflag:s22] =	dma.local [hbm:s4], s20  }
0x9e: {  	_ =	swait.ge [sflag:s22], s20  }
0x9f: {  	s3 =	ssub.s32 $0x0, s20;
	[sflag:s22] =	ssyncset.done $0x0  }
0xa0: {  	[sflag:s22] =	ssyncadd.s32 s3;
	_ =	sdelay $0x1  }
0xa1: {  	s23 =	simm.s32 $0x1B8B  }
0xa2: {  	_ =	swait.ge [sflag:s23], $0x1  }
0xa3: {  	[sflag:s23] =	ssyncset.done $0x0  }
0xa4: {  	s25 =	simm.s32 $0x1B8E;
	s24 =	sld [smem:$0x3FFE];
	[sflag:s23] =	ssyncadd.s32 $0xFFFFFFFF  }
0xa5: {  	s26 =	simm.s32 $execute0_lowered;
	[smem:$0x3FD2] =	sst s25  }
0xa6: {  	s4 =	sshll.u32 s26, $0x1;
	_ =	strace $0x80000046;
	[dreg:$0x1] =	wrdreg $0xFFFFFFFF  }
0xa7: {  	s28 =	simm.s32 $_size_execute0_lowered;
	s2 =	sadd.s32 s2, s4;
	[dreg:$0x0] =	wrdreg $0x0  }
0xa8: {  	s4 =	sshll.u32 s28, $0x1;
	[dreg:$0x2] =	wrdreg s2  }
0xa9: {  	[dreg:$0x3] =	wrdreg s4  }
0xaa: {  	[dreg:$0x4] =	wrdreg $0xC0  }
0xab: {  	_ =	task [dreg:s6], $0x5FFFF  }
0xac: {  	[dreg:$0x1] =	wrdreg $0xFFFFFFFF  }
0xad: {  	[dreg:$0x0] =	wrdreg $0x60  }
0xae: {  	[dreg:$0x2] =	wrdreg s24  }
0xaf: {  	[dreg:$0x3] =	wrdreg $0x9  }
0xb0: {  	_ =	task.clear_ibuf [dreg:s6], $0x4FFFF;
	_ =	strace $0x90000046  }
0xb1: {  	s29 =	simm.s32 $0x9;
	_ =	strace $0x80000048  }
0xb2: {  	_ =	swait.ge [sflag:s29], $0x1  }
0xb3: {  	[sflag:s29] =	ssyncadd.s32 $0xFFFFFFFF  }
0xb4: {  	_ =	strace $0x90000048  }
0xb5: {  	_ =	sfence  }
0xb6: {  	s30 =	sld [smem:$0x0];
	_ =	sdelay $0x2  }
0xb7: {  	s31 =	sshll.u32 s1, $0xD;
	s1 =	sshrl.u32 s1, $0x2  }
0xb8: {  	s3 =	sand.u32 $0x4000, s31;
	s1 =	sadd.s32 s1, s30  }
0xb9: {  	s0 =	sor.u32 s3, s0;
	s1 =	sshll.u32 s1, $0x11  }
0xba: {  	s0 =	sor.u32 s1, s0  }
0xbb: {  	s0 =	sadd.s32 $0x8F2B, s0  }
0xbc: {  	[sflag:s0] =	ssyncadd.remote.s32 $0x1  }
0xbd: {  	_ =	sfence.sel $0xFFFF  }
0xbe: {  	[dreg:$0x0] =	wrdreg $0xFFFFFFFF;
	(pc) =	sbr.abs _section_cstart, $3  }
0xbf: {  	[dreg:$0x1] =	wrdreg $0xFFFFFFFF  }
0xc0: {  	_ =	task.clear_ibuf [dreg:s6], $0x2FFFF;
	_ =	strace $0x9FFFFFFF  }
0xc1: {  	(tm) =	ssettm $0x7FFFFFFF  }
tec
execute0_lowered:
.L_overlay_start_1:
0x0: {  	(tag) =	ssettag $0x1  }
0x1: {  	s0 =	rddreg [dreg:$0x0];
	s10 =	simm.s32 $0x0  }
0x2: {  	s1 =	srdreg.scid;
	s2 =	stileid.u32;
	s13 =	simm.s32 $0x3  }
0x3: {  	s14 =	simm.s32 $0x40;
	s16 =	simm.s32 $0x1000;
	s18 =	simm.s32 $0x3000  }
0x4: {  	s20 =	simm.s32 $0x5000;
	s22 =	simm.s32 $0x7000;
	s24 =	simm.s32 $0x9000  }
0x5: {  	s29 =	simm.s32 $0xB000;
	s31 =	simm.s32 $0xD000;
	s11 =	simm.s32 $0x13000  }
0x6: {  	s12 =	simm.s32 $0x2;
	[smem:$0x7FF] =	sst s10;
	s1 =	sand.u32 $0x1, s1  }
0x7: {  	s2 =	sshll.u32 s2, $0x1;
	s3 =	sadd.s32 $0xAC00, s0;
	s4 =	sadd.s32 $0x3EAC00, s0  }
0x8: {  	s5 =	sadd.s32 $0x7CAC00, s0;
	_ =	strace $0x80000047;
	s2 =	sor.u32 s1, s2  }
0x9: {  	s1 =	ssub.s32 $0x2, s1;
	s6 =	sshll.u32 s2, $0x6;
	s7 =	sshll.u32 s2, $0x4  }
0xa: {  	s9 =	sadd.s32 s6, s0;
	s6 =	sshll.u32 s2, $0xE;
	s2 =	sshll.u32 s2, $0xB  }
0xb: {  	s25 =	sshrl.u32 s1, $0x1;
	s0 =	sadd.s32 s7, s0;
	s2 =	sadd.s32 s5, s2  }
0xc: {  	s1 =	ssub.s32 s1, s25;
	s26 =	sadd.s32 $0xC00, s9;
	[dreg:$0x2] =	wrdreg s2  }
0xd: {  	s25 =	simm.s32 $0x1;
	s28 =	sadd.s32 $0x1400, s9;
	[dreg:$0x3] =	wrdreg s26  }
0xe: {  	s8 =	sor.u32 $0x800, s6;
	s0 =	sadd.s32 $0x1C00, s0;
	[dreg:$0x4] =	wrdreg s28  }
0xf: {  	v0 =	vlaneseq.u32;
	s30 =	smax.u32 s1, $0x1;
	s1 =	simm.s32 $0xF000;
	[dreg:$0x5] =	wrdreg s0  }
0x10: {  	v1 =	vmul.u32 $0x80, v0;
	s9 =	simm.s32 $0x11000;
	[dreg:$0x6] =	wrdreg s30;
	s2 =	simm.s32 $0x0  }
.LBB2_1:
0x11: {  	[dreg:$0x7] =	wrdreg s2  }
0x12: {  	s0 =	rddreg [dreg:$0x2]  }
0x13: {  	[tilespmem:s10], [sflag:$0x3] =	stream.linear.gather [hbm4b:s0+s10], $0x280, $0x38;
	[tilespmem:$0x15480] =	vst v63  }
0x14: {  	_ =	swait.ge [sflag:s13], $0x280  }
0x15: {  	[sflag:s13] =	ssyncset.done $0x0  }
0x16: {  	[sflag:s13] =	ssyncadd.s32 $0xFFFFFD80  }
0x17: {  	v2 =	vld [tilespmem:$0x0]  }
0x18: {  	v3 =	vld [tilespmem:$0x10]  }
0x19: {  	v4 =	vld [tilespmem:$0x20]  }
0x1a: {  	v5 =	vld [tilespmem:$0x30]  }
0x1b: {  	v7 =	vld [tilespmem:$0x80]  }
0x1c: {  	v9 =	vld [tilespmem:$0x90]  }
0x1d: {  	v10 =	vld [tilespmem:$0xA0]  }
0x1e: {  	v19 =	vld [tilespmem:$0xB0]  }
0x1f: {  	v12 =	vld [tilespmem:$0x100];
	v6 =	vshrl.u32 v2, $0x2  }
0x20: {  	v13 =	vld [tilespmem:$0x110];
	v2 =	vand.u32 $0x1FFF, v2;
	v8 =	vshrl.u32 v3, $0x2;
	v17 =	vshrl.u32 v4, $0x2  }
0x21: {  	v24 =	vld [tilespmem:$0x120];
	v3 =	vand.u32 $0x1FFF, v3;
	v4 =	vand.u32 $0x1FFF, v4;
	v18 =	vshrl.u32 v5, $0x2  }
0x22: {  	v14 =	vld [tilespmem:$0x130];
	v5 =	vand.u32 $0x1FFF, v5;
	v11 =	vshrl.u32 v7, $0x2;
	v21 =	vshrl.u32 v9, $0x2  }
0x23: {  	v7 =	vand.u32 $0x1FFF, v7;
	v9 =	vand.u32 $0x1FFF, v9;
	v23 =	vshrl.u32 v10, $0x2  }
0x24: {  	v25 =	vand.u32 $0x1FFF, v10;
	v26 =	vshrl.u32 v19, $0x2;
	v27 =	vshrl.u32 v12, $0x2  }
0x25: {  	v31 =	vld [tilespmem:$0x180];
	v28 =	vand.u32 $0x1FFF, v19;
	v30 =	vand.u32 $0x1FFF, v12;
	v33 =	vshrl.u32 v13, $0x2  }
0x26: {  	v34 =	vld [tilespmem:$0x190];
	v35 =	vand.u32 $0x1FFF, v13;
	v36 =	vshrl.u32 v24, $0x2;
	v6 =	vand.u32 $0x3FFFE000, v6  }
0x27: {  	v37 =	vld [tilespmem:$0x1A0];
	v39 =	vshrl.u32 v14, $0x2;
	v16 =	vand.u32 $0x3FFFE000, v8;
	v2 =	vor.u32 v2, v6  }
0x28: {  	v40 =	vand.u32 $0x1FFF, v14;
	v8 =	vand.u32 $0x3FFFE000, v17;
	v3 =	vor.u32 v3, v16;
	[tilespmem:$0x800] =	vst v2  }
0x29: {  	v41 =	vld [tilespmem:$0x1B0];
	v20 =	vand.u32 $0x3FFFE000, v11;
	v11 =	vand.u32 $0x3FFFE000, v21;
	v4 =	vor.u32 v4, v8;
	[tilespmem:$0x810] =	vst v3  }
0x2a: {  	v42 =	vshrl.u32 v31, $0x2;
	v29 =	vand.u32 $0x3FFFE000, v27;
	v22 =	vor.u32 v9, v11;
	[tilespmem:$0x820] =	vst v4  }
0x2b: {  	v43 =	vld [tilespmem:$0x200];
	v45 =	vand.u32 $0x1FFF, v31;
	v6 =	vand.u32 $0x3FFFE000, v18;
	v32 =	vor.u32 v30, v29;
	[tilespmem:$0x890] =	vst v22  }
0x2c: {  	v47 =	vld [tilespmem:$0x210];
	v46 =	vshrl.u32 v34, $0x2;
	v49 =	vshrl.u32 v37, $0x2;
	v5 =	vor.u32 v5, v6;
	[tilespmem:$0x900] =	vst v32  }
0x2d: {  	v50 =	vand.u32 $0x1FFF, v37;
	v44 =	vand.u32 $0x3FFFE000, v42;
	v6 =	vor.u32 v7, v20;
	[tilespmem:$0x830] =	vst v5  }
0x2e: {  	v52 =	vshrl.u32 v41, $0x2;
	v2 =	vand.u32 $0x3FFFE000, v23;
	v4 =	vor.u32 v45, v44;
	[tilespmem:$0x880] =	vst v6  }
0x2f: {  	v55 =	vand.u32 $0x1FFF, v41;
	v3 =	vand.u32 $0x3FFFE000, v26;
	v2 =	vor.u32 v25, v2;
	[tilespmem:$0x980] =	vst v4  }
0x30: {  	v51 =	vld [tilespmem:$0x220];
	v56 =	vshrl.u32 v43, $0x2;
	v3 =	vor.u32 v28, v3;
	v5 =	vand.u32 $0x3FFFE000, v33;
	[tilespmem:$0x8A0] =	vst v2  }
0x31: {  	v58 =	vshrl.u32 v47, $0x2;
	v7 =	vand.u32 $0x3FFFE000, v39;
	v5 =	vor.u32 v35, v5;
	[tilespmem:$0x8B0] =	vst v3  }
0x32: {  	v38 =	vand.u32 $0x3FFFE000, v36;
	v2 =	vand.u32 $0x1FFF, v24;
	v3 =	vor.u32 v40, v7;
	[tilespmem:$0x910] =	vst v5  }
0x33: {  	v53 =	vld [tilespmem:$0x230];
	v59 =	vand.u32 $0x1FFF, v47;
	v6 =	vand.u32 $0x3FFFE000, v49;
	v2 =	vor.u32 v2, v38;
	[tilespmem:$0x930] =	vst v3  }
0x34: {  	v48 =	vand.u32 $0x3FFFE000, v46;
	v3 =	vor.u32 v50, v6;
	[tilespmem:$0x920] =	vst v2;
	v2 =	vand.u32 $0x1FFF, v34  }
0x35: {  	v60 =	vshrl.u32 v51, $0x2;
	v54 =	vand.u32 $0x3FFFE000, v52;
	[tilespmem:$0x9A0] =	vst v3;
	v2 =	vor.u32 v2, v48  }
0x36: {  	v57 =	vand.u32 $0x3FFFE000, v56;
	v3 =	vand.u32 $0x1FFF, v43;
	[tilespmem:$0x990] =	vst v2;
	v2 =	vor.u32 v55, v54  }
0x37: {  	v61 =	vand.u32 $0x1FFF, v51;
	v5 =	vand.u32 $0x3FFFE000, v58;
	[tilespmem:$0x9B0] =	vst v2;
	v2 =	vor.u32 v3, v57  }
0x38: {  	v62 =	vshrl.u32 v53, $0x2;
	v3 =	vor.u32 v59, v5;
	[tilespmem:$0xA00] =	vst v2;
	v2 =	vand.u32 $0x3FFFE000, v60  }
0x39: {  	v63 =	vand.u32 $0x1FFF, v53;
	[tilespmem:$0xA10] =	vst v3;
	v3 =	vand.u32 $0x3FFFE000, v62;
	v2 =	vor.u32 v61, v2  }
0x3a: {  	[tilespmem:$0xA20] =	vst v2;
	v2 =	vor.u32 v63, v3  }
0x3b: {  	s21 =	simm.s32 $0x800;
	[tilespmem:$0xA30] =	vst v2  }
0x3c: {  	[tilespmem:s16], [sflag:$0x1] =	stream.indirect.gather [hbm4b:s3+s14], $0x80, s21, s14, $0xb8;
	[tilespmem:$0x15480] =	vst v63  }
0x3d: {  	s23 =	simm.s32 $0x880  }
0x3e: {  	[tilespmem:s18], [sflag:$0x1] =	stream.indirect.gather [hbm4b:s4+s14], $0x80, s23, s14, $0xb8;
	[tilespmem:$0x15480] =	vst v63  }
0x3f: {  	s26 =	simm.s32 $0x900  }
0x40: {  	[tilespmem:s20], [sflag:$0x1] =	stream.indirect.gather [hbm4b:s3+s14], $0x80, s26, s14, $0xb8;
	[tilespmem:$0x15480] =	vst v63  }
0x41: {  	s28 =	simm.s32 $0x980  }
0x42: {  	[tilespmem:s22], [sflag:$0x1] =	stream.indirect.gather [hbm4b:s4+s14], $0x80, s28, s14, $0xb8;
	[tilespmem:$0x15480] =	vst v63  }
0x43: {  	s30 =	simm.s32 $0xA00;
	s2 =	simm.s32 $0x0  }
0x44: {  	[tilespmem:s24], [sflag:$0x1] =	stream.indirect.gather [hbm4b:s3+s14], $0x80, s30, s14, $0xb8;
	[tilespmem:$0x15480] =	vst v63  }
.LBB2_2:
0x45: {  	_ =	swait.ge [sflag:s25], $0x2000  }
0x46: {  	[sflag:s25] =	ssyncset.done $0x0  }
0x47: {  	[sflag:s25] =	ssyncadd.s32 $0xFFFFE000  }
0x48: {  	_ =	swait.ge [sflag:s25], $0x2000  }
0x49: {  	[sflag:s25] =	ssyncset.done $0x0  }
0x4a: {  	[sflag:s25] =	ssyncadd.s32 $0xFFFFE000  }
0x4b: {  	_ =	swait.ge [sflag:s25], $0x2000  }
0x4c: {  	[sflag:s25] =	ssyncset.done $0x0  }
0x4d: {  	[sflag:s25] =	ssyncadd.s32 $0xFFFFE000  }
0x4e: {  	_ =	swait.ge [sflag:s25], $0x2000  }
0x4f: {  	s26 =	sshllo.u32 s2, $0x1;
	[sflag:s25] =	ssyncset.done $0x0  }
0x50: {  	s0 =	sshll.u32 s26, $0xA;
	[sflag:s25] =	ssyncadd.s32 $0xFFFFE000  }
0x51: {  	s0 =	sadd.s32 s6, s0;
	_ =	swait.ge [sflag:s25], $0x2000  }
0x52: {  	s28 =	simm.s32 $0x0;
	s0 =	sshrl.u32 s0, $0x3;
	[sflag:s25] =	ssyncset.done $0x0  }
0x53: {  	s7 =	simm.s32 $0x400;
	s0 =	sadd.s32 s5, s0;
	[sflag:s25] =	ssyncadd.s32 $0xFFFFE000  }
0x54: {  	[tilespmem:s7], [sflag:$0x3] =	stream.linear.gather [hbm4b:s0+s28], $0x280, $0x38;
	[tilespmem:$0x15480] =	vst v63  }
0x55: {  	_ =	swait.ge [sflag:s13], $0x280  }
0x56: {  	[sflag:s13] =	ssyncset.done $0x0  }
0x57: {  	[sflag:s13] =	ssyncadd.s32 $0xFFFFFD80  }
0x58: {  	v2 =	vld [tilespmem:$0x400]  }
0x59: {  	v3 =	vld [tilespmem:$0x410]  }
0x5a: {  	v4 =	vld [tilespmem:$0x420]  }
0x5b: {  	v5 =	vld [tilespmem:$0x430]  }
0x5c: {  	v7 =	vld [tilespmem:$0x480]  }
0x5d: {  	v9 =	vld [tilespmem:$0x490]  }
0x5e: {  	v10 =	vld [tilespmem:$0x4A0]  }
0x5f: {  	v19 =	vld [tilespmem:$0x4B0]  }
0x60: {  	v12 =	vld [tilespmem:$0x500];
	v6 =	vshrl.u32 v2, $0x2  }
0x61: {  	v13 =	vld [tilespmem:$0x510];
	v2 =	vand.u32 $0x1FFF, v2;
	v8 =	vshrl.u32 v3, $0x2;
	v17 =	vshrl.u32 v4, $0x2  }
0x62: {  	v24 =	vld [tilespmem:$0x520];
	v3 =	vand.u32 $0x1FFF, v3;
	v4 =	vand.u32 $0x1FFF, v4;
	v18 =	vshrl.u32 v5, $0x2  }
0x63: {  	v14 =	vld [tilespmem:$0x530];
	v5 =	vand.u32 $0x1FFF, v5;
	v11 =	vshrl.u32 v7, $0x2;
	v21 =	vshrl.u32 v9, $0x2  }
0x64: {  	v7 =	vand.u32 $0x1FFF, v7;
	v9 =	vand.u32 $0x1FFF, v9;
	v23 =	vshrl.u32 v10, $0x2  }
0x65: {  	v25 =	vand.u32 $0x1FFF, v10;
	v26 =	vshrl.u32 v19, $0x2;
	v27 =	vshrl.u32 v12, $0x2  }
0x66: {  	v31 =	vld [tilespmem:$0x580];
	v28 =	vand.u32 $0x1FFF, v19;
	v30 =	vand.u32 $0x1FFF, v12;
	v33 =	vshrl.u32 v13, $0x2  }
0x67: {  	v34 =	vld [tilespmem:$0x590];
	v35 =	vand.u32 $0x1FFF, v13;
	v36 =	vshrl.u32 v24, $0x2;
	v6 =	vand.u32 $0x3FFFE000, v6  }
0x68: {  	v37 =	vld [tilespmem:$0x5A0];
	v39 =	vshrl.u32 v14, $0x2;
	v16 =	vand.u32 $0x3FFFE000, v8;
	v2 =	vor.u32 v2, v6  }
0x69: {  	v40 =	vand.u32 $0x1FFF, v14;
	v8 =	vand.u32 $0x3FFFE000, v17;
	v3 =	vor.u32 v3, v16;
	[tilespmem:$0xC00] =	vst v2  }
0x6a: {  	v41 =	vld [tilespmem:$0x5B0];
	v20 =	vand.u32 $0x3FFFE000, v11;
	v11 =	vand.u32 $0x3FFFE000, v21;
	v4 =	vor.u32 v4, v8;
	[tilespmem:$0xC10] =	vst v3  }
0x6b: {  	v42 =	vshrl.u32 v31, $0x2;
	v29 =	vand.u32 $0x3FFFE000, v27;
	v22 =	vor.u32 v9, v11;
	[tilespmem:$0xC20] =	vst v4  }
0x6c: {  	v43 =	vld [tilespmem:$0x600];
	v45 =	vand.u32 $0x1FFF, v31;
	v6 =	vand.u32 $0x3FFFE000, v18;
	v32 =	vor.u32 v30, v29;
	[tilespmem:$0xC90] =	vst v22  }
0x6d: {  	v47 =	vld [tilespmem:$0x610];
	v46 =	vshrl.u32 v34, $0x2;
	v49 =	vshrl.u32 v37, $0x2;
	v5 =	vor.u32 v5, v6;
	[tilespmem:$0xD00] =	vst v32  }
0x6e: {  	v50 =	vand.u32 $0x1FFF, v37;
	v44 =	vand.u32 $0x3FFFE000, v42;
	v6 =	vor.u32 v7, v20;
	[tilespmem:$0xC30] =	vst v5  }
0x6f: {  	v52 =	vshrl.u32 v41, $0x2;
	v2 =	vand.u32 $0x3FFFE000, v23;
	v4 =	vor.u32 v45, v44;
	[tilespmem:$0xC80] =	vst v6  }
0x70: {  	v55 =	vand.u32 $0x1FFF, v41;
	v3 =	vand.u32 $0x3FFFE000, v26;
	v2 =	vor.u32 v25, v2;
	[tilespmem:$0xD80] =	vst v4  }
0x71: {  	v51 =	vld [tilespmem:$0x620];
	v56 =	vshrl.u32 v43, $0x2;
	v3 =	vor.u32 v28, v3;
	v5 =	vand.u32 $0x3FFFE000, v33;
	[tilespmem:$0xCA0] =	vst v2  }
0x72: {  	v58 =	vshrl.u32 v47, $0x2;
	v7 =	vand.u32 $0x3FFFE000, v39;
	v5 =	vor.u32 v35, v5;
	[tilespmem:$0xCB0] =	vst v3  }
0x73: {  	v38 =	vand.u32 $0x3FFFE000, v36;
	v2 =	vand.u32 $0x1FFF, v24;
	v3 =	vor.u32 v40, v7;
	[tilespmem:$0xD10] =	vst v5  }
0x74: {  	v53 =	vld [tilespmem:$0x630];
	v59 =	vand.u32 $0x1FFF, v47;
	v6 =	vand.u32 $0x3FFFE000, v49;
	v2 =	vor.u32 v2, v38;
	[tilespmem:$0xD30] =	vst v3  }
0x75: {  	v48 =	vand.u32 $0x3FFFE000, v46;
	v3 =	vor.u32 v50, v6;
	[tilespmem:$0xD20] =	vst v2;
	v2 =	vand.u32 $0x1FFF, v34  }
0x76: {  	v60 =	vshrl.u32 v51, $0x2;
	v54 =	vand.u32 $0x3FFFE000, v52;
	[tilespmem:$0xDA0] =	vst v3;
	v2 =	vor.u32 v2, v48  }
0x77: {  	v57 =	vand.u32 $0x3FFFE000, v56;
	v3 =	vand.u32 $0x1FFF, v43;
	[tilespmem:$0xD90] =	vst v2;
	v2 =	vor.u32 v55, v54  }
0x78: {  	v61 =	vand.u32 $0x1FFF, v51;
	v5 =	vand.u32 $0x3FFFE000, v58;
	[tilespmem:$0xDB0] =	vst v2;
	v2 =	vor.u32 v3, v57  }
0x79: {  	v62 =	vshrl.u32 v53, $0x2;
	v3 =	vor.u32 v59, v5;
	[tilespmem:$0xE00] =	vst v2;
	v2 =	vand.u32 $0x3FFFE000, v60  }
0x7a: {  	v63 =	vand.u32 $0x1FFF, v53;
	[tilespmem:$0xE10] =	vst v3;
	v3 =	vand.u32 $0x3FFFE000, v62;
	v2 =	vor.u32 v61, v2  }
0x7b: {  	[tilespmem:$0xE20] =	vst v2;
	v2 =	vor.u32 v63, v3  }
0x7c: {  	s10 =	simm.s32 $0xC00;
	[tilespmem:$0xE30] =	vst v2  }
0x7d: {  	[tilespmem:s29], [sflag:$0x2] =	stream.indirect.gather [hbm4b:s3+s14], $0x80, s10, s14, $0xb8;
	[tilespmem:$0x15480] =	vst v63  }
0x7e: {  	s15 =	simm.s32 $0xC80;
	s23 =	sshll.u32 s2, $0x7  }
0x7f: {  	[tilespmem:s31], [sflag:$0x2] =	stream.indirect.gather [hbm4b:s4+s14], $0x80, s15, s14, $0xb8;
	[tilespmem:$0x15480] =	vst v63  }
0x80: {  	s17 =	simm.s32 $0xD00;
	s0 =	sand.u32 $0x3FFFFF80, s23  }
0x81: {  	[tilespmem:s1], [sflag:$0x2] =	stream.indirect.gather [hbm4b:s3+s14], $0x80, s17, s14, $0xb8;
	[tilespmem:$0x15480] =	vst v63  }
0x82: {  	s19 =	simm.s32 $0xD80;
	s0 =	sadd.s32 $0x15000, s0  }
0x83: {  	[tilespmem:s9], [sflag:$0x2] =	stream.indirect.gather [hbm4b:s4+s14], $0x80, s19, s14, $0xb8;
	[tilespmem:$0x15480] =	vst v63  }
0x84: {  	s21 =	simm.s32 $0xE00;
	s30 =	sshll.u32 s2, $0x1;
	v2 =	vmov s0;
	s0 =	simm.s32 $0x0  }
0x85: {  	[tilespmem:s11], [sflag:$0x2] =	stream.indirect.gather [hbm4b:s3+s14], $0x80, s21, s14, $0xb8;
	[tilespmem:$0x15480] =	vst v63  }
.LBB2_3:
0x86: {  	s7 =	sshll.u32 s0, $0x4  }
0x87: {  	v3 =	vld [tilespmem:s7+$0x0]  }
0x88: {  	s10 =	simm.s32 $0x1;
	v4 =	vld [tilespmem:s7+$0x80]  }
0x89: {  	s15 =	simm.s32 $0x2;
	s19 =	simm.s32 $0x3;
	s21 =	simm.s32 $0x7;
	v54 =	vadd.s32 s28, v0;
	v5 =	vld [tilespmem:s7+$0x100];
	v8 =	vmov s7;
	v9 =	vadd.s32 s10, v0  }
0x8a: {  	s23 =	simm.s32 $0x4;
	s17 =	simm.s32 $0x5;
	v6 =	vld [tilespmem:s7+$0x180];
	v10 =	vadd.s32 s15, v0;
	v11 =	vadd.s32 s19, v0;
	v23 =	vadd.s32 s21, v0  }
0x8b: {  	v7 =	vld [tilespmem:s7+$0x200];
	v20 =	vadd.s32 s23, v0;
	v24 =	vadd.s32 s17, v0;
	v61 =	vand.u32 $0x1F, v54  }
0x8c: {  	s19 =	simm.s32 $0x6;
	v8 =	vshll.u32 v8, $0x7;
	v9 =	vand.u32 $0x1F, v9;
	v10 =	vand.u32 $0x1F, v10  }
0x8d: {  	v11 =	vand.u32 $0x1F, v11;
	v24 =	vand.u32 $0x1F, v24;
	v26 =	vadd.s32 s19, v0  }
0x8e: {  	v23 =	vand.u32 $0x1F, v23;
	v8 =	vor.u32 v1, v8;
	v3 =	vshrl.u32 v3, $0x8  }
0x8f: {  	v4 =	vshrl.u32 v4, $0x8;
	v5 =	vshrl.u32 v5, $0x8;
	v6 =	vshrl.u32 v6, $0x8  }
0x90: {  	v7 =	vshrl.u32 v7, $0x8;
	v3 =	vand.u32 $0x60, v3;
	v4 =	vand.u32 $0x60, v4  }
0x91: {  	v5 =	vand.u32 $0x60, v5;
	v6 =	vand.u32 $0x60, v6;
	v3 =	vor.u32 v8, v3  }
0x92: {  	v7 =	vand.u32 $0x60, v7;
	v6 =	vor.u32 v8, v6;
	v12 =	vor.u32 v9, v3  }
0x93: {  	v4 =	vor.u32 v8, v4;
	v7 =	vor.u32 v8, v7;
	v16 =	vor.u32 v11, v6  }
0x94: {  	v5 =	vor.u32 v8, v5;
	v8 =	vimm.f32 $0.0e+00;
	v15 =	vor.u32 v9, v7  }
0x95: {  	v14 =	vor.u32 v9, v4;
	v13 =	vor.u32 v9, v6;
	v19 =	vor.u32 v11, v3  }
0x96: {  	v18 =	vor.u32 v9, v5;
	v21 =	vor.u32 v10, v5;
	v9 =	vor.u32 v10, v6  }
0x97: {  	v22 =	vor.u32 v10, v4;
	v17 =	vor.u32 v10, v7;
	v57 =	vor.u32 v24, v3;
	v25 =	vld.idx.msk [tilespmem:v12+s16+$0x0], $0xffff  }
0x98: {  	v35 =	vor.u32 v24, v4;
	v36 =	vor.u32 v11, v4;
	v58 =	vor.u32 v11, v5;
	v27 =	vld.idx.msk [tilespmem:v16+s22+$0x0], $0xffff  }
0x99: {  	v59 =	vor.u32 v11, v7;
	v44 =	vor.u32 v23, v4;
	v11 =	vor.u32 v23, v5;
	v30 =	vld.idx.msk [tilespmem:v15+s24+$0x0], $0xffff  }
0x9a: {  	v47 =	vor.u32 v10, v3;
	v10 =	vor.u32 v23, v6;
	v56 =	vor.u32 v61, v3;
	v37 =	vld.idx.msk [tilespmem:v19+s16+$0x0], $0xffff  }
0x9b: {  	v12 =	vand.u32 $0x1F, v20;
	v20 =	vor.u32 v24, v5;
	v19 =	vor.u32 v24, v6;
	v39 =	vld.idx.msk [tilespmem:v9+s22+$0x0], $0xffff  }
0x9c: {  	v15 =	vor.u32 v24, v7;
	v43 =	vld.idx.msk [tilespmem:v57+s16+$0x0], $0xffff;
	v9 =	vor.u32 v23, v7;
	v57 =	vor.u32 v61, v4  }
0x9d: {  	v34 =	vld.idx.msk [tilespmem:v13+s22+$0x0], $0xffff;
	v28 =	vor.u32 v12, v3;
	v29 =	vor.u32 v12, v4;
	v31 =	vor.u32 v12, v5  }
0x9e: {  	v24 =	vld.idx.msk [tilespmem:v58+s20+$0x0], $0xffff;
	v32 =	vor.u32 v12, v6;
	v33 =	vor.u32 v12, v7;
	v12 =	vand.u32 $0x1F, v26  }
0x9f: {  	v58 =	vor.u32 v61, v6;
	v26 =	vld.idx.msk [tilespmem:v59+s24+$0x0], $0xffff;
	v59 =	vor.u32 v61, v7;
	v40 =	vor.u32 v12, v3  }
0xa0: {  	v38 =	vld.idx.msk [tilespmem:v17+s24+$0x0], $0xffff;
	v41 =	vor.u32 v12, v4;
	v17 =	vor.u32 v12, v5;
	v16 =	vor.u32 v12, v6  }
0xa1: {  	v36 =	vld.idx.msk [tilespmem:v36+s18+$0x0], $0xffff;
	v13 =	vor.u32 v12, v7;
	v12 =	vor.u32 v23, v3;
	v42 =	vshll.u32 v27, $0x10  }
0xa2: {  	v49 =	vld.idx.msk [tilespmem:v14+s18+$0x0], $0xffff;
	v45 =	vand.u32 $0xFFFF0000, v34;
	v46 =	vand.u32 $0xFFFF0000, v37;
	v34 =	vshll.u32 v34, $0x10  }
0xa3: {  	v60 =	vld.idx.msk [tilespmem:v44+s18+$0x0], $0xffff;
	v48 =	vshll.u32 v25, $0x10;
	v50 =	vand.u32 $0xFFFF0000, v30;
	v14 =	vand.u32 $0xFFFF0000, v25  }
0xa4: {  	v21 =	vld.idx.msk [tilespmem:v21+s20+$0x0], $0xffff;
	v23 =	vshll.u32 v30, $0x10;
	v25 =	vand.u32 $0xFFFF0000, v39;
	v30 =	vand.u32 $0xFFFF0000, v43  }
0xa5: {  	v51 =	vld.idx.msk [tilespmem:v18+s20+$0x0], $0xffff;
	v43 =	vshll.u32 v43, $0x10;
	v37 =	vshll.u32 v37, $0x10;
	v27 =	vand.u32 $0xFFFF0000, v27  }
0xa6: {  	v47 =	vld.idx.msk [tilespmem:v47+s16+$0x0], $0xffff;
	v39 =	vshll.u32 v39, $0x10;
	v52 =	vand.u32 $0xFFFF0000, v38;
	v53 =	vand.u32 $0xFFFF0000, v36  }
0xa7: {  	v22 =	vld.idx.msk [tilespmem:v22+s18+$0x0], $0xffff;
	v55 =	vand.u32 $0xFFFF0000, v24;
	v62 =	vand.u32 $0xFFFF0000, v49;
	v38 =	vshll.u32 v38, $0x10  }
0xa8: {  	v49 =	vshll.u32 v49, $0x10;
	v18 =	vand.u32 $0xFFFF0000, v60;
	v36 =	vshll.u32 v36, $0x10  }
0xa9: {  	v24 =	vshll.u32 v24, $0x10;
	v63 =	vand.u32 $0xFFFF0000, v21;
	v21 =	vshll.u32 v21, $0x10  }
0xaa: {  	v46 =	vadd.f32 v53, v46;
	v54 =	vadd.f32 v62, v14;
	v14 =	vshll.u32 v60, $0x10  }
0xab: {  	v56 =	vld.idx.msk [tilespmem:v56+s16+$0x0], $0xffff;
	v53 =	vor.u32 v61, v5;
	v60 =	vand.u32 $0xFFFF0000, v51;
	v48 =	vadd.f32 v49, v48  }
0xac: {  	v57 =	vld.idx.msk [tilespmem:v57+s18+$0x0], $0xffff;
	v49 =	vand.u32 $0xFFFF0000, v47;
	v62 =	vand.u32 $0xFFFF0000, v22;
	v47 =	vshll.u32 v47, $0x10  }
0xad: {  	v31 =	vld.idx.msk [tilespmem:v31+s20+$0x0], $0xffff;
	v36 =	vadd.f32 v36, v37;
	v22 =	vshll.u32 v22, $0x10;
	v49 =	vadd.f32 v62, v49  }
0xae: {  	v28 =	vld.idx.msk [tilespmem:v28+s16+$0x0], $0xffff;
	v51 =	vshll.u32 v51, $0x10;
	v22 =	vadd.f32 v22, v47;
	v54 =	vsub.f32 v54, v60  }
0xaf: {  	v29 =	vld.idx.msk [tilespmem:v29+s18+$0x0], $0xffff;
	v60 =	vshll.u32 v26, $0x10;
	v26 =	vand.u32 $0xFFFF0000, v26;
	v46 =	vsub.f32 v46, v55  }
0xb0: {  	v37 =	vsub.f32 v48, v51;
	v51 =	vld.idx.msk [tilespmem:v58+s22+$0x0], $0xffff;
	v24 =	vsub.f32 v36, v24;
	v58 =	vshll.u32 v56, $0x10  }
0xb1: {  	v48 =	vsub.f32 v49, v63;
	v63 =	vand.u32 $0xFFFF0000, v56;
	v21 =	vsub.f32 v22, v21  }
0xb2: {  	v41 =	vld.idx.msk [tilespmem:v41+s18+$0x0], $0xffff;
	v45 =	vadd.f32 v45, v54;
	v27 =	vadd.f32 v27, v46;
	v62 =	vand.u32 $0xFFFF0000, v57  }
0xb3: {  	v55 =	vshll.u32 v57, $0x10;
	v34 =	vadd.f32 v34, v37;
	v24 =	vadd.f32 v42, v24  }
0xb4: {  	v44 =	vand.u32 $0xFFFF0000, v31;
	v49 =	vand.u32 $0xFFFF0000, v28;
	v46 =	vand.u32 $0xFFFF0000, v29  }
0xb5: {  	v20 =	vld.idx.msk [tilespmem:v20+s20+$0x0], $0xffff;
	v36 =	vadd.f32 v62, v63;
	v21 =	vadd.f32 v39, v21;
	v28 =	vshll.u32 v28, $0x10  }
0xb6: {  	v53 =	vld.idx.msk [tilespmem:v53+s20+$0x0], $0xffff;
	v25 =	vadd.f32 v25, v48;
	v31 =	vshll.u32 v31, $0x10;
	v45 =	vsub.f32 v45, v50  }
0xb7: {  	v19 =	vld.idx.msk [tilespmem:v19+s22+$0x0], $0xffff;
	v61 =	vshll.u32 v41, $0x10;
	v46 =	vadd.f32 v46, v49;
	v26 =	vsub.f32 v27, v26  }
0xb8: {  	v23 =	vsub.f32 v34, v23;
	v24 =	vsub.f32 v24, v60;
	v62 =	vand.u32 $0xFFFF0000, v51  }
0xb9: {  	v15 =	vld.idx.msk [tilespmem:v15+s24+$0x0], $0xffff;
	v63 =	vshll.u32 v51, $0x10;
	v51 =	vadd.f32 v55, v58;
	v25 =	vsub.f32 v25, v52  }
0xba: {  	v54 =	vld.idx.msk [tilespmem:v59+s24+$0x0], $0xffff;
	v48 =	vand.u32 $0xFFFF0000, v41;
	v50 =	vsub.f32 v21, v38;
	v55 =	vsub.f32 v46, v44  }
0xbb: {  	v58 =	vld.idx.msk [tilespmem:v40+s16+$0x0], $0xffff;
	v26 =	vand.u32 $0x7FFFFFFF, v26;
	v40 =	vand.u32 $0x7FFFFFFF, v45;
	v57 =	vand.u32 $0xFFFF0000, v53  }
0xbc: {  	v32 =	vld.idx.msk [tilespmem:v32+s22+$0x0], $0xffff;
	v45 =	vand.u32 $0xFFFF0000, v20;
	v46 =	vand.u32 $0xFFFF0000, v19;
	v36 =	vsub.f32 v36, v57  }
0xbd: {  	v20 =	vshll.u32 v20, $0x10;
	v23 =	vand.u32 $0x7FFFFFFF, v23;
	v59 =	vshll.u32 v53, $0x10  }
0xbe: {  	v35 =	vld.idx.msk [tilespmem:v35+s18+$0x0], $0xffff;
	v19 =	vshll.u32 v19, $0x10;
	v37 =	vsub.f32 v51, v59;
	v36 =	vadd.f32 v62, v36  }
0xbf: {  	v16 =	vld.idx.msk [tilespmem:v16+s22+$0x0], $0xffff;
	v56 =	vshll.u32 v54, $0x10;
	v49 =	vand.u32 $0x7FFFFFFF, v25;
	v53 =	vand.u32 $0xFFFF0000, v54  }
0xc0: {  	v22 =	vld.idx.msk [tilespmem:v33+s24+$0x0], $0xffff;
	v57 =	vshll.u32 v29, $0x10;
	v33 =	vadd.f32 v63, v37;
	v36 =	vsub.f32 v36, v53  }
0xc1: {  	v12 =	vld.idx.msk [tilespmem:v12+s16+$0x0], $0xffff;
	v59 =	vand.u32 $0xFFFF0000, v32;
	v32 =	vshll.u32 v32, $0x10;
	v51 =	vshll.u32 v15, $0x10  }
0xc2: {  	v39 =	vadd.f32 v59, v55;
	v33 =	vsub.f32 v33, v56;
	v36 =	vand.u32 $0x7FFFFFFF, v36  }
0xc3: {  	v15 =	vand.u32 $0xFFFF0000, v15;
	v27 =	vadd.f32 v57, v28;
	v8 =	vadd.f32 v36, v8  }
0xc4: {  	v42 =	vand.u32 $0xFFFF0000, v58;
	v54 =	vshll.u32 v58, $0x10;
	v33 =	vand.u32 $0x7FFFFFFF, v33  }
0xc5: {  	v55 =	vand.u32 $0xFFFF0000, v16;
	v57 =	vand.u32 $0x7FFFFFFF, v24;
	v8 =	vadd.f32 v8, v33  }
0xc6: {  	v10 =	vld.idx.msk [tilespmem:v10+s22+$0x0], $0xffff;
	v58 =	vand.u32 $0xFFFF0000, v12;
	v12 =	vshll.u32 v12, $0x10;
	v63 =	vand.u32 $0xFFFF0000, v35  }
0xc7: {  	v35 =	vshll.u32 v35, $0x10;
	v52 =	vadd.f32 v48, v42;
	v8 =	vadd.f32 v40, v8  }
0xc8: {  	v17 =	vld.idx.msk [tilespmem:v17+s20+$0x0], $0xffff;
	v16 =	vshll.u32 v16, $0x10;
	v12 =	vadd.f32 v14, v12;
	v47 =	vadd.f32 v35, v43  }
0xc9: {  	v62 =	vand.u32 $0xFFFF0000, v22;
	v28 =	vadd.f32 v63, v30;
	v8 =	vadd.f32 v8, v23  }
0xca: {  	v22 =	vshll.u32 v22, $0x10;
	v44 =	vsub.f32 v39, v62;
	v20 =	vsub.f32 v47, v20  }
0xcb: {  	v13 =	vld.idx.msk [tilespmem:v13+s24+$0x0], $0xffff;
	v27 =	vsub.f32 v27, v31;
	v62 =	vand.u32 $0xFFFF0000, v10;
	v8 =	vadd.f32 v49, v8  }
0xcc: {  	v28 =	vsub.f32 v28, v45;
	v19 =	vadd.f32 v19, v20;
	v20 =	vand.u32 $0x7FFFFFFF, v50  }
0xcd: {  	v53 =	vand.u32 $0xFFFF0000, v17;
	v27 =	vadd.f32 v32, v27;
	v8 =	vadd.f32 v8, v20  }
0xce: {  	v10 =	vshll.u32 v10, $0x10;
	v21 =	vsub.f32 v52, v53;
	v23 =	vadd.f32 v61, v54  }
0xcf: {  	v11 =	vld.idx.msk [tilespmem:v11+s20+$0x0], $0xffff;
	v17 =	vshll.u32 v17, $0x10;
	v28 =	vadd.f32 v46, v28;
	v8 =	vadd.f32 v26, v8  }
0xd0: {  	v56 =	vand.u32 $0xFFFF0000, v13;
	v22 =	vsub.f32 v27, v22;
	v17 =	vsub.f32 v23, v17  }
0xd1: {  	v13 =	vshll.u32 v13, $0x10;
	v19 =	vsub.f32 v19, v51;
	v8 =	vadd.f32 v8, v57  }
0xd2: {  	v60 =	vld.idx.msk [tilespmem:v9+s24+$0x0], $0xffff;
	v59 =	vand.u32 $0x7FFFFFFF, v44;
	v15 =	vsub.f32 v28, v15;
	v16 =	vadd.f32 v16, v17  }
0xd3: {  	v61 =	vand.u32 $0x7FFFFFFF, v22;
	v17 =	vadd.f32 v18, v58;
	v9 =	vadd.f32 v59, v8  }
0xd4: {  	v20 =	vadd.f32 v55, v21;
	v8 =	vsub.f32 v16, v13;
	v13 =	vand.u32 $0xFFFF0000, v11  }
0xd5: {  	v11 =	vshll.u32 v11, $0x10;
	v13 =	vsub.f32 v17, v13;
	v9 =	vadd.f32 v9, v61  }
0xd6: {  	v15 =	vand.u32 $0x7FFFFFFF, v15;
	v20 =	vsub.f32 v20, v56;
	v63 =	vsub.f32 v12, v11  }
0xd7: {  	v12 =	vand.u32 $0xFFFF0000, v60;
	v13 =	vadd.f32 v62, v13;
	v14 =	vadd.f32 v15, v9  }
0xd8: {  	v10 =	vadd.f32 v10, v63;
	v9 =	vshll.u32 v60, $0x10;
	v15 =	vand.u32 $0x7FFFFFFF, v19  }
0xd9: {  	s10 =	simm.s32 $0x8;
	v12 =	vsub.f32 v13, v12;
	v13 =	vand.u32 $0x7FFFFFFF, v20;
	v11 =	vadd.f32 v14, v15  }
.LBB2_4:
0xda: {  	s19 =	sadd.s32 $0x1, s10  }
0xdb: {  	s21 =	sadd.s32 $0x2, s10;
	v11 =	vadd.f32 v13, v11;
	v8 =	vand.u32 $0x7FFFFFFF, v8;
	v12 =	vand.u32 $0x7FFFFFFF, v12;
	s15 =	smov.u32 s10;
	s17 =	sadd.s32 $0x8, s10  }
0xdc: {  	p0 =	slt.u32 s10, $0x18;
	v13 =	vadd.s32 s19, v0;
	v14 =	vadd.s32 s21, v0;
	s19 =	sadd.s32 $0x3, s15;
	v9 =	vsub.f32 v10, v9  }
0xdd: {  	v10 =	vand.u32 $0x1F, v13;
	v15 =	vand.u32 $0x1F, v14;
	v13 =	vadd.s32 s19, v0  }
0xde: {  	v14 =	vor.u32 v10, v3;
	v17 =	vor.u32 v10, v4;
	v9 =	vand.u32 $0x7FFFFFFF, v9  }
0xdf: {  	v16 =	vor.u32 v10, v6;
	v18 =	vor.u32 v10, v7;
	v13 =	vand.u32 $0x1F, v13  }
0xe0: {  	v21 =	vor.u32 v10, v5;
	v26 =	vor.u32 v15, v5;
	v10 =	vor.u32 v13, v6  }
0xe1: {  	s10 =	sadd.s32 $0x7, s15;
	v8 =	vadd.f32 v11, v8;
	v29 =	vor.u32 v15, v4;
	v22 =	vor.u32 v15, v6  }
0xe2: {  	s21 =	sadd.s32 $0x5, s15;
	s23 =	sadd.s32 $0x6, s15;
	s19 =	sadd.s32 $0x4, s15;
	v23 =	vadd.s32 s10, v0;
	v11 =	vor.u32 v15, v7;
	v19 =	vor.u32 v13, v3  }
0xe3: {  	v20 =	vadd.s32 s21, v0;
	v8 =	vadd.f32 v12, v8;
	v25 =	vld.idx.msk [tilespmem:v14+s16+$0x0], $0xffff;
	v14 =	vadd.s32 s19, v0  }
0xe4: {  	v30 =	vadd.s32 s23, v0;
	v28 =	vand.u32 $0x1F, v20;
	v12 =	vld.idx.msk [tilespmem:v18+s24+$0x0], $0xffff;
	v14 =	vand.u32 $0x1F, v14  }
0xe5: {  	v33 =	vld.idx.msk [tilespmem:v10+s22+$0x0], $0xffff;
	v34 =	vor.u32 v14, v3;
	v35 =	vor.u32 v14, v4;
	v10 =	vor.u32 v28, v3  }
0xe6: {  	v31 =	vor.u32 v14, v6;
	v27 =	vor.u32 v14, v7;
	v32 =	vld.idx.msk [tilespmem:v16+s22+$0x0], $0xffff;
	v16 =	vor.u32 v14, v5  }
0xe7: {  	v24 =	vor.u32 v28, v4;
	v20 =	vor.u32 v28, v5;
	v36 =	vld.idx.msk [tilespmem:v19+s16+$0x0], $0xffff;
	v19 =	vadd.f32 v8, v9  }
0xe8: {  	v38 =	vor.u32 v28, v7;
	v18 =	vor.u32 v28, v6;
	v8 =	vor.u32 v13, v4;
	v37 =	vld.idx.msk [tilespmem:v11+s24+$0x0], $0xffff  }
0xe9: {  	v23 =	vand.u32 $0x1F, v23;
	v9 =	vor.u32 v13, v5;
	v11 =	vand.u32 $0x1F, v30;
	v39 =	vld.idx.msk [tilespmem:v22+s22+$0x0], $0xffff  }
0xea: {  	v40 =	vor.u32 v13, v7;
	v28 =	vor.u32 v11, v3;
	v42 =	vor.u32 v11, v4;
	v41 =	vld.idx.msk [tilespmem:v10+s16+$0x0], $0xffff  }
0xeb: {  	v14 =	vor.u32 v11, v6;
	v43 =	vshll.u32 v33, $0x10;
	v22 =	vld.idx.msk [tilespmem:v16+s20+$0x0], $0xffff;
	v16 =	vor.u32 v11, v5  }
0xec: {  	v44 =	vor.u32 v23, v4;
	v13 =	vor.u32 v11, v7;
	v11 =	vor.u32 v23, v3;
	v17 =	vld.idx.msk [tilespmem:v17+s18+$0x0], $0xffff  }
0xed: {  	v10 =	vor.u32 v23, v5;
	v45 =	vand.u32 $0xFFFF0000, v32;
	v46 =	vand.u32 $0xFFFF0000, v36;
	v47 =	vld.idx.msk [tilespmem:v8+s18+$0x0], $0xffff  }
0xee: {  	v49 =	vor.u32 v15, v3;
	v48 =	vshll.u32 v32, $0x10;
	v50 =	vld.idx.msk [tilespmem:v9+s20+$0x0], $0xffff;
	v9 =	vor.u32 v23, v6  }
0xef: {  	v51 =	vshll.u32 v25, $0x10;
	v52 =	vand.u32 $0xFFFF0000, v12;
	v8 =	vor.u32 v23, v7;
	v15 =	vld.idx.msk [tilespmem:v38+s24+$0x0], $0xffff  }
0xf0: {  	v32 =	vshll.u32 v12, $0x10;
	v38 =	vand.u32 $0xFFFF0000, v25;
	v53 =	vld.idx.msk [tilespmem:v21+s20+$0x0], $0xffff  }
0xf1: {  	v54 =	vand.u32 $0xFFFF0000, v39;
	v30 =	vand.u32 $0xFFFF0000, v41;
	v23 =	vshll.u32 v41, $0x10;
	v41 =	vld.idx.msk [tilespmem:v44+s18+$0x0], $0xffff  }
0xf2: {  	v33 =	vand.u32 $0xFFFF0000, v33;
	v36 =	vshll.u32 v36, $0x10;
	v44 =	vand.u32 $0xFFFF0000, v22  }
0xf3: {  	v55 =	vand.u32 $0xFFFF0000, v37;
	v39 =	vshll.u32 v39, $0x10;
	v12 =	vand.u32 $0xFFFF0000, v47;
	v25 =	vld.idx.msk [tilespmem:v42+s18+$0x0], $0xffff  }
0xf4: {  	v21 =	vadd.s32 s15, v0;
	v42 =	vand.u32 $0xFFFF0000, v50;
	v46 =	vadd.f32 v12, v46;
	v40 =	vld.idx.msk [tilespmem:v40+s24+$0x0], $0xffff  }
0xf5: {  	v56 =	vand.u32 $0x1F, v21;
	v21 =	vshll.u32 v37, $0x10;
	v12 =	vand.u32 $0xFFFF0000, v17;
	v49 =	vld.idx.msk [tilespmem:v49+s16+$0x0], $0xffff  }
0xf6: {  	v37 =	vor.u32 v56, v3;
	v57 =	vor.u32 v56, v4;
	v38 =	vadd.f32 v12, v38;
	v58 =	vld.idx.msk [tilespmem:v29+s18+$0x0], $0xffff  }
0xf7: {  	v59 =	vor.u32 v56, v6;
	v60 =	vor.u32 v56, v7;
	v12 =	vshll.u32 v41, $0x10;
	v61 =	vld.idx.msk [tilespmem:v26+s20+$0x0], $0xffff  }
0xf8: {  	v62 =	vshll.u32 v17, $0x10;
	v56 =	vor.u32 v56, v5;
	v17 =	vand.u32 $0xFFFF0000, v41;
	v34 =	vld.idx.msk [tilespmem:v34+s16+$0x0], $0xffff  }
0xf9: {  	v41 =	vshll.u32 v47, $0x10;
	v47 =	vshll.u32 v50, $0x10;
	v26 =	vand.u32 $0xFFFF0000, v53  }
0xfa: {  	v38 =	vsub.f32 v38, v26;
	v29 =	vshll.u32 v25, $0x10;
	v26 =	vshll.u32 v40, $0x10;
	v35 =	vld.idx.msk [tilespmem:v35+s18+$0x0], $0xffff  }
0xfb: {  	v51 =	vadd.f32 v62, v51;
	v40 =	vand.u32 $0xFFFF0000, v40;
	v50 =	vld.idx.msk [tilespmem:v57+s18+$0x0], $0xffff;
	v57 =	vand.u32 $0xFFFF0000, v49  }
0xfc: {  	v53 =	vshll.u32 v53, $0x10;
	v49 =	vshll.u32 v49, $0x10;
	v62 =	vand.u32 $0xFFFF0000, v58;
	v37 =	vld.idx.msk [tilespmem:v37+s16+$0x0], $0xffff  }
0xfd: {  	v42 =	vsub.f32 v46, v42;
	v63 =	vand.u32 $0xFFFF0000, v61;
	v57 =	vadd.f32 v62, v57;
	v56 =	vld.idx.msk [tilespmem:v56+s20+$0x0], $0xffff  }
0xfe: {  	v36 =	vadd.f32 v41, v36;
	v38 =	vadd.f32 v45, v38;
	v41 =	vand.u32 $0xFFFF0000, v34  }
0xff: {  	v46 =	vsub.f32 v51, v53;
	v51 =	vshll.u32 v58, $0x10;
	v53 =	vsub.f32 v57, v63;
	v45 =	vld.idx.msk [tilespmem:v59+s22+$0x0], $0xffff  }
0x100: {  	v33 =	vadd.f32 v33, v42;
	v49 =	vadd.f32 v51, v49;
	v42 =	vand.u32 $0xFFFF0000, v35  }
0x101: {  	v36 =	vsub.f32 v36, v47;
	v58 =	vshll.u32 v61, $0x10;
	v51 =	vand.u32 $0xFFFF0000, v50;
	v57 =	vld.idx.msk [tilespmem:v60+s24+$0x0], $0xffff  }
0x102: {  	v46 =	vadd.f32 v48, v46;
	v50 =	vshll.u32 v50, $0x10;
	v47 =	vand.u32 $0xFFFF0000, v37  }
0x103: {  	v38 =	vsub.f32 v38, v52;
	v48 =	vand.u32 $0xFFFF0000, v56;
	v47 =	vadd.f32 v51, v47;
	v31 =	vld.idx.msk [tilespmem:v31+s22+$0x0], $0xffff  }
0x104: {  	v36 =	vadd.f32 v43, v36;
	v37 =	vshll.u32 v37, $0x10;
	v51 =	vshll.u32 v56, $0x10  }
0x105: {  	v43 =	vand.u32 $0xFFFF0000, v45;
	v47 =	vsub.f32 v47, v48;
	v48 =	vsub.f32 v49, v58;
	v27 =	vld.idx.msk [tilespmem:v27+s24+$0x0], $0xffff  }
0x106: {  	v41 =	vadd.f32 v42, v41;
	v37 =	vadd.f32 v50, v37;
	v45 =	vshll.u32 v45, $0x10  }
0x107: {  	v42 =	vand.u32 $0xFFFF0000, v57;
	v43 =	vadd.f32 v43, v47;
	v39 =	vadd.f32 v39, v48;
	v24 =	vld.idx.msk [tilespmem:v24+s18+$0x0], $0xffff  }
0x108: {  	v34 =	vshll.u32 v34, $0x10;
	v41 =	vsub.f32 v41, v44;
	v37 =	vsub.f32 v37, v51  }
0x109: {  	v33 =	vsub.f32 v33, v40;
	v44 =	vshll.u32 v57, $0x10;
	v42 =	vsub.f32 v43, v42;
	v28 =	vld.idx.msk [tilespmem:v28+s16+$0x0], $0xffff  }
0x10a: {  	v35 =	vshll.u32 v35, $0x10;
	v40 =	vadd.f32 v54, v53;
	v43 =	vand.u32 $0xFFFF0000, v31  }
0x10b: {  	v41 =	vadd.f32 v43, v41;
	v42 =	vand.u32 $0x7FFFFFFF, v42;
	v47 =	vand.u32 $0xFFFF0000, v27;
	v20 =	vld.idx.msk [tilespmem:v20+s20+$0x0], $0xffff  }
0x10c: {  	v22 =	vshll.u32 v22, $0x10;
	v33 =	vand.u32 $0x7FFFFFFF, v33;
	v19 =	vadd.f32 v42, v19  }
0x10d: {  	v34 =	vadd.f32 v35, v34;
	v37 =	vadd.f32 v45, v37;
	v35 =	vand.u32 $0xFFFF0000, v24;
	v18 =	vld.idx.msk [tilespmem:v18+s22+$0x0], $0xffff  }
0x10e: {  	v32 =	vsub.f32 v46, v32;
	v40 =	vsub.f32 v40, v55;
	v31 =	vshll.u32 v31, $0x10  }
0x10f: {  	v38 =	vand.u32 $0x7FFFFFFF, v38;
	v37 =	vsub.f32 v37, v44;
	v42 =	vand.u32 $0xFFFF0000, v28  }
0x110: {  	v27 =	vshll.u32 v27, $0x10;
	v41 =	vsub.f32 v41, v47;
	v30 =	vadd.f32 v35, v30  }
0x111: {  	v22 =	vsub.f32 v34, v22;
	v35 =	vand.u32 $0xFFFF0000, v15;
	v34 =	vand.u32 $0xFFFF0000, v20  }
0x112: {  	v37 =	vand.u32 $0x7FFFFFFF, v37;
	v24 =	vshll.u32 v24, $0x10;
	v30 =	vsub.f32 v30, v34  }
0x113: {  	v19 =	vadd.f32 v19, v37;
	v23 =	vadd.f32 v24, v23;
	v34 =	vand.u32 $0xFFFF0000, v18;
	v16 =	vld.idx.msk [tilespmem:v16+s20+$0x0], $0xffff  }
0x114: {  	v22 =	vadd.f32 v31, v22;
	v20 =	vshll.u32 v20, $0x10;
	v24 =	vadd.f32 v34, v30  }
0x115: {  	v19 =	vadd.f32 v38, v19;
	v20 =	vsub.f32 v23, v20;
	v23 =	vand.u32 $0xFFFF0000, v25;
	v14 =	vld.idx.msk [tilespmem:v14+s22+$0x0], $0xffff  }
0x116: {  	v22 =	vsub.f32 v22, v27;
	v25 =	vand.u32 $0x7FFFFFFF, v32;
	v18 =	vshll.u32 v18, $0x10  }
0x117: {  	v19 =	vadd.f32 v19, v25;
	v25 =	vand.u32 $0x7FFFFFFF, v40;
	v18 =	vadd.f32 v18, v20;
	v13 =	vld.idx.msk [tilespmem:v13+s24+$0x0], $0xffff  }
0x118: {  	v15 =	vshll.u32 v15, $0x10;
	v20 =	vsub.f32 v39, v21;
	v21 =	vadd.f32 v23, v42  }
0x119: {  	v19 =	vadd.f32 v25, v19;
	v15 =	vsub.f32 v18, v15;
	v18 =	vand.u32 $0xFFFF0000, v16;
	v11 =	vld.idx.msk [tilespmem:v11+s16+$0x0], $0xffff  }
0x11a: {  	v23 =	vshll.u32 v28, $0x10;
	v20 =	vand.u32 $0x7FFFFFFF, v20;
	v18 =	vsub.f32 v21, v18  }
0x11b: {  	v19 =	vadd.f32 v19, v20;
	v21 =	vadd.f32 v29, v23;
	v20 =	vand.u32 $0xFFFF0000, v14;
	v10 =	vld.idx.msk [tilespmem:v10+s20+$0x0], $0xffff  }
0x11c: {  	v16 =	vshll.u32 v16, $0x10;
	v23 =	vsub.f32 v36, v26;
	v18 =	vadd.f32 v20, v18  }
0x11d: {  	v19 =	vadd.f32 v33, v19;
	v16 =	vsub.f32 v21, v16;
	v20 =	vand.u32 $0xFFFF0000, v13;
	v21 =	vld.idx.msk [tilespmem:v9+s22+$0x0], $0xffff  }
0x11e: {  	v14 =	vshll.u32 v14, $0x10;
	v9 =	vand.u32 $0x7FFFFFFF, v23;
	v18 =	vsub.f32 v18, v20  }
0x11f: {  	v14 =	vadd.f32 v14, v16;
	v9 =	vadd.f32 v19, v9;
	v16 =	vand.u32 $0xFFFF0000, v11;
	v19 =	vld.idx.msk [tilespmem:v8+s24+$0x0], $0xffff  }
0x120: {  	v13 =	vshll.u32 v13, $0x10;
	v8 =	vand.u32 $0x7FFFFFFF, v41;
	v16 =	vadd.f32 v17, v16  }
0x121: {  	v9 =	vadd.f32 v8, v9;
	v8 =	vsub.f32 v14, v13;
	v13 =	vand.u32 $0xFFFF0000, v10  }
0x122: {  	v17 =	vsub.f32 v24, v35;
	v14 =	vand.u32 $0x7FFFFFFF, v22;
	v13 =	vsub.f32 v16, v13  }
0x123: {  	v11 =	vshll.u32 v11, $0x10;
	v9 =	vadd.f32 v9, v14;
	v14 =	vand.u32 $0xFFFF0000, v21  }
.Ltmp0:
0x124: {  	v11 =	vadd.f32 v12, v11;
	v16 =	vand.u32 $0x7FFFFFFF, v17;
	v13 =	vadd.f32 v14, v13;
	(pc) =	sbr.rel @p0 .LBB2_4-.Ltmp0, $4  }
0x125: {  	v10 =	vshll.u32 v10, $0x10;
	v12 =	vadd.f32 v16, v9;
	v9 =	vshll.u32 v19, $0x10  }
0x126: {  	v10 =	vsub.f32 v11, v10;
	v14 =	vand.u32 $0x7FFFFFFF, v15;
	v15 =	vand.u32 $0xFFFF0000, v19  }
0x127: {  	v11 =	vadd.f32 v12, v14;
	v14 =	vshll.u32 v21, $0x10;
	v12 =	vsub.f32 v13, v15  }
0x128: {  	s10 =	smov.u32 s17;
	v13 =	vand.u32 $0x7FFFFFFF, v18;
	v10 =	vadd.f32 v14, v10  }
0x129: {  	v3 =	vadd.f32 v13, v11  }
0x12a: {  	v4 =	vand.u32 $0x7FFFFFFF, v8  }
0x12b: {  	s0 =	sadd.s32 $0x1, s0;
	v3 =	vadd.f32 v3, v4  }
0x12c: {  	v62 =	vand.u32 $0x7FFFFFFF, v12;
	v5 =	vsub.f32 v10, v9;
	p0 =	sne.s32 s0, $0x4  }
.Ltmp1:
0x12d: {  	v3 =	vadd.f32 v62, v3;
	(pc) =	sbr.rel @p0 .LBB2_3-.Ltmp1, $3  }
0x12e: {  	v63 =	vand.u32 $0x7FFFFFFF, v5  }
0x12f: {  	v3 =	vadd.f32 v3, v63;
	_ =	sdelay $0x1  }
0x130: {  	[tilespmem:v2+s7+$0x0 ss:$0x1] =	vst.idx.msk $0xffff, v3  }
0x131: {  	_ =	swait.ge [sflag:s12], $0x2000  }
0x132: {  	[sflag:s12] =	ssyncset.done $0x0  }
0x133: {  	[sflag:s12] =	ssyncadd.s32 $0xFFFFE000  }
0x134: {  	_ =	swait.ge [sflag:s12], $0x2000  }
0x135: {  	[sflag:s12] =	ssyncset.done $0x0  }
0x136: {  	[sflag:s12] =	ssyncadd.s32 $0xFFFFE000  }
0x137: {  	_ =	swait.ge [sflag:s12], $0x2000  }
0x138: {  	[sflag:s12] =	ssyncset.done $0x0  }
0x139: {  	[sflag:s12] =	ssyncadd.s32 $0xFFFFE000  }
0x13a: {  	_ =	swait.ge [sflag:s12], $0x2000  }
0x13b: {  	s0 =	smin.u32 s30, $0xD;
	[sflag:s12] =	ssyncset.done $0x0  }
0x13c: {  	s0 =	sshll.u32 s0, $0xA;
	[sflag:s12] =	ssyncadd.s32 $0xFFFFE000  }
0x13d: {  	s0 =	sadd.s32 s0, s8;
	_ =	swait.ge [sflag:s12], $0x2000  }
0x13e: {  	s0 =	sshrl.u32 s0, $0x3;
	[sflag:s12] =	ssyncset.done $0x0  }
0x13f: {  	s28 =	simm.s32 $0x0;
	s0 =	sadd.s32 s5, s0;
	[sflag:s12] =	ssyncadd.s32 $0xFFFFE000  }
0x140: {  	[tilespmem:s28], [sflag:$0x3] =	stream.linear.gather [hbm4b:s0+s28], $0x280, $0x38;
	[tilespmem:$0x15480] =	vst v63  }
0x141: {  	_ =	swait.ge [sflag:s13], $0x280  }
0x142: {  	[sflag:s13] =	ssyncset.done $0x0  }
0x143: {  	[sflag:s13] =	ssyncadd.s32 $0xFFFFFD80  }
0x144: {  	v2 =	vld [tilespmem:$0x0]  }
0x145: {  	v3 =	vld [tilespmem:$0x10]  }
0x146: {  	v4 =	vld [tilespmem:$0x20]  }
0x147: {  	v5 =	vld [tilespmem:$0x30]  }
0x148: {  	v7 =	vld [tilespmem:$0x80]  }
0x149: {  	v9 =	vld [tilespmem:$0x90]  }
0x14a: {  	v10 =	vld [tilespmem:$0xA0]  }
0x14b: {  	v19 =	vld [tilespmem:$0xB0]  }
0x14c: {  	v12 =	vld [tilespmem:$0x100];
	v6 =	vshrl.u32 v2, $0x2  }
0x14d: {  	v13 =	vld [tilespmem:$0x110];
	v2 =	vand.u32 $0x1FFF, v2;
	v8 =	vshrl.u32 v3, $0x2;
	v17 =	vshrl.u32 v4, $0x2  }
0x14e: {  	v24 =	vld [tilespmem:$0x120];
	v3 =	vand.u32 $0x1FFF, v3;
	v4 =	vand.u32 $0x1FFF, v4;
	v18 =	vshrl.u32 v5, $0x2  }
0x14f: {  	v14 =	vld [tilespmem:$0x130];
	v5 =	vand.u32 $0x1FFF, v5;
	v11 =	vshrl.u32 v7, $0x2;
	v21 =	vshrl.u32 v9, $0x2  }
0x150: {  	v7 =	vand.u32 $0x1FFF, v7;
	v9 =	vand.u32 $0x1FFF, v9;
	v23 =	vshrl.u32 v10, $0x2  }
0x151: {  	v25 =	vand.u32 $0x1FFF, v10;
	v26 =	vshrl.u32 v19, $0x2;
	v27 =	vshrl.u32 v12, $0x2  }
0x152: {  	v31 =	vld [tilespmem:$0x180];
	v28 =	vand.u32 $0x1FFF, v19;
	v30 =	vand.u32 $0x1FFF, v12;
	v33 =	vshrl.u32 v13, $0x2  }
0x153: {  	v34 =	vld [tilespmem:$0x190];
	v35 =	vand.u32 $0x1FFF, v13;
	v36 =	vshrl.u32 v24, $0x2;
	v6 =	vand.u32 $0x3FFFE000, v6  }
0x154: {  	v37 =	vld [tilespmem:$0x1A0];
	v39 =	vshrl.u32 v14, $0x2;
	v16 =	vand.u32 $0x3FFFE000, v8;
	v2 =	vor.u32 v2, v6  }
0x155: {  	v40 =	vand.u32 $0x1FFF, v14;
	v8 =	vand.u32 $0x3FFFE000, v17;
	v3 =	vor.u32 v3, v16;
	[tilespmem:$0x800] =	vst v2  }
0x156: {  	v41 =	vld [tilespmem:$0x1B0];
	v20 =	vand.u32 $0x3FFFE000, v11;
	v11 =	vand.u32 $0x3FFFE000, v21;
	v4 =	vor.u32 v4, v8;
	[tilespmem:$0x810] =	vst v3  }
0x157: {  	v42 =	vshrl.u32 v31, $0x2;
	v29 =	vand.u32 $0x3FFFE000, v27;
	v22 =	vor.u32 v9, v11;
	[tilespmem:$0x820] =	vst v4  }
0x158: {  	v43 =	vld [tilespmem:$0x200];
	v45 =	vand.u32 $0x1FFF, v31;
	v6 =	vand.u32 $0x3FFFE000, v18;
	v32 =	vor.u32 v30, v29;
	[tilespmem:$0x890] =	vst v22  }
0x159: {  	v47 =	vld [tilespmem:$0x210];
	v46 =	vshrl.u32 v34, $0x2;
	v49 =	vshrl.u32 v37, $0x2;
	v5 =	vor.u32 v5, v6;
	[tilespmem:$0x900] =	vst v32  }
0x15a: {  	v50 =	vand.u32 $0x1FFF, v37;
	v44 =	vand.u32 $0x3FFFE000, v42;
	v6 =	vor.u32 v7, v20;
	[tilespmem:$0x830] =	vst v5  }
0x15b: {  	v52 =	vshrl.u32 v41, $0x2;
	v2 =	vand.u32 $0x3FFFE000, v23;
	v4 =	vor.u32 v45, v44;
	[tilespmem:$0x880] =	vst v6  }
0x15c: {  	v55 =	vand.u32 $0x1FFF, v41;
	v3 =	vand.u32 $0x3FFFE000, v26;
	v2 =	vor.u32 v25, v2;
	[tilespmem:$0x980] =	vst v4  }
0x15d: {  	v51 =	vld [tilespmem:$0x220];
	v56 =	vshrl.u32 v43, $0x2;
	v3 =	vor.u32 v28, v3;
	v5 =	vand.u32 $0x3FFFE000, v33;
	[tilespmem:$0x8A0] =	vst v2  }
0x15e: {  	v58 =	vshrl.u32 v47, $0x2;
	v7 =	vand.u32 $0x3FFFE000, v39;
	v5 =	vor.u32 v35, v5;
	[tilespmem:$0x8B0] =	vst v3  }
0x15f: {  	v38 =	vand.u32 $0x3FFFE000, v36;
	v2 =	vand.u32 $0x1FFF, v24;
	v3 =	vor.u32 v40, v7;
	[tilespmem:$0x910] =	vst v5  }
0x160: {  	v53 =	vld [tilespmem:$0x230];
	v59 =	vand.u32 $0x1FFF, v47;
	v6 =	vand.u32 $0x3FFFE000, v49;
	v2 =	vor.u32 v2, v38;
	[tilespmem:$0x930] =	vst v3  }
0x161: {  	v48 =	vand.u32 $0x3FFFE000, v46;
	v3 =	vor.u32 v50, v6;
	[tilespmem:$0x920] =	vst v2;
	v2 =	vand.u32 $0x1FFF, v34  }
0x162: {  	v60 =	vshrl.u32 v51, $0x2;
	v54 =	vand.u32 $0x3FFFE000, v52;
	[tilespmem:$0x9A0] =	vst v3;
	v2 =	vor.u32 v2, v48  }
0x163: {  	v57 =	vand.u32 $0x3FFFE000, v56;
	v3 =	vand.u32 $0x1FFF, v43;
	[tilespmem:$0x990] =	vst v2;
	v2 =	vor.u32 v55, v54  }
0x164: {  	v61 =	vand.u32 $0x1FFF, v51;
	v5 =	vand.u32 $0x3FFFE000, v58;
	[tilespmem:$0x9B0] =	vst v2;
	v2 =	vor.u32 v3, v57  }
0x165: {  	v62 =	vshrl.u32 v53, $0x2;
	v3 =	vor.u32 v59, v5;
	[tilespmem:$0xA00] =	vst v2;
	v2 =	vand.u32 $0x3FFFE000, v60  }
0x166: {  	v63 =	vand.u32 $0x1FFF, v53;
	[tilespmem:$0xA10] =	vst v3;
	v3 =	vand.u32 $0x3FFFE000, v62;
	v2 =	vor.u32 v61, v2  }
0x167: {  	[tilespmem:$0xA20] =	vst v2;
	v2 =	vor.u32 v63, v3  }
0x168: {  	s15 =	simm.s32 $0x800;
	[tilespmem:$0xA30] =	vst v2  }
0x169: {  	[tilespmem:s16], [sflag:$0x1] =	stream.indirect.gather [hbm4b:s3+s14], $0x80, s15, s14, $0xb8;
	[tilespmem:$0x15480] =	vst v63  }
0x16a: {  	s17 =	simm.s32 $0x880;
	s30 =	sshll.u32 s26, $0x6  }
0x16b: {  	[tilespmem:s18], [sflag:$0x1] =	stream.indirect.gather [hbm4b:s4+s14], $0x80, s17, s14, $0xb8;
	[tilespmem:$0x15480] =	vst v63  }
0x16c: {  	s19 =	simm.s32 $0x900;
	s0 =	sand.u32 $0x3FFFFFC0, s30  }
0x16d: {  	[tilespmem:s20], [sflag:$0x1] =	stream.indirect.gather [hbm4b:s3+s14], $0x80, s19, s14, $0xb8;
	[tilespmem:$0x15480] =	vst v63  }
0x16e: {  	s21 =	simm.s32 $0x980;
	s0 =	sadd.s32 $0x15000, s0  }
0x16f: {  	[tilespmem:s22], [sflag:$0x1] =	stream.indirect.gather [hbm4b:s4+s14], $0x80, s21, s14, $0xb8;
	[tilespmem:$0x15480] =	vst v63  }
0x170: {  	s23 =	simm.s32 $0xA00;
	v2 =	vmov s0;
	s0 =	simm.s32 $0x0  }
0x171: {  	[tilespmem:s24], [sflag:$0x1] =	stream.indirect.gather [hbm4b:s3+s14], $0x80, s23, s14, $0xb8;
	[tilespmem:$0x15480] =	vst v63  }
.LBB2_7:
0x172: {  	s7 =	sshll.u32 s0, $0x4  }
0x173: {  	v3 =	vld [tilespmem:s7+$0x400]  }
0x174: {  	s10 =	simm.s32 $0x1;
	v4 =	vld [tilespmem:s7+$0x480]  }
0x175: {  	s15 =	simm.s32 $0x2;
	s23 =	simm.s32 $0x3;
	s26 =	simm.s32 $0x7;
	v54 =	vadd.s32 s28, v0;
	v5 =	vld [tilespmem:s7+$0x500];
	v8 =	vmov s7;
	v9 =	vadd.s32 s10, v0  }
0x176: {  	s30 =	simm.s32 $0x4;
	s17 =	simm.s32 $0x5;
	s19 =	simm.s32 $0x6;
	v6 =	vld [tilespmem:s7+$0x580];
	v10 =	vadd.s32 s15, v0;
	v11 =	vadd.s32 s23, v0;
	v23 =	vadd.s32 s26, v0  }
0x177: {  	v7 =	vld [tilespmem:s7+$0x600];
	v20 =	vadd.s32 s30, v0;
	v24 =	vadd.s32 s17, v0;
	v26 =	vadd.s32 s19, v0  }
0x178: {  	v61 =	vand.u32 $0x1F, v54;
	v8 =	vshll.u32 v8, $0x7;
	v9 =	vand.u32 $0x1F, v9  }
0x179: {  	v10 =	vand.u32 $0x1F, v10;
	v11 =	vand.u32 $0x1F, v11;
	v24 =	vand.u32 $0x1F, v24  }
0x17a: {  	v23 =	vand.u32 $0x1F, v23;
	v8 =	vor.u32 v1, v8;
	v3 =	vshrl.u32 v3, $0x8  }
0x17b: {  	v4 =	vshrl.u32 v4, $0x8;
	v5 =	vshrl.u32 v5, $0x8;
	v6 =	vshrl.u32 v6, $0x8  }
0x17c: {  	v7 =	vshrl.u32 v7, $0x8;
	v3 =	vand.u32 $0x60, v3;
	v4 =	vand.u32 $0x60, v4  }
0x17d: {  	v5 =	vand.u32 $0x60, v5;
	v6 =	vand.u32 $0x60, v6;
	v3 =	vor.u32 v8, v3  }
0x17e: {  	v7 =	vand.u32 $0x60, v7;
	v6 =	vor.u32 v8, v6;
	v12 =	vor.u32 v9, v3  }
0x17f: {  	v4 =	vor.u32 v8, v4;
	v7 =	vor.u32 v8, v7;
	v16 =	vor.u32 v11, v6  }
0x180: {  	v5 =	vor.u32 v8, v5;
	v8 =	vimm.f32 $0.0e+00;
	v15 =	vor.u32 v9, v7  }
0x181: {  	v14 =	vor.u32 v9, v4;
	v13 =	vor.u32 v9, v6;
	v19 =	vor.u32 v11, v3  }
0x182: {  	v18 =	vor.u32 v9, v5;
	v21 =	vor.u32 v10, v5;
	v9 =	vor.u32 v10, v6  }
0x183: {  	v22 =	vor.u32 v10, v4;
	v17 =	vor.u32 v10, v7;
	v57 =	vor.u32 v24, v3;
	v25 =	vld.idx.msk [tilespmem:v12+s29+$0x0], $0xffff  }
0x184: {  	v35 =	vor.u32 v24, v4;
	v36 =	vor.u32 v11, v4;
	v58 =	vor.u32 v11, v5;
	v27 =	vld.idx.msk [tilespmem:v16+s9+$0x0], $0xffff  }
0x185: {  	v59 =	vor.u32 v11, v7;
	v44 =	vor.u32 v23, v4;
	v11 =	vor.u32 v23, v5;
	v30 =	vld.idx.msk [tilespmem:v15+s11+$0x0], $0xffff  }
0x186: {  	v47 =	vor.u32 v10, v3;
	v10 =	vor.u32 v23, v6;
	v56 =	vor.u32 v61, v3;
	v37 =	vld.idx.msk [tilespmem:v19+s29+$0x0], $0xffff  }
0x187: {  	v12 =	vand.u32 $0x1F, v20;
	v20 =	vor.u32 v24, v5;
	v19 =	vor.u32 v24, v6;
	v39 =	vld.idx.msk [tilespmem:v9+s9+$0x0], $0xffff  }
0x188: {  	v15 =	vor.u32 v24, v7;
	v43 =	vld.idx.msk [tilespmem:v57+s29+$0x0], $0xffff;
	v9 =	vor.u32 v23, v7;
	v57 =	vor.u32 v61, v4  }
0x189: {  	v34 =	vld.idx.msk [tilespmem:v13+s9+$0x0], $0xffff;
	v28 =	vor.u32 v12, v3;
	v29 =	vor.u32 v12, v4;
	v31 =	vor.u32 v12, v5  }
0x18a: {  	v24 =	vld.idx.msk [tilespmem:v58+s1+$0x0], $0xffff;
	v32 =	vor.u32 v12, v6;
	v33 =	vor.u32 v12, v7;
	v12 =	vand.u32 $0x1F, v26  }
0x18b: {  	v58 =	vor.u32 v61, v6;
	v26 =	vld.idx.msk [tilespmem:v59+s11+$0x0], $0xffff;
	v59 =	vor.u32 v61, v7;
	v40 =	vor.u32 v12, v3  }
0x18c: {  	v38 =	vld.idx.msk [tilespmem:v17+s11+$0x0], $0xffff;
	v41 =	vor.u32 v12, v4;
	v17 =	vor.u32 v12, v5;
	v16 =	vor.u32 v12, v6  }
0x18d: {  	v36 =	vld.idx.msk [tilespmem:v36+s31+$0x0], $0xffff;
	v13 =	vor.u32 v12, v7;
	v12 =	vor.u32 v23, v3;
	v42 =	vshll.u32 v27, $0x10  }
0x18e: {  	v49 =	vld.idx.msk [tilespmem:v14+s31+$0x0], $0xffff;
	v45 =	vand.u32 $0xFFFF0000, v34;
	v46 =	vand.u32 $0xFFFF0000, v37;
	v34 =	vshll.u32 v34, $0x10  }
0x18f: {  	v60 =	vld.idx.msk [tilespmem:v44+s31+$0x0], $0xffff;
	v48 =	vshll.u32 v25, $0x10;
	v50 =	vand.u32 $0xFFFF0000, v30;
	v14 =	vand.u32 $0xFFFF0000, v25  }
0x190: {  	v21 =	vld.idx.msk [tilespmem:v21+s1+$0x0], $0xffff;
	v23 =	vshll.u32 v30, $0x10;
	v25 =	vand.u32 $0xFFFF0000, v39;
	v30 =	vand.u32 $0xFFFF0000, v43  }
0x191: {  	v51 =	vld.idx.msk [tilespmem:v18+s1+$0x0], $0xffff;
	v43 =	vshll.u32 v43, $0x10;
	v37 =	vshll.u32 v37, $0x10;
	v27 =	vand.u32 $0xFFFF0000, v27  }
0x192: {  	v47 =	vld.idx.msk [tilespmem:v47+s29+$0x0], $0xffff;
	v39 =	vshll.u32 v39, $0x10;
	v52 =	vand.u32 $0xFFFF0000, v38;
	v53 =	vand.u32 $0xFFFF0000, v36  }
0x193: {  	v22 =	vld.idx.msk [tilespmem:v22+s31+$0x0], $0xffff;
	v55 =	vand.u32 $0xFFFF0000, v24;
	v62 =	vand.u32 $0xFFFF0000, v49;
	v38 =	vshll.u32 v38, $0x10  }
0x194: {  	v49 =	vshll.u32 v49, $0x10;
	v18 =	vand.u32 $0xFFFF0000, v60;
	v36 =	vshll.u32 v36, $0x10  }
0x195: {  	v24 =	vshll.u32 v24, $0x10;
	v63 =	vand.u32 $0xFFFF0000, v21;
	v21 =	vshll.u32 v21, $0x10  }
0x196: {  	v46 =	vadd.f32 v53, v46;
	v54 =	vadd.f32 v62, v14;
	v14 =	vshll.u32 v60, $0x10  }
0x197: {  	v56 =	vld.idx.msk [tilespmem:v56+s29+$0x0], $0xffff;
	v53 =	vor.u32 v61, v5;
	v60 =	vand.u32 $0xFFFF0000, v51;
	v48 =	vadd.f32 v49, v48  }
0x198: {  	v57 =	vld.idx.msk [tilespmem:v57+s31+$0x0], $0xffff;
	v49 =	vand.u32 $0xFFFF0000, v47;
	v62 =	vand.u32 $0xFFFF0000, v22;
	v47 =	vshll.u32 v47, $0x10  }
0x199: {  	v31 =	vld.idx.msk [tilespmem:v31+s1+$0x0], $0xffff;
	v36 =	vadd.f32 v36, v37;
	v22 =	vshll.u32 v22, $0x10;
	v49 =	vadd.f32 v62, v49  }
0x19a: {  	v28 =	vld.idx.msk [tilespmem:v28+s29+$0x0], $0xffff;
	v51 =	vshll.u32 v51, $0x10;
	v22 =	vadd.f32 v22, v47;
	v54 =	vsub.f32 v54, v60  }
0x19b: {  	v29 =	vld.idx.msk [tilespmem:v29+s31+$0x0], $0xffff;
	v60 =	vshll.u32 v26, $0x10;
	v26 =	vand.u32 $0xFFFF0000, v26;
	v46 =	vsub.f32 v46, v55  }
0x19c: {  	v37 =	vsub.f32 v48, v51;
	v51 =	vld.idx.msk [tilespmem:v58+s9+$0x0], $0xffff;
	v24 =	vsub.f32 v36, v24;
	v58 =	vshll.u32 v56, $0x10  }
0x19d: {  	v48 =	vsub.f32 v49, v63;
	v63 =	vand.u32 $0xFFFF0000, v56;
	v21 =	vsub.f32 v22, v21  }
0x19e: {  	v41 =	vld.idx.msk [tilespmem:v41+s31+$0x0], $0xffff;
	v45 =	vadd.f32 v45, v54;
	v27 =	vadd.f32 v27, v46;
	v62 =	vand.u32 $0xFFFF0000, v57  }
0x19f: {  	v55 =	vshll.u32 v57, $0x10;
	v34 =	vadd.f32 v34, v37;
	v24 =	vadd.f32 v42, v24  }
0x1a0: {  	v44 =	vand.u32 $0xFFFF0000, v31;
	v49 =	vand.u32 $0xFFFF0000, v28;
	v46 =	vand.u32 $0xFFFF0000, v29  }
0x1a1: {  	v20 =	vld.idx.msk [tilespmem:v20+s1+$0x0], $0xffff;
	v36 =	vadd.f32 v62, v63;
	v21 =	vadd.f32 v39, v21;
	v28 =	vshll.u32 v28, $0x10  }
0x1a2: {  	v53 =	vld.idx.msk [tilespmem:v53+s1+$0x0], $0xffff;
	v25 =	vadd.f32 v25, v48;
	v31 =	vshll.u32 v31, $0x10;
	v45 =	vsub.f32 v45, v50  }
0x1a3: {  	v19 =	vld.idx.msk [tilespmem:v19+s9+$0x0], $0xffff;
	v61 =	vshll.u32 v41, $0x10;
	v46 =	vadd.f32 v46, v49;
	v26 =	vsub.f32 v27, v26  }
0x1a4: {  	v23 =	vsub.f32 v34, v23;
	v24 =	vsub.f32 v24, v60;
	v62 =	vand.u32 $0xFFFF0000, v51  }
0x1a5: {  	v15 =	vld.idx.msk [tilespmem:v15+s11+$0x0], $0xffff;
	v63 =	vshll.u32 v51, $0x10;
	v51 =	vadd.f32 v55, v58;
	v25 =	vsub.f32 v25, v52  }
0x1a6: {  	v54 =	vld.idx.msk [tilespmem:v59+s11+$0x0], $0xffff;
	v48 =	vand.u32 $0xFFFF0000, v41;
	v50 =	vsub.f32 v21, v38;
	v55 =	vsub.f32 v46, v44  }
0x1a7: {  	v58 =	vld.idx.msk [tilespmem:v40+s29+$0x0], $0xffff;
	v26 =	vand.u32 $0x7FFFFFFF, v26;
	v40 =	vand.u32 $0x7FFFFFFF, v45;
	v57 =	vand.u32 $0xFFFF0000, v53  }
0x1a8: {  	v32 =	vld.idx.msk [tilespmem:v32+s9+$0x0], $0xffff;
	v45 =	vand.u32 $0xFFFF0000, v20;
	v46 =	vand.u32 $0xFFFF0000, v19;
	v36 =	vsub.f32 v36, v57  }
0x1a9: {  	v20 =	vshll.u32 v20, $0x10;
	v23 =	vand.u32 $0x7FFFFFFF, v23;
	v59 =	vshll.u32 v53, $0x10  }
0x1aa: {  	v35 =	vld.idx.msk [tilespmem:v35+s31+$0x0], $0xffff;
	v19 =	vshll.u32 v19, $0x10;
	v37 =	vsub.f32 v51, v59;
	v36 =	vadd.f32 v62, v36  }
0x1ab: {  	v16 =	vld.idx.msk [tilespmem:v16+s9+$0x0], $0xffff;
	v56 =	vshll.u32 v54, $0x10;
	v49 =	vand.u32 $0x7FFFFFFF, v25;
	v53 =	vand.u32 $0xFFFF0000, v54  }
0x1ac: {  	v22 =	vld.idx.msk [tilespmem:v33+s11+$0x0], $0xffff;
	v57 =	vshll.u32 v29, $0x10;
	v33 =	vadd.f32 v63, v37;
	v36 =	vsub.f32 v36, v53  }
0x1ad: {  	v12 =	vld.idx.msk [tilespmem:v12+s29+$0x0], $0xffff;
	v59 =	vand.u32 $0xFFFF0000, v32;
	v32 =	vshll.u32 v32, $0x10;
	v51 =	vshll.u32 v15, $0x10  }
0x1ae: {  	v39 =	vadd.f32 v59, v55;
	v33 =	vsub.f32 v33, v56;
	v36 =	vand.u32 $0x7FFFFFFF, v36  }
0x1af: {  	v15 =	vand.u32 $0xFFFF0000, v15;
	v27 =	vadd.f32 v57, v28;
	v8 =	vadd.f32 v36, v8  }
0x1b0: {  	v42 =	vand.u32 $0xFFFF0000, v58;
	v54 =	vshll.u32 v58, $0x10;
	v33 =	vand.u32 $0x7FFFFFFF, v33  }
0x1b1: {  	v55 =	vand.u32 $0xFFFF0000, v16;
	v57 =	vand.u32 $0x7FFFFFFF, v24;
	v8 =	vadd.f32 v8, v33  }
0x1b2: {  	v10 =	vld.idx.msk [tilespmem:v10+s9+$0x0], $0xffff;
	v58 =	vand.u32 $0xFFFF0000, v12;
	v12 =	vshll.u32 v12, $0x10;
	v63 =	vand.u32 $0xFFFF0000, v35  }
0x1b3: {  	v35 =	vshll.u32 v35, $0x10;
	v52 =	vadd.f32 v48, v42;
	v8 =	vadd.f32 v40, v8  }
0x1b4: {  	v17 =	vld.idx.msk [tilespmem:v17+s1+$0x0], $0xffff;
	v16 =	vshll.u32 v16, $0x10;
	v12 =	vadd.f32 v14, v12;
	v47 =	vadd.f32 v35, v43  }
0x1b5: {  	v62 =	vand.u32 $0xFFFF0000, v22;
	v28 =	vadd.f32 v63, v30;
	v8 =	vadd.f32 v8, v23  }
0x1b6: {  	v22 =	vshll.u32 v22, $0x10;
	v44 =	vsub.f32 v39, v62;
	v20 =	vsub.f32 v47, v20  }
0x1b7: {  	v13 =	vld.idx.msk [tilespmem:v13+s11+$0x0], $0xffff;
	v27 =	vsub.f32 v27, v31;
	v62 =	vand.u32 $0xFFFF0000, v10;
	v8 =	vadd.f32 v49, v8  }
0x1b8: {  	v28 =	vsub.f32 v28, v45;
	v19 =	vadd.f32 v19, v20;
	v20 =	vand.u32 $0x7FFFFFFF, v50  }
0x1b9: {  	v53 =	vand.u32 $0xFFFF0000, v17;
	v27 =	vadd.f32 v32, v27;
	v8 =	vadd.f32 v8, v20  }
0x1ba: {  	v10 =	vshll.u32 v10, $0x10;
	v21 =	vsub.f32 v52, v53;
	v23 =	vadd.f32 v61, v54  }
0x1bb: {  	v11 =	vld.idx.msk [tilespmem:v11+s1+$0x0], $0xffff;
	v17 =	vshll.u32 v17, $0x10;
	v28 =	vadd.f32 v46, v28;
	v8 =	vadd.f32 v26, v8  }
0x1bc: {  	v56 =	vand.u32 $0xFFFF0000, v13;
	v22 =	vsub.f32 v27, v22;
	v17 =	vsub.f32 v23, v17  }
0x1bd: {  	v13 =	vshll.u32 v13, $0x10;
	v19 =	vsub.f32 v19, v51;
	v8 =	vadd.f32 v8, v57  }
0x1be: {  	v60 =	vld.idx.msk [tilespmem:v9+s11+$0x0], $0xffff;
	v59 =	vand.u32 $0x7FFFFFFF, v44;
	v15 =	vsub.f32 v28, v15;
	v16 =	vadd.f32 v16, v17  }
0x1bf: {  	v61 =	vand.u32 $0x7FFFFFFF, v22;
	v17 =	vadd.f32 v18, v58;
	v9 =	vadd.f32 v59, v8  }
0x1c0: {  	v20 =	vadd.f32 v55, v21;
	v8 =	vsub.f32 v16, v13;
	v13 =	vand.u32 $0xFFFF0000, v11  }
0x1c1: {  	v11 =	vshll.u32 v11, $0x10;
	v13 =	vsub.f32 v17, v13;
	v9 =	vadd.f32 v9, v61  }
0x1c2: {  	v15 =	vand.u32 $0x7FFFFFFF, v15;
	v20 =	vsub.f32 v20, v56;
	v63 =	vsub.f32 v12, v11  }
0x1c3: {  	v12 =	vand.u32 $0xFFFF0000, v60;
	v13 =	vadd.f32 v62, v13;
	v14 =	vadd.f32 v15, v9  }
0x1c4: {  	v10 =	vadd.f32 v10, v63;
	v9 =	vshll.u32 v60, $0x10;
	v15 =	vand.u32 $0x7FFFFFFF, v19  }
0x1c5: {  	s17 =	simm.s32 $0x8;
	v12 =	vsub.f32 v13, v12;
	v13 =	vand.u32 $0x7FFFFFFF, v20;
	v11 =	vadd.f32 v14, v15  }
.LBB2_8:
0x1c6: {  	s19 =	sadd.s32 $0x1, s17  }
0x1c7: {  	s21 =	sadd.s32 $0x2, s17;
	v11 =	vadd.f32 v13, v11;
	v8 =	vand.u32 $0x7FFFFFFF, v8;
	v12 =	vand.u32 $0x7FFFFFFF, v12;
	s15 =	smov.u32 s17;
	s10 =	sadd.s32 $0x8, s17  }
0x1c8: {  	p0 =	slt.u32 s17, $0x18;
	v13 =	vadd.s32 s19, v0;
	v14 =	vadd.s32 s21, v0;
	s19 =	sadd.s32 $0x3, s15;
	v9 =	vsub.f32 v10, v9  }
0x1c9: {  	v10 =	vand.u32 $0x1F, v13;
	v15 =	vand.u32 $0x1F, v14;
	v13 =	vadd.s32 s19, v0  }
0x1ca: {  	v14 =	vor.u32 v10, v3;
	v17 =	vor.u32 v10, v4;
	v9 =	vand.u32 $0x7FFFFFFF, v9  }
0x1cb: {  	v16 =	vor.u32 v10, v6;
	v18 =	vor.u32 v10, v7;
	v13 =	vand.u32 $0x1F, v13  }
0x1cc: {  	v21 =	vor.u32 v10, v5;
	v26 =	vor.u32 v15, v5;
	v10 =	vor.u32 v13, v6  }
0x1cd: {  	s17 =	sadd.s32 $0x7, s15;
	v8 =	vadd.f32 v11, v8;
	v29 =	vor.u32 v15, v4;
	v22 =	vor.u32 v15, v6  }
0x1ce: {  	s21 =	sadd.s32 $0x5, s15;
	s23 =	sadd.s32 $0x6, s15;
	s19 =	sadd.s32 $0x4, s15;
	v23 =	vadd.s32 s17, v0;
	v11 =	vor.u32 v15, v7;
	v19 =	vor.u32 v13, v3  }
0x1cf: {  	v20 =	vadd.s32 s21, v0;
	v8 =	vadd.f32 v12, v8;
	v25 =	vld.idx.msk [tilespmem:v14+s29+$0x0], $0xffff;
	v14 =	vadd.s32 s19, v0  }
0x1d0: {  	v30 =	vadd.s32 s23, v0;
	v28 =	vand.u32 $0x1F, v20;
	v12 =	vld.idx.msk [tilespmem:v18+s11+$0x0], $0xffff;
	v14 =	vand.u32 $0x1F, v14  }
0x1d1: {  	v33 =	vld.idx.msk [tilespmem:v10+s9+$0x0], $0xffff;
	v34 =	vor.u32 v14, v3;
	v35 =	vor.u32 v14, v4;
	v10 =	vor.u32 v28, v3  }
0x1d2: {  	v31 =	vor.u32 v14, v6;
	v27 =	vor.u32 v14, v7;
	v32 =	vld.idx.msk [tilespmem:v16+s9+$0x0], $0xffff;
	v16 =	vor.u32 v14, v5  }
0x1d3: {  	v24 =	vor.u32 v28, v4;
	v20 =	vor.u32 v28, v5;
	v36 =	vld.idx.msk [tilespmem:v19+s29+$0x0], $0xffff;
	v19 =	vadd.f32 v8, v9  }
0x1d4: {  	v38 =	vor.u32 v28, v7;
	v18 =	vor.u32 v28, v6;
	v8 =	vor.u32 v13, v4;
	v37 =	vld.idx.msk [tilespmem:v11+s11+$0x0], $0xffff  }
0x1d5: {  	v23 =	vand.u32 $0x1F, v23;
	v9 =	vor.u32 v13, v5;
	v11 =	vand.u32 $0x1F, v30;
	v39 =	vld.idx.msk [tilespmem:v22+s9+$0x0], $0xffff  }
0x1d6: {  	v40 =	vor.u32 v13, v7;
	v28 =	vor.u32 v11, v3;
	v42 =	vor.u32 v11, v4;
	v41 =	vld.idx.msk [tilespmem:v10+s29+$0x0], $0xffff  }
0x1d7: {  	v14 =	vor.u32 v11, v6;
	v43 =	vshll.u32 v33, $0x10;
	v22 =	vld.idx.msk [tilespmem:v16+s1+$0x0], $0xffff;
	v16 =	vor.u32 v11, v5  }
0x1d8: {  	v44 =	vor.u32 v23, v4;
	v13 =	vor.u32 v11, v7;
	v11 =	vor.u32 v23, v3;
	v17 =	vld.idx.msk [tilespmem:v17+s31+$0x0], $0xffff  }
0x1d9: {  	v10 =	vor.u32 v23, v5;
	v45 =	vand.u32 $0xFFFF0000, v32;
	v46 =	vand.u32 $0xFFFF0000, v36;
	v47 =	vld.idx.msk [tilespmem:v8+s31+$0x0], $0xffff  }
0x1da: {  	v49 =	vor.u32 v15, v3;
	v48 =	vshll.u32 v32, $0x10;
	v50 =	vld.idx.msk [tilespmem:v9+s1+$0x0], $0xffff;
	v9 =	vor.u32 v23, v6  }
0x1db: {  	v51 =	vshll.u32 v25, $0x10;
	v52 =	vand.u32 $0xFFFF0000, v12;
	v8 =	vor.u32 v23, v7;
	v15 =	vld.idx.msk [tilespmem:v38+s11+$0x0], $0xffff  }
0x1dc: {  	v32 =	vshll.u32 v12, $0x10;
	v38 =	vand.u32 $0xFFFF0000, v25;
	v53 =	vld.idx.msk [tilespmem:v21+s1+$0x0], $0xffff  }
0x1dd: {  	v54 =	vand.u32 $0xFFFF0000, v39;
	v30 =	vand.u32 $0xFFFF0000, v41;
	v23 =	vshll.u32 v41, $0x10;
	v41 =	vld.idx.msk [tilespmem:v44+s31+$0x0], $0xffff  }
0x1de: {  	v33 =	vand.u32 $0xFFFF0000, v33;
	v36 =	vshll.u32 v36, $0x10;
	v44 =	vand.u32 $0xFFFF0000, v22  }
0x1df: {  	v55 =	vand.u32 $0xFFFF0000, v37;
	v39 =	vshll.u32 v39, $0x10;
	v12 =	vand.u32 $0xFFFF0000, v47;
	v25 =	vld.idx.msk [tilespmem:v42+s31+$0x0], $0xffff  }
0x1e0: {  	v21 =	vadd.s32 s15, v0;
	v42 =	vand.u32 $0xFFFF0000, v50;
	v46 =	vadd.f32 v12, v46;
	v40 =	vld.idx.msk [tilespmem:v40+s11+$0x0], $0xffff  }
0x1e1: {  	v56 =	vand.u32 $0x1F, v21;
	v21 =	vshll.u32 v37, $0x10;
	v12 =	vand.u32 $0xFFFF0000, v17;
	v49 =	vld.idx.msk [tilespmem:v49+s29+$0x0], $0xffff  }
0x1e2: {  	v37 =	vor.u32 v56, v3;
	v57 =	vor.u32 v56, v4;
	v38 =	vadd.f32 v12, v38;
	v58 =	vld.idx.msk [tilespmem:v29+s31+$0x0], $0xffff  }
0x1e3: {  	v59 =	vor.u32 v56, v6;
	v60 =	vor.u32 v56, v7;
	v12 =	vshll.u32 v41, $0x10;
	v61 =	vld.idx.msk [tilespmem:v26+s1+$0x0], $0xffff  }
0x1e4: {  	v62 =	vshll.u32 v17, $0x10;
	v56 =	vor.u32 v56, v5;
	v17 =	vand.u32 $0xFFFF0000, v41;
	v34 =	vld.idx.msk [tilespmem:v34+s29+$0x0], $0xffff  }
0x1e5: {  	v41 =	vshll.u32 v47, $0x10;
	v47 =	vshll.u32 v50, $0x10;
	v26 =	vand.u32 $0xFFFF0000, v53  }
0x1e6: {  	v38 =	vsub.f32 v38, v26;
	v29 =	vshll.u32 v25, $0x10;
	v26 =	vshll.u32 v40, $0x10;
	v35 =	vld.idx.msk [tilespmem:v35+s31+$0x0], $0xffff  }
0x1e7: {  	v51 =	vadd.f32 v62, v51;
	v40 =	vand.u32 $0xFFFF0000, v40;
	v50 =	vld.idx.msk [tilespmem:v57+s31+$0x0], $0xffff;
	v57 =	vand.u32 $0xFFFF0000, v49  }
0x1e8: {  	v53 =	vshll.u32 v53, $0x10;
	v49 =	vshll.u32 v49, $0x10;
	v62 =	vand.u32 $0xFFFF0000, v58;
	v37 =	vld.idx.msk [tilespmem:v37+s29+$0x0], $0xffff  }
0x1e9: {  	v42 =	vsub.f32 v46, v42;
	v63 =	vand.u32 $0xFFFF0000, v61;
	v57 =	vadd.f32 v62, v57;
	v56 =	vld.idx.msk [tilespmem:v56+s1+$0x0], $0xffff  }
0x1ea: {  	v36 =	vadd.f32 v41, v36;
	v38 =	vadd.f32 v45, v38;
	v41 =	vand.u32 $0xFFFF0000, v34  }
0x1eb: {  	v46 =	vsub.f32 v51, v53;
	v51 =	vshll.u32 v58, $0x10;
	v53 =	vsub.f32 v57, v63;
	v45 =	vld.idx.msk [tilespmem:v59+s9+$0x0], $0xffff  }
0x1ec: {  	v33 =	vadd.f32 v33, v42;
	v49 =	vadd.f32 v51, v49;
	v42 =	vand.u32 $0xFFFF0000, v35  }
0x1ed: {  	v36 =	vsub.f32 v36, v47;
	v58 =	vshll.u32 v61, $0x10;
	v51 =	vand.u32 $0xFFFF0000, v50;
	v57 =	vld.idx.msk [tilespmem:v60+s11+$0x0], $0xffff  }
0x1ee: {  	v46 =	vadd.f32 v48, v46;
	v50 =	vshll.u32 v50, $0x10;
	v47 =	vand.u32 $0xFFFF0000, v37  }
0x1ef: {  	v38 =	vsub.f32 v38, v52;
	v48 =	vand.u32 $0xFFFF0000, v56;
	v47 =	vadd.f32 v51, v47;
	v31 =	vld.idx.msk [tilespmem:v31+s9+$0x0], $0xffff  }
0x1f0: {  	v36 =	vadd.f32 v43, v36;
	v37 =	vshll.u32 v37, $0x10;
	v51 =	vshll.u32 v56, $0x10  }
0x1f1: {  	v43 =	vand.u32 $0xFFFF0000, v45;
	v47 =	vsub.f32 v47, v48;
	v48 =	vsub.f32 v49, v58;
	v27 =	vld.idx.msk [tilespmem:v27+s11+$0x0], $0xffff  }
0x1f2: {  	v41 =	vadd.f32 v42, v41;
	v37 =	vadd.f32 v50, v37;
	v45 =	vshll.u32 v45, $0x10  }
0x1f3: {  	v42 =	vand.u32 $0xFFFF0000, v57;
	v43 =	vadd.f32 v43, v47;
	v39 =	vadd.f32 v39, v48;
	v24 =	vld.idx.msk [tilespmem:v24+s31+$0x0], $0xffff  }
0x1f4: {  	v34 =	vshll.u32 v34, $0x10;
	v41 =	vsub.f32 v41, v44;
	v37 =	vsub.f32 v37, v51  }
0x1f5: {  	v33 =	vsub.f32 v33, v40;
	v44 =	vshll.u32 v57, $0x10;
	v42 =	vsub.f32 v43, v42;
	v28 =	vld.idx.msk [tilespmem:v28+s29+$0x0], $0xffff  }
0x1f6: {  	v35 =	vshll.u32 v35, $0x10;
	v40 =	vadd.f32 v54, v53;
	v43 =	vand.u32 $0xFFFF0000, v31  }
0x1f7: {  	v41 =	vadd.f32 v43, v41;
	v42 =	vand.u32 $0x7FFFFFFF, v42;
	v47 =	vand.u32 $0xFFFF0000, v27;
	v20 =	vld.idx.msk [tilespmem:v20+s1+$0x0], $0xffff  }
0x1f8: {  	v22 =	vshll.u32 v22, $0x10;
	v33 =	vand.u32 $0x7FFFFFFF, v33;
	v19 =	vadd.f32 v42, v19  }
0x1f9: {  	v34 =	vadd.f32 v35, v34;
	v37 =	vadd.f32 v45, v37;
	v35 =	vand.u32 $0xFFFF0000, v24;
	v18 =	vld.idx.msk [tilespmem:v18+s9+$0x0], $0xffff  }
0x1fa: {  	v32 =	vsub.f32 v46, v32;
	v40 =	vsub.f32 v40, v55;
	v31 =	vshll.u32 v31, $0x10  }
0x1fb: {  	v38 =	vand.u32 $0x7FFFFFFF, v38;
	v37 =	vsub.f32 v37, v44;
	v42 =	vand.u32 $0xFFFF0000, v28  }
0x1fc: {  	v27 =	vshll.u32 v27, $0x10;
	v41 =	vsub.f32 v41, v47;
	v30 =	vadd.f32 v35, v30  }
0x1fd: {  	v22 =	vsub.f32 v34, v22;
	v35 =	vand.u32 $0xFFFF0000, v15;
	v34 =	vand.u32 $0xFFFF0000, v20  }
0x1fe: {  	v37 =	vand.u32 $0x7FFFFFFF, v37;
	v24 =	vshll.u32 v24, $0x10;
	v30 =	vsub.f32 v30, v34  }
0x1ff: {  	v19 =	vadd.f32 v19, v37;
	v23 =	vadd.f32 v24, v23;
	v34 =	vand.u32 $0xFFFF0000, v18;
	v16 =	vld.idx.msk [tilespmem:v16+s1+$0x0], $0xffff  }
0x200: {  	v22 =	vadd.f32 v31, v22;
	v20 =	vshll.u32 v20, $0x10;
	v24 =	vadd.f32 v34, v30  }
0x201: {  	v19 =	vadd.f32 v38, v19;
	v20 =	vsub.f32 v23, v20;
	v23 =	vand.u32 $0xFFFF0000, v25;
	v14 =	vld.idx.msk [tilespmem:v14+s9+$0x0], $0xffff  }
0x202: {  	v22 =	vsub.f32 v22, v27;
	v25 =	vand.u32 $0x7FFFFFFF, v32;
	v18 =	vshll.u32 v18, $0x10  }
0x203: {  	v19 =	vadd.f32 v19, v25;
	v25 =	vand.u32 $0x7FFFFFFF, v40;
	v18 =	vadd.f32 v18, v20;
	v13 =	vld.idx.msk [tilespmem:v13+s11+$0x0], $0xffff  }
0x204: {  	v15 =	vshll.u32 v15, $0x10;
	v20 =	vsub.f32 v39, v21;
	v21 =	vadd.f32 v23, v42  }
0x205: {  	v19 =	vadd.f32 v25, v19;
	v15 =	vsub.f32 v18, v15;
	v18 =	vand.u32 $0xFFFF0000, v16;
	v11 =	vld.idx.msk [tilespmem:v11+s29+$0x0], $0xffff  }
0x206: {  	v23 =	vshll.u32 v28, $0x10;
	v20 =	vand.u32 $0x7FFFFFFF, v20;
	v18 =	vsub.f32 v21, v18  }
0x207: {  	v19 =	vadd.f32 v19, v20;
	v21 =	vadd.f32 v29, v23;
	v20 =	vand.u32 $0xFFFF0000, v14;
	v10 =	vld.idx.msk [tilespmem:v10+s1+$0x0], $0xffff  }
0x208: {  	v16 =	vshll.u32 v16, $0x10;
	v23 =	vsub.f32 v36, v26;
	v18 =	vadd.f32 v20, v18  }
0x209: {  	v19 =	vadd.f32 v33, v19;
	v16 =	vsub.f32 v21, v16;
	v20 =	vand.u32 $0xFFFF0000, v13;
	v21 =	vld.idx.msk [tilespmem:v9+s9+$0x0], $0xffff  }
0x20a: {  	v14 =	vshll.u32 v14, $0x10;
	v9 =	vand.u32 $0x7FFFFFFF, v23;
	v18 =	vsub.f32 v18, v20  }
0x20b: {  	v14 =	vadd.f32 v14, v16;
	v9 =	vadd.f32 v19, v9;
	v16 =	vand.u32 $0xFFFF0000, v11;
	v19 =	vld.idx.msk [tilespmem:v8+s11+$0x0], $0xffff  }
0x20c: {  	v13 =	vshll.u32 v13, $0x10;
	v8 =	vand.u32 $0x7FFFFFFF, v41;
	v16 =	vadd.f32 v17, v16  }
0x20d: {  	v9 =	vadd.f32 v8, v9;
	v8 =	vsub.f32 v14, v13;
	v13 =	vand.u32 $0xFFFF0000, v10  }
0x20e: {  	v17 =	vsub.f32 v24, v35;
	v14 =	vand.u32 $0x7FFFFFFF, v22;
	v13 =	vsub.f32 v16, v13  }
0x20f: {  	v11 =	vshll.u32 v11, $0x10;
	v9 =	vadd.f32 v9, v14;
	v14 =	vand.u32 $0xFFFF0000, v21  }
.Ltmp2:
0x210: {  	v11 =	vadd.f32 v12, v11;
	v16 =	vand.u32 $0x7FFFFFFF, v17;
	v13 =	vadd.f32 v14, v13;
	(pc) =	sbr.rel @p0 .LBB2_8-.Ltmp2, $4  }
0x211: {  	v10 =	vshll.u32 v10, $0x10;
	v12 =	vadd.f32 v16, v9;
	v9 =	vshll.u32 v19, $0x10  }
0x212: {  	v10 =	vsub.f32 v11, v10;
	v14 =	vand.u32 $0x7FFFFFFF, v15;
	v15 =	vand.u32 $0xFFFF0000, v19  }
0x213: {  	v11 =	vadd.f32 v12, v14;
	v14 =	vshll.u32 v21, $0x10;
	v12 =	vsub.f32 v13, v15  }
0x214: {  	s17 =	smov.u32 s10;
	v13 =	vand.u32 $0x7FFFFFFF, v18;
	v10 =	vadd.f32 v14, v10  }
0x215: {  	v3 =	vadd.f32 v13, v11  }
0x216: {  	v4 =	vand.u32 $0x7FFFFFFF, v8  }
0x217: {  	s0 =	sadd.s32 $0x1, s0;
	v3 =	vadd.f32 v3, v4  }
0x218: {  	v62 =	vand.u32 $0x7FFFFFFF, v12;
	v5 =	vsub.f32 v10, v9;
	p0 =	sne.s32 s0, $0x4  }
.Ltmp3:
0x219: {  	v3 =	vadd.f32 v62, v3;
	(pc) =	sbr.rel @p0 .LBB2_7-.Ltmp3, $3  }
0x21a: {  	v63 =	vand.u32 $0x7FFFFFFF, v5  }
0x21b: {  	v3 =	vadd.f32 v3, v63;
	_ =	sdelay $0x1  }
0x21c: {  	[tilespmem:v2+s7+$0x0 ss:$0x1] =	vst.idx.msk $0xffff, v3  }
0x21d: {  	s2 =	sadd.s32 $0x1, s2  }
0x21e: {  	p0 =	sne.s32 s2, $0x8  }
.Ltmp4:
0x21f: {  	_ = 	snop;
	(pc) =	sbr.rel @p0 .LBB2_2-.Ltmp4, $1  }
0x220: {  	_ =	sdelay $0x3  }
0x221: {  	_ =	swait.ge [sflag:s25], $0x2000  }
0x222: {  	[sflag:s25] =	ssyncset.done $0x0  }
0x223: {  	[sflag:s25] =	ssyncadd.s32 $0xFFFFE000  }
0x224: {  	_ =	swait.ge [sflag:s25], $0x2000  }
0x225: {  	[sflag:s25] =	ssyncset.done $0x0  }
0x226: {  	[sflag:s25] =	ssyncadd.s32 $0xFFFFE000  }
0x227: {  	_ =	swait.ge [sflag:s25], $0x2000  }
0x228: {  	[sflag:s25] =	ssyncset.done $0x0  }
0x229: {  	[sflag:s25] =	ssyncadd.s32 $0xFFFFE000  }
0x22a: {  	_ =	swait.ge [sflag:s25], $0x2000  }
0x22b: {  	[sflag:s25] =	ssyncset.done $0x0  }
0x22c: {  	[sflag:s25] =	ssyncadd.s32 $0xFFFFE000  }
0x22d: {  	_ =	swait.ge [sflag:s25], $0x2000  }
0x22e: {  	[sflag:s25] =	ssyncset.done $0x0  }
0x22f: {  	[sflag:s25] =	ssyncadd.s32 $0xFFFFE000  }
0x230: {  	v2 =	vld [tilespmem:$0x15000]  }
0x231: {  	v3 =	vld [tilespmem:$0x15200]  }
0x232: {  	v4 =	vld [tilespmem:$0x15010]  }
0x233: {  	v5 =	vld [tilespmem:$0x15210]  }
0x234: {  	v6 =	vld [tilespmem:$0x15020]  }
0x235: {  	v7 =	vld [tilespmem:$0x15220];
	_ =	sdelay $0x1  }
0x236: {  	v8 =	vld [tilespmem:$0x15030]  }
0x237: {  	v2 =	vsub.f32 v2, v3;
	v3 =	vld [tilespmem:$0x15230]  }
0x238: {  	v63 =	vld [tilespmem:$0x15040];
	v4 =	vsub.f32 v4, v5  }
0x239: {  	v9 =	vld [tilespmem:$0x15240];
	v6 =	vsub.f32 v6, v7  }
0x23a: {  	v12 =	vld [tilespmem:$0x15050];
	v2 =	vadd.f32 $4.000000000e+00, v2;
	v4 =	vadd.f32 $4.000000000e+00, v4  }
0x23b: {  	v10 =	vld [tilespmem:$0x15250];
	v6 =	vadd.f32 $4.000000000e+00, v6  }
0x23c: {  	v13 =	vld [tilespmem:$0x15060];
	v2 =	vmax.f32 v2, $0.0e+00;
	v4 =	vmax.f32 v4, $0.0e+00;
	v3 =	vsub.f32 v8, v3  }
0x23d: {  	v14 =	vld [tilespmem:$0x15260];
	v2 =	vadd.f32 v4, v2  }
0x23e: {  	v15 =	vld [tilespmem:$0x15070];
	v5 =	vsub.f32 v63, v9;
	v6 =	vmax.f32 v6, $0.0e+00;
	v3 =	vadd.f32 $4.000000000e+00, v3  }
0x23f: {  	v16 =	vld [tilespmem:$0x15270];
	v2 =	vadd.f32 v6, v2  }
0x240: {  	v17 =	vld [tilespmem:$0x15080];
	v7 =	vsub.f32 v12, v10;
	v5 =	vadd.f32 $4.000000000e+00, v5;
	v3 =	vmax.f32 v3, $0.0e+00  }
0x241: {  	v2 =	vadd.f32 v3, v2;
	v3 =	vld [tilespmem:$0x15280]  }
0x242: {  	v18 =	vld [tilespmem:$0x15090];
	v7 =	vadd.f32 $4.000000000e+00, v7;
	v5 =	vmax.f32 v5, $0.0e+00;
	v4 =	vsub.f32 v13, v14  }
0x243: {  	v19 =	vld [tilespmem:$0x15290];
	v2 =	vadd.f32 v5, v2  }
0x244: {  	v20 =	vld [tilespmem:$0x150A0];
	v7 =	vmax.f32 v7, $0.0e+00;
	v4 =	vadd.f32 $4.000000000e+00, v4;
	v6 =	vsub.f32 v15, v16  }
0x245: {  	v21 =	vld [tilespmem:$0x152A0];
	v2 =	vadd.f32 v7, v2  }
0x246: {  	v22 =	vld [tilespmem:$0x150B0];
	v4 =	vmax.f32 v4, $0.0e+00;
	v6 =	vadd.f32 $4.000000000e+00, v6;
	v3 =	vsub.f32 v17, v3  }
0x247: {  	v23 =	vld [tilespmem:$0x152B0];
	v2 =	vadd.f32 v4, v2  }
0x248: {  	v24 =	vld [tilespmem:$0x150C0];
	v6 =	vmax.f32 v6, $0.0e+00;
	v5 =	vsub.f32 v18, v19;
	v3 =	vadd.f32 $4.000000000e+00, v3  }
0x249: {  	v25 =	vld [tilespmem:$0x152C0];
	v2 =	vadd.f32 v6, v2  }
0x24a: {  	v26 =	vld [tilespmem:$0x150D0];
	v5 =	vadd.f32 $4.000000000e+00, v5;
	v7 =	vsub.f32 v20, v21;
	v3 =	vmax.f32 v3, $0.0e+00  }
0x24b: {  	v2 =	vadd.f32 v3, v2;
	v3 =	vld [tilespmem:$0x152D0]  }
0x24c: {  	v27 =	vld [tilespmem:$0x150E0];
	v5 =	vmax.f32 v5, $0.0e+00;
	v7 =	vadd.f32 $4.000000000e+00, v7;
	v4 =	vsub.f32 v22, v23  }
0x24d: {  	v28 =	vld [tilespmem:$0x152E0];
	v2 =	vadd.f32 v5, v2  }
0x24e: {  	v29 =	vld [tilespmem:$0x150F0];
	v7 =	vmax.f32 v7, $0.0e+00;
	v4 =	vadd.f32 $4.000000000e+00, v4;
	v6 =	vsub.f32 v24, v25  }
0x24f: {  	v30 =	vld [tilespmem:$0x152F0];
	v2 =	vadd.f32 v7, v2  }
0x250: {  	v31 =	vld [tilespmem:$0x15100];
	v4 =	vmax.f32 v4, $0.0e+00;
	v6 =	vadd.f32 $4.000000000e+00, v6;
	v3 =	vsub.f32 v26, v3  }
0x251: {  	v32 =	vld [tilespmem:$0x15300];
	v2 =	vadd.f32 v4, v2  }
0x252: {  	v33 =	vld [tilespmem:$0x15110];
	v6 =	vmax.f32 v6, $0.0e+00;
	v5 =	vsub.f32 v27, v28;
	v3 =	vadd.f32 $4.000000000e+00, v3  }
0x253: {  	v34 =	vld [tilespmem:$0x15310];
	v2 =	vadd.f32 v6, v2  }
0x254: {  	v35 =	vld [tilespmem:$0x15120];
	v5 =	vadd.f32 $4.000000000e+00, v5;
	v7 =	vsub.f32 v29, v30;
	v3 =	vmax.f32 v3, $0.0e+00  }
0x255: {  	v2 =	vadd.f32 v3, v2;
	v3 =	vld [tilespmem:$0x15320]  }
0x256: {  	v36 =	vld [tilespmem:$0x15130];
	v5 =	vmax.f32 v5, $0.0e+00;
	v7 =	vadd.f32 $4.000000000e+00, v7;
	v4 =	vsub.f32 v31, v32  }
0x257: {  	v37 =	vld [tilespmem:$0x15330];
	v2 =	vadd.f32 v5, v2  }
0x258: {  	v38 =	vld [tilespmem:$0x15140];
	v7 =	vmax.f32 v7, $0.0e+00;
	v4 =	vadd.f32 $4.000000000e+00, v4;
	v6 =	vsub.f32 v33, v34  }
0x259: {  	v39 =	vld [tilespmem:$0x15340];
	v2 =	vadd.f32 v7, v2  }
0x25a: {  	v40 =	vld [tilespmem:$0x15150];
	v4 =	vmax.f32 v4, $0.0e+00;
	v6 =	vadd.f32 $4.000000000e+00, v6;
	v3 =	vsub.f32 v35, v3  }
0x25b: {  	v41 =	vld [tilespmem:$0x15350];
	v2 =	vadd.f32 v4, v2  }
0x25c: {  	v42 =	vld [tilespmem:$0x15160];
	v6 =	vmax.f32 v6, $0.0e+00;
	v5 =	vsub.f32 v36, v37;
	v3 =	vadd.f32 $4.000000000e+00, v3  }
0x25d: {  	v43 =	vld [tilespmem:$0x15360];
	v2 =	vadd.f32 v6, v2  }
0x25e: {  	v44 =	vld [tilespmem:$0x15170];
	v5 =	vadd.f32 $4.000000000e+00, v5;
	v7 =	vsub.f32 v38, v39;
	v3 =	vmax.f32 v3, $0.0e+00  }
0x25f: {  	v2 =	vadd.f32 v3, v2;
	v3 =	vld [tilespmem:$0x15370]  }
0x260: {  	v45 =	vld [tilespmem:$0x15180];
	v5 =	vmax.f32 v5, $0.0e+00;
	v7 =	vadd.f32 $4.000000000e+00, v7;
	v4 =	vsub.f32 v40, v41  }
0x261: {  	v46 =	vld [tilespmem:$0x15380];
	v2 =	vadd.f32 v5, v2  }
0x262: {  	v47 =	vld [tilespmem:$0x15190];
	v7 =	vmax.f32 v7, $0.0e+00;
	v4 =	vadd.f32 $4.000000000e+00, v4;
	v6 =	vsub.f32 v42, v43  }
0x263: {  	v48 =	vld [tilespmem:$0x15390];
	v2 =	vadd.f32 v7, v2  }
0x264: {  	v49 =	vld [tilespmem:$0x151A0];
	v4 =	vmax.f32 v4, $0.0e+00;
	v6 =	vadd.f32 $4.000000000e+00, v6;
	v3 =	vsub.f32 v44, v3  }
0x265: {  	v50 =	vld [tilespmem:$0x153A0];
	v2 =	vadd.f32 v4, v2  }
0x266: {  	v51 =	vld [tilespmem:$0x151B0];
	v6 =	vmax.f32 v6, $0.0e+00;
	v5 =	vsub.f32 v45, v46;
	v3 =	vadd.f32 $4.000000000e+00, v3  }
0x267: {  	v52 =	vld [tilespmem:$0x153B0];
	v2 =	vadd.f32 v6, v2  }
0x268: {  	v53 =	vld [tilespmem:$0x151C0];
	v5 =	vadd.f32 $4.000000000e+00, v5;
	v7 =	vsub.f32 v47, v48;
	v3 =	vmax.f32 v3, $0.0e+00  }
0x269: {  	v2 =	vadd.f32 v3, v2;
	v3 =	vld [tilespmem:$0x153C0]  }
0x26a: {  	v54 =	vld [tilespmem:$0x151D0];
	v5 =	vmax.f32 v5, $0.0e+00;
	v7 =	vadd.f32 $4.000000000e+00, v7;
	v4 =	vsub.f32 v49, v50  }
0x26b: {  	v55 =	vld [tilespmem:$0x153D0];
	v2 =	vadd.f32 v5, v2  }
0x26c: {  	v56 =	vld [tilespmem:$0x151E0];
	v7 =	vmax.f32 v7, $0.0e+00;
	v4 =	vadd.f32 $4.000000000e+00, v4;
	v6 =	vsub.f32 v51, v52  }
0x26d: {  	v57 =	vld [tilespmem:$0x153E0];
	v2 =	vadd.f32 v7, v2  }
0x26e: {  	v58 =	vld [tilespmem:$0x151F0];
	v4 =	vmax.f32 v4, $0.0e+00;
	v6 =	vadd.f32 $4.000000000e+00, v6;
	v3 =	vsub.f32 v53, v3  }
0x26f: {  	v59 =	vld [tilespmem:$0x153F0];
	v2 =	vadd.f32 v4, v2  }
0x270: {  	v5 =	vsub.f32 v54, v55;
	v6 =	vmax.f32 v6, $0.0e+00;
	v3 =	vadd.f32 $4.000000000e+00, v3  }
0x271: {  	v2 =	vadd.f32 v6, v2  }
0x272: {  	v60 =	vsub.f32 v56, v57;
	v5 =	vadd.f32 $4.000000000e+00, v5;
	v3 =	vmax.f32 v3, $0.0e+00  }
0x273: {  	v2 =	vadd.f32 v3, v2  }
0x274: {  	v62 =	vadd.f32 $4.000000000e+00, v60;
	v61 =	vmax.f32 v5, $0.0e+00;
	v3 =	vsub.f32 v58, v59  }
0x275: {  	v2 =	vadd.f32 v61, v2  }
0x276: {  	v63 =	vmax.f32 v62, $0.0e+00;
	v3 =	vadd.f32 $4.000000000e+00, v3  }
0x277: {  	v2 =	vadd.f32 v63, v2  }
0x278: {  	v3 =	vmax.f32 v3, $0.0e+00  }
0x279: {  	v2 =	vadd.f32 v3, v2;
	_ =	sdelay $0x1  }
0x27a: {  	s10 =	simm.s32 $0x0;
	s2 =	simm.s32 $0x15000;
	s0 =	rddreg [dreg:$0x3];
	[tilespmem:$0x15400] =	vst v2  }
0x27b: {  	[hbm4b:s0+s10] =	stream.linear.scatter [tilespmem:s2], [sflag:$0x3], $0x200, $0x38;
	[tilespmem:$0x15480] =	vst v63  }
0x27c: {  	_ =	swait.ge [sflag:s13], $0x200  }
0x27d: {  	[sflag:s13] =	ssyncset.done $0x0  }
0x27e: {  	s21 =	simm.s32 $0x15200;
	s19 =	rddreg [dreg:$0x4];
	[sflag:s13] =	ssyncadd.s32 $0xFFFFFE00  }
0x27f: {  	[hbm4b:s19+s10] =	stream.linear.scatter [tilespmem:s21], [sflag:$0x3], $0x200, $0x38;
	[tilespmem:$0x15480] =	vst v63  }
0x280: {  	_ =	swait.ge [sflag:s13], $0x200  }
0x281: {  	[sflag:s13] =	ssyncset.done $0x0  }
0x282: {  	s26 =	simm.s32 $0x15400;
	s23 =	rddreg [dreg:$0x5];
	[sflag:s13] =	ssyncadd.s32 $0xFFFFFE00  }
0x283: {  	[hbm4b:s23+s10] =	stream.linear.scatter [tilespmem:s26], [sflag:$0x3], $0x80, $0x38;
	[tilespmem:$0x15480] =	vst v63  }
0x284: {  	_ =	swait.ge [sflag:s13], $0x80  }
0x285: {  	s28 =	rddreg [dreg:$0x7]  }
0x286: {  	s30 =	rddreg [dreg:$0x6];
	s2 =	sadd.s32 $0x1, s28  }
0x287: {  	p0 =	sne.s32 s2, s30  }
.Ltmp5:
0x288: {  	_ = 	snop;
	(pc) =	sbr.rel @p0 .LBB2_1-.Ltmp5, $3  }
0x289: {  	_ =	sdelay $0x1  }
0x28a: {  	[sflag:s13] =	ssyncset.done $0x0  }
0x28b: {  	[sflag:s13] =	ssyncadd.s32 $0xFFFFFF80  }
0x28c: {  	_ =	sfence.sel $0x180000  }
0x28d: {  	[bflag:$0x0] =	sbarrier.arrive $0xFFFF  }
0x28e: {  	_ =	strace $0x90000047  }
0x28f: {  	s0 =	stileid.u32;
	[bflag:$0x2] =	sbarrier.arrive $0xFFFF  }
0x290: {  	p0 =	sne.s32 s0, $0x0;
	s0 =	rddreg [dreg:$0x1]  }
0x291: {  	s0 =	sadd.s32 @!p0 $0x100000, s0  }
0x292: {  	[sflag:s0] =	ssyncadd.tile.s32 @!p0 $0x1;
	_ =	shalt  }
.Lfunc_end2:
_tile_overlayer_lowered:
.L_overlay_start_2:
0x293: {  	(tag) =	ssettag $0x2  }
0x294: {  	s0 =	rddreg [dreg:$0x0];
	s2 =	stileid.u32  }
0x295: {  	s1 =	rddreg [dreg:$0x1];
	p0 =	sne.s32 s2, $0x0  }
0x296: {  	s3 =	rddreg [dreg:$0x2];
	[bflag:$0x3] =	sbarrier.arrive $0xFFFF;
	s2 =	simm.s32 @!p0 $0x1C03  }
0x297: {  	[timem:s3], [sflag:s2] =	dma.local @!p0 [hbm:s0], s1  }
0x298: {  	s0 =	simm.s32 @!p0 $0x3  }
0x299: {  	_ =	swait.ge @!p0 [sflag:s0], s1  }
0x29a: {  	s1 =	ssub.s32 @!p0 $0x0, s1;
	[sflag:s0] =	ssyncset.done @!p0 $0x0  }
0x29b: {  	[sflag:s0] =	ssyncadd.s32 @!p0 s1  }
0x29c: {  	[bflag:$0x3] =	sbarrier.arrive $0xFFFF  }
0x29d: {  	_ =	shalt  }

</sc_bundles>
